<compile_context>
chip_gen: v7x
topology: tpu7x:2x2x1
jax: 0.10.2.dev20260603
libtpu: 0.0.44.dev20260713+nightly
codegen_flags: <defaults>
</compile_context>

<pallas_src>
import functools

import jax
import jax.numpy as jnp
from jax import lax
from jax.experimental import pallas as pl
from jax.experimental.pallas import tpu as pltpu
from jax.experimental.pallas import tpu_sc as plsc

_TOPK = 8
_N_EXPERTS = 64
_ROUTED_SCALE = 2.5
_NC = 2
_NS = 16
_NW = _NC * _NS
_CHUNKS = 4


def _matmul_body(x_ref, wt_ref, s_ref):
    s_ref[...] = jnp.dot(
        x_ref[...], wt_ref[...], preferred_element_type=jnp.float32
    )


def _scores_tc(x, wt, chunk, blk, row0):
    dim = x.shape[1]
    return pl.pallas_call(
        _matmul_body,
        grid=(chunk // blk,),
        in_specs=[
            pl.BlockSpec((blk, dim), lambda i: (row0 // blk + i, 0)),
            pl.BlockSpec((dim, _N_EXPERTS), lambda i: (0, 0)),
        ],
        out_specs=pl.BlockSpec((blk, _N_EXPERTS), lambda i: (i, 0)),
        out_shape=jax.ShapeDtypeStruct((chunk, _N_EXPERTS), jnp.float32),
    )(x, wt)


def _make_sc_topk(tokens):
    tpw = tokens // _NW
    mesh = plsc.VectorSubcoreMesh(
        core_axis_name="c", subcore_axis_name="s",
        num_cores=_NC, num_subcores=_NS,
    )

    @functools.partial(
        pl.kernel,
        out_type=[
            jax.ShapeDtypeStruct((tokens * _TOPK,), jnp.int32),
            jax.ShapeDtypeStruct((tokens * _TOPK,), jnp.float32),
        ],
        mesh=mesh,
        compiler_params=pltpu.CompilerParams(needs_layout_passes=False),
        scratch_types=[
            pltpu.VMEM((tpw, _N_EXPERTS), jnp.float32),
            pltpu.VMEM((tpw * _TOPK + 8,), jnp.int32),
            pltpu.VMEM((tpw * _TOPK + 8,), jnp.float32),
        ],
    )
    def sc_topk(scores_hbm, idx_hbm, w_hbm, sv, iv, wv):
        wid = lax.axis_index("s") * _NC + lax.axis_index("c")
        pltpu.sync_copy(scores_hbm.at[pl.ds(wid * tpw, tpw)], sv)
        lane = lax.iota(jnp.int32, 16)
        lo8 = lane < 8

        def merge(ak, ai, bk, bi):
            ck = jnp.where(lo8, ak, jnp.flip(bk))
            ci = jnp.where(lo8, ai, jnp.flip(bi))
            return plsc.sort_key_val(ck, ci, descending=True)

        @plsc.parallel_loop(0, tpw, unroll=4)
        def body(t):
            ks = []
            js = []
            for c in range(4):
                k, i = plsc.sort_key_val(
                    sv[t, pl.ds(16 * c, 16)], lane + 16 * c, descending=True
                )
                ks.append(k)
                js.append(i)
            m0k, m0i = merge(ks[0], js[0], ks[1], js[1])
            m1k, m1i = merge(ks[2], js[2], ks[3], js[3])
            fk, fi = merge(m0k, m0i, m1k, m1i)
            w = 1.0 / (1.0 + jnp.exp(-fk))
            total = jnp.sum(jnp.where(lo8, w, 0.0), axis=0)
            w = (w * _ROUTED_SCALE) / jnp.broadcast_to(total, (16,))
            plsc.store_compressed(iv.at[pl.ds(t * _TOPK, 16)], fi, mask=lo8)
            plsc.store_compressed(wv.at[pl.ds(t * _TOPK, 16)], w, mask=lo8)

        pltpu.sync_copy(iv.at[pl.ds(0, tpw * _TOPK)], idx_hbm.at[pl.ds(wid * tpw * _TOPK, tpw * _TOPK)])
        pltpu.sync_copy(wv.at[pl.ds(0, tpw * _TOPK)], w_hbm.at[pl.ds(wid * tpw * _TOPK, tpw * _TOPK)])

    return sc_topk


@functools.partial(jax.jit, static_argnames=("blk",))
def _gate(x, weight, blk=1024):
    tokens = x.shape[0]
    wt = weight.T
    chunk = tokens // _CHUNKS
    sc_topk = _make_sc_topk(chunk)
    idx_parts = []
    w_parts = []
    for c in range(_CHUNKS):
        scores_c = _scores_tc(x, wt, chunk, blk, c * chunk)
        idx_c, w_c = sc_topk(scores_c)
        idx_parts.append(idx_c.reshape(chunk, _TOPK))
        w_parts.append(w_c.reshape(chunk, _TOPK))
    return (
        jnp.concatenate(idx_parts, axis=0),
        jnp.concatenate(w_parts, axis=0),
    )


def kernel(x, weight):
    return _gate(x, weight)

# --- scband reference (transcript-rebuilt; emitter-appended) ---
"""Pipeline reference for scband-deep-seek-v32-gate-71133248356441 (READ-ONLY COPY).

The authoritative reference and input builder live on the scoring server;
editing this copy changes nothing except your own understanding.
"""

import jax, jax.numpy as jnp
import numpy as np

TOPK = 8
N_EXPERTS = 64
DIM = 4096
TOKENS = 32768
ROUTED_SCALE = 2.5


def setup_inputs(seed: int = 0) -> dict:
    key = jax.random.key(seed)
    k1, k2 = jax.random.split(key)
    x = jax.random.normal(k1, (TOKENS, DIM), dtype=jnp.float32)
    weight = jax.random.normal(k2, (N_EXPERTS, DIM), dtype=jnp.float32) * (1.0 / np.sqrt(DIM))
    return {"x": x, "weight": weight}


def reference(x, weight):
    # scores = F.linear(x, weight)
    scores = x @ weight.T
    # scoring_func == 'sigmoid'
    scores = jax.nn.sigmoid(scores)
    # topk > 1 branch (sorted=False in torch; value set identical)
    topk_weight, topk_idx = jax.lax.top_k(scores, TOPK)
    # sigmoid scoring -> normalize topk weights
    topk_weight = topk_weight / jnp.sum(topk_weight, axis=-1, keepdims=True)
    topk_weight = topk_weight * ROUTED_SCALE
    return (topk_idx, topk_weight)

if __name__ == "__main__":
    import jax
    _d = setup_inputs()
    print(jax.jit(kernel)(*tuple(_d.values())))

</pallas_src>

<mosaic_0001>
#map = affine_map<(d0, d1) -> (0, 0)>
#map1 = affine_map<(d0, d1) -> (0)>
module attributes {stable_mosaic.version = 14 : i64} {
  func.func @sc_topk(%arg0: i32, %arg1: i32, %arg2: memref<8192x64xf32, #tpu.memory_space<hbm>>, %arg3: memref<65536xi32, #tpu.memory_space<hbm>>, %arg4: memref<65536xf32, #tpu.memory_space<hbm>>, %arg5: memref<256x64xf32, #tpu.memory_space<vmem>>, %arg6: memref<2056xi32, #tpu.memory_space<vmem>>, %arg7: memref<2056xf32, #tpu.memory_space<vmem>>) attributes {dimension_semantics = [#tpu.dimension_semantics<core_parallel>, #tpu.dimension_semantics<subcore_parallel>], iteration_bounds = array<i64: 2, 16>, scalar_prefetch = 0 : i64, scratch_operands = 3 : i64, tpu.core_type = #tpu.core_type<sc_vector_subcore>, window_params = [{transform_indices = #map}, {transform_indices = #map1}, {transform_indices = #map1}]} {
    %mul3A = arith.constant 2 : i32
    %mul3A_0 = arith.muli %arg1, %mul3A : i32
    %add3A = arith.addi %mul3A_0, %arg0 : i32
    %mul3A_1 = arith.constant 256 : i32
    %mul3A_2 = arith.muli %add3A, %mul3A_1 : i32
    "tpu.region"() ({
      %run_scoped3A = tpu.sem_alloc : memref<!tpu.dma_semaphore, #tpu.memory_space<semaphore_mem>>
      %dma_start3A = arith.constant 0 : i32
      %dma_start3A_15 = tpu.memref_slice %arg2[%mul3A_2, %dma_start3A] : memref<8192x64xf32, #tpu.memory_space<hbm>> -> memref<256x64xf32, #tpu.memory_space<hbm>>
      %dma_start3A_16 = arith.constant 0 : i32
      %dma_start3A_17 = tpu.memref_slice %arg2[%mul3A_2, %dma_start3A_16] : memref<8192x64xf32, #tpu.memory_space<hbm>> -> memref<256x64xf32, #tpu.memory_space<hbm>>
      tpu.enqueue_dma source(%dma_start3A_17 : memref<256x64xf32, #tpu.memory_space<hbm>>) target(%arg5 : memref<256x64xf32, #tpu.memory_space<vmem>>) target_semaphore(%run_scoped3A : memref<!tpu.dma_semaphore, #tpu.memory_space<semaphore_mem>>)
      %dma_wait3A = arith.constant 0 : i32
      %dma_wait3A_18 = tpu.memref_slice %arg2[%mul3A_2, %dma_wait3A] : memref<8192x64xf32, #tpu.memory_space<hbm>> -> memref<256x64xf32, #tpu.memory_space<hbm>>
      %dma_wait3A_19 = arith.constant 0 : i32
      %dma_wait3A_20 = tpu.memref_slice %arg2[%mul3A_2, %dma_wait3A_19] : memref<8192x64xf32, #tpu.memory_space<hbm>> -> memref<256x64xf32, #tpu.memory_space<hbm>>
      tpu.wait_dma2 semaphore(%run_scoped3A : memref<!tpu.dma_semaphore, #tpu.memory_space<semaphore_mem>>) src(%dma_wait3A_20 : memref<256x64xf32, #tpu.memory_space<hbm>>) dst(%arg5 : memref<256x64xf32, #tpu.memory_space<vmem>>)
      tpu.yield
    }) : () -> ()
    %iota3A = tpu.iota {dimensions = array<i32: 0>} : vector<16xi32>
    %lt3A = arith.constant 8 : i32
    %lt3A_3 = vector.broadcast %lt3A : i32 to vector<16xi32>
    %lt3A_4 = arith.cmpi slt, %iota3A, %lt3A_3 : vector<16xi32>
    %parallel_loop3A = arith.constant 0 : i32
    %parallel_loop3A_5 = arith.constant 256 : i32
    %parallel_loop3A_6 = arith.constant 1 : i32
    scf.for %parallel_loop3A_15 = %parallel_loop3A to %parallel_loop3A_5 step %parallel_loop3A_6  : i32 {
      %parallel_loop3A_16 = arith.index_cast %parallel_loop3A_15 : i32 to index
      %parallel_loop3A_17 = arith.constant 0 : index
      %parallel_loop3A_18 = tpu.vector_load %arg5[%parallel_loop3A_16, %parallel_loop3A_17] {strides = array<i32>} : memref<256x64xf32, #tpu.memory_space<vmem>>, vector<16xf32>,
      %parallel_loop3A_19 = arith.constant 0 : i32
      %parallel_loop3A_20 = vector.broadcast %parallel_loop3A_19 : i32 to vector<16xi32>
      %parallel_loop3A_21 = arith.addi %iota3A, %parallel_loop3A_20 : vector<16xi32>
      %parallel_loop3A_22 = arith.constant dense<true> : vector<16xi1>
      %parallel_loop3A_23, %parallel_loop3A_24, %parallel_loop3A_25 = tpu.sort %parallel_loop3A_18, %parallel_loop3A_21 masked %parallel_loop3A_22 {descending = true} : (vector<16xf32>, vector<16xi32>, vector<16xi1>) -> (vector<16xi1>, vector<16xf32>, vector<16xi32>)
      %parallel_loop3A_26 = arith.index_cast %parallel_loop3A_15 : i32 to index
      %parallel_loop3A_27 = arith.constant 16 : index
      %parallel_loop3A_28 = tpu.vector_load %arg5[%parallel_loop3A_26, %parallel_loop3A_27] {strides = array<i32>} : memref<256x64xf32, #tpu.memory_space<vmem>>, vector<16xf32>,
      %parallel_loop3A_29 = arith.constant 16 : i32
      %parallel_loop3A_30 = vector.broadcast %parallel_loop3A_29 : i32 to vector<16xi32>
      %parallel_loop3A_31 = arith.addi %iota3A, %parallel_loop3A_30 : vector<16xi32>
      %parallel_loop3A_32 = arith.constant dense<true> : vector<16xi1>
      %parallel_loop3A_33, %parallel_loop3A_34, %parallel_loop3A_35 = tpu.sort %parallel_loop3A_28, %parallel_loop3A_31 masked %parallel_loop3A_32 {descending = true} : (vector<16xf32>, vector<16xi32>, vector<16xi1>) -> (vector<16xi1>, vector<16xf32>, vector<16xi32>)
      %parallel_loop3A_36 = arith.index_cast %parallel_loop3A_15 : i32 to index
      %parallel_loop3A_37 = arith.constant 32 : index
      %parallel_loop3A_38 = tpu.vector_load %arg5[%parallel_loop3A_36, %parallel_loop3A_37] {strides = array<i32>} : memref<256x64xf32, #tpu.memory_space<vmem>>, vector<16xf32>,
      %parallel_loop3A_39 = arith.constant 32 : i32
      %parallel_loop3A_40 = vector.broadcast %parallel_loop3A_39 : i32 to vector<16xi32>
      %parallel_loop3A_41 = arith.addi %iota3A, %parallel_loop3A_40 : vector<16xi32>
      %parallel_loop3A_42 = arith.constant dense<true> : vector<16xi1>
      %parallel_loop3A_43, %parallel_loop3A_44, %parallel_loop3A_45 = tpu.sort %parallel_loop3A_38, %parallel_loop3A_41 masked %parallel_loop3A_42 {descending = true} : (vector<16xf32>, vector<16xi32>, vector<16xi1>) -> (vector<16xi1>, vector<16xf32>, vector<16xi32>)
      %parallel_loop3A_46 = arith.index_cast %parallel_loop3A_15 : i32 to index
      %parallel_loop3A_47 = arith.constant 48 : index
      %parallel_loop3A_48 = tpu.vector_load %arg5[%parallel_loop3A_46, %parallel_loop3A_47] {strides = array<i32>} : memref<256x64xf32, #tpu.memory_space<vmem>>, vector<16xf32>,
      %parallel_loop3A_49 = arith.constant 48 : i32
      %parallel_loop3A_50 = vector.broadcast %parallel_loop3A_49 : i32 to vector<16xi32>
      %parallel_loop3A_51 = arith.addi %iota3A, %parallel_loop3A_50 : vector<16xi32>
      %parallel_loop3A_52 = arith.constant dense<true> : vector<16xi1>
      %parallel_loop3A_53, %parallel_loop3A_54, %parallel_loop3A_55 = tpu.sort %parallel_loop3A_48, %parallel_loop3A_51 masked %parallel_loop3A_52 {descending = true} : (vector<16xf32>, vector<16xi32>, vector<16xi1>) -> (vector<16xi1>, vector<16xf32>, vector<16xi32>)
      %parallel_loop3A_56 = arith.constant 15 : i32
      %parallel_loop3A_57 = vector.broadcast %parallel_loop3A_56 : i32 to vector<16xi32>
      %parallel_loop3A_58 = tpu.iota {dimensions = array<i32: 0>} : vector<16xi32>
      %parallel_loop3A_59 = arith.subi %parallel_loop3A_57, %parallel_loop3A_58 : vector<16xi32>
      %parallel_loop3A_60 = tpu.dynamic_gather %parallel_loop3A_34[%parallel_loop3A_59] in [0] : vector<16xf32>, vector<16xi32> -> vector<16xf32>
      %parallel_loop3A_61 = arith.select %lt3A_4, %parallel_loop3A_24, %parallel_loop3A_60 : vector<16xi1>, vector<16xf32>
      %parallel_loop3A_62 = arith.constant 15 : i32
      %parallel_loop3A_63 = vector.broadcast %parallel_loop3A_62 : i32 to vector<16xi32>
      %parallel_loop3A_64 = tpu.iota {dimensions = array<i32: 0>} : vector<16xi32>
      %parallel_loop3A_65 = arith.subi %parallel_loop3A_63, %parallel_loop3A_64 : vector<16xi32>
      %parallel_loop3A_66 = tpu.dynamic_gather %parallel_loop3A_35[%parallel_loop3A_65] in [0] : vector<16xi32>, vector<16xi32> -> vector<16xi32>
      %parallel_loop3A_67 = arith.select %lt3A_4, %parallel_loop3A_25, %parallel_loop3A_66 : vector<16xi1>, vector<16xi32>
      %parallel_loop3A_68 = arith.constant dense<true> : vector<16xi1>
      %parallel_loop3A_69, %parallel_loop3A_70, %parallel_loop3A_71 = tpu.sort %parallel_loop3A_61, %parallel_loop3A_67 masked %parallel_loop3A_68 {descending = true} : (vector<16xf32>, vector<16xi32>, vector<16xi1>) -> (vector<16xi1>, vector<16xf32>, vector<16xi32>)
      %parallel_loop3A_72 = arith.constant 15 : i32
      %parallel_loop3A_73 = vector.broadcast %parallel_loop3A_72 : i32 to vector<16xi32>
      %parallel_loop3A_74 = tpu.iota {dimensions = array<i32: 0>} : vector<16xi32>
      %parallel_loop3A_75 = arith.subi %parallel_loop3A_73, %parallel_loop3A_74 : vector<16xi32>
      %parallel_loop3A_76 = tpu.dynamic_gather %parallel_loop3A_54[%parallel_loop3A_75] in [0] : vector<16xf32>, vector<16xi32> -> vector<16xf32>
      %parallel_loop3A_77 = arith.select %lt3A_4, %parallel_loop3A_44, %parallel_loop3A_76 : vector<16xi1>, vector<16xf32>
      %parallel_loop3A_78 = arith.constant 15 : i32
      %parallel_loop3A_79 = vector.broadcast %parallel_loop3A_78 : i32 to vector<16xi32>
      %parallel_loop3A_80 = tpu.iota {dimensions = array<i32: 0>} : vector<16xi32>
      %parallel_loop3A_81 = arith.subi %parallel_loop3A_79, %parallel_loop3A_80 : vector<16xi32>
      %parallel_loop3A_82 = tpu.dynamic_gather %parallel_loop3A_55[%parallel_loop3A_81] in [0] : vector<16xi32>, vector<16xi32> -> vector<16xi32>
      %parallel_loop3A_83 = arith.select %lt3A_4, %parallel_loop3A_45, %parallel_loop3A_82 : vector<16xi1>, vector<16xi32>
      %parallel_loop3A_84 = arith.constant dense<true> : vector<16xi1>
      %parallel_loop3A_85, %parallel_loop3A_86, %parallel_loop3A_87 = tpu.sort %parallel_loop3A_77, %parallel_loop3A_83 masked %parallel_loop3A_84 {descending = true} : (vector<16xf32>, vector<16xi32>, vector<16xi1>) -> (vector<16xi1>, vector<16xf32>, vector<16xi32>)
      %parallel_loop3A_88 = arith.constant 15 : i32
      %parallel_loop3A_89 = vector.broadcast %parallel_loop3A_88 : i32 to vector<16xi32>
      %parallel_loop3A_90 = tpu.iota {dimensions = array<i32: 0>} : vector<16xi32>
      %parallel_loop3A_91 = arith.subi %parallel_loop3A_89, %parallel_loop3A_90 : vector<16xi32>
      %parallel_loop3A_92 = tpu.dynamic_gather %parallel_loop3A_86[%parallel_loop3A_91] in [0] : vector<16xf32>, vector<16xi32> -> vector<16xf32>
      %parallel_loop3A_93 = arith.select %lt3A_4, %parallel_loop3A_70, %parallel_loop3A_92 : vector<16xi1>, vector<16xf32>
      %parallel_loop3A_94 = arith.constant 15 : i32
      %parallel_loop3A_95 = vector.broadcast %parallel_loop3A_94 : i32 to vector<16xi32>
      %parallel_loop3A_96 = tpu.iota {dimensions = array<i32: 0>} : vector<16xi32>
      %parallel_loop3A_97 = arith.subi %parallel_loop3A_95, %parallel_loop3A_96 : vector<16xi32>
      %parallel_loop3A_98 = tpu.dynamic_gather %parallel_loop3A_87[%parallel_loop3A_97] in [0] : vector<16xi32>, vector<16xi32> -> vector<16xi32>
      %parallel_loop3A_99 = arith.select %lt3A_4, %parallel_loop3A_71, %parallel_loop3A_98 : vector<16xi1>, vector<16xi32>
      %parallel_loop3A_100 = arith.constant dense<true> : vector<16xi1>
      %parallel_loop3A_101, %parallel_loop3A_102, %parallel_loop3A_103 = tpu.sort %parallel_loop3A_93, %parallel_loop3A_99 masked %parallel_loop3A_100 {descending = true} : (vector<16xf32>, vector<16xi32>, vector<16xi1>) -> (vector<16xi1>, vector<16xf32>, vector<16xi32>)
      %parallel_loop3A_104 = arith.constant 0.000000e+00 : f32
      %parallel_loop3A_105 = vector.broadcast %parallel_loop3A_104 : f32 to vector<16xf32>
      %parallel_loop3A_106 = arith.subf %parallel_loop3A_105, %parallel_loop3A_102 : vector<16xf32>
      %parallel_loop3A_107 = math.exp %parallel_loop3A_106 : vector<16xf32>
      %parallel_loop3A_108 = arith.constant 1.000000e+00 : f32
      %parallel_loop3A_109 = vector.broadcast %parallel_loop3A_108 : f32 to vector<16xf32>
      %parallel_loop3A_110 = arith.addf %parallel_loop3A_109, %parallel_loop3A_107 : vector<16xf32>
      %parallel_loop3A_111 = arith.constant 1.000000e+00 : f32
      %parallel_loop3A_112 = vector.broadcast %parallel_loop3A_111 : f32 to vector<16xf32>
      %parallel_loop3A_113 = arith.divf %parallel_loop3A_112, %parallel_loop3A_110 : vector<16xf32>
      %parallel_loop3A_114 = arith.constant 0.000000e+00 : f32
      %parallel_loop3A_115 = vector.broadcast %parallel_loop3A_114 : f32 to vector<16xf32>
      %parallel_loop3A_116 = arith.select %lt3A_4, %parallel_loop3A_113, %parallel_loop3A_115 : vector<16xi1>, vector<16xf32>
      %parallel_loop3A_117 = arith.constant true
      %parallel_loop3A_118 = vector.broadcast %parallel_loop3A_117 : i1 to vector<16xi1>
      %parallel_loop3A_119 = tpu.scan <sum>, %parallel_loop3A_116 masked %parallel_loop3A_118 : vector<16xf32>, vector<16xi1> -> vector<16xf32>
      %parallel_loop3A_120 = vector.extract %parallel_loop3A_119[15] : f32 from vector<16xf32>
      %parallel_loop3A_121 = arith.constant 2.500000e+00 : f32
      %parallel_loop3A_122 = vector.broadcast %parallel_loop3A_121 : f32 to vector<16xf32>
      %parallel_loop3A_123 = arith.mulf %parallel_loop3A_113, %parallel_loop3A_122 : vector<16xf32>
      %parallel_loop3A_124 = vector.broadcast %parallel_loop3A_120 : f32 to vector<16xf32>
      %parallel_loop3A_125 = arith.divf %parallel_loop3A_123, %parallel_loop3A_124 : vector<16xf32>
      %parallel_loop3A_126 = arith.constant 8 : i32
      %parallel_loop3A_127 = arith.muli %parallel_loop3A_15, %parallel_loop3A_126 : i32
      %parallel_loop3A_128 = arith.index_cast %parallel_loop3A_127 : i32 to index
      %parallel_loop3A_129 = tpu.vector_load %arg6[%parallel_loop3A_128] masked %lt3A_4 {strides = array<i32>} : memref<2056xi32, #tpu.memory_space<vmem>>, vector<16xi32>, vector<16xi1>
      tpu.vector_store %arg6[%parallel_loop3A_128], %parallel_loop3A_103 masked %lt3A_4 {strides = array<i32>} : memref<2056xi32, #tpu.memory_space<vmem>>, vector<16xi32>, vector<16xi1>
      %parallel_loop3A_130 = arith.constant 8 : i32
      %parallel_loop3A_131 = arith.muli %parallel_loop3A_15, %parallel_loop3A_130 : i32
      %parallel_loop3A_132 = arith.index_cast %parallel_loop3A_131 : i32 to index
      %parallel_loop3A_133 = tpu.vector_load %arg7[%parallel_loop3A_132] masked %lt3A_4 {strides = array<i32>} : memref<2056xf32, #tpu.memory_space<vmem>>, vector<16xf32>, vector<16xi1>
      tpu.vector_store %arg7[%parallel_loop3A_132], %parallel_loop3A_125 masked %lt3A_4 {strides = array<i32>} : memref<2056xf32, #tpu.memory_space<vmem>>, vector<16xf32>, vector<16xi1>
    } {sc.loop_unroll_factor = 4 : i64, sc.parallel_access}
    %mul3A_7 = arith.constant 256 : i32
    %mul3A_8 = arith.muli %add3A, %mul3A_7 : i32
    %mul3A_9 = arith.constant 8 : i32
    %mul3A_10 = arith.muli %mul3A_8, %mul3A_9 : i32
    "tpu.region"() ({
      %run_scoped3A = tpu.sem_alloc : memref<!tpu.dma_semaphore, #tpu.memory_space<semaphore_mem>>
      %dma_start3A = arith.constant 0 : i32
      %dma_start3A_15 = tpu.memref_slice %arg6[%dma_start3A] : memref<2056xi32, #tpu.memory_space<vmem>> -> memref<2048xi32, #tpu.memory_space<vmem>>
      %dma_start3A_16 = tpu.memref_slice %arg3[%mul3A_10] : memref<65536xi32, #tpu.memory_space<hbm>> -> memref<2048xi32, #tpu.memory_space<hbm>>
      %dma_start3A_17 = tpu.memref_slice %arg3[%mul3A_10] : memref<65536xi32, #tpu.memory_space<hbm>> -> memref<2048xi32, #tpu.memory_space<hbm>>
      %dma_start3A_18 = arith.constant 0 : i32
      %dma_start3A_19 = tpu.memref_slice %arg6[%dma_start3A_18] : memref<2056xi32, #tpu.memory_space<vmem>> -> memref<2048xi32, #tpu.memory_space<vmem>>
      tpu.enqueue_dma source(%dma_start3A_19 : memref<2048xi32, #tpu.memory_space<vmem>>) target(%dma_start3A_17 : memref<2048xi32, #tpu.memory_space<hbm>>) target_semaphore(%run_scoped3A : memref<!tpu.dma_semaphore, #tpu.memory_space<semaphore_mem>>)
      %dma_wait3A = arith.constant 0 : i32
      %dma_wait3A_20 = tpu.memref_slice %arg6[%dma_wait3A] : memref<2056xi32, #tpu.memory_space<vmem>> -> memref<2048xi32, #tpu.memory_space<vmem>>
      %dma_wait3A_21 = tpu.memref_slice %arg3[%mul3A_10] : memref<65536xi32, #tpu.memory_space<hbm>> -> memref<2048xi32, #tpu.memory_space<hbm>>
      %dma_wait3A_22 = tpu.memref_slice %arg3[%mul3A_10] : memref<65536xi32, #tpu.memory_space<hbm>> -> memref<2048xi32, #tpu.memory_space<hbm>>
      %dma_wait3A_23 = arith.constant 0 : i32
      %dma_wait3A_24 = tpu.memref_slice %arg6[%dma_wait3A_23] : memref<2056xi32, #tpu.memory_space<vmem>> -> memref<2048xi32, #tpu.memory_space<vmem>>
      tpu.wait_dma2 semaphore(%run_scoped3A : memref<!tpu.dma_semaphore, #tpu.memory_space<semaphore_mem>>) src(%dma_wait3A_24 : memref<2048xi32, #tpu.memory_space<vmem>>) dst(%dma_wait3A_22 : memref<2048xi32, #tpu.memory_space<hbm>>)
      tpu.yield
    }) : () -> ()
    %mul3A_11 = arith.constant 256 : i32
    %mul3A_12 = arith.muli %add3A, %mul3A_11 : i32
    %mul3A_13 = arith.constant 8 : i32
    %mul3A_14 = arith.muli %mul3A_12, %mul3A_13 : i32
    "tpu.region"() ({
      %run_scoped3A = tpu.sem_alloc : memref<!tpu.dma_semaphore, #tpu.memory_space<semaphore_mem>>
      %dma_start3A = arith.constant 0 : i32
      %dma_start3A_15 = tpu.memref_slice %arg7[%dma_start3A] : memref<2056xf32, #tpu.memory_space<vmem>> -> memref<2048xf32, #tpu.memory_space<vmem>>
      %dma_start3A_16 = tpu.memref_slice %arg4[%mul3A_14] : memref<65536xf32, #tpu.memory_space<hbm>> -> memref<2048xf32, #tpu.memory_space<hbm>>
      %dma_start3A_17 = tpu.memref_slice %arg4[%mul3A_14] : memref<65536xf32, #tpu.memory_space<hbm>> -> memref<2048xf32, #tpu.memory_space<hbm>>
      %dma_start3A_18 = arith.constant 0 : i32
      %dma_start3A_19 = tpu.memref_slice %arg7[%dma_start3A_18] : memref<2056xf32, #tpu.memory_space<vmem>> -> memref<2048xf32, #tpu.memory_space<vmem>>
      tpu.enqueue_dma source(%dma_start3A_19 : memref<2048xf32, #tpu.memory_space<vmem>>) target(%dma_start3A_17 : memref<2048xf32, #tpu.memory_space<hbm>>) target_semaphore(%run_scoped3A : memref<!tpu.dma_semaphore, #tpu.memory_space<semaphore_mem>>)
      %dma_wait3A = arith.constant 0 : i32
      %dma_wait3A_20 = tpu.memref_slice %arg7[%dma_wait3A] : memref<2056xf32, #tpu.memory_space<vmem>> -> memref<2048xf32, #tpu.memory_space<vmem>>
      %dma_wait3A_21 = tpu.memref_slice %arg4[%mul3A_14] : memref<65536xf32, #tpu.memory_space<hbm>> -> memref<2048xf32, #tpu.memory_space<hbm>>
      %dma_wait3A_22 = tpu.memref_slice %arg4[%mul3A_14] : memref<65536xf32, #tpu.memory_space<hbm>> -> memref<2048xf32, #tpu.memory_space<hbm>>
      %dma_wait3A_23 = arith.constant 0 : i32
      %dma_wait3A_24 = tpu.memref_slice %arg7[%dma_wait3A_23] : memref<2056xf32, #tpu.memory_space<vmem>> -> memref<2048xf32, #tpu.memory_space<vmem>>
      tpu.wait_dma2 semaphore(%run_scoped3A : memref<!tpu.dma_semaphore, #tpu.memory_space<semaphore_mem>>) src(%dma_wait3A_24 : memref<2048xf32, #tpu.memory_space<vmem>>) dst(%dma_wait3A_22 : memref<2048xf32, #tpu.memory_space<hbm>>)
      tpu.yield
    }) : () -> ()
    return
  }
}

#map = affine_map<(d0, d1) -> (0, 0)>
#map1 = affine_map<(d0, d1) -> (0)>
module attributes {stable_mosaic.version = 14 : i64} {
  func.func @sc_topk(%arg0: i32, %arg1: i32, %arg2: memref<8192x64xf32, #tpu.memory_space<hbm>>, %arg3: memref<65536xi32, #tpu.memory_space<hbm>>, %arg4: memref<65536xf32, #tpu.memory_space<hbm>>, %arg5: memref<256x64xf32, #tpu.memory_space<vmem>>, %arg6: memref<2056xi32, #tpu.memory_space<vmem>>, %arg7: memref<2056xf32, #tpu.memory_space<vmem>>) attributes {dimension_semantics = [#tpu.dimension_semantics<core_parallel>, #tpu.dimension_semantics<subcore_parallel>], iteration_bounds = array<i64: 2, 16>, scalar_prefetch = 0 : i64, scratch_operands = 3 : i64, tpu.core_type = #tpu.core_type<sc_vector_subcore>, window_params = [{transform_indices = #map}, {transform_indices = #map1}, {transform_indices = #map1}]} {
    %mul3A = arith.constant 2 : i32
    %mul3A_0 = arith.muli %arg1, %mul3A : i32
    %add3A = arith.addi %mul3A_0, %arg0 : i32
    %mul3A_1 = arith.constant 256 : i32
    %mul3A_2 = arith.muli %add3A, %mul3A_1 : i32
    "tpu.region"() ({
      %run_scoped3A = tpu.sem_alloc : memref<!tpu.dma_semaphore, #tpu.memory_space<semaphore_mem>>
      %dma_start3A = arith.constant 0 : i32
      %dma_start3A_15 = tpu.memref_slice %arg2[%mul3A_2, %dma_start3A] : memref<8192x64xf32, #tpu.memory_space<hbm>> -> memref<256x64xf32, #tpu.memory_space<hbm>>
      %dma_start3A_16 = arith.constant 0 : i32
      %dma_start3A_17 = tpu.memref_slice %arg2[%mul3A_2, %dma_start3A_16] : memref<8192x64xf32, #tpu.memory_space<hbm>> -> memref<256x64xf32, #tpu.memory_space<hbm>>
      tpu.enqueue_dma source(%dma_start3A_17 : memref<256x64xf32, #tpu.memory_space<hbm>>) target(%arg5 : memref<256x64xf32, #tpu.memory_space<vmem>>) target_semaphore(%run_scoped3A : memref<!tpu.dma_semaphore, #tpu.memory_space<semaphore_mem>>)
      %dma_wait3A = arith.constant 0 : i32
      %dma_wait3A_18 = tpu.memref_slice %arg2[%mul3A_2, %dma_wait3A] : memref<8192x64xf32, #tpu.memory_space<hbm>> -> memref<256x64xf32, #tpu.memory_space<hbm>>
      %dma_wait3A_19 = arith.constant 0 : i32
      %dma_wait3A_20 = tpu.memref_slice %arg2[%mul3A_2, %dma_wait3A_19] : memref<8192x64xf32, #tpu.memory_space<hbm>> -> memref<256x64xf32, #tpu.memory_space<hbm>>
      tpu.wait_dma2 semaphore(%run_scoped3A : memref<!tpu.dma_semaphore, #tpu.memory_space<semaphore_mem>>) src(%dma_wait3A_20 : memref<256x64xf32, #tpu.memory_space<hbm>>) dst(%arg5 : memref<256x64xf32, #tpu.memory_space<vmem>>)
      tpu.yield
    }) : () -> ()
    %iota3A = tpu.iota {dimensions = array<i32: 0>} : vector<16xi32>
    %lt3A = arith.constant 8 : i32
    %lt3A_3 = vector.broadcast %lt3A : i32 to vector<16xi32>
    %lt3A_4 = arith.cmpi slt, %iota3A, %lt3A_3 : vector<16xi32>
    %parallel_loop3A = arith.constant 0 : i32
    %parallel_loop3A_5 = arith.constant 256 : i32
    %parallel_loop3A_6 = arith.constant 1 : i32
    scf.for %parallel_loop3A_15 = %parallel_loop3A to %parallel_loop3A_5 step %parallel_loop3A_6  : i32 {
      %parallel_loop3A_16 = arith.index_cast %parallel_loop3A_15 : i32 to index
      %parallel_loop3A_17 = arith.constant 0 : index
      %parallel_loop3A_18 = tpu.vector_load %arg5[%parallel_loop3A_16, %parallel_loop3A_17] {strides = array<i32>} : memref<256x64xf32, #tpu.memory_space<vmem>>, vector<16xf32>,
      %parallel_loop3A_19 = arith.constant 0 : i32
      %parallel_loop3A_20 = vector.broadcast %parallel_loop3A_19 : i32 to vector<16xi32>
      %parallel_loop3A_21 = arith.addi %iota3A, %parallel_loop3A_20 : vector<16xi32>
      %parallel_loop3A_22 = arith.constant dense<true> : vector<16xi1>
      %parallel_loop3A_23, %parallel_loop3A_24, %parallel_loop3A_25 = tpu.sort %parallel_loop3A_18, %parallel_loop3A_21 masked %parallel_loop3A_22 {descending = true} : (vector<16xf32>, vector<16xi32>, vector<16xi1>) -> (vector<16xi1>, vector<16xf32>, vector<16xi32>)
      %parallel_loop3A_26 = arith.index_cast %parallel_loop3A_15 : i32 to index
      %parallel_loop3A_27 = arith.constant 16 : index
      %parallel_loop3A_28 = tpu.vector_load %arg5[%parallel_loop3A_26, %parallel_loop3A_27] {strides = array<i32>} : memref<256x64xf32, #tpu.memory_space<vmem>>, vector<16xf32>,
      %parallel_loop3A_29 = arith.constant 16 : i32
      %parallel_loop3A_30 = vector.broadcast %parallel_loop3A_29 : i32 to vector<16xi32>
      %parallel_loop3A_31 = arith.addi %iota3A, %parallel_loop3A_30 : vector<16xi32>
      %parallel_loop3A_32 = arith.constant dense<true> : vector<16xi1>
      %parallel_loop3A_33, %parallel_loop3A_34, %parallel_loop3A_35 = tpu.sort %parallel_loop3A_28, %parallel_loop3A_31 masked %parallel_loop3A_32 {descending = true} : (vector<16xf32>, vector<16xi32>, vector<16xi1>) -> (vector<16xi1>, vector<16xf32>, vector<16xi32>)
      %parallel_loop3A_36 = arith.index_cast %parallel_loop3A_15 : i32 to index
      %parallel_loop3A_37 = arith.constant 32 : index
      %parallel_loop3A_38 = tpu.vector_load %arg5[%parallel_loop3A_36, %parallel_loop3A_37] {strides = array<i32>} : memref<256x64xf32, #tpu.memory_space<vmem>>, vector<16xf32>,
      %parallel_loop3A_39 = arith.constant 32 : i32
      %parallel_loop3A_40 = vector.broadcast %parallel_loop3A_39 : i32 to vector<16xi32>
      %parallel_loop3A_41 = arith.addi %iota3A, %parallel_loop3A_40 : vector<16xi32>
      %parallel_loop3A_42 = arith.constant dense<true> : vector<16xi1>
      %parallel_loop3A_43, %parallel_loop3A_44, %parallel_loop3A_45 = tpu.sort %parallel_loop3A_38, %parallel_loop3A_41 masked %parallel_loop3A_42 {descending = true} : (vector<16xf32>, vector<16xi32>, vector<16xi1>) -> (vector<16xi1>, vector<16xf32>, vector<16xi32>)
      %parallel_loop3A_46 = arith.index_cast %parallel_loop3A_15 : i32 to index
      %parallel_loop3A_47 = arith.constant 48 : index
      %parallel_loop3A_48 = tpu.vector_load %arg5[%parallel_loop3A_46, %parallel_loop3A_47] {strides = array<i32>} : memref<256x64xf32, #tpu.memory_space<vmem>>, vector<16xf32>,
      %parallel_loop3A_49 = arith.constant 48 : i32
      %parallel_loop3A_50 = vector.broadcast %parallel_loop3A_49 : i32 to vector<16xi32>
      %parallel_loop3A_51 = arith.addi %iota3A, %parallel_loop3A_50 : vector<16xi32>
      %parallel_loop3A_52 = arith.constant dense<true> : vector<16xi1>
      %parallel_loop3A_53, %parallel_loop3A_54, %parallel_loop3A_55 = tpu.sort %parallel_loop3A_48, %parallel_loop3A_51 masked %parallel_loop3A_52 {descending = true} : (vector<16xf32>, vector<16xi32>, vector<16xi1>) -> (vector<16xi1>, vector<16xf32>, vector<16xi32>)
      %parallel_loop3A_56 = arith.constant 15 : i32
      %parallel_loop3A_57 = vector.broadcast %parallel_loop3A_56 : i32 to vector<16xi32>
      %parallel_loop3A_58 = tpu.iota {dimensions = array<i32: 0>} : vector<16xi32>
      %parallel_loop3A_59 = arith.subi %parallel_loop3A_57, %parallel_loop3A_58 : vector<16xi32>
      %parallel_loop3A_60 = tpu.dynamic_gather %parallel_loop3A_34[%parallel_loop3A_59] in [0] : vector<16xf32>, vector<16xi32> -> vector<16xf32>
      %parallel_loop3A_61 = arith.select %lt3A_4, %parallel_loop3A_24, %parallel_loop3A_60 : vector<16xi1>, vector<16xf32>
      %parallel_loop3A_62 = arith.constant 15 : i32
      %parallel_loop3A_63 = vector.broadcast %parallel_loop3A_62 : i32 to vector<16xi32>
      %parallel_loop3A_64 = tpu.iota {dimensions = array<i32: 0>} : vector<16xi32>
      %parallel_loop3A_65 = arith.subi %parallel_loop3A_63, %parallel_loop3A_64 : vector<16xi32>
      %parallel_loop3A_66 = tpu.dynamic_gather %parallel_loop3A_35[%parallel_loop3A_65] in [0] : vector<16xi32>, vector<16xi32> -> vector<16xi32>
      %parallel_loop3A_67 = arith.select %lt3A_4, %parallel_loop3A_25, %parallel_loop3A_66 : vector<16xi1>, vector<16xi32>
      %parallel_loop3A_68 = arith.constant dense<true> : vector<16xi1>
      %parallel_loop3A_69, %parallel_loop3A_70, %parallel_loop3A_71 = tpu.sort %parallel_loop3A_61, %parallel_loop3A_67 masked %parallel_loop3A_68 {descending = true} : (vector<16xf32>, vector<16xi32>, vector<16xi1>) -> (vector<16xi1>, vector<16xf32>, vector<16xi32>)
      %parallel_loop3A_72 = arith.constant 15 : i32
      %parallel_loop3A_73 = vector.broadcast %parallel_loop3A_72 : i32 to vector<16xi32>
      %parallel_loop3A_74 = tpu.iota {dimensions = array<i32: 0>} : vector<16xi32>
      %parallel_loop3A_75 = arith.subi %parallel_loop3A_73, %parallel_loop3A_74 : vector<16xi32>
      %parallel_loop3A_76 = tpu.dynamic_gather %parallel_loop3A_54[%parallel_loop3A_75] in [0] : vector<16xf32>, vector<16xi32> -> vector<16xf32>
      %parallel_loop3A_77 = arith.select %lt3A_4, %parallel_loop3A_44, %parallel_loop3A_76 : vector<16xi1>, vector<16xf32>
      %parallel_loop3A_78 = arith.constant 15 : i32
      %parallel_loop3A_79 = vector.broadcast %parallel_loop3A_78 : i32 to vector<16xi32>
      %parallel_loop3A_80 = tpu.iota {dimensions = array<i32: 0>} : vector<16xi32>
      %parallel_loop3A_81 = arith.subi %parallel_loop3A_79, %parallel_loop3A_80 : vector<16xi32>
      %parallel_loop3A_82 = tpu.dynamic_gather %parallel_loop3A_55[%parallel_loop3A_81] in [0] : vector<16xi32>, vector<16xi32> -> vector<16xi32>
      %parallel_loop3A_83 = arith.select %lt3A_4, %parallel_loop3A_45, %parallel_loop3A_82 : vector<16xi1>, vector<16xi32>
      %parallel_loop3A_84 = arith.constant dense<true> : vector<16xi1>
      %parallel_loop3A_85, %parallel_loop3A_86, %parallel_loop3A_87 = tpu.sort %parallel_loop3A_77, %parallel_loop3A_83 masked %parallel_loop3A_84 {descending = true} : (vector<16xf32>, vector<16xi32>, vector<16xi1>) -> (vector<16xi1>, vector<16xf32>, vector<16xi32>)
      %parallel_loop3A_88 = arith.constant 15 : i32
      %parallel_loop3A_89 = vector.broadcast %parallel_loop3A_88 : i32 to vector<16xi32>
      %parallel_loop3A_90 = tpu.iota {dimensions = array<i32: 0>} : vector<16xi32>
      %parallel_loop3A_91 = arith.subi %parallel_loop3A_89, %parallel_loop3A_90 : vector<16xi32>
      %parallel_loop3A_92 = tpu.dynamic_gather %parallel_loop3A_86[%parallel_loop3A_91] in [0] : vector<16xf32>, vector<16xi32> -> vector<16xf32>
      %parallel_loop3A_93 = arith.select %lt3A_4, %parallel_loop3A_70, %parallel_loop3A_92 : vector<16xi1>, vector<16xf32>
      %parallel_loop3A_94 = arith.constant 15 : i32
      %parallel_loop3A_95 = vector.broadcast %parallel_loop3A_94 : i32 to vector<16xi32>
      %parallel_loop3A_96 = tpu.iota {dimensions = array<i32: 0>} : vector<16xi32>
      %parallel_loop3A_97 = arith.subi %parallel_loop3A_95, %parallel_loop3A_96 : vector<16xi32>
      %parallel_loop3A_98 = tpu.dynamic_gather %parallel_loop3A_87[%parallel_loop3A_97] in [0] : vector<16xi32>, vector<16xi32> -> vector<16xi32>
      %parallel_loop3A_99 = arith.select %lt3A_4, %parallel_loop3A_71, %parallel_loop3A_98 : vector<16xi1>, vector<16xi32>
      %parallel_loop3A_100 = arith.constant dense<true> : vector<16xi1>
      %parallel_loop3A_101, %parallel_loop3A_102, %parallel_loop3A_103 = tpu.sort %parallel_loop3A_93, %parallel_loop3A_99 masked %parallel_loop3A_100 {descending = true} : (vector<16xf32>, vector<16xi32>, vector<16xi1>) -> (vector<16xi1>, vector<16xf32>, vector<16xi32>)
      %parallel_loop3A_104 = arith.constant 0.000000e+00 : f32
      %parallel_loop3A_105 = vector.broadcast %parallel_loop3A_104 : f32 to vector<16xf32>
      %parallel_loop3A_106 = arith.subf %parallel_loop3A_105, %parallel_loop3A_102 : vector<16xf32>
      %parallel_loop3A_107 = math.exp %parallel_loop3A_106 : vector<16xf32>
      %parallel_loop3A_108 = arith.constant 1.000000e+00 : f32
      %parallel_loop3A_109 = vector.broadcast %parallel_loop3A_108 : f32 to vector<16xf32>
      %parallel_loop3A_110 = arith.addf %parallel_loop3A_109, %parallel_loop3A_107 : vector<16xf32>
      %parallel_loop3A_111 = arith.constant 1.000000e+00 : f32
      %parallel_loop3A_112 = vector.broadcast %parallel_loop3A_111 : f32 to vector<16xf32>
      %parallel_loop3A_113 = arith.divf %parallel_loop3A_112, %parallel_loop3A_110 : vector<16xf32>
      %parallel_loop3A_114 = arith.constant 0.000000e+00 : f32
      %parallel_loop3A_115 = vector.broadcast %parallel_loop3A_114 : f32 to vector<16xf32>
      %parallel_loop3A_116 = arith.select %lt3A_4, %parallel_loop3A_113, %parallel_loop3A_115 : vector<16xi1>, vector<16xf32>
      %parallel_loop3A_117 = arith.constant true
      %parallel_loop3A_118 = vector.broadcast %parallel_loop3A_117 : i1 to vector<16xi1>
      %parallel_loop3A_119 = tpu.scan <sum>, %parallel_loop3A_116 masked %parallel_loop3A_118 : vector<16xf32>, vector<16xi1> -> vector<16xf32>
      %parallel_loop3A_120 = vector.extract %parallel_loop3A_119[15] : f32 from vector<16xf32>
      %parallel_loop3A_121 = arith.constant 2.500000e+00 : f32
      %parallel_loop3A_122 = vector.broadcast %parallel_loop3A_121 : f32 to vector<16xf32>
      %parallel_loop3A_123 = arith.mulf %parallel_loop3A_113, %parallel_loop3A_122 : vector<16xf32>
      %parallel_loop3A_124 = vector.broadcast %parallel_loop3A_120 : f32 to vector<16xf32>
      %parallel_loop3A_125 = arith.divf %parallel_loop3A_123, %parallel_loop3A_124 : vector<16xf32>
      %parallel_loop3A_126 = arith.constant 8 : i32
      %parallel_loop3A_127 = arith.muli %parallel_loop3A_15, %parallel_loop3A_126 : i32
      %parallel_loop3A_128 = arith.index_cast %parallel_loop3A_127 : i32 to index
      %parallel_loop3A_129 = tpu.vector_load %arg6[%parallel_loop3A_128] masked %lt3A_4 {strides = array<i32>} : memref<2056xi32, #tpu.memory_space<vmem>>, vector<16xi32>, vector<16xi1>
      tpu.vector_store %arg6[%parallel_loop3A_128], %parallel_loop3A_103 masked %lt3A_4 {strides = array<i32>} : memref<2056xi32, #tpu.memory_space<vmem>>, vector<16xi32>, vector<16xi1>
      %parallel_loop3A_130 = arith.constant 8 : i32
      %parallel_loop3A_131 = arith.muli %parallel_loop3A_15, %parallel_loop3A_130 : i32
      %parallel_loop3A_132 = arith.index_cast %parallel_loop3A_131 : i32 to index
      %parallel_loop3A_133 = tpu.vector_load %arg7[%parallel_loop3A_132] masked %lt3A_4 {strides = array<i32>} : memref<2056xf32, #tpu.memory_space<vmem>>, vector<16xf32>, vector<16xi1>
      tpu.vector_store %arg7[%parallel_loop3A_132], %parallel_loop3A_125 masked %lt3A_4 {strides = array<i32>} : memref<2056xf32, #tpu.memory_space<vmem>>, vector<16xf32>, vector<16xi1>
    } {sc.loop_unroll_factor = 4 : i64, sc.parallel_access}
    %mul3A_7 = arith.constant 256 : i32
    %mul3A_8 = arith.muli %add3A, %mul3A_7 : i32
    %mul3A_9 = arith.constant 8 : i32
    %mul3A_10 = arith.muli %mul3A_8, %mul3A_9 : i32
    "tpu.region"() ({
      %run_scoped3A = tpu.sem_alloc : memref<!tpu.dma_semaphore, #tpu.memory_space<semaphore_mem>>
      %dma_start3A = arith.constant 0 : i32
      %dma_start3A_15 = tpu.memref_slice %arg6[%dma_start3A] : memref<2056xi32, #tpu.memory_space<vmem>> -> memref<2048xi32, #tpu.memory_space<vmem>>
      %dma_start3A_16 = tpu.memref_slice %arg3[%mul3A_10] : memref<65536xi32, #tpu.memory_space<hbm>> -> memref<2048xi32, #tpu.memory_space<hbm>>
      %dma_start3A_17 = tpu.memref_slice %arg3[%mul3A_10] : memref<65536xi32, #tpu.memory_space<hbm>> -> memref<2048xi32, #tpu.memory_space<hbm>>
      %dma_start3A_18 = arith.constant 0 : i32
      %dma_start3A_19 = tpu.memref_slice %arg6[%dma_start3A_18] : memref<2056xi32, #tpu.memory_space<vmem>> -> memref<2048xi32, #tpu.memory_space<vmem>>
      tpu.enqueue_dma source(%dma_start3A_19 : memref<2048xi32, #tpu.memory_space<vmem>>) target(%dma_start3A_17 : memref<2048xi32, #tpu.memory_space<hbm>>) target_semaphore(%run_scoped3A : memref<!tpu.dma_semaphore, #tpu.memory_space<semaphore_mem>>)
      %dma_wait3A = arith.constant 0 : i32
      %dma_wait3A_20 = tpu.memref_slice %arg6[%dma_wait3A] : memref<2056xi32, #tpu.memory_space<vmem>> -> memref<2048xi32, #tpu.memory_space<vmem>>
      %dma_wait3A_21 = tpu.memref_slice %arg3[%mul3A_10] : memref<65536xi32, #tpu.memory_space<hbm>> -> memref<2048xi32, #tpu.memory_space<hbm>>
      %dma_wait3A_22 = tpu.memref_slice %arg3[%mul3A_10] : memref<65536xi32, #tpu.memory_space<hbm>> -> memref<2048xi32, #tpu.memory_space<hbm>>
      %dma_wait3A_23 = arith.constant 0 : i32
      %dma_wait3A_24 = tpu.memref_slice %arg6[%dma_wait3A_23] : memref<2056xi32, #tpu.memory_space<vmem>> -> memref<2048xi32, #tpu.memory_space<vmem>>
      tpu.wait_dma2 semaphore(%run_scoped3A : memref<!tpu.dma_semaphore, #tpu.memory_space<semaphore_mem>>) src(%dma_wait3A_24 : memref<2048xi32, #tpu.memory_space<vmem>>) dst(%dma_wait3A_22 : memref<2048xi32, #tpu.memory_space<hbm>>)
      tpu.yield
    }) : () -> ()
    %mul3A_11 = arith.constant 256 : i32
    %mul3A_12 = arith.muli %add3A, %mul3A_11 : i32
    %mul3A_13 = arith.constant 8 : i32
    %mul3A_14 = arith.muli %mul3A_12, %mul3A_13 : i32
    "tpu.region"() ({
      %run_scoped3A = tpu.sem_alloc : memref<!tpu.dma_semaphore, #tpu.memory_space<semaphore_mem>>
      %dma_start3A = arith.constant 0 : i32
      %dma_start3A_15 = tpu.memref_slice %arg7[%dma_start3A] : memref<2056xf32, #tpu.memory_space<vmem>> -> memref<2048xf32, #tpu.memory_space<vmem>>
      %dma_start3A_16 = tpu.memref_slice %arg4[%mul3A_14] : memref<65536xf32, #tpu.memory_space<hbm>> -> memref<2048xf32, #tpu.memory_space<hbm>>
      %dma_start3A_17 = tpu.memref_slice %arg4[%mul3A_14] : memref<65536xf32, #tpu.memory_space<hbm>> -> memref<2048xf32, #tpu.memory_space<hbm>>
      %dma_start3A_18 = arith.constant 0 : i32
      %dma_start3A_19 = tpu.memref_slice %arg7[%dma_start3A_18] : memref<2056xf32, #tpu.memory_space<vmem>> -> memref<2048xf32, #tpu.memory_space<vmem>>
      tpu.enqueue_dma source(%dma_start3A_19 : memref<2048xf32, #tpu.memory_space<vmem>>) target(%dma_start3A_17 : memref<2048xf32, #tpu.memory_space<hbm>>) target_semaphore(%run_scoped3A : memref<!tpu.dma_semaphore, #tpu.memory_space<semaphore_mem>>)
      %dma_wait3A = arith.constant 0 : i32
      %dma_wait3A_20 = tpu.memref_slice %arg7[%dma_wait3A] : memref<2056xf32, #tpu.memory_space<vmem>> -> memref<2048xf32, #tpu.memory_space<vmem>>
      %dma_wait3A_21 = tpu.memref_slice %arg4[%mul3A_14] : memref<65536xf32, #tpu.memory_space<hbm>> -> memref<2048xf32, #tpu.memory_space<hbm>>
      %dma_wait3A_22 = tpu.memref_slice %arg4[%mul3A_14] : memref<65536xf32, #tpu.memory_space<hbm>> -> memref<2048xf32, #tpu.memory_space<hbm>>
      %dma_wait3A_23 = arith.constant 0 : i32
      %dma_wait3A_24 = tpu.memref_slice %arg7[%dma_wait3A_23] : memref<2056xf32, #tpu.memory_space<vmem>> -> memref<2048xf32, #tpu.memory_space<vmem>>
      tpu.wait_dma2 semaphore(%run_scoped3A : memref<!tpu.dma_semaphore, #tpu.memory_space<semaphore_mem>>) src(%dma_wait3A_24 : memref<2048xf32, #tpu.memory_space<vmem>>) dst(%dma_wait3A_22 : memref<2048xf32, #tpu.memory_space<hbm>>)
      tpu.yield
    }) : () -> ()
    return
  }
}

#map = affine_map<(d0, d1) -> (0, 0)>
#map1 = affine_map<(d0, d1) -> (0)>
module attributes {stable_mosaic.version = 14 : i64} {
  func.func @sc_topk(%arg0: i32, %arg1: i32, %arg2: memref<8192x64xf32, #tpu.memory_space<hbm>>, %arg3: memref<65536xi32, #tpu.memory_space<hbm>>, %arg4: memref<65536xf32, #tpu.memory_space<hbm>>, %arg5: memref<256x64xf32, #tpu.memory_space<vmem>>, %arg6: memref<2056xi32, #tpu.memory_space<vmem>>, %arg7: memref<2056xf32, #tpu.memory_space<vmem>>) attributes {dimension_semantics = [#tpu.dimension_semantics<core_parallel>, #tpu.dimension_semantics<subcore_parallel>], iteration_bounds = array<i64: 2, 16>, scalar_prefetch = 0 : i64, scratch_operands = 3 : i64, tpu.core_type = #tpu.core_type<sc_vector_subcore>, window_params = [{transform_indices = #map}, {transform_indices = #map1}, {transform_indices = #map1}]} {
    %mul3A = arith.constant 2 : i32
    %mul3A_0 = arith.muli %arg1, %mul3A : i32
    %add3A = arith.addi %mul3A_0, %arg0 : i32
    %mul3A_1 = arith.constant 256 : i32
    %mul3A_2 = arith.muli %add3A, %mul3A_1 : i32
    "tpu.region"() ({
      %run_scoped3A = tpu.sem_alloc : memref<!tpu.dma_semaphore, #tpu.memory_space<semaphore_mem>>
      %dma_start3A = arith.constant 0 : i32
      %dma_start3A_15 = tpu.memref_slice %arg2[%mul3A_2, %dma_start3A] : memref<8192x64xf32, #tpu.memory_space<hbm>> -> memref<256x64xf32, #tpu.memory_space<hbm>>
      %dma_start3A_16 = arith.constant 0 : i32
      %dma_start3A_17 = tpu.memref_slice %arg2[%mul3A_2, %dma_start3A_16] : memref<8192x64xf32, #tpu.memory_space<hbm>> -> memref<256x64xf32, #tpu.memory_space<hbm>>
      tpu.enqueue_dma source(%dma_start3A_17 : memref<256x64xf32, #tpu.memory_space<hbm>>) target(%arg5 : memref<256x64xf32, #tpu.memory_space<vmem>>) target_semaphore(%run_scoped3A : memref<!tpu.dma_semaphore, #tpu.memory_space<semaphore_mem>>)
      %dma_wait3A = arith.constant 0 : i32
      %dma_wait3A_18 = tpu.memref_slice %arg2[%mul3A_2, %dma_wait3A] : memref<8192x64xf32, #tpu.memory_space<hbm>> -> memref<256x64xf32, #tpu.memory_space<hbm>>
      %dma_wait3A_19 = arith.constant 0 : i32
      %dma_wait3A_20 = tpu.memref_slice %arg2[%mul3A_2, %dma_wait3A_19] : memref<8192x64xf32, #tpu.memory_space<hbm>> -> memref<256x64xf32, #tpu.memory_space<hbm>>
      tpu.wait_dma2 semaphore(%run_scoped3A : memref<!tpu.dma_semaphore, #tpu.memory_space<semaphore_mem>>) src(%dma_wait3A_20 : memref<256x64xf32, #tpu.memory_space<hbm>>) dst(%arg5 : memref<256x64xf32, #tpu.memory_space<vmem>>)
      tpu.yield
    }) : () -> ()
    %iota3A = tpu.iota {dimensions = array<i32: 0>} : vector<16xi32>
    %lt3A = arith.constant 8 : i32
    %lt3A_3 = vector.broadcast %lt3A : i32 to vector<16xi32>
    %lt3A_4 = arith.cmpi slt, %iota3A, %lt3A_3 : vector<16xi32>
    %parallel_loop3A = arith.constant 0 : i32
    %parallel_loop3A_5 = arith.constant 256 : i32
    %parallel_loop3A_6 = arith.constant 1 : i32
    scf.for %parallel_loop3A_15 = %parallel_loop3A to %parallel_loop3A_5 step %parallel_loop3A_6  : i32 {
      %parallel_loop3A_16 = arith.index_cast %parallel_loop3A_15 : i32 to index
      %parallel_loop3A_17 = arith.constant 0 : index
      %parallel_loop3A_18 = tpu.vector_load %arg5[%parallel_loop3A_16, %parallel_loop3A_17] {strides = array<i32>} : memref<256x64xf32, #tpu.memory_space<vmem>>, vector<16xf32>,
      %parallel_loop3A_19 = arith.constant 0 : i32
      %parallel_loop3A_20 = vector.broadcast %parallel_loop3A_19 : i32 to vector<16xi32>
      %parallel_loop3A_21 = arith.addi %iota3A, %parallel_loop3A_20 : vector<16xi32>
      %parallel_loop3A_22 = arith.constant dense<true> : vector<16xi1>
      %parallel_loop3A_23, %parallel_loop3A_24, %parallel_loop3A_25 = tpu.sort %parallel_loop3A_18, %parallel_loop3A_21 masked %parallel_loop3A_22 {descending = true} : (vector<16xf32>, vector<16xi32>, vector<16xi1>) -> (vector<16xi1>, vector<16xf32>, vector<16xi32>)
      %parallel_loop3A_26 = arith.index_cast %parallel_loop3A_15 : i32 to index
      %parallel_loop3A_27 = arith.constant 16 : index
      %parallel_loop3A_28 = tpu.vector_load %arg5[%parallel_loop3A_26, %parallel_loop3A_27] {strides = array<i32>} : memref<256x64xf32, #tpu.memory_space<vmem>>, vector<16xf32>,
      %parallel_loop3A_29 = arith.constant 16 : i32
      %parallel_loop3A_30 = vector.broadcast %parallel_loop3A_29 : i32 to vector<16xi32>
      %parallel_loop3A_31 = arith.addi %iota3A, %parallel_loop3A_30 : vector<16xi32>
      %parallel_loop3A_32 = arith.constant dense<true> : vector<16xi1>
      %parallel_loop3A_33, %parallel_loop3A_34, %parallel_loop3A_35 = tpu.sort %parallel_loop3A_28, %parallel_loop3A_31 masked %parallel_loop3A_32 {descending = true} : (vector<16xf32>, vector<16xi32>, vector<16xi1>) -> (vector<16xi1>, vector<16xf32>, vector<16xi32>)
      %parallel_loop3A_36 = arith.index_cast %parallel_loop3A_15 : i32 to index
      %parallel_loop3A_37 = arith.constant 32 : index
      %parallel_loop3A_38 = tpu.vector_load %arg5[%parallel_loop3A_36, %parallel_loop3A_37] {strides = array<i32>} : memref<256x64xf32, #tpu.memory_space<vmem>>, vector<16xf32>,
      %parallel_loop3A_39 = arith.constant 32 : i32
      %parallel_loop3A_40 = vector.broadcast %parallel_loop3A_39 : i32 to vector<16xi32>
      %parallel_loop3A_41 = arith.addi %iota3A, %parallel_loop3A_40 : vector<16xi32>
      %parallel_loop3A_42 = arith.constant dense<true> : vector<16xi1>
      %parallel_loop3A_43, %parallel_loop3A_44, %parallel_loop3A_45 = tpu.sort %parallel_loop3A_38, %parallel_loop3A_41 masked %parallel_loop3A_42 {descending = true} : (vector<16xf32>, vector<16xi32>, vector<16xi1>) -> (vector<16xi1>, vector<16xf32>, vector<16xi32>)
      %parallel_loop3A_46 = arith.index_cast %parallel_loop3A_15 : i32 to index
      %parallel_loop3A_47 = arith.constant 48 : index
      %parallel_loop3A_48 = tpu.vector_load %arg5[%parallel_loop3A_46, %parallel_loop3A_47] {strides = array<i32>} : memref<256x64xf32, #tpu.memory_space<vmem>>, vector<16xf32>,
      %parallel_loop3A_49 = arith.constant 48 : i32
      %parallel_loop3A_50 = vector.broadcast %parallel_loop3A_49 : i32 to vector<16xi32>
      %parallel_loop3A_51 = arith.addi %iota3A, %parallel_loop3A_50 : vector<16xi32>
      %parallel_loop3A_52 = arith.constant dense<true> : vector<16xi1>
      %parallel_loop3A_53, %parallel_loop3A_54, %parallel_loop3A_55 = tpu.sort %parallel_loop3A_48, %parallel_loop3A_51 masked %parallel_loop3A_52 {descending = true} : (vector<16xf32>, vector<16xi32>, vector<16xi1>) -> (vector<16xi1>, vector<16xf32>, vector<16xi32>)
      %parallel_loop3A_56 = arith.constant 15 : i32
      %parallel_loop3A_57 = vector.broadcast %parallel_loop3A_56 : i32 to vector<16xi32>
      %parallel_loop3A_58 = tpu.iota {dimensions = array<i32: 0>} : vector<16xi32>
      %parallel_loop3A_59 = arith.subi %parallel_loop3A_57, %parallel_loop3A_58 : vector<16xi32>
      %parallel_loop3A_60 = tpu.dynamic_gather %parallel_loop3A_34[%parallel_loop3A_59] in [0] : vector<16xf32>, vector<16xi32> -> vector<16xf32>
      %parallel_loop3A_61 = arith.select %lt3A_4, %parallel_loop3A_24, %parallel_loop3A_60 : vector<16xi1>, vector<16xf32>
      %parallel_loop3A_62 = arith.constant 15 : i32
      %parallel_loop3A_63 = vector.broadcast %parallel_loop3A_62 : i32 to vector<16xi32>
      %parallel_loop3A_64 = tpu.iota {dimensions = array<i32: 0>} : vector<16xi32>
      %parallel_loop3A_65 = arith.subi %parallel_loop3A_63, %parallel_loop3A_64 : vector<16xi32>
      %parallel_loop3A_66 = tpu.dynamic_gather %parallel_loop3A_35[%parallel_loop3A_65] in [0] : vector<16xi32>, vector<16xi32> -> vector<16xi32>
      %parallel_loop3A_67 = arith.select %lt3A_4, %parallel_loop3A_25, %parallel_loop3A_66 : vector<16xi1>, vector<16xi32>
      %parallel_loop3A_68 = arith.constant dense<true> : vector<16xi1>
      %parallel_loop3A_69, %parallel_loop3A_70, %parallel_loop3A_71 = tpu.sort %parallel_loop3A_61, %parallel_loop3A_67 masked %parallel_loop3A_68 {descending = true} : (vector<16xf32>, vector<16xi32>, vector<16xi1>) -> (vector<16xi1>, vector<16xf32>, vector<16xi32>)
      %parallel_loop3A_72 = arith.constant 15 : i32
      %parallel_loop3A_73 = vector.broadcast %parallel_loop3A_72 : i32 to vector<16xi32>
      %parallel_loop3A_74 = tpu.iota {dimensions = array<i32: 0>} : vector<16xi32>
      %parallel_loop3A_75 = arith.subi %parallel_loop3A_73, %parallel_loop3A_74 : vector<16xi32>
      %parallel_loop3A_76 = tpu.dynamic_gather %parallel_loop3A_54[%parallel_loop3A_75] in [0] : vector<16xf32>, vector<16xi32> -> vector<16xf32>
      %parallel_loop3A_77 = arith.select %lt3A_4, %parallel_loop3A_44, %parallel_loop3A_76 : vector<16xi1>, vector<16xf32>
      %parallel_loop3A_78 = arith.constant 15 : i32
      %parallel_loop3A_79 = vector.broadcast %parallel_loop3A_78 : i32 to vector<16xi32>
      %parallel_loop3A_80 = tpu.iota {dimensions = array<i32: 0>} : vector<16xi32>
      %parallel_loop3A_81 = arith.subi %parallel_loop3A_79, %parallel_loop3A_80 : vector<16xi32>
      %parallel_loop3A_82 = tpu.dynamic_gather %parallel_loop3A_55[%parallel_loop3A_81] in [0] : vector<16xi32>, vector<16xi32> -> vector<16xi32>
      %parallel_loop3A_83 = arith.select %lt3A_4, %parallel_loop3A_45, %parallel_loop3A_82 : vector<16xi1>, vector<16xi32>
      %parallel_loop3A_84 = arith.constant dense<true> : vector<16xi1>
      %parallel_loop3A_85, %parallel_loop3A_86, %parallel_loop3A_87 = tpu.sort %parallel_loop3A_77, %parallel_loop3A_83 masked %parallel_loop3A_84 {descending = true} : (vector<16xf32>, vector<16xi32>, vector<16xi1>) -> (vector<16xi1>, vector<16xf32>, vector<16xi32>)
      %parallel_loop3A_88 = arith.constant 15 : i32
      %parallel_loop3A_89 = vector.broadcast %parallel_loop3A_88 : i32 to vector<16xi32>
      %parallel_loop3A_90 = tpu.iota {dimensions = array<i32: 0>} : vector<16xi32>
      %parallel_loop3A_91 = arith.subi %parallel_loop3A_89, %parallel_loop3A_90 : vector<16xi32>
      %parallel_loop3A_92 = tpu.dynamic_gather %parallel_loop3A_86[%parallel_loop3A_91] in [0] : vector<16xf32>, vector<16xi32> -> vector<16xf32>
      %parallel_loop3A_93 = arith.select %lt3A_4, %parallel_loop3A_70, %parallel_loop3A_92 : vector<16xi1>, vector<16xf32>
      %parallel_loop3A_94 = arith.constant 15 : i32
      %parallel_loop3A_95 = vector.broadcast %parallel_loop3A_94 : i32 to vector<16xi32>
      %parallel_loop3A_96 = tpu.iota {dimensions = array<i32: 0>} : vector<16xi32>
      %parallel_loop3A_97 = arith.subi %parallel_loop3A_95, %parallel_loop3A_96 : vector<16xi32>
      %parallel_loop3A_98 = tpu.dynamic_gather %parallel_loop3A_87[%parallel_loop3A_97] in [0] : vector<16xi32>, vector<16xi32> -> vector<16xi32>
      %parallel_loop3A_99 = arith.select %lt3A_4, %parallel_loop3A_71, %parallel_loop3A_98 : vector<16xi1>, vector<16xi32>
      %parallel_loop3A_100 = arith.constant dense<true> : vector<16xi1>
      %parallel_loop3A_101, %parallel_loop3A_102, %parallel_loop3A_103 = tpu.sort %parallel_loop3A_93, %parallel_loop3A_99 masked %parallel_loop3A_100 {descending = true} : (vector<16xf32>, vector<16xi32>, vector<16xi1>) -> (vector<16xi1>, vector<16xf32>, vector<16xi32>)
      %parallel_loop3A_104 = arith.constant 0.000000e+00 : f32
      %parallel_loop3A_105 = vector.broadcast %parallel_loop3A_104 : f32 to vector<16xf32>
      %parallel_loop3A_106 = arith.subf %parallel_loop3A_105, %parallel_loop3A_102 : vector<16xf32>
      %parallel_loop3A_107 = math.exp %parallel_loop3A_106 : vector<16xf32>
      %parallel_loop3A_108 = arith.constant 1.000000e+00 : f32
      %parallel_loop3A_109 = vector.broadcast %parallel_loop3A_108 : f32 to vector<16xf32>
      %parallel_loop3A_110 = arith.addf %parallel_loop3A_109, %parallel_loop3A_107 : vector<16xf32>
      %parallel_loop3A_111 = arith.constant 1.000000e+00 : f32
      %parallel_loop3A_112 = vector.broadcast %parallel_loop3A_111 : f32 to vector<16xf32>
      %parallel_loop3A_113 = arith.divf %parallel_loop3A_112, %parallel_loop3A_110 : vector<16xf32>
      %parallel_loop3A_114 = arith.constant 0.000000e+00 : f32
      %parallel_loop3A_115 = vector.broadcast %parallel_loop3A_114 : f32 to vector<16xf32>
      %parallel_loop3A_116 = arith.select %lt3A_4, %parallel_loop3A_113, %parallel_loop3A_115 : vector<16xi1>, vector<16xf32>
      %parallel_loop3A_117 = arith.constant true
      %parallel_loop3A_118 = vector.broadcast %parallel_loop3A_117 : i1 to vector<16xi1>
      %parallel_loop3A_119 = tpu.scan <sum>, %parallel_loop3A_116 masked %parallel_loop3A_118 : vector<16xf32>, vector<16xi1> -> vector<16xf32>
      %parallel_loop3A_120 = vector.extract %parallel_loop3A_119[15] : f32 from vector<16xf32>
      %parallel_loop3A_121 = arith.constant 2.500000e+00 : f32
      %parallel_loop3A_122 = vector.broadcast %parallel_loop3A_121 : f32 to vector<16xf32>
      %parallel_loop3A_123 = arith.mulf %parallel_loop3A_113, %parallel_loop3A_122 : vector<16xf32>
      %parallel_loop3A_124 = vector.broadcast %parallel_loop3A_120 : f32 to vector<16xf32>
      %parallel_loop3A_125 = arith.divf %parallel_loop3A_123, %parallel_loop3A_124 : vector<16xf32>
      %parallel_loop3A_126 = arith.constant 8 : i32
      %parallel_loop3A_127 = arith.muli %parallel_loop3A_15, %parallel_loop3A_126 : i32
      %parallel_loop3A_128 = arith.index_cast %parallel_loop3A_127 : i32 to index
      %parallel_loop3A_129 = tpu.vector_load %arg6[%parallel_loop3A_128] masked %lt3A_4 {strides = array<i32>} : memref<2056xi32, #tpu.memory_space<vmem>>, vector<16xi32>, vector<16xi1>
      tpu.vector_store %arg6[%parallel_loop3A_128], %parallel_loop3A_103 masked %lt3A_4 {strides = array<i32>} : memref<2056xi32, #tpu.memory_space<vmem>>, vector<16xi32>, vector<16xi1>
      %parallel_loop3A_130 = arith.constant 8 : i32
      %parallel_loop3A_131 = arith.muli %parallel_loop3A_15, %parallel_loop3A_130 : i32
      %parallel_loop3A_132 = arith.index_cast %parallel_loop3A_131 : i32 to index
      %parallel_loop3A_133 = tpu.vector_load %arg7[%parallel_loop3A_132] masked %lt3A_4 {strides = array<i32>} : memref<2056xf32, #tpu.memory_space<vmem>>, vector<16xf32>, vector<16xi1>
      tpu.vector_store %arg7[%parallel_loop3A_132], %parallel_loop3A_125 masked %lt3A_4 {strides = array<i32>} : memref<2056xf32, #tpu.memory_space<vmem>>, vector<16xf32>, vector<16xi1>
    } {sc.loop_unroll_factor = 4 : i64, sc.parallel_access}
    %mul3A_7 = arith.constant 256 : i32
    %mul3A_8 = arith.muli %add3A, %mul3A_7 : i32
    %mul3A_9 = arith.constant 8 : i32
    %mul3A_10 = arith.muli %mul3A_8, %mul3A_9 : i32
    "tpu.region"() ({
      %run_scoped3A = tpu.sem_alloc : memref<!tpu.dma_semaphore, #tpu.memory_space<semaphore_mem>>
      %dma_start3A = arith.constant 0 : i32
      %dma_start3A_15 = tpu.memref_slice %arg6[%dma_start3A] : memref<2056xi32, #tpu.memory_space<vmem>> -> memref<2048xi32, #tpu.memory_space<vmem>>
      %dma_start3A_16 = tpu.memref_slice %arg3[%mul3A_10] : memref<65536xi32, #tpu.memory_space<hbm>> -> memref<2048xi32, #tpu.memory_space<hbm>>
      %dma_start3A_17 = tpu.memref_slice %arg3[%mul3A_10] : memref<65536xi32, #tpu.memory_space<hbm>> -> memref<2048xi32, #tpu.memory_space<hbm>>
      %dma_start3A_18 = arith.constant 0 : i32
      %dma_start3A_19 = tpu.memref_slice %arg6[%dma_start3A_18] : memref<2056xi32, #tpu.memory_space<vmem>> -> memref<2048xi32, #tpu.memory_space<vmem>>
      tpu.enqueue_dma source(%dma_start3A_19 : memref<2048xi32, #tpu.memory_space<vmem>>) target(%dma_start3A_17 : memref<2048xi32, #tpu.memory_space<hbm>>) target_semaphore(%run_scoped3A : memref<!tpu.dma_semaphore, #tpu.memory_space<semaphore_mem>>)
      %dma_wait3A = arith.constant 0 : i32
      %dma_wait3A_20 = tpu.memref_slice %arg6[%dma_wait3A] : memref<2056xi32, #tpu.memory_space<vmem>> -> memref<2048xi32, #tpu.memory_space<vmem>>
      %dma_wait3A_21 = tpu.memref_slice %arg3[%mul3A_10] : memref<65536xi32, #tpu.memory_space<hbm>> -> memref<2048xi32, #tpu.memory_space<hbm>>
      %dma_wait3A_22 = tpu.memref_slice %arg3[%mul3A_10] : memref<65536xi32, #tpu.memory_space<hbm>> -> memref<2048xi32, #tpu.memory_space<hbm>>
      %dma_wait3A_23 = arith.constant 0 : i32
      %dma_wait3A_24 = tpu.memref_slice %arg6[%dma_wait3A_23] : memref<2056xi32, #tpu.memory_space<vmem>> -> memref<2048xi32, #tpu.memory_space<vmem>>
      tpu.wait_dma2 semaphore(%run_scoped3A : memref<!tpu.dma_semaphore, #tpu.memory_space<semaphore_mem>>) src(%dma_wait3A_24 : memref<2048xi32, #tpu.memory_space<vmem>>) dst(%dma_wait3A_22 : memref<2048xi32, #tpu.memory_space<hbm>>)
      tpu.yield
    }) : () -> ()
    %mul3A_11 = arith.constant 256 : i32
    %mul3A_12 = arith.muli %add3A, %mul3A_11 : i32
    %mul3A_13 = arith.constant 8 : i32
    %mul3A_14 = arith.muli %mul3A_12, %mul3A_13 : i32
    "tpu.region"() ({
      %run_scoped3A = tpu.sem_alloc : memref<!tpu.dma_semaphore, #tpu.memory_space<semaphore_mem>>
      %dma_start3A = arith.constant 0 : i32
      %dma_start3A_15 = tpu.memref_slice %arg7[%dma_start3A] : memref<2056xf32, #tpu.memory_space<vmem>> -> memref<2048xf32, #tpu.memory_space<vmem>>
      %dma_start3A_16 = tpu.memref_slice %arg4[%mul3A_14] : memref<65536xf32, #tpu.memory_space<hbm>> -> memref<2048xf32, #tpu.memory_space<hbm>>
      %dma_start3A_17 = tpu.memref_slice %arg4[%mul3A_14] : memref<65536xf32, #tpu.memory_space<hbm>> -> memref<2048xf32, #tpu.memory_space<hbm>>
      %dma_start3A_18 = arith.constant 0 : i32
      %dma_start3A_19 = tpu.memref_slice %arg7[%dma_start3A_18] : memref<2056xf32, #tpu.memory_space<vmem>> -> memref<2048xf32, #tpu.memory_space<vmem>>
      tpu.enqueue_dma source(%dma_start3A_19 : memref<2048xf32, #tpu.memory_space<vmem>>) target(%dma_start3A_17 : memref<2048xf32, #tpu.memory_space<hbm>>) target_semaphore(%run_scoped3A : memref<!tpu.dma_semaphore, #tpu.memory_space<semaphore_mem>>)
      %dma_wait3A = arith.constant 0 : i32
      %dma_wait3A_20 = tpu.memref_slice %arg7[%dma_wait3A] : memref<2056xf32, #tpu.memory_space<vmem>> -> memref<2048xf32, #tpu.memory_space<vmem>>
      %dma_wait3A_21 = tpu.memref_slice %arg4[%mul3A_14] : memref<65536xf32, #tpu.memory_space<hbm>> -> memref<2048xf32, #tpu.memory_space<hbm>>
      %dma_wait3A_22 = tpu.memref_slice %arg4[%mul3A_14] : memref<65536xf32, #tpu.memory_space<hbm>> -> memref<2048xf32, #tpu.memory_space<hbm>>
      %dma_wait3A_23 = arith.constant 0 : i32
      %dma_wait3A_24 = tpu.memref_slice %arg7[%dma_wait3A_23] : memref<2056xf32, #tpu.memory_space<vmem>> -> memref<2048xf32, #tpu.memory_space<vmem>>
      tpu.wait_dma2 semaphore(%run_scoped3A : memref<!tpu.dma_semaphore, #tpu.memory_space<semaphore_mem>>) src(%dma_wait3A_24 : memref<2048xf32, #tpu.memory_space<vmem>>) dst(%dma_wait3A_22 : memref<2048xf32, #tpu.memory_space<hbm>>)
      tpu.yield
    }) : () -> ()
    return
  }
}

#map = affine_map<(d0, d1) -> (0, 0)>
#map1 = affine_map<(d0, d1) -> (0)>
module attributes {stable_mosaic.version = 14 : i64} {
  func.func @sc_topk(%arg0: i32, %arg1: i32, %arg2: memref<8192x64xf32, #tpu.memory_space<hbm>>, %arg3: memref<65536xi32, #tpu.memory_space<hbm>>, %arg4: memref<65536xf32, #tpu.memory_space<hbm>>, %arg5: memref<256x64xf32, #tpu.memory_space<vmem>>, %arg6: memref<2056xi32, #tpu.memory_space<vmem>>, %arg7: memref<2056xf32, #tpu.memory_space<vmem>>) attributes {dimension_semantics = [#tpu.dimension_semantics<core_parallel>, #tpu.dimension_semantics<subcore_parallel>], iteration_bounds = array<i64: 2, 16>, scalar_prefetch = 0 : i64, scratch_operands = 3 : i64, tpu.core_type = #tpu.core_type<sc_vector_subcore>, window_params = [{transform_indices = #map}, {transform_indices = #map1}, {transform_indices = #map1}]} {
    %mul3A = arith.constant 2 : i32
    %mul3A_0 = arith.muli %arg1, %mul3A : i32
    %add3A = arith.addi %mul3A_0, %arg0 : i32
    %mul3A_1 = arith.constant 256 : i32
    %mul3A_2 = arith.muli %add3A, %mul3A_1 : i32
    "tpu.region"() ({
      %run_scoped3A = tpu.sem_alloc : memref<!tpu.dma_semaphore, #tpu.memory_space<semaphore_mem>>
      %dma_start3A = arith.constant 0 : i32
      %dma_start3A_15 = tpu.memref_slice %arg2[%mul3A_2, %dma_start3A] : memref<8192x64xf32, #tpu.memory_space<hbm>> -> memref<256x64xf32, #tpu.memory_space<hbm>>
      %dma_start3A_16 = arith.constant 0 : i32
      %dma_start3A_17 = tpu.memref_slice %arg2[%mul3A_2, %dma_start3A_16] : memref<8192x64xf32, #tpu.memory_space<hbm>> -> memref<256x64xf32, #tpu.memory_space<hbm>>
      tpu.enqueue_dma source(%dma_start3A_17 : memref<256x64xf32, #tpu.memory_space<hbm>>) target(%arg5 : memref<256x64xf32, #tpu.memory_space<vmem>>) target_semaphore(%run_scoped3A : memref<!tpu.dma_semaphore, #tpu.memory_space<semaphore_mem>>)
      %dma_wait3A = arith.constant 0 : i32
      %dma_wait3A_18 = tpu.memref_slice %arg2[%mul3A_2, %dma_wait3A] : memref<8192x64xf32, #tpu.memory_space<hbm>> -> memref<256x64xf32, #tpu.memory_space<hbm>>
      %dma_wait3A_19 = arith.constant 0 : i32
      %dma_wait3A_20 = tpu.memref_slice %arg2[%mul3A_2, %dma_wait3A_19] : memref<8192x64xf32, #tpu.memory_space<hbm>> -> memref<256x64xf32, #tpu.memory_space<hbm>>
      tpu.wait_dma2 semaphore(%run_scoped3A : memref<!tpu.dma_semaphore, #tpu.memory_space<semaphore_mem>>) src(%dma_wait3A_20 : memref<256x64xf32, #tpu.memory_space<hbm>>) dst(%arg5 : memref<256x64xf32, #tpu.memory_space<vmem>>)
      tpu.yield
    }) : () -> ()
    %iota3A = tpu.iota {dimensions = array<i32: 0>} : vector<16xi32>
    %lt3A = arith.constant 8 : i32
    %lt3A_3 = vector.broadcast %lt3A : i32 to vector<16xi32>
    %lt3A_4 = arith.cmpi slt, %iota3A, %lt3A_3 : vector<16xi32>
    %parallel_loop3A = arith.constant 0 : i32
    %parallel_loop3A_5 = arith.constant 256 : i32
    %parallel_loop3A_6 = arith.constant 1 : i32
    scf.for %parallel_loop3A_15 = %parallel_loop3A to %parallel_loop3A_5 step %parallel_loop3A_6  : i32 {
      %parallel_loop3A_16 = arith.index_cast %parallel_loop3A_15 : i32 to index
      %parallel_loop3A_17 = arith.constant 0 : index
      %parallel_loop3A_18 = tpu.vector_load %arg5[%parallel_loop3A_16, %parallel_loop3A_17] {strides = array<i32>} : memref<256x64xf32, #tpu.memory_space<vmem>>, vector<16xf32>,
      %parallel_loop3A_19 = arith.constant 0 : i32
      %parallel_loop3A_20 = vector.broadcast %parallel_loop3A_19 : i32 to vector<16xi32>
      %parallel_loop3A_21 = arith.addi %iota3A, %parallel_loop3A_20 : vector<16xi32>
      %parallel_loop3A_22 = arith.constant dense<true> : vector<16xi1>
      %parallel_loop3A_23, %parallel_loop3A_24, %parallel_loop3A_25 = tpu.sort %parallel_loop3A_18, %parallel_loop3A_21 masked %parallel_loop3A_22 {descending = true} : (vector<16xf32>, vector<16xi32>, vector<16xi1>) -> (vector<16xi1>, vector<16xf32>, vector<16xi32>)
      %parallel_loop3A_26 = arith.index_cast %parallel_loop3A_15 : i32 to index
      %parallel_loop3A_27 = arith.constant 16 : index
      %parallel_loop3A_28 = tpu.vector_load %arg5[%parallel_loop3A_26, %parallel_loop3A_27] {strides = array<i32>} : memref<256x64xf32, #tpu.memory_space<vmem>>, vector<16xf32>,
      %parallel_loop3A_29 = arith.constant 16 : i32
      %parallel_loop3A_30 = vector.broadcast %parallel_loop3A_29 : i32 to vector<16xi32>
      %parallel_loop3A_31 = arith.addi %iota3A, %parallel_loop3A_30 : vector<16xi32>
      %parallel_loop3A_32 = arith.constant dense<true> : vector<16xi1>
      %parallel_loop3A_33, %parallel_loop3A_34, %parallel_loop3A_35 = tpu.sort %parallel_loop3A_28, %parallel_loop3A_31 masked %parallel_loop3A_32 {descending = true} : (vector<16xf32>, vector<16xi32>, vector<16xi1>) -> (vector<16xi1>, vector<16xf32>, vector<16xi32>)
      %parallel_loop3A_36 = arith.index_cast %parallel_loop3A_15 : i32 to index
      %parallel_loop3A_37 = arith.constant 32 : index
      %parallel_loop3A_38 = tpu.vector_load %arg5[%parallel_loop3A_36, %parallel_loop3A_37] {strides = array<i32>} : memref<256x64xf32, #tpu.memory_space<vmem>>, vector<16xf32>,
      %parallel_loop3A_39 = arith.constant 32 : i32
      %parallel_loop3A_40 = vector.broadcast %parallel_loop3A_39 : i32 to vector<16xi32>
      %parallel_loop3A_41 = arith.addi %iota3A, %parallel_loop3A_40 : vector<16xi32>
      %parallel_loop3A_42 = arith.constant dense<true> : vector<16xi1>
      %parallel_loop3A_43, %parallel_loop3A_44, %parallel_loop3A_45 = tpu.sort %parallel_loop3A_38, %parallel_loop3A_41 masked %parallel_loop3A_42 {descending = true} : (vector<16xf32>, vector<16xi32>, vector<16xi1>) -> (vector<16xi1>, vector<16xf32>, vector<16xi32>)
      %parallel_loop3A_46 = arith.index_cast %parallel_loop3A_15 : i32 to index
      %parallel_loop3A_47 = arith.constant 48 : index
      %parallel_loop3A_48 = tpu.vector_load %arg5[%parallel_loop3A_46, %parallel_loop3A_47] {strides = array<i32>} : memref<256x64xf32, #tpu.memory_space<vmem>>, vector<16xf32>,
      %parallel_loop3A_49 = arith.constant 48 : i32
      %parallel_loop3A_50 = vector.broadcast %parallel_loop3A_49 : i32 to vector<16xi32>
      %parallel_loop3A_51 = arith.addi %iota3A, %parallel_loop3A_50 : vector<16xi32>
      %parallel_loop3A_52 = arith.constant dense<true> : vector<16xi1>
      %parallel_loop3A_53, %parallel_loop3A_54, %parallel_loop3A_55 = tpu.sort %parallel_loop3A_48, %parallel_loop3A_51 masked %parallel_loop3A_52 {descending = true} : (vector<16xf32>, vector<16xi32>, vector<16xi1>) -> (vector<16xi1>, vector<16xf32>, vector<16xi32>)
      %parallel_loop3A_56 = arith.constant 15 : i32
      %parallel_loop3A_57 = vector.broadcast %parallel_loop3A_56 : i32 to vector<16xi32>
      %parallel_loop3A_58 = tpu.iota {dimensions = array<i32: 0>} : vector<16xi32>
      %parallel_loop3A_59 = arith.subi %parallel_loop3A_57, %parallel_loop3A_58 : vector<16xi32>
      %parallel_loop3A_60 = tpu.dynamic_gather %parallel_loop3A_34[%parallel_loop3A_59] in [0] : vector<16xf32>, vector<16xi32> -> vector<16xf32>
      %parallel_loop3A_61 = arith.select %lt3A_4, %parallel_loop3A_24, %parallel_loop3A_60 : vector<16xi1>, vector<16xf32>
      %parallel_loop3A_62 = arith.constant 15 : i32
      %parallel_loop3A_63 = vector.broadcast %parallel_loop3A_62 : i32 to vector<16xi32>
      %parallel_loop3A_64 = tpu.iota {dimensions = array<i32: 0>} : vector<16xi32>
      %parallel_loop3A_65 = arith.subi %parallel_loop3A_63, %parallel_loop3A_64 : vector<16xi32>
      %parallel_loop3A_66 = tpu.dynamic_gather %parallel_loop3A_35[%parallel_loop3A_65] in [0] : vector<16xi32>, vector<16xi32> -> vector<16xi32>
      %parallel_loop3A_67 = arith.select %lt3A_4, %parallel_loop3A_25, %parallel_loop3A_66 : vector<16xi1>, vector<16xi32>
      %parallel_loop3A_68 = arith.constant dense<true> : vector<16xi1>
      %parallel_loop3A_69, %parallel_loop3A_70, %parallel_loop3A_71 = tpu.sort %parallel_loop3A_61, %parallel_loop3A_67 masked %parallel_loop3A_68 {descending = true} : (vector<16xf32>, vector<16xi32>, vector<16xi1>) -> (vector<16xi1>, vector<16xf32>, vector<16xi32>)
      %parallel_loop3A_72 = arith.constant 15 : i32
      %parallel_loop3A_73 = vector.broadcast %parallel_loop3A_72 : i32 to vector<16xi32>
      %parallel_loop3A_74 = tpu.iota {dimensions = array<i32: 0>} : vector<16xi32>
      %parallel_loop3A_75 = arith.subi %parallel_loop3A_73, %parallel_loop3A_74 : vector<16xi32>
      %parallel_loop3A_76 = tpu.dynamic_gather %parallel_loop3A_54[%parallel_loop3A_75] in [0] : vector<16xf32>, vector<16xi32> -> vector<16xf32>
      %parallel_loop3A_77 = arith.select %lt3A_4, %parallel_loop3A_44, %parallel_loop3A_76 : vector<16xi1>, vector<16xf32>
      %parallel_loop3A_78 = arith.constant 15 : i32
      %parallel_loop3A_79 = vector.broadcast %parallel_loop3A_78 : i32 to vector<16xi32>
      %parallel_loop3A_80 = tpu.iota {dimensions = array<i32: 0>} : vector<16xi32>
      %parallel_loop3A_81 = arith.subi %parallel_loop3A_79, %parallel_loop3A_80 : vector<16xi32>
      %parallel_loop3A_82 = tpu.dynamic_gather %parallel_loop3A_55[%parallel_loop3A_81] in [0] : vector<16xi32>, vector<16xi32> -> vector<16xi32>
      %parallel_loop3A_83 = arith.select %lt3A_4, %parallel_loop3A_45, %parallel_loop3A_82 : vector<16xi1>, vector<16xi32>
      %parallel_loop3A_84 = arith.constant dense<true> : vector<16xi1>
      %parallel_loop3A_85, %parallel_loop3A_86, %parallel_loop3A_87 = tpu.sort %parallel_loop3A_77, %parallel_loop3A_83 masked %parallel_loop3A_84 {descending = true} : (vector<16xf32>, vector<16xi32>, vector<16xi1>) -> (vector<16xi1>, vector<16xf32>, vector<16xi32>)
      %parallel_loop3A_88 = arith.constant 15 : i32
      %parallel_loop3A_89 = vector.broadcast %parallel_loop3A_88 : i32 to vector<16xi32>
      %parallel_loop3A_90 = tpu.iota {dimensions = array<i32: 0>} : vector<16xi32>
      %parallel_loop3A_91 = arith.subi %parallel_loop3A_89, %parallel_loop3A_90 : vector<16xi32>
      %parallel_loop3A_92 = tpu.dynamic_gather %parallel_loop3A_86[%parallel_loop3A_91] in [0] : vector<16xf32>, vector<16xi32> -> vector<16xf32>
      %parallel_loop3A_93 = arith.select %lt3A_4, %parallel_loop3A_70, %parallel_loop3A_92 : vector<16xi1>, vector<16xf32>
      %parallel_loop3A_94 = arith.constant 15 : i32
      %parallel_loop3A_95 = vector.broadcast %parallel_loop3A_94 : i32 to vector<16xi32>
      %parallel_loop3A_96 = tpu.iota {dimensions = array<i32: 0>} : vector<16xi32>
      %parallel_loop3A_97 = arith.subi %parallel_loop3A_95, %parallel_loop3A_96 : vector<16xi32>
      %parallel_loop3A_98 = tpu.dynamic_gather %parallel_loop3A_87[%parallel_loop3A_97] in [0] : vector<16xi32>, vector<16xi32> -> vector<16xi32>
      %parallel_loop3A_99 = arith.select %lt3A_4, %parallel_loop3A_71, %parallel_loop3A_98 : vector<16xi1>, vector<16xi32>
      %parallel_loop3A_100 = arith.constant dense<true> : vector<16xi1>
      %parallel_loop3A_101, %parallel_loop3A_102, %parallel_loop3A_103 = tpu.sort %parallel_loop3A_93, %parallel_loop3A_99 masked %parallel_loop3A_100 {descending = true} : (vector<16xf32>, vector<16xi32>, vector<16xi1>) -> (vector<16xi1>, vector<16xf32>, vector<16xi32>)
      %parallel_loop3A_104 = arith.constant 0.000000e+00 : f32
      %parallel_loop3A_105 = vector.broadcast %parallel_loop3A_104 : f32 to vector<16xf32>
      %parallel_loop3A_106 = arith.subf %parallel_loop3A_105, %parallel_loop3A_102 : vector<16xf32>
      %parallel_loop3A_107 = math.exp %parallel_loop3A_106 : vector<16xf32>
      %parallel_loop3A_108 = arith.constant 1.000000e+00 : f32
      %parallel_loop3A_109 = vector.broadcast %parallel_loop3A_108 : f32 to vector<16xf32>
      %parallel_loop3A_110 = arith.addf %parallel_loop3A_109, %parallel_loop3A_107 : vector<16xf32>
      %parallel_loop3A_111 = arith.constant 1.000000e+00 : f32
      %parallel_loop3A_112 = vector.broadcast %parallel_loop3A_111 : f32 to vector<16xf32>
      %parallel_loop3A_113 = arith.divf %parallel_loop3A_112, %parallel_loop3A_110 : vector<16xf32>
      %parallel_loop3A_114 = arith.constant 0.000000e+00 : f32
      %parallel_loop3A_115 = vector.broadcast %parallel_loop3A_114 : f32 to vector<16xf32>
      %parallel_loop3A_116 = arith.select %lt3A_4, %parallel_loop3A_113, %parallel_loop3A_115 : vector<16xi1>, vector<16xf32>
      %parallel_loop3A_117 = arith.constant true
      %parallel_loop3A_118 = vector.broadcast %parallel_loop3A_117 : i1 to vector<16xi1>
      %parallel_loop3A_119 = tpu.scan <sum>, %parallel_loop3A_116 masked %parallel_loop3A_118 : vector<16xf32>, vector<16xi1> -> vector<16xf32>
      %parallel_loop3A_120 = vector.extract %parallel_loop3A_119[15] : f32 from vector<16xf32>
      %parallel_loop3A_121 = arith.constant 2.500000e+00 : f32
      %parallel_loop3A_122 = vector.broadcast %parallel_loop3A_121 : f32 to vector<16xf32>
      %parallel_loop3A_123 = arith.mulf %parallel_loop3A_113, %parallel_loop3A_122 : vector<16xf32>
      %parallel_loop3A_124 = vector.broadcast %parallel_loop3A_120 : f32 to vector<16xf32>
      %parallel_loop3A_125 = arith.divf %parallel_loop3A_123, %parallel_loop3A_124 : vector<16xf32>
      %parallel_loop3A_126 = arith.constant 8 : i32
      %parallel_loop3A_127 = arith.muli %parallel_loop3A_15, %parallel_loop3A_126 : i32
      %parallel_loop3A_128 = arith.index_cast %parallel_loop3A_127 : i32 to index
      %parallel_loop3A_129 = tpu.vector_load %arg6[%parallel_loop3A_128] masked %lt3A_4 {strides = array<i32>} : memref<2056xi32, #tpu.memory_space<vmem>>, vector<16xi32>, vector<16xi1>
      tpu.vector_store %arg6[%parallel_loop3A_128], %parallel_loop3A_103 masked %lt3A_4 {strides = array<i32>} : memref<2056xi32, #tpu.memory_space<vmem>>, vector<16xi32>, vector<16xi1>
      %parallel_loop3A_130 = arith.constant 8 : i32
      %parallel_loop3A_131 = arith.muli %parallel_loop3A_15, %parallel_loop3A_130 : i32
      %parallel_loop3A_132 = arith.index_cast %parallel_loop3A_131 : i32 to index
      %parallel_loop3A_133 = tpu.vector_load %arg7[%parallel_loop3A_132] masked %lt3A_4 {strides = array<i32>} : memref<2056xf32, #tpu.memory_space<vmem>>, vector<16xf32>, vector<16xi1>
      tpu.vector_store %arg7[%parallel_loop3A_132], %parallel_loop3A_125 masked %lt3A_4 {strides = array<i32>} : memref<2056xf32, #tpu.memory_space<vmem>>, vector<16xf32>, vector<16xi1>
    } {sc.loop_unroll_factor = 4 : i64, sc.parallel_access}
    %mul3A_7 = arith.constant 256 : i32
    %mul3A_8 = arith.muli %add3A, %mul3A_7 : i32
    %mul3A_9 = arith.constant 8 : i32
    %mul3A_10 = arith.muli %mul3A_8, %mul3A_9 : i32
    "tpu.region"() ({
      %run_scoped3A = tpu.sem_alloc : memref<!tpu.dma_semaphore, #tpu.memory_space<semaphore_mem>>
      %dma_start3A = arith.constant 0 : i32
      %dma_start3A_15 = tpu.memref_slice %arg6[%dma_start3A] : memref<2056xi32, #tpu.memory_space<vmem>> -> memref<2048xi32, #tpu.memory_space<vmem>>
      %dma_start3A_16 = tpu.memref_slice %arg3[%mul3A_10] : memref<65536xi32, #tpu.memory_space<hbm>> -> memref<2048xi32, #tpu.memory_space<hbm>>
      %dma_start3A_17 = tpu.memref_slice %arg3[%mul3A_10] : memref<65536xi32, #tpu.memory_space<hbm>> -> memref<2048xi32, #tpu.memory_space<hbm>>
      %dma_start3A_18 = arith.constant 0 : i32
      %dma_start3A_19 = tpu.memref_slice %arg6[%dma_start3A_18] : memref<2056xi32, #tpu.memory_space<vmem>> -> memref<2048xi32, #tpu.memory_space<vmem>>
      tpu.enqueue_dma source(%dma_start3A_19 : memref<2048xi32, #tpu.memory_space<vmem>>) target(%dma_start3A_17 : memref<2048xi32, #tpu.memory_space<hbm>>) target_semaphore(%run_scoped3A : memref<!tpu.dma_semaphore, #tpu.memory_space<semaphore_mem>>)
      %dma_wait3A = arith.constant 0 : i32
      %dma_wait3A_20 = tpu.memref_slice %arg6[%dma_wait3A] : memref<2056xi32, #tpu.memory_space<vmem>> -> memref<2048xi32, #tpu.memory_space<vmem>>
      %dma_wait3A_21 = tpu.memref_slice %arg3[%mul3A_10] : memref<65536xi32, #tpu.memory_space<hbm>> -> memref<2048xi32, #tpu.memory_space<hbm>>
      %dma_wait3A_22 = tpu.memref_slice %arg3[%mul3A_10] : memref<65536xi32, #tpu.memory_space<hbm>> -> memref<2048xi32, #tpu.memory_space<hbm>>
      %dma_wait3A_23 = arith.constant 0 : i32
      %dma_wait3A_24 = tpu.memref_slice %arg6[%dma_wait3A_23] : memref<2056xi32, #tpu.memory_space<vmem>> -> memref<2048xi32, #tpu.memory_space<vmem>>
      tpu.wait_dma2 semaphore(%run_scoped3A : memref<!tpu.dma_semaphore, #tpu.memory_space<semaphore_mem>>) src(%dma_wait3A_24 : memref<2048xi32, #tpu.memory_space<vmem>>) dst(%dma_wait3A_22 : memref<2048xi32, #tpu.memory_space<hbm>>)
      tpu.yield
    }) : () -> ()
    %mul3A_11 = arith.constant 256 : i32
    %mul3A_12 = arith.muli %add3A, %mul3A_11 : i32
    %mul3A_13 = arith.constant 8 : i32
    %mul3A_14 = arith.muli %mul3A_12, %mul3A_13 : i32
    "tpu.region"() ({
      %run_scoped3A = tpu.sem_alloc : memref<!tpu.dma_semaphore, #tpu.memory_space<semaphore_mem>>
      %dma_start3A = arith.constant 0 : i32
      %dma_start3A_15 = tpu.memref_slice %arg7[%dma_start3A] : memref<2056xf32, #tpu.memory_space<vmem>> -> memref<2048xf32, #tpu.memory_space<vmem>>
      %dma_start3A_16 = tpu.memref_slice %arg4[%mul3A_14] : memref<65536xf32, #tpu.memory_space<hbm>> -> memref<2048xf32, #tpu.memory_space<hbm>>
      %dma_start3A_17 = tpu.memref_slice %arg4[%mul3A_14] : memref<65536xf32, #tpu.memory_space<hbm>> -> memref<2048xf32, #tpu.memory_space<hbm>>
      %dma_start3A_18 = arith.constant 0 : i32
      %dma_start3A_19 = tpu.memref_slice %arg7[%dma_start3A_18] : memref<2056xf32, #tpu.memory_space<vmem>> -> memref<2048xf32, #tpu.memory_space<vmem>>
      tpu.enqueue_dma source(%dma_start3A_19 : memref<2048xf32, #tpu.memory_space<vmem>>) target(%dma_start3A_17 : memref<2048xf32, #tpu.memory_space<hbm>>) target_semaphore(%run_scoped3A : memref<!tpu.dma_semaphore, #tpu.memory_space<semaphore_mem>>)
      %dma_wait3A = arith.constant 0 : i32
      %dma_wait3A_20 = tpu.memref_slice %arg7[%dma_wait3A] : memref<2056xf32, #tpu.memory_space<vmem>> -> memref<2048xf32, #tpu.memory_space<vmem>>
      %dma_wait3A_21 = tpu.memref_slice %arg4[%mul3A_14] : memref<65536xf32, #tpu.memory_space<hbm>> -> memref<2048xf32, #tpu.memory_space<hbm>>
      %dma_wait3A_22 = tpu.memref_slice %arg4[%mul3A_14] : memref<65536xf32, #tpu.memory_space<hbm>> -> memref<2048xf32, #tpu.memory_space<hbm>>
      %dma_wait3A_23 = arith.constant 0 : i32
      %dma_wait3A_24 = tpu.memref_slice %arg7[%dma_wait3A_23] : memref<2056xf32, #tpu.memory_space<vmem>> -> memref<2048xf32, #tpu.memory_space<vmem>>
      tpu.wait_dma2 semaphore(%run_scoped3A : memref<!tpu.dma_semaphore, #tpu.memory_space<semaphore_mem>>) src(%dma_wait3A_24 : memref<2048xf32, #tpu.memory_space<vmem>>) dst(%dma_wait3A_22 : memref<2048xf32, #tpu.memory_space<hbm>>)
      tpu.yield
    }) : () -> ()
    return
  }
}

module attributes {stable_mosaic.version = 14 : i64} {
  func.func @_matmul_body(%arg0: i32, %arg1: memref<1024x4096xf32, #tpu.memory_space<vmem>>, %arg2: memref<4096x64xf32, #tpu.memory_space<vmem>>, %arg3: memref<1024x64xf32, #tpu.memory_space<vmem>>) attributes {dimension_semantics = [#tpu.dimension_semantics<arbitrary>], iteration_bounds = array<i64: 8>, scalar_prefetch = 0 : i64, scratch_operands = 0 : i64, tpu.core_type = #tpu.core_type<tc>, window_params = [{transform_indices = @transform_0, window_bounds = array<i64: 1024, 4096>}, {pipeline_mode = #tpu.pipeline_mode<synchronous>, transform_indices = @transform_1, window_bounds = array<i64: 4096, 64>}, {transform_indices = @transform_2, window_bounds = array<i64: 1024, 64>}]} {
    %get3A = arith.constant 0 : index
    %get3A_0 = arith.constant 0 : index
    %get3A_1 = vector.load %arg1[%get3A, %get3A_0] : memref<1024x4096xf32, #tpu.memory_space<vmem>>, vector<1024x4096xf32>
    %get3A_2 = arith.constant 0 : index
    %get3A_3 = arith.constant 0 : index
    %get3A_4 = vector.load %arg2[%get3A_2, %get3A_3] : memref<4096x64xf32, #tpu.memory_space<vmem>>, vector<4096x64xf32>
    %dot_general3A = arith.constant dense<0.000000e+00> : vector<1024x64xf32>
    %dot_general3A_5 = tpu.matmul %get3A_1, %get3A_4, %dot_general3A {dimension_numbers = #tpu.dot_dimension_numbers<[1], [0], [0], [1], [0, 0, 1, 1], [], []>, transpose_lhs_hint = false} : vector<1024x4096xf32>, vector<4096x64xf32>, vector<1024x64xf32> -> vector<1024x64xf32>
    %swap3A = arith.constant 0 : index
    %swap3A_6 = arith.constant 0 : index
    %swap3A_7 = vector.load %arg3[%swap3A, %swap3A_6] : memref<1024x64xf32, #tpu.memory_space<vmem>>, vector<1024x64xf32>
    tpu.vector_store %arg3[%swap3A, %swap3A_6], %dot_general3A_5 {strides = array<i32>} : memref<1024x64xf32, #tpu.memory_space<vmem>>, vector<1024x64xf32>,
    return
  }
  func.func @transform_0(%arg0: i32) -> (i32, i32) {
    %add3A = arith.constant 0 : i32
    %add3A_0 = arith.addi %add3A, %arg0 : i32
    %c0_i32 = arith.constant 0 : i32
    %c0_i32_1 = arith.constant 0 : i32
    return %add3A_0, %c0_i32 : i32, i32
  }
  func.func @transform_1(%arg0: i32) -> (i32, i32) {
    %c0_i32 = arith.constant 0 : i32
    %c0_i32_0 = arith.constant 0 : i32
    %c0_i32_1 = arith.constant 0 : i32
    return %c0_i32, %c0_i32_0 : i32, i32
  }
  func.func @transform_2(%arg0: i32) -> (i32, i32) {
    %c0_i32 = arith.constant 0 : i32
    %c0_i32_0 = arith.constant 0 : i32
    return %arg0, %c0_i32 : i32, i32
  }
}

module attributes {stable_mosaic.version = 14 : i64} {
  func.func @_matmul_body(%arg0: i32, %arg1: memref<1024x4096xf32, #tpu.memory_space<vmem>>, %arg2: memref<4096x64xf32, #tpu.memory_space<vmem>>, %arg3: memref<1024x64xf32, #tpu.memory_space<vmem>>) attributes {dimension_semantics = [#tpu.dimension_semantics<arbitrary>], iteration_bounds = array<i64: 8>, scalar_prefetch = 0 : i64, scratch_operands = 0 : i64, tpu.core_type = #tpu.core_type<tc>, window_params = [{transform_indices = @transform_0, window_bounds = array<i64: 1024, 4096>}, {pipeline_mode = #tpu.pipeline_mode<synchronous>, transform_indices = @transform_1, window_bounds = array<i64: 4096, 64>}, {transform_indices = @transform_2, window_bounds = array<i64: 1024, 64>}]} {
    %get3A = arith.constant 0 : index
    %get3A_0 = arith.constant 0 : index
    %get3A_1 = vector.load %arg1[%get3A, %get3A_0] : memref<1024x4096xf32, #tpu.memory_space<vmem>>, vector<1024x4096xf32>
    %get3A_2 = arith.constant 0 : index
    %get3A_3 = arith.constant 0 : index
    %get3A_4 = vector.load %arg2[%get3A_2, %get3A_3] : memref<4096x64xf32, #tpu.memory_space<vmem>>, vector<4096x64xf32>
    %dot_general3A = arith.constant dense<0.000000e+00> : vector<1024x64xf32>
    %dot_general3A_5 = tpu.matmul %get3A_1, %get3A_4, %dot_general3A {dimension_numbers = #tpu.dot_dimension_numbers<[1], [0], [0], [1], [0, 0, 1, 1], [], []>, transpose_lhs_hint = false} : vector<1024x4096xf32>, vector<4096x64xf32>, vector<1024x64xf32> -> vector<1024x64xf32>
    %swap3A = arith.constant 0 : index
    %swap3A_6 = arith.constant 0 : index
    %swap3A_7 = vector.load %arg3[%swap3A, %swap3A_6] : memref<1024x64xf32, #tpu.memory_space<vmem>>, vector<1024x64xf32>
    tpu.vector_store %arg3[%swap3A, %swap3A_6], %dot_general3A_5 {strides = array<i32>} : memref<1024x64xf32, #tpu.memory_space<vmem>>, vector<1024x64xf32>,
    return
  }
  func.func @transform_0(%arg0: i32) -> (i32, i32) {
    %add3A = arith.constant 16 : i32
    %add3A_0 = arith.addi %add3A, %arg0 : i32
    %c0_i32 = arith.constant 0 : i32
    %c0_i32_1 = arith.constant 0 : i32
    return %add3A_0, %c0_i32 : i32, i32
  }
  func.func @transform_1(%arg0: i32) -> (i32, i32) {
    %c0_i32 = arith.constant 0 : i32
    %c0_i32_0 = arith.constant 0 : i32
    %c0_i32_1 = arith.constant 0 : i32
    return %c0_i32, %c0_i32_0 : i32, i32
  }
  func.func @transform_2(%arg0: i32) -> (i32, i32) {
    %c0_i32 = arith.constant 0 : i32
    %c0_i32_0 = arith.constant 0 : i32
    return %arg0, %c0_i32 : i32, i32
  }
}

module attributes {stable_mosaic.version = 14 : i64} {
  func.func @_matmul_body(%arg0: i32, %arg1: memref<1024x4096xf32, #tpu.memory_space<vmem>>, %arg2: memref<4096x64xf32, #tpu.memory_space<vmem>>, %arg3: memref<1024x64xf32, #tpu.memory_space<vmem>>) attributes {dimension_semantics = [#tpu.dimension_semantics<arbitrary>], iteration_bounds = array<i64: 8>, scalar_prefetch = 0 : i64, scratch_operands = 0 : i64, tpu.core_type = #tpu.core_type<tc>, window_params = [{transform_indices = @transform_0, window_bounds = array<i64: 1024, 4096>}, {pipeline_mode = #tpu.pipeline_mode<synchronous>, transform_indices = @transform_1, window_bounds = array<i64: 4096, 64>}, {transform_indices = @transform_2, window_bounds = array<i64: 1024, 64>}]} {
    %get3A = arith.constant 0 : index
    %get3A_0 = arith.constant 0 : index
    %get3A_1 = vector.load %arg1[%get3A, %get3A_0] : memref<1024x4096xf32, #tpu.memory_space<vmem>>, vector<1024x4096xf32>
    %get3A_2 = arith.constant 0 : index
    %get3A_3 = arith.constant 0 : index
    %get3A_4 = vector.load %arg2[%get3A_2, %get3A_3] : memref<4096x64xf32, #tpu.memory_space<vmem>>, vector<4096x64xf32>
    %dot_general3A = arith.constant dense<0.000000e+00> : vector<1024x64xf32>
    %dot_general3A_5 = tpu.matmul %get3A_1, %get3A_4, %dot_general3A {dimension_numbers = #tpu.dot_dimension_numbers<[1], [0], [0], [1], [0, 0, 1, 1], [], []>, transpose_lhs_hint = false} : vector<1024x4096xf32>, vector<4096x64xf32>, vector<1024x64xf32> -> vector<1024x64xf32>
    %swap3A = arith.constant 0 : index
    %swap3A_6 = arith.constant 0 : index
    %swap3A_7 = vector.load %arg3[%swap3A, %swap3A_6] : memref<1024x64xf32, #tpu.memory_space<vmem>>, vector<1024x64xf32>
    tpu.vector_store %arg3[%swap3A, %swap3A_6], %dot_general3A_5 {strides = array<i32>} : memref<1024x64xf32, #tpu.memory_space<vmem>>, vector<1024x64xf32>,
    return
  }
  func.func @transform_0(%arg0: i32) -> (i32, i32) {
    %add3A = arith.constant 24 : i32
    %add3A_0 = arith.addi %add3A, %arg0 : i32
    %c0_i32 = arith.constant 0 : i32
    %c0_i32_1 = arith.constant 0 : i32
    return %add3A_0, %c0_i32 : i32, i32
  }
  func.func @transform_1(%arg0: i32) -> (i32, i32) {
    %c0_i32 = arith.constant 0 : i32
    %c0_i32_0 = arith.constant 0 : i32
    %c0_i32_1 = arith.constant 0 : i32
    return %c0_i32, %c0_i32_0 : i32, i32
  }
  func.func @transform_2(%arg0: i32) -> (i32, i32) {
    %c0_i32 = arith.constant 0 : i32
    %c0_i32_0 = arith.constant 0 : i32
    return %arg0, %c0_i32 : i32, i32
  }
}

module attributes {stable_mosaic.version = 14 : i64} {
  func.func @_matmul_body(%arg0: i32, %arg1: memref<1024x4096xf32, #tpu.memory_space<vmem>>, %arg2: memref<4096x64xf32, #tpu.memory_space<vmem>>, %arg3: memref<1024x64xf32, #tpu.memory_space<vmem>>) attributes {dimension_semantics = [#tpu.dimension_semantics<arbitrary>], iteration_bounds = array<i64: 8>, scalar_prefetch = 0 : i64, scratch_operands = 0 : i64, tpu.core_type = #tpu.core_type<tc>, window_params = [{transform_indices = @transform_0, window_bounds = array<i64: 1024, 4096>}, {pipeline_mode = #tpu.pipeline_mode<synchronous>, transform_indices = @transform_1, window_bounds = array<i64: 4096, 64>}, {transform_indices = @transform_2, window_bounds = array<i64: 1024, 64>}]} {
    %get3A = arith.constant 0 : index
    %get3A_0 = arith.constant 0 : index
    %get3A_1 = vector.load %arg1[%get3A, %get3A_0] : memref<1024x4096xf32, #tpu.memory_space<vmem>>, vector<1024x4096xf32>
    %get3A_2 = arith.constant 0 : index
    %get3A_3 = arith.constant 0 : index
    %get3A_4 = vector.load %arg2[%get3A_2, %get3A_3] : memref<4096x64xf32, #tpu.memory_space<vmem>>, vector<4096x64xf32>
    %dot_general3A = arith.constant dense<0.000000e+00> : vector<1024x64xf32>
    %dot_general3A_5 = tpu.matmul %get3A_1, %get3A_4, %dot_general3A {dimension_numbers = #tpu.dot_dimension_numbers<[1], [0], [0], [1], [0, 0, 1, 1], [], []>, transpose_lhs_hint = false} : vector<1024x4096xf32>, vector<4096x64xf32>, vector<1024x64xf32> -> vector<1024x64xf32>
    %swap3A = arith.constant 0 : index
    %swap3A_6 = arith.constant 0 : index
    %swap3A_7 = vector.load %arg3[%swap3A, %swap3A_6] : memref<1024x64xf32, #tpu.memory_space<vmem>>, vector<1024x64xf32>
    tpu.vector_store %arg3[%swap3A, %swap3A_6], %dot_general3A_5 {strides = array<i32>} : memref<1024x64xf32, #tpu.memory_space<vmem>>, vector<1024x64xf32>,
    return
  }
  func.func @transform_0(%arg0: i32) -> (i32, i32) {
    %add3A = arith.constant 8 : i32
    %add3A_0 = arith.addi %add3A, %arg0 : i32
    %c0_i32 = arith.constant 0 : i32
    %c0_i32_1 = arith.constant 0 : i32
    return %add3A_0, %c0_i32 : i32, i32
  }
  func.func @transform_1(%arg0: i32) -> (i32, i32) {
    %c0_i32 = arith.constant 0 : i32
    %c0_i32_0 = arith.constant 0 : i32
    %c0_i32_1 = arith.constant 0 : i32
    return %c0_i32, %c0_i32_0 : i32, i32
  }
  func.func @transform_2(%arg0: i32) -> (i32, i32) {
    %c0_i32 = arith.constant 0 : i32
    %c0_i32_0 = arith.constant 0 : i32
    return %arg0, %c0_i32 : i32, i32
  }
}

</mosaic_0001>

<sc_bundles>
// kernel: _gate.10.cloned.1.call-start
scs
__scs_entry_jumppad:
0x0: {  	(pc) =	sbr.rel $0x88, $3  }
0x1: {  	(tag) =	ssettag $0x0;
	lr =	simm.s32 $0x1  }
0x2: {  	[smem:$0x3F9F] =	sst lr;
	_ =	strace $0xD0000000  }
0x3: {  	_ = 	snop  }
0x4: {  	_ = 	snop  }
0x5: {  	_ = 	snop  }
0x6: {  	_ = 	snop  }
0x7: {  	_ = 	snop  }
__scs_overlays_trampoline_lowered:
0x8: {  	[smem:$0x3FAE] =	sst s0  }
0x9: {  	[smem:$0x3FAF] =	sst s1  }
0xa: {  	[smem:$0x3FB0] =	sst s2  }
0xb: {  	[smem:$0x3FB1] =	sst s3  }
0xc: {  	[smem:$0x3FB2] =	sst s4  }
0xd: {  	[smem:$0x3FB3] =	sst s5  }
0xe: {  	[smem:$0x3FB4] =	sst s6  }
0xf: {  	[smem:$0x3FB5] =	sst s7  }
0x10: {  	[smem:$0x3FB6] =	sst s8  }
0x11: {  	[smem:$0x3FB7] =	sst s9;
	s0 =	simm.s32 @!p0 $0x0  }
0x12: {  	s1 =	sld [smem:$0x3F9D];
	s0 =	simm.s32 @p0 $0x1  }
0x13: {  	[smem:$0x3FB8] =	sst s0;
	s0 =	simm.s32 @!p1 $0x0  }
0x14: {  	s2 =	sld [smem:$0x3F9C];
	s0 =	simm.s32 @p1 $0x1  }
0x15: {  	[smem:$0x3FB9] =	sst s0;
	s0 =	simm.s32 @!p2 $0x0  }
0x16: {  	s3 =	sld [smem:$0x3FDB];
	s0 =	simm.s32 @p2 $0x1  }
0x17: {  	s4 =	simm.s32 $0x1BF5;
	[smem:$0x3FBB] =	sst s0  }
0x18: {  	s0 =	sld [smem:$0x3F9E];
	_ =	swait.ge [sflag:s4], $0x0  }
0x19: {  	s7 =	sld [smem:$0x3F9F]  }
0x1a: {  	s8 =	sadd.s32 $0xFFFFE003, lr  }
0x1b: {  	s9 =	sadd.s32 $0xFFFFFEF7, lr;
	s5 =	simm.s32 $0xFFFFFFFF;
	p2 =	slt.u32 s8, $0xFFFFF086  }
0x1c: {  	p1 =	slt.u32 s9, $0xF7A;
	s5 =	simm.s32 @!p2 $0x0  }
0x1d: {  	s5 =	simm.s32 @p1 $0x1;
	p0 =	seq.s32 s7, s2  }
0x1e: {  	s7 =	smul.u32 @!p0 $0xF7A, s2;
	p2 =	seq.s32 @!p0 s5, $0x0  }
0x1f: {  	s9 =	smul.u32 $0xF7A, s1;
	s8 =	simm.s32 @!p0 $0x1BF5;
	p2 =	por !p2, p0  }
0x20: {  	[sflag:s8] =	ssyncset.s32 @!p0 $0xFFFFF086;
	s6 =	sadd.s32 @!p0 s3, s7;
	s7 =	simm.s32 @!p0 $0x108  }
0x21: {  	s3 =	sadd.s32 s3, s9;
	s6 =	sadd.s32 @!p0 $0x88, s6;
	s7 =	simm.s32 @p2 $0x1082  }
0x22: {  	[simem:s7], [sflag:s8] =	dma.local @!p0 [hbm:s6], $0xF7A  }
0x23: {  	s9 =	sor.u32 $0xD0000000, s2;
	s6 =	simm.s32 $0x108;
	_ =	swait.ge @!p0 [sflag:s8], $0x0  }
0x24: {  	s3 =	sadd.s32 $0x88, s3;
	s6 =	simm.s32 @!p1 $0x1082;
	[sflag:s4] =	ssyncset.s32 $0xFFFFF086  }
0x25: {  	[simem:s6], [sflag:s4] =	dma.local [hbm:s3], $0xF7A  }
0x26: {  	[smem:$0x3F9F] =	sst s1;
	(tag) =	ssettag s2;
	_ =	strace s9  }
0x27: {  	s1 =	sld [smem:$0x3FAF]  }
0x28: {  	s2 =	sld [smem:$0x3FB0]  }
0x29: {  	s4 =	sld [smem:$0x3FB2]  }
0x2a: {  	p0 =	seq.s32 s5, $0x0;
	s5 =	sld [smem:$0x3FB3]  }
0x2b: {  	s6 =	sld [smem:$0x3FB4]  }
0x2c: {  	s7 =	sld [smem:$0x3FB5]  }
0x2d: {  	s3 =	simm.s32 $0x108;
	s8 =	sld [smem:$0x3FB6]  }
0x2e: {  	s3 =	simm.s32 @!p0 $0x1082;
	s9 =	sld [smem:$0x3FB7]  }
0x2f: {  	lr =	sadd.s32 s0, s3;
	s0 =	sld [smem:$0x3FAE]  }
0x30: {  	s3 =	sld [smem:$0x3FB1]  }
0x31: {  	[smem:$0x3FBA] =	sst s10  }
0x32: {  	s10 =	sld [smem:$0x3FB8];
	_ =	sdelay $0x3  }
0x33: {  	p0 =	seq.s32 s10, $0x1;
	s10 =	sld [smem:$0x3FBA];
	_ =	sdelay $0x3  }
0x34: {  	[smem:$0x3FBA] =	sst s10  }
0x35: {  	s10 =	sld [smem:$0x3FB9];
	_ =	sdelay $0x3  }
0x36: {  	p1 =	seq.s32 s10, $0x1;
	s10 =	sld [smem:$0x3FBA];
	_ =	sdelay $0x3  }
0x37: {  	[smem:$0x3FBA] =	sst s10  }
0x38: {  	s10 =	sld [smem:$0x3FBB]  }
0x39: {  	_ = 	snop;
	(pc) =	sbr.ind lr, $3  }
0x3a: {  	_ = 	snop  }
0x3b: {  	_ = 	snop  }
0x3c: {  	p2 =	seq.s32 s10, $0x1;
	s10 =	sld [smem:$0x3FBA]  }
0x3d: {  	_ =	shalt  }
0x3e: {  	_ =	shalt  }
0x3f: {  	_ =	shalt  }
0x40: {  	_ =	shalt  }
0x41: {  	_ =	shalt  }
0x42: {  	_ =	shalt  }
0x43: {  	_ =	shalt  }
0x44: {  	_ =	shalt  }
0x45: {  	_ =	shalt  }
0x46: {  	_ =	shalt  }
0x47: {  	_ =	shalt  }
0x48: {  	_ =	shalt  }
0x49: {  	_ =	shalt  }
0x4a: {  	_ =	shalt  }
0x4b: {  	_ =	shalt  }
0x4c: {  	_ =	shalt  }
0x4d: {  	_ =	shalt  }
0x4e: {  	_ =	shalt  }
0x4f: {  	_ =	shalt  }
0x50: {  	_ =	shalt  }
0x51: {  	_ =	shalt  }
0x52: {  	_ =	shalt  }
0x53: {  	_ =	shalt  }
0x54: {  	_ =	shalt  }
0x55: {  	_ =	shalt  }
0x56: {  	_ =	shalt  }
0x57: {  	_ =	shalt  }
0x58: {  	_ =	shalt  }
0x59: {  	_ =	shalt  }
0x5a: {  	_ =	shalt  }
0x5b: {  	_ =	shalt  }
0x5c: {  	_ =	shalt  }
0x5d: {  	_ =	shalt  }
0x5e: {  	_ =	shalt  }
0x5f: {  	_ =	shalt  }
0x60: {  	_ =	shalt  }
0x61: {  	_ =	shalt  }
0x62: {  	_ =	shalt  }
0x63: {  	_ =	shalt  }
0x64: {  	_ =	shalt  }
0x65: {  	_ =	shalt  }
0x66: {  	_ =	shalt  }
0x67: {  	_ =	shalt  }
0x68: {  	_ =	shalt  }
0x69: {  	_ =	shalt  }
0x6a: {  	_ =	shalt  }
0x6b: {  	_ =	shalt  }
0x6c: {  	_ =	shalt  }
0x6d: {  	_ =	shalt  }
0x6e: {  	_ =	shalt  }
0x6f: {  	_ =	shalt  }
0x70: {  	_ =	shalt  }
0x71: {  	_ =	shalt  }
0x72: {  	_ =	shalt  }
0x73: {  	_ =	shalt  }
0x74: {  	_ =	shalt  }
0x75: {  	_ =	shalt  }
0x76: {  	_ =	shalt  }
0x77: {  	_ =	shalt  }
0x78: {  	_ =	shalt  }
0x79: {  	_ =	shalt  }
0x7a: {  	_ =	shalt  }
0x7b: {  	_ =	shalt  }
0x7c: {  	_ =	shalt  }
0x7d: {  	_ =	shalt  }
0x7e: {  	_ =	shalt  }
0x7f: {  	_ =	shalt  }
0x80: {  	_ =	shalt  }
0x81: {  	_ =	shalt  }
0x82: {  	_ =	shalt  }
0x83: {  	_ =	shalt  }
0x84: {  	_ =	shalt  }
0x85: {  	_ =	shalt  }
0x86: {  	_ =	shalt  }
0x87: {  	_ =	shalt  }
.Lfunc_end0:
.L_simem_size_0:
called_computation_lowered:
.L_overlay_start_0:
0x88: {  	s2 =	sld [smem:$0x3FD9]  }
0x89: {  	s3 =	sld [smem:$0x3FFE];
	_ =	sdelay $0x1  }
0x8a: {  	s1 =	srdreg.scid  }
0x8b: {  	s0 =	sand.u32 $0x1, s1  }
0x8c: {  	s17 =	sshll.u32 s0, $0xA;
	s2 =	sadd.s32 s3, s2  }
0x8d: {  	s2 =	sadd.s32 s2, s17  }
0x8e: {  	[smem:$0x3FC6] =	sst s2  }
0x8f: {  	_ = 	snop  }
0x90: {  	(tm) =	ssettm $0x1  }
0x91: {  	s18 =	sld [smem:$0x3FFB];
	_ =	sdelay $0x3  }
0x92: {  	_ =	strace s18  }
0x93: {  	s2 =	sld [smem:$0x3FFC];
	_ =	sdelay $0x3  }
0x94: {  	_ =	strace s2  }
0x95: {  	s2 =	sld [smem:$0x3FFD];
	_ =	sdelay $0x3  }
0x96: {  	_ =	strace s2  }
0x97: {  	_ =	strace $0x8FFFFFFF  }
0x98: {  	s19 =	sld [smem:$0x3FDB];
	_ =	sdelay $0x1  }
0x99: {  	s20 =	simm.s32 $_scs_section_size  }
0x9a: {  	s4 =	simm.s32 $_size__tile_overlayer_lowered;
	s5 =	simm.s32 $_tile_overlayer_lowered  }
0x9b: {  	s6 =	simm.s32 $0x1BFF;
	s21 =	sshll.u32 s5, $0x1;
	s3 =	sadd.s32 s20, s19  }
0x9c: {  	s22 =	simm.s32 $0x0;
	s4 =	sshll.u32 s4, $0x1;
	s5 =	sadd.s32 s21, s3  }
0x9d: {  	[timem:s22], [sflag:s6] =	dma.local [hbm:s5], s4  }
0x9e: {  	_ =	swait.ge [sflag:s6], s4  }
0x9f: {  	s4 =	ssub.s32 $0x0, s4;
	[sflag:s6] =	ssyncset.done $0x0  }
0xa0: {  	[sflag:s6] =	ssyncadd.s32 s4;
	_ =	sdelay $0x1  }
0xa1: {  	s23 =	simm.s32 $0x1B8B  }
0xa2: {  	_ =	swait.ge [sflag:s23], $0x1  }
0xa3: {  	[sflag:s23] =	ssyncset.done $0x0  }
0xa4: {  	[sflag:s23] =	ssyncadd.s32 $0xFFFFFFFF  }
0xa5: {  	s4 =	sld [smem:$0x0]  }
0xa6: {  	s5 =	sand.u32 $0xFFFFFFFE, s1  }
0xa7: {  	p0 =	sne.s32 s1, s5  }
0xa8: {  	s5 =	sshll.u32 @p0 s5, $0xE  }
0xa9: {  	s5 =	sadd.s32 @p0 $0x11B8D, s5;
	s6 =	sshll.u32 @p0 s4, $0x11  }
0xaa: {  	s5 =	sor.u32 @p0 s6, s5  }
0xab: {  	[sflag:s5] =	ssyncadd.remote.s32 @p0 $0x1;
	_ =	sdelay $0x1  }
0xac: {  	s5 =	simm.s32 @p0 $0x1B8D  }
0xad: {  	_ =	swait.eq @p0 [sflag:s5], $0x1  }
0xae: {  	[sflag:s5] =	ssyncadd.s32 @p0 $0xFFFFFFFF  }
0xaf: {  	s6 =	sshll.u32 @!p0 s1, $0xE  }
0xb0: {  	s6 =	sor.u32 @!p0 $0x4000, s6;
	s5 =	simm.s32 @!p0 $0x1B8D  }
0xb1: {  	s4 =	sshll.u32 @!p0 s4, $0x11;
	s6 =	sadd.s32 @!p0 $0x11B8D, s6;
	_ =	swait.eq @!p0 [sflag:s5], $0x1  }
0xb2: {  	s4 =	sor.u32 @!p0 s4, s6;
	[sflag:s5] =	ssyncadd.s32 @!p0 $0xFFFFFFFF  }
0xb3: {  	s25 =	simm.s32 $0x1B8E;
	s24 =	sld [smem:$0x3FFE];
	[sflag:s4] =	ssyncadd.remote.s32 @!p0 $0x1  }
0xb4: {  	s26 =	simm.s32 $execute0_lowered;
	[smem:$0x3FD2] =	sst s25  }
0xb5: {  	s5 =	sshll.u32 s26, $0x1;
	_ =	strace $0x8000004C;
	[dreg:$0x1] =	wrdreg $0xFFFFFFFF  }
0xb6: {  	s28 =	simm.s32 $_size_execute0_lowered;
	s3 =	sadd.s32 s3, s5;
	[dreg:$0x0] =	wrdreg $0x0  }
0xb7: {  	s5 =	sshll.u32 s28, $0x1;
	[dreg:$0x2] =	wrdreg s3  }
0xb8: {  	[dreg:$0x3] =	wrdreg s5  }
0xb9: {  	[dreg:$0x4] =	wrdreg $0xC0  }
0xba: {  	_ =	task [dreg:s22], $0x5FFFF  }
0xbb: {  	[dreg:$0x1] =	wrdreg $0xFFFFFFFF  }
0xbc: {  	[dreg:$0x0] =	wrdreg $0x60  }
0xbd: {  	[dreg:$0x2] =	wrdreg s24  }
0xbe: {  	[dreg:$0x3] =	wrdreg $0x9  }
0xbf: {  	_ =	task.clear_ibuf [dreg:s22], $0x4FFFF;
	_ =	strace $0x9000004C  }
0xc0: {  	s29 =	simm.s32 $0x9;
	_ =	strace $0x8000004E  }
0xc1: {  	_ =	swait.ge [sflag:s29], $0x1  }
0xc2: {  	[sflag:s29] =	ssyncadd.s32 $0xFFFFFFFF  }
0xc3: {  	_ =	strace $0x9000004E  }
0xc4: {  	_ =	sfence  }
0xc5: {  	s30 =	sld [smem:$0x0];
	_ =	sdelay $0x2  }
0xc6: {  	s31 =	sshll.u32 s1, $0xD;
	s1 =	sshrl.u32 s1, $0x2  }
0xc7: {  	s4 =	sand.u32 $0x4000, s31;
	s1 =	sadd.s32 s1, s30  }
0xc8: {  	s0 =	sor.u32 s4, s0;
	s1 =	sshll.u32 s1, $0x11  }
0xc9: {  	s0 =	sor.u32 s1, s0  }
0xca: {  	s0 =	sadd.s32 $0x8F2B, s0  }
0xcb: {  	[sflag:s0] =	ssyncadd.remote.s32 $0x1  }
0xcc: {  	_ =	sfence.sel $0xFFFF  }
0xcd: {  	[dreg:$0x0] =	wrdreg $0xFFFFFFFF;
	(pc) =	sbr.abs _section_cstart, $3  }
0xce: {  	[dreg:$0x1] =	wrdreg $0xFFFFFFFF  }
0xcf: {  	_ =	task.clear_ibuf [dreg:s22], $0x2FFFF;
	_ =	strace $0x9FFFFFFF  }
0xd0: {  	(tm) =	ssettm $0x7FFFFFFF  }
0xd1: {  	_ =	shalt  }
tec
execute0_lowered:
.L_overlay_start_1:
0x0: {  	(tag) =	ssettag $0x1  }
0x1: {  	s0 =	rddreg [dreg:$0x0];
	s2 =	simm.s32 $0x0  }
0x2: {  	s1 =	srdreg.scid;
	s3 =	stileid.u32;
	s7 =	simm.s32 $0x1  }
0x3: {  	s9 =	simm.s32 $0x8880;
	s1 =	sand.u32 $0x1, s1;
	s3 =	sshll.u32 s3, $0x1  }
0x4: {  	s10 =	simm.s32 $0x0;
	[smem:$0x7FF] =	sst s2;
	s3 =	sor.u32 s1, s3  }
0x5: {  	v0 =	vlaneseq.u32;
	_ =	strace $0x8000004D;
	s1 =	ssub.s32 $0x2, s1;
	s4 =	sshll.u32 s3, $0xC  }
0x6: {  	v4 =	vmul.u32 $0xFFFFFFFF, v0;
	s3 =	sshll.u32 s3, $0x8;
	s31 =	sshrl.u32 s1, $0x1;
	s4 =	sadd.s32 s4, s0  }
0x7: {  	vm0 =	vmmov $0xff;
	v1 =	vor.u32 $0x10, v0;
	s0 =	sadd.s32 s3, s0;
	s1 =	ssub.s32 s1, s31;
	s3 =	sadd.s32 $0x4B000, s4  }
0x8: {  	v2 =	vor.u32 $0x20, v0;
	v3 =	vor.u32 $0x30, v0;
	v4 =	vadd.s32 $0xF, v4;
	s4 =	sadd.s32 $0x6B000, s0;
	s5 =	sadd.s32 $0x6D000, s0;
	s6 =	smax.u32 s1, $0x1  }
.LBB2_1:
0x9: {  	[tilespmem:s2], [sflag:$0x1] =	stream.linear.gather [hbm4b:s3+s2], $0x8000, $0x38;
	[tilespmem:$0x9100] =	vst v63  }
0xa: {  	_ =	swait.ge [sflag:s7], $0x8000  }
0xb: {  	[sflag:s7] =	ssyncset.done $0x0  }
0xc: {  	s1 =	simm.s32 $0x100;
	[sflag:s7] =	ssyncadd.s32 $0xFFFF8000  }
0xd: {  	v5 =	vld [tilespmem:s1+$0xFFFFFF10]  }
0xe: {  	v6 =	vld [tilespmem:s1+$0xFFFFFF30];
	_ =	sdelay $0x1  }
0xf: {  	v7 =	vld [tilespmem:s1+$0xFFFFFF20];
	_ =	sdelay $0x1  }
0x10: {  	(xrf1) =	vsort.dscd.msk.f32 $0xffff, v5, v1;
	v5 =	vld [tilespmem:s1+$0xFFFFFF00]  }
0x11: {  	(xrf1) =	vsort.dscd.msk.f32 $0xffff, v6, v3;
	_ =	sdelay $0x1  }
0x12: {  	(xrf1) =	vsort.dscd.msk.f32 $0xffff, v7, v2;
	_ =	sdelay $0x1  }
0x13: {  	(xrf1) =	vsort.dscd.msk.f32 $0xffff, v5, v0;
	_ =	sdelay $0x8  }
0x14: {  	v5, v6, _ =	vpop (xrf1)  }
0x15: {  	v7, v8, _ =	vpop (xrf1)  }
0x16: {  	v7 =	vperm.xlane v7, v4;
	v8 =	vperm.xlane v8, v4  }
0x17: {  	v5 =	vperm.xlane v5, v4;
	v9, v10, _ =	vpop (xrf1)  }
0x18: {  	v6 =	vperm.xlane v6, v4;
	v7 =	vsel vm0, v9, v7;
	v8 =	vsel vm0, v10, v8  }
0x19: {  	v9, v10, _ =	vpop (xrf1);
	(xrf1) =	vsort.dscd.msk.f32 $0xffff, v7, v8  }
0x1a: {  	v5 =	vsel vm0, v9, v5;
	v6 =	vsel vm0, v10, v6  }
0x1b: {  	(xrf1) =	vsort.dscd.msk.f32 $0xffff, v5, v6;
	_ =	sdelay $0x7  }
0x1c: {  	s0 =	simm.s32 $0x300  }
0x1d: {  	v5 =	vld [tilespmem:s0+$0xFFFFFF10]  }
0x1e: {  	v6 =	vld [tilespmem:s0+$0xFFFFFF30];
	_ =	sdelay $0x1  }
0x1f: {  	v7, v8, _ =	vpop (xrf1)  }
0x20: {  	v7 =	vperm.xlane v7, v4;
	v8 =	vperm.xlane v8, v4  }
0x21: {  	(xrf1) =	vsort.dscd.msk.f32 $0xffff, v5, v1;
	v5, v9, _ =	vpop (xrf1)  }
0x22: {  	(xrf1) =	vsort.dscd.msk.f32 $0xffff, v6, v3;
	v5 =	vsel vm0, v5, v7;
	v6 =	vsel vm0, v9, v8  }
0x23: {  	(xrf1) =	vsort.dscd.msk.f32 $0xffff, v5, v6;
	_ =	sdelay $0x4  }
0x24: {  	v5 =	vld [tilespmem:s0+$0xFFFFFF20];
	_ =	sdelay $0x1  }
0x25: {  	v6 =	vld [tilespmem:s0+$0xFFFFFF00];
	_ =	sdelay $0x2  }
0x26: {  	(xrf1) =	vsort.dscd.msk.f32 $0xffff, v5, v2;
	_ =	sdelay $0x1  }
0x27: {  	v5, v7, _ =	vpop (xrf1);
	(xrf1) =	vsort.dscd.msk.f32 $0xffff, v6, v0  }
0x28: {  	v6, v8, _ =	vpop (xrf1)  }
0x29: {  	v9, v10, _ =	vpop (xrf1)  }
0x2a: {  	v9 =	vsub.f32 $0.0e+00, v9;
	_ =	sdelay $0x1  }
0x2b: {  	v9 =	vmul.f32 $1.442695020e+00, v9;
	_ =	sdelay $0x1  }
0x2c: {  	(erf) = vpow2.f32 v9;
	_ =	sdelay $0x3  }
0x2d: {  	v6 =	vperm.xlane v6, v4  }
0x2e: {  	v8 =	vperm.xlane v8, v4;
	v9, v11, _ =	vpop (xrf1)  }
0x2f: {  	v6 =	vsel vm0, v9, v6  }
0x30: {  	v8 =	vsel vm0, v11, v8;
	v9, v11, _ =	vpop (xrf1)  }
0x31: {  	(xrf1) =	vsort.dscd.msk.f32 $0xffff, v6, v8  }
0x32: {  	v6 =	vpop (erf)  }
0x33: {  	v6 =	vadd.f32 $1.000000000e+00, v6  }
0x34: {  	v5 =	vperm.xlane v5, v4;
	v7 =	vperm.xlane v7, v4  }
0x35: {  	(erf) = vrcp.f32 v6  }
0x36: {  	v5 =	vsel vm0, v9, v5;
	v7 =	vsel vm0, v11, v7  }
0x37: {  	(xrf1) =	vsort.dscd.msk.f32 $0xffff, v5, v7;
	_ =	sdelay $0x6  }
0x38: {  	v7 =	vpop (erf)  }
0x39: {  	s29 =	simm.s32 $0x500;
	v8 =	vnsel vm0, $0x0, v7  }
0x3a: {  	v5 =	vld [tilespmem:s29+$0xFFFFFF10];
	(xrf2) =	vadd.scan.msk.f32 $0xffff, v8  }
0x3b: {  	v6 =	vld [tilespmem:s29+$0xFFFFFF30];
	_ =	sdelay $0x1  }
0x3c: {  	v9, v11, _ =	vpop (xrf1)  }
0x3d: {  	v8 =	vperm.xlane v9, v4;
	v9 =	vperm.xlane v11, v4  }
0x3e: {  	(xrf1) =	vsort.dscd.msk.f32 $0xffff, v5, v1;
	v5, v11, _ =	vpop (xrf1)  }
0x3f: {  	(xrf1) =	vsort.dscd.msk.f32 $0xffff, v6, v3;
	v5 =	vsel vm0, v5, v8;
	v6 =	vsel vm0, v11, v9  }
0x40: {  	(xrf1) =	vsort.dscd.msk.f32 $0xffff, v5, v6  }
0x41: {  	v5 =	vld [tilespmem:s29+$0xFFFFFF20];
	_ =	sdelay $0x1  }
0x42: {  	v8, _, _ =	vpop (xrf2)  }
0x43: {  	v6 =	vld [tilespmem:s29+$0xFFFFFF00];
	v8 =	vbroadcast v8, $0xF;
	_ =	sdelay $0x1  }
0x44: {  	(xrf1) =	vsort.dscd.msk.f32 $0xffff, v5, v2;
	(erf) = vrcp.f32 v8;
	_ =	sdelay $0x2  }
0x45: {  	(xrf1) =	vsort.dscd.msk.f32 $0xffff, v6, v0;
	_ =	sdelay $0x2  }
0x46: {  	v5, v6, _ =	vpop (xrf1)  }
0x47: {  	v8, v9, _ =	vpop (xrf1)  }
0x48: {  	v7 =	vmul.f32 $2.500000000e+00, v7;
	v11, v12, _ =	vpop (xrf1)  }
0x49: {  	v11 =	vsub.f32 $0.0e+00, v11;
	v13 =	vpop (erf)  }
0x4a: {  	v7 =	vmul.f32 v13, v7  }
0x4b: {  	v11 =	vmul.f32 $1.442695020e+00, v11  }
0x4c: {  	s11 =	simm.s32 $0x8010;
	v8 =	vperm.xlane v8, v4  }
0x4d: {  	s12 =	simm.s32 $0x8890;
	[tilespmem:s11+$0xFFFFFFF0] =	vst.msk $0xff, v10;
	v9 =	vperm.xlane v9, v4;
	(erf) = vpow2.f32 v11  }
0x4e: {  	[tilespmem:s12+$0xFFFFFFF0] =	vst.msk $0xff, v7;
	v7, v10, _ =	vpop (xrf1)  }
0x4f: {  	v7 =	vsel vm0, v7, v8;
	v8 =	vsel vm0, v10, v9  }
0x50: {  	v5 =	vperm.xlane v5, v4;
	v6 =	vperm.xlane v6, v4;
	v11 =	vld [tilespmem:s1+$0xFFFFFFB0];
	(xrf1) =	vsort.dscd.msk.f32 $0xffff, v7, v8  }
0x51: {  	v13 =	vld [tilespmem:s1+$0xFFFFFF90];
	v9, v10, _ =	vpop (xrf1)  }
0x52: {  	v5 =	vsel vm0, v9, v5;
	v6 =	vsel vm0, v10, v6;
	v7 =	vld [tilespmem:s1+$0xFFFFFFA0]  }
0x53: {  	(xrf1) =	vsort.dscd.msk.f32 $0xffff, v5, v6  }
0x54: {  	v5 =	vld [tilespmem:s1+$0xFFFFFF80]  }
0x55: {  	(xrf1) =	vsort.dscd.msk.f32 $0xffff, v11, v3  }
0x56: {  	v6 =	vpop (erf);
	(xrf1) =	vsort.dscd.msk.f32 $0xffff, v13, v1  }
0x57: {  	v6 =	vadd.f32 $1.000000000e+00, v6;
	(xrf1) =	vsort.dscd.msk.f32 $0xffff, v7, v2;
	_ =	sdelay $0x1  }
0x58: {  	(erf) = vrcp.f32 v6;
	(xrf1) =	vsort.dscd.msk.f32 $0xffff, v5, v0;
	_ =	sdelay $0x1  }
0x59: {  	s28 =	simm.s32 $0x700  }
0x5a: {  	v5 =	vld [tilespmem:s28+$0xFFFFFF10]  }
0x5b: {  	v6 =	vld [tilespmem:s28+$0xFFFFFF30]  }
0x5c: {  	v7, v8, _ =	vpop (xrf1)  }
0x5d: {  	v7 =	vperm.xlane v7, v4  }
0x5e: {  	v8 =	vperm.xlane v8, v4  }
0x5f: {  	(xrf1) =	vsort.dscd.msk.f32 $0xffff, v5, v1;
	v9, v10, _ =	vpop (xrf1)  }
0x60: {  	(xrf1) =	vsort.dscd.msk.f32 $0xffff, v6, v3;
	v5 =	vpop (erf);
	v6 =	vsel vm0, v9, v7;
	v8 =	vsel vm0, v10, v8  }
0x61: {  	v7, v9, _ =	vpop (xrf1);
	(xrf1) =	vsort.dscd.msk.f32 $0xffff, v6, v8;
	v6 =	vnsel vm0, $0x0, v5  }
0x62: {  	v7 =	vperm.xlane v7, v4;
	v9 =	vperm.xlane v9, v4;
	v10, v11, _ =	vpop (xrf1);
	(xrf2) =	vadd.scan.msk.f32 $0xffff, v6  }
0x63: {  	v8 =	vperm.xlane v10, v4;
	v10, v13, _ =	vpop (xrf1)  }
0x64: {  	v6 =	vperm.xlane v11, v4;
	v7 =	vsel vm0, v10, v7;
	v9 =	vsel vm0, v13, v9  }
0x65: {  	v10, v11, _ =	vpop (xrf1);
	(xrf1) =	vsort.dscd.msk.f32 $0xffff, v7, v9  }
0x66: {  	v7 =	vsel vm0, v10, v8;
	v6 =	vsel vm0, v11, v6  }
0x67: {  	(xrf1) =	vsort.dscd.msk.f32 $0xffff, v7, v6;
	_ =	sdelay $0x3  }
0x68: {  	v6 =	vld [tilespmem:s28+$0xFFFFFF20]  }
0x69: {  	v7 =	vld [tilespmem:s28+$0xFFFFFF00];
	v8, _, _ =	vpop (xrf2)  }
0x6a: {  	v8 =	vbroadcast v8, $0xF;
	_ =	sdelay $0x2  }
0x6b: {  	v9, v10, _ =	vpop (xrf1);
	(xrf1) =	vsort.dscd.msk.f32 $0xffff, v6, v2;
	(erf) = vrcp.f32 v8  }
0x6c: {  	v6, v11, _ =	vpop (xrf1);
	(xrf1) =	vsort.dscd.msk.f32 $0xffff, v7, v0  }
0x6d: {  	v7, v8, _ =	vpop (xrf1)  }
0x6e: {  	v13, v14, _ =	vpop (xrf1)  }
0x6f: {  	v13 =	vperm.xlane v13, v4;
	v14 =	vperm.xlane v14, v4  }
0x70: {  	v15, v16, _ =	vpop (xrf1)  }
0x71: {  	v7 =	vsub.f32 $0.0e+00, v7;
	v13 =	vsel vm0, v15, v13;
	v14 =	vsel vm0, v16, v14  }
0x72: {  	(xrf1) =	vsort.dscd.msk.f32 $0xffff, v13, v14  }
0x73: {  	v5 =	vmul.f32 $2.500000000e+00, v5;
	v7 =	vmul.f32 $1.442695020e+00, v7  }
0x74: {  	v13 =	vpop (erf)  }
0x75: {  	(erf) = vpow2.f32 v7;
	v5 =	vmul.f32 v13, v5  }
0x76: {  	v7 =	vperm.xlane v11, v4  }
0x77: {  	s14 =	simm.s32 $0x8030  }
0x78: {  	s13 =	simm.s32 $0x88B0;
	[tilespmem:s14+$0xFFFFFFF0] =	vst.msk $0xff, v12;
	v6 =	vperm.xlane v6, v4  }
0x79: {  	v9 =	vperm.xlane v9, v4;
	v10 =	vperm.xlane v10, v4;
	[tilespmem:s13+$0xFFFFFFF0] =	vst.msk $0xff, v5;
	v5, v11, _ =	vpop (xrf1)  }
0x7a: {  	v12 =	vld [tilespmem:s0+$0xFFFFFFB0];
	v5 =	vsel vm0, v5, v6;
	v6 =	vsel vm0, v11, v7;
	v7, v11, _ =	vpop (xrf1)  }
0x7b: {  	v13 =	vld [tilespmem:s0+$0xFFFFFF90];
	(xrf1) =	vsort.dscd.msk.f32 $0xffff, v5, v6;
	v5 =	vsel vm0, v7, v9;
	v6 =	vsel vm0, v11, v10  }
0x7c: {  	(xrf1) =	vsort.dscd.msk.f32 $0xffff, v5, v6;
	v5 =	vld [tilespmem:s0+$0xFFFFFFA0];
	_ =	sdelay $0x1  }
0x7d: {  	v7 =	vpop (erf)  }
0x7e: {  	v7 =	vadd.f32 $1.000000000e+00, v7;
	(xrf1) =	vsort.dscd.msk.f32 $0xffff, v12, v3  }
0x7f: {  	v6 =	vld [tilespmem:s0+$0xFFFFFF80];
	(xrf1) =	vsort.dscd.msk.f32 $0xffff, v13, v1;
	v9, v10, _ =	vpop (xrf1)  }
0x80: {  	(erf) = vrcp.f32 v7;
	(xrf1) =	vsort.dscd.msk.f32 $0xffff, v5, v2;
	v5 =	vsub.f32 $0.0e+00, v9;
	_ =	sdelay $0x1  }
0x81: {  	v5 =	vmul.f32 $1.442695020e+00, v5;
	_ =	sdelay $0x1  }
0x82: {  	(xrf1) =	vsort.dscd.msk.f32 $0xffff, v6, v0;
	(erf) = vpow2.f32 v5;
	_ =	sdelay $0x1  }
0x83: {  	s21 =	simm.s32 $0x900  }
0x84: {  	v5 =	vld [tilespmem:s21+$0xFFFFFF10];
	_ =	sdelay $0x1  }
0x85: {  	v13 =	vpop (erf)  }
0x86: {  	v6 =	vld [tilespmem:s21+$0xFFFFFF30];
	v7, v9, _ =	vpop (xrf1)  }
0x87: {  	v11, v12, _ =	vpop (xrf1);
	v7 =	vperm.xlane v7, v4;
	v9 =	vperm.xlane v9, v4  }
0x88: {  	(xrf1) =	vsort.dscd.msk.f32 $0xffff, v5, v1;
	v5, v14, _ =	vpop (xrf1)  }
0x89: {  	v9 =	vsel vm0, v12, v9;
	v12 =	vperm.xlane v14, v4;
	v14 =	vpop (erf)  }
0x8a: {  	v14 =	vadd.f32 $1.000000000e+00, v14  }
0x8b: {  	(xrf1) =	vsort.dscd.msk.f32 $0xffff, v6, v3;
	v6 =	vsel vm0, v11, v7;
	v5 =	vperm.xlane v5, v4;
	v7, v11, _ =	vpop (xrf1)  }
0x8c: {  	(xrf1) =	vsort.dscd.msk.f32 $0xffff, v6, v9;
	v6 =	vnsel vm0, $0x0, v13;
	v7 =	vperm.xlane v7, v4;
	v9, v15, _ =	vpop (xrf1);
	(erf) = vrcp.f32 v14  }
0x8d: {  	(xrf2) =	vadd.scan.msk.f32 $0xffff, v6;
	v6 =	vperm.xlane v11, v4;
	v5 =	vsel vm0, v9, v5;
	v9 =	vsel vm0, v15, v12  }
0x8e: {  	v11, v12, _ =	vpop (xrf1);
	(xrf1) =	vsort.dscd.msk.f32 $0xffff, v5, v9  }
0x8f: {  	v5 =	vsel vm0, v11, v7;
	v6 =	vsel vm0, v12, v6;
	v7 =	vld [tilespmem:s21+$0xFFFFFF20]  }
0x90: {  	(xrf1) =	vsort.dscd.msk.f32 $0xffff, v5, v6;
	_ =	sdelay $0x1  }
0x91: {  	v5 =	vld [tilespmem:s21+$0xFFFFFF00];
	_ =	sdelay $0x1  }
0x92: {  	(xrf1) =	vsort.dscd.msk.f32 $0xffff, v7, v2  }
0x93: {  	v6 =	vpop (erf)  }
0x94: {  	v7 =	vnsel vm0, $0x0, v6  }
0x95: {  	(xrf1) =	vsort.dscd.msk.f32 $0xffff, v5, v0;
	v5, _, _ =	vpop (xrf2)  }
0x96: {  	v9, v11, _ =	vpop (xrf1);
	v14 =	vbroadcast v5, $0xF  }
0x97: {  	(xrf2) =	vadd.scan.msk.f32 $0xffff, v7;
	v7, v12, _ =	vpop (xrf1)  }
0x98: {  	v15, v5, _ =	vpop (xrf1)  }
0x99: {  	v15 =	vsub.f32 $0.0e+00, v15  }
0x9a: {  	(erf) = vrcp.f32 v14;
	v14, v16, _ =	vpop (xrf1)  }
0x9b: {  	v14 =	vperm.xlane v14, v4;
	v15 =	vmul.f32 $1.442695020e+00, v15  }
0x9c: {  	v16 =	vperm.xlane v16, v4;
	v17, v18, _ =	vpop (xrf1)  }
0x9d: {  	v14 =	vsel vm0, v17, v14  }
0x9e: {  	v16 =	vsel vm0, v18, v16;
	(erf) = vpow2.f32 v15  }
0x9f: {  	v7 =	vperm.xlane v7, v4;
	v12 =	vperm.xlane v12, v4;
	(xrf1) =	vsort.dscd.msk.f32 $0xffff, v14, v16  }
0xa0: {  	v14, v15, _ =	vpop (xrf1)  }
0xa1: {  	v7 =	vsel vm0, v14, v7;
	v12 =	vsel vm0, v15, v12  }
0xa2: {  	v13 =	vmul.f32 $2.500000000e+00, v13;
	v9 =	vperm.xlane v9, v4;
	v14, _, _ =	vpop (xrf2);
	(xrf1) =	vsort.dscd.msk.f32 $0xffff, v7, v12  }
0xa3: {  	v11 =	vperm.xlane v11, v4;
	v15, v16, _ =	vpop (xrf1);
	v7 =	vbroadcast v14, $0xF  }
0xa4: {  	v9 =	vsel vm0, v15, v9;
	v12 =	vpop (erf)  }
0xa5: {  	s15 =	simm.s32 $0x8050;
	v11 =	vsel vm0, v16, v11;
	(erf) = vrcp.f32 v7;
	v12 =	vmul.f32 v12, v13  }
0xa6: {  	s16 =	simm.s32 $0x88D0;
	[tilespmem:s15+$0xFFFFFFF0] =	vst.msk $0xff, v8;
	(xrf1) =	vsort.dscd.msk.f32 $0xffff, v9, v11  }
0xa7: {  	v8 =	vpop (erf);
	[tilespmem:s16+$0xFFFFFFF0] =	vst.msk $0xff, v12  }
0xa8: {  	v8 =	vadd.f32 $1.000000000e+00, v8;
	v7 =	vld [tilespmem:s29+$0xFFFFFFB0];
	_ =	sdelay $0x1  }
0xa9: {  	v9 =	vld [tilespmem:s29+$0xFFFFFF90]  }
0xaa: {  	v11 =	vld [tilespmem:s29+$0xFFFFFFA0]  }
0xab: {  	(erf) = vrcp.f32 v8  }
0xac: {  	v6 =	vmul.f32 $2.500000000e+00, v6;
	(xrf1) =	vsort.dscd.msk.f32 $0xffff, v7, v3;
	v7, v8, _ =	vpop (xrf1)  }
0xad: {  	s23 =	simm.s32 $0xB00;
	v12 =	vld [tilespmem:s29+$0xFFFFFF80];
	v13 =	vpop (erf);
	v7 =	vsub.f32 $0.0e+00, v7  }
0xae: {  	v14 =	vld [tilespmem:s23+$0xFFFFFF10];
	(xrf1) =	vsort.dscd.msk.f32 $0xffff, v9, v1;
	v6 =	vmul.f32 v13, v6  }
0xaf: {  	[tilespmem:s11+$0xFFFFFFF8] =	vst.msk $0xff, v10;
	v9 =	vld [tilespmem:s23+$0xFFFFFF30];
	(xrf1) =	vsort.dscd.msk.f32 $0xffff, v11, v2;
	v10, v11, _ =	vpop (xrf1);
	v7 =	vmul.f32 $1.442695020e+00, v7  }
0xb0: {  	[tilespmem:s12+$0xFFFFFFF8] =	vst.msk $0xff, v6;
	v6 =	vperm.xlane v10, v4;
	v10 =	vperm.xlane v11, v4;
	_ =	sdelay $0x1  }
0xb1: {  	(xrf1) =	vsort.dscd.msk.f32 $0xffff, v12, v0;
	(erf) = vpow2.f32 v7  }
0xb2: {  	v11 =	vld [tilespmem:s1+$0x30];
	(xrf1) =	vsort.dscd.msk.f32 $0xffff, v14, v1;
	v12, v13, _ =	vpop (xrf1)  }
0xb3: {  	v7 =	vld [tilespmem:s1+$0x10];
	(xrf1) =	vsort.dscd.msk.f32 $0xffff, v9, v3;
	v6 =	vsel vm0, v12, v6;
	v9 =	vsel vm0, v13, v10;
	v10 =	vpop (erf)  }
0xb4: {  	v12 =	vld [tilespmem:s1+$0x20];
	(xrf1) =	vsort.dscd.msk.f32 $0xffff, v6, v9;
	v6 =	vnsel vm0, $0x0, v10  }
0xb5: {  	(xrf2) =	vadd.scan.msk.f32 $0xffff, v6;
	v6 =	vld [tilespmem:s1+$0x0];
	_ =	sdelay $0x1  }
0xb6: {  	(xrf1) =	vsort.dscd.msk.f32 $0xffff, v11, v3  }
0xb7: {  	(xrf1) =	vsort.dscd.msk.f32 $0xffff, v7, v1  }
0xb8: {  	(xrf1) =	vsort.dscd.msk.f32 $0xffff, v12, v2;
	v7, v9, _ =	vpop (xrf1)  }
0xb9: {  	(xrf1) =	vsort.dscd.msk.f32 $0xffff, v6, v0;
	v6 =	vpop (erf)  }
0xba: {  	v6 =	vadd.f32 $1.000000000e+00, v6  }
0xbb: {  	v11, v12, _ =	vpop (xrf1)  }
0xbc: {  	v7 =	vperm.xlane v7, v4;
	v9 =	vperm.xlane v9, v4;
	v13, v14, _ =	vpop (xrf1)  }
0xbd: {  	v11 =	vperm.xlane v11, v4;
	v12 =	vperm.xlane v12, v4  }
0xbe: {  	v7 =	vsel vm0, v13, v7;
	v9 =	vsel vm0, v14, v9;
	(erf) = vrcp.f32 v6;
	v6, v13, _ =	vpop (xrf1)  }
0xbf: {  	(xrf1) =	vsort.dscd.msk.f32 $0xffff, v7, v9;
	v9 =	vsel vm0, v13, v12  }
0xc0: {  	v7 =	vld [tilespmem:s23+$0xFFFFFF20];
	v6 =	vsel vm0, v6, v11  }
0xc1: {  	v11, _, _ =	vpop (xrf2);
	(xrf1) =	vsort.dscd.msk.f32 $0xffff, v6, v9  }
0xc2: {  	v13 =	vld [tilespmem:s23+$0xFFFFFF00];
	v9, v12, _ =	vpop (xrf1)  }
0xc3: {  	v14, v15, _ =	vpop (xrf1)  }
0xc4: {  	v16, v6, _ =	vpop (xrf1)  }
0xc5: {  	(xrf1) =	vsort.dscd.msk.f32 $0xffff, v7, v2;
	v7, v17, _ =	vpop (xrf1)  }
0xc6: {  	v7 =	vperm.xlane v7, v4;
	v17 =	vperm.xlane v17, v4;
	v18, v19, _ =	vpop (xrf1)  }
0xc7: {  	(xrf1) =	vsort.dscd.msk.f32 $0xffff, v13, v0;
	v13 =	vperm.xlane v18, v4;
	v18, v20, _ =	vpop (xrf1)  }
0xc8: {  	v7 =	vsel vm0, v18, v7;
	v17 =	vsel vm0, v20, v17;
	v25, v22, _ =	vpop (xrf1)  }
0xc9: {  	v21 =	vpop (erf);
	v19 =	vperm.xlane v19, v4;
	(xrf1) =	vsort.dscd.msk.f32 $0xffff, v7, v17;
	v7 =	vbroadcast v11, $0xF;
	v11 =	vsel vm0, v25, v13  }
0xca: {  	v18 =	vnsel vm0, $0x0, v21  }
0xcb: {  	(xrf2) =	vadd.scan.msk.f32 $0xffff, v18;
	v13 =	vsel vm0, v22, v19;
	(erf) = vrcp.f32 v7  }
0xcc: {  	(xrf1) =	vsort.dscd.msk.f32 $0xffff, v11, v13;
	v13 =	vsub.f32 $0.0e+00, v16  }
0xcd: {  	v7, v11, _ =	vpop (xrf1)  }
0xce: {  	v13 =	vmul.f32 $1.442695020e+00, v13;
	v11 =	vperm.xlane v11, v4  }
0xcf: {  	v16, v17, _ =	vpop (xrf1)  }
0xd0: {  	v7 =	vperm.xlane v7, v4;
	v11 =	vsel vm0, v17, v11  }
0xd1: {  	v14 =	vperm.xlane v14, v4  }
0xd2: {  	v10 =	vmul.f32 $2.500000000e+00, v10;
	(erf) = vpow2.f32 v13;
	v7 =	vsel vm0, v16, v7  }
0xd3: {  	v12 =	vperm.xlane v12, v4;
	(xrf1) =	vsort.dscd.msk.f32 $0xffff, v7, v11;
	v7 =	vperm.xlane v15, v4;
	v11, v13, _ =	vpop (xrf1)  }
0xd4: {  	v9 =	vperm.xlane v9, v4;
	v15 =	vpop (erf)  }
0xd5: {  	v11 =	vsel vm0, v11, v14;
	v14, _, _ =	vpop (xrf2);
	v7 =	vsel vm0, v13, v7;
	v10 =	vmul.f32 v15, v10  }
0xd6: {  	v13 =	vbroadcast v14, $0xF;
	(xrf1) =	vsort.dscd.msk.f32 $0xffff, v11, v7;
	v14, v15, _ =	vpop (xrf1)  }
0xd7: {  	s17 =	simm.s32 $0x8070;
	v7 =	vsel vm0, v14, v9;
	v9 =	vsel vm0, v15, v12  }
0xd8: {  	s18 =	simm.s32 $0x88F0;
	[tilespmem:s17+$0xFFFFFFF0] =	vst.msk $0xff, v5;
	(erf) = vrcp.f32 v13;
	v11, v12, _ =	vpop (xrf1);
	(xrf1) =	vsort.dscd.msk.f32 $0xffff, v7, v9  }
0xd9: {  	[tilespmem:s18+$0xFFFFFFF0] =	vst.msk $0xff, v10;
	v5 =	vperm.xlane v11, v4;
	v7 =	vperm.xlane v12, v4  }
0xda: {  	v11 =	vld [tilespmem:s28+$0xFFFFFFB0];
	v9, v10, _ =	vpop (xrf1)  }
0xdb: {  	v5 =	vsel vm0, v9, v5;
	v7 =	vsel vm0, v10, v7;
	v9 =	vld [tilespmem:s28+$0xFFFFFF90];
	v10 =	vpop (erf)  }
0xdc: {  	(xrf1) =	vsort.dscd.msk.f32 $0xffff, v5, v7;
	v5 =	vadd.f32 $1.000000000e+00, v10  }
0xdd: {  	v10 =	vld [tilespmem:s28+$0xFFFFFFA0]  }
0xde: {  	(erf) = vrcp.f32 v5;
	v5 =	vld [tilespmem:s28+$0xFFFFFF80]  }
0xdf: {  	(xrf1) =	vsort.dscd.msk.f32 $0xffff, v11, v3  }
0xe0: {  	s22 =	simm.s32 $0xD00;
	(xrf1) =	vsort.dscd.msk.f32 $0xffff, v9, v1  }
0xe1: {  	v13 =	vld [tilespmem:s22+$0xFFFFFF10];
	v11, v7, _ =	vpop (xrf1);
	v9 =	vmul.f32 $2.500000000e+00, v21  }
0xe2: {  	v12 =	vpop (erf);
	(xrf1) =	vsort.dscd.msk.f32 $0xffff, v10, v2;
	v10 =	vsub.f32 $0.0e+00, v11;
	v11 =	vld [tilespmem:s22+$0xFFFFFF30]  }
0xe3: {  	v9 =	vmul.f32 v12, v9;
	(xrf1) =	vsort.dscd.msk.f32 $0xffff, v5, v0  }
0xe4: {  	[tilespmem:s14+$0xFFFFFFF8] =	vst.msk $0xff, v8;
	v5, v8, _ =	vpop (xrf1);
	v10 =	vmul.f32 $1.442695020e+00, v10  }
0xe5: {  	[tilespmem:s13+$0xFFFFFFF8] =	vst.msk $0xff, v9;
	v5 =	vperm.xlane v5, v4;
	v8 =	vperm.xlane v8, v4  }
0xe6: {  	(xrf1) =	vsort.dscd.msk.f32 $0xffff, v13, v1;
	v9 =	vld [tilespmem:s0+$0x30];
	(erf) = vpow2.f32 v10;
	v12, v13, _ =	vpop (xrf1)  }
0xe7: {  	v14 =	vld [tilespmem:s0+$0x10];
	(xrf1) =	vsort.dscd.msk.f32 $0xffff, v11, v3;
	v5 =	vsel vm0, v12, v5;
	v8 =	vsel vm0, v13, v8;
	v11 =	vpop (erf)  }
0xe8: {  	v12 =	vld [tilespmem:s0+$0x20];
	(xrf1) =	vsort.dscd.msk.f32 $0xffff, v5, v8;
	v5 =	vnsel vm0, $0x0, v11  }
0xe9: {  	(xrf2) =	vadd.scan.msk.f32 $0xffff, v5;
	v5 =	vld [tilespmem:s0+$0x0]  }
0xea: {  	v8, v10, _ =	vpop (xrf1)  }
0xeb: {  	(xrf1) =	vsort.dscd.msk.f32 $0xffff, v9, v3;
	v8 =	vsub.f32 $0.0e+00, v8  }
0xec: {  	(xrf1) =	vsort.dscd.msk.f32 $0xffff, v14, v1  }
0xed: {  	(xrf1) =	vsort.dscd.msk.f32 $0xffff, v12, v2;
	v9, v12, _ =	vpop (xrf1);
	v8 =	vmul.f32 $1.442695020e+00, v8  }
0xee: {  	v13, v14, _ =	vpop (xrf1);
	(xrf1) =	vsort.dscd.msk.f32 $0xffff, v5, v0;
	v5 =	vperm.xlane v9, v4  }
0xef: {  	v9 =	vpop (erf);
	(erf) = vpow2.f32 v8;
	v8 =	vperm.xlane v12, v4  }
0xf0: {  	v12 =	vperm.xlane v13, v4;
	v13, v15, _ =	vpop (xrf1);
	v9 =	vadd.f32 $1.000000000e+00, v9;
	v14 =	vperm.xlane v14, v4  }
0xf1: {  	v5 =	vsel vm0, v13, v5;
	v8 =	vsel vm0, v15, v8;
	v13, v15, _ =	vpop (xrf1)  }
0xf2: {  	(erf) = vrcp.f32 v9;
	v9 =	vsel vm0, v15, v14  }
0xf3: {  	(xrf1) =	vsort.dscd.msk.f32 $0xffff, v5, v8;
	v8 =	vld [tilespmem:s22+$0xFFFFFF20];
	v5 =	vsel vm0, v13, v12  }
0xf4: {  	v12, _, _ =	vpop (xrf2)  }
0xf5: {  	(xrf1) =	vsort.dscd.msk.f32 $0xffff, v5, v9;
	v9, v13, _ =	vpop (xrf1)  }
0xf6: {  	v15, v16, _ =	vpop (xrf1)  }
0xf7: {  	v14 =	vld [tilespmem:s22+$0xFFFFFF00];
	v17, v5, _ =	vpop (xrf1)  }
0xf8: {  	(xrf1) =	vsort.dscd.msk.f32 $0xffff, v8, v2;
	v8 =	vpop (erf)  }
0xf9: {  	v18, v19, _ =	vpop (xrf1)  }
0xfa: {  	v26, v27, _ =	vpop (xrf1)  }
0xfb: {  	v12 =	vbroadcast v12, $0xF;
	v8 =	vadd.f32 $1.000000000e+00, v8;
	v18 =	vperm.xlane v18, v4;
	v29, v28, _ =	vpop (xrf1)  }
0xfc: {  	(xrf1) =	vsort.dscd.msk.f32 $0xffff, v14, v0;
	v19 =	vperm.xlane v19, v4;
	v14 =	vperm.xlane v26, v4;
	v23 =	vpop (erf)  }
0xfd: {  	(erf) = vrcp.f32 v8;
	v8 =	vperm.xlane v27, v4;
	v31, v32, _ =	vpop (xrf1)  }
0xfe: {  	v30 =	vnsel vm0, $0x0, v23;
	(erf) = vrcp.f32 v12;
	v12 =	vsel vm0, v31, v14  }
0xff: {  	v18 =	vsel vm0, v29, v18;
	v19 =	vsel vm0, v28, v19;
	(xrf2) =	vadd.scan.msk.f32 $0xffff, v30;
	v8 =	vsel vm0, v32, v8  }
0x100: {  	(xrf1) =	vsort.dscd.msk.f32 $0xffff, v18, v19  }
0x101: {  	v14 =	vsub.f32 $0.0e+00, v17  }
0x102: {  	(xrf1) =	vsort.dscd.msk.f32 $0xffff, v12, v8;
	v8, v12, _ =	vpop (xrf1)  }
0x103: {  	v14 =	vmul.f32 $1.442695020e+00, v14;
	v12 =	vperm.xlane v12, v4  }
0x104: {  	v17, v18, _ =	vpop (xrf1)  }
0x105: {  	v15 =	vperm.xlane v15, v4;
	v8 =	vperm.xlane v8, v4;
	v12 =	vsel vm0, v18, v12;
	_ =	sdelay $0x1  }
0x106: {  	v8 =	vsel vm0, v17, v8;
	v17 =	vpop (erf)  }
0x107: {  	(erf) = vpow2.f32 v14;
	(xrf1) =	vsort.dscd.msk.f32 $0xffff, v8, v12;
	v12, v14, _ =	vpop (xrf1)  }
0x108: {  	s19 =	simm.s32 $0x8090;
	v8 =	vnsel vm0, $0x0, v17;
	v12 =	vsel vm0, v12, v15;
	v15, _, _ =	vpop (xrf2)  }
0x109: {  	[tilespmem:s19+$0xFFFFFFF0] =	vst.msk $0xff, v6;
	(xrf2) =	vadd.scan.msk.f32 $0xffff, v8;
	v8 =	vperm.xlane v16, v4;
	v6 =	vbroadcast v15, $0xF  }
0x10a: {  	v11 =	vmul.f32 $2.500000000e+00, v11;
	v13 =	vperm.xlane v13, v4  }
0x10b: {  	v9 =	vperm.xlane v9, v4;
	v16 =	vpop (erf);
	v8 =	vsel vm0, v14, v8  }
0x10c: {  	v11 =	vmul.f32 v16, v11;
	v14, v15, _ =	vpop (xrf1);
	(xrf1) =	vsort.dscd.msk.f32 $0xffff, v12, v8  }
0x10d: {  	s20 =	simm.s32 $0x8910;
	v8 =	vsel vm0, v14, v9;
	v9 =	vsel vm0, v15, v13;
	(erf) = vrcp.f32 v6;
	v6, v12, _ =	vpop (xrf1)  }
0x10e: {  	[tilespmem:s20+$0xFFFFFFF0] =	vst.msk $0xff, v11;
	(xrf1) =	vsort.dscd.msk.f32 $0xffff, v8, v9;
	v8 =	vperm.xlane v12, v4  }
0x10f: {  	v11 =	vld [tilespmem:s21+$0xFFFFFFB0];
	v12, v13, _ =	vpop (xrf1)  }
0x110: {  	v9 =	vld [tilespmem:s21+$0xFFFFFF90];
	v6 =	vperm.xlane v6, v4;
	v8 =	vsel vm0, v13, v8  }
0x111: {  	v14 =	vld [tilespmem:s21+$0xFFFFFFA0]  }
0x112: {  	v6 =	vsel vm0, v12, v6;
	v12 =	vpop (erf)  }
0x113: {  	(xrf1) =	vsort.dscd.msk.f32 $0xffff, v6, v8;
	v6 =	vadd.f32 $1.000000000e+00, v12;
	v8, _, _ =	vpop (xrf2)  }
0x114: {  	v13 =	vld [tilespmem:s21+$0xFFFFFF80];
	(xrf1) =	vsort.dscd.msk.f32 $0xffff, v11, v3;
	v8 =	vbroadcast v8, $0xF  }
0x115: {  	(erf) = vrcp.f32 v6;
	(xrf1) =	vsort.dscd.msk.f32 $0xffff, v9, v1  }
0x116: {  	s24 =	simm.s32 $0xF00;
	(xrf1) =	vsort.dscd.msk.f32 $0xffff, v14, v2;
	(erf) = vrcp.f32 v8  }
0x117: {  	v12 =	vld [tilespmem:s24+$0xFFFFFF10];
	v9 =	vmul.f32 $2.500000000e+00, v23  }
0x118: {  	v11 =	vpop (erf)  }
0x119: {  	v9 =	vmul.f32 v11, v9;
	v6, v8, _ =	vpop (xrf1);
	(xrf1) =	vsort.dscd.msk.f32 $0xffff, v13, v0  }
0x11a: {  	[tilespmem:s15+$0xFFFFFFF8] =	vst.msk $0xff, v7;
	v13 =	vld [tilespmem:s24+$0xFFFFFF30];
	v6 =	vsub.f32 $0.0e+00, v6;
	v7, v11, _ =	vpop (xrf1)  }
0x11b: {  	[tilespmem:s16+$0xFFFFFFF8] =	vst.msk $0xff, v9;
	v9 =	vperm.xlane v11, v4  }
0x11c: {  	(xrf1) =	vsort.dscd.msk.f32 $0xffff, v12, v1;
	v7 =	vperm.xlane v7, v4;
	v12, v14, _ =	vpop (xrf1);
	v6 =	vmul.f32 $1.442695020e+00, v6  }
0x11d: {  	v11 =	vld [tilespmem:s29+$0x30];
	v9 =	vsel vm0, v14, v9  }
0x11e: {  	v7 =	vsel vm0, v12, v7;
	v12 =	vpop (erf);
	v14 =	vmul.f32 $2.500000000e+00, v17;
	(erf) = vpow2.f32 v6;
	v6 =	vld [tilespmem:s29+$0x10]  }
0x11f: {  	(xrf1) =	vsort.dscd.msk.f32 $0xffff, v13, v3;
	v13 =	vld [tilespmem:s29+$0x20];
	v15 =	vpop (erf)  }
0x120: {  	(xrf1) =	vsort.dscd.msk.f32 $0xffff, v7, v9;
	v7 =	vnsel vm0, $0x0, v12;
	v14 =	vmul.f32 v15, v14  }
0x121: {  	(xrf2) =	vadd.scan.msk.f32 $0xffff, v7;
	v16, v9, _ =	vpop (xrf1)  }
0x122: {  	v7 =	vld [tilespmem:s29+$0x0];
	(xrf1) =	vsort.dscd.msk.f32 $0xffff, v11, v3;
	v17, v18, _ =	vpop (xrf1);
	v11 =	vsub.f32 $0.0e+00, v16  }
0x123: {  	[tilespmem:s11+$0x0] =	vst.msk $0xff, v10;
	v15 =	vperm.xlane v17, v4;
	(xrf1) =	vsort.dscd.msk.f32 $0xffff, v6, v1;
	v6 =	vperm.xlane v18, v4;
	v10, v16, _ =	vpop (xrf1)  }
0x124: {  	[tilespmem:s12+$0x0] =	vst.msk $0xff, v14;
	(xrf1) =	vsort.dscd.msk.f32 $0xffff, v13, v2;
	v11 =	vmul.f32 $1.442695020e+00, v11;
	v13 =	vperm.xlane v16, v4;
	v14, v16, _ =	vpop (xrf1)  }
0x125: {  	v6 =	vsel vm0, v16, v6  }
0x126: {  	v17 =	vld [tilespmem:s1+$0xB0];
	(erf) = vpow2.f32 v11  }
0x127: {  	v10 =	vperm.xlane v10, v4;
	v14 =	vsel vm0, v14, v15;
	(xrf1) =	vsort.dscd.msk.f32 $0xffff, v7, v0;
	v7 =	vld [tilespmem:s1+$0x90];
	v15, v16, _ =	vpop (xrf1)  }
0x128: {  	(xrf1) =	vsort.dscd.msk.f32 $0xffff, v14, v6;
	v6 =	vpop (erf)  }
0x129: {  	v11 =	vld [tilespmem:s1+$0xA0];
	v10 =	vsel vm0, v15, v10;
	v13 =	vsel vm0, v16, v13;
	v6 =	vadd.f32 $1.000000000e+00, v6  }
0x12a: {  	(xrf1) =	vsort.dscd.msk.f32 $0xffff, v10, v13;
	v10 =	vld [tilespmem:s1+$0x80]  }
0x12b: {  	v13 =	vld [tilespmem:s24+$0xFFFFFF20];
	(xrf1) =	vsort.dscd.msk.f32 $0xffff, v17, v3;
	v14, _, _ =	vpop (xrf2)  }
0x12c: {  	(xrf1) =	vsort.dscd.msk.f32 $0xffff, v7, v1;
	v7, v15, _ =	vpop (xrf1)  }
0x12d: {  	(erf) = vrcp.f32 v6;
	v16, v17, _ =	vpop (xrf1)  }
0x12e: {  	(xrf1) =	vsort.dscd.msk.f32 $0xffff, v11, v2;
	v18, v6, _ =	vpop (xrf1)  }
0x12f: {  	(xrf1) =	vsort.dscd.msk.f32 $0xffff, v10, v0;
	v10 =	vpop (erf)  }
0x130: {  	v11 =	vld [tilespmem:s24+$0xFFFFFF00];
	(xrf1) =	vsort.dscd.msk.f32 $0xffff, v13, v2;
	v13 =	vbroadcast v14, $0xF;
	v14, v19, _ =	vpop (xrf1)  }
0x131: {  	v14 =	vperm.xlane v14, v4;
	v33, v34, _ =	vpop (xrf1)  }
0x132: {  	v10 =	vadd.f32 $1.000000000e+00, v10;
	v36, v35, _ =	vpop (xrf1)  }
0x133: {  	v19 =	vperm.xlane v19, v4;
	v14 =	vsel vm0, v36, v14  }
0x134: {  	v21 =	vperm.xlane v34, v4  }
0x135: {  	(xrf1) =	vsort.dscd.msk.f32 $0xffff, v11, v0;
	v11 =	vperm.xlane v33, v4;
	v19 =	vsel vm0, v35, v19;
	v39, v38, _ =	vpop (xrf1)  }
0x136: {  	(erf) = vrcp.f32 v10;
	v10 =	vpop (erf);
	(xrf1) =	vsort.dscd.msk.f32 $0xffff, v14, v19;
	v19 =	vsel vm0, v38, v21  }
0x137: {  	(erf) = vrcp.f32 v13;
	v11 =	vsel vm0, v39, v11;
	v13, v14, _ =	vpop (xrf1)  }
0x138: {  	v37 =	vnsel vm0, $0x0, v10;
	v13 =	vperm.xlane v13, v4  }
0x139: {  	(xrf2) =	vadd.scan.msk.f32 $0xffff, v37;
	v14 =	vperm.xlane v14, v4  }
0x13a: {  	(xrf1) =	vsort.dscd.msk.f32 $0xffff, v11, v19;
	v11, v19, _ =	vpop (xrf1)  }
0x13b: {  	v14 =	vsel vm0, v19, v14  }
0x13c: {  	v18 =	vsub.f32 $0.0e+00, v18;
	v11 =	vsel vm0, v11, v13;
	v13, v40, _ =	vpop (xrf1)  }
0x13d: {  	v13 =	vperm.xlane v13, v4;
	v19 =	vperm.xlane v40, v4;
	v42, v41, _ =	vpop (xrf1)  }
0x13e: {  	v18 =	vmul.f32 $1.442695020e+00, v18;
	(xrf1) =	vsort.dscd.msk.f32 $0xffff, v11, v14;
	v14, v43, _ =	vpop (xrf1)  }
0x13f: {  	v13 =	vsel vm0, v14, v13;
	v14 =	vsel vm0, v43, v19  }
0x140: {  	v44 =	vpop (erf);
	(erf) = vpow2.f32 v18  }
0x141: {  	v18 =	vnsel vm0, $0x0, v44;
	v11 =	vperm.xlane v42, v4;
	v21 =	vperm.xlane v41, v4  }
0x142: {  	v16 =	vperm.xlane v16, v4;
	(xrf2) =	vadd.scan.msk.f32 $0xffff, v18;
	v19, v20, _ =	vpop (xrf1)  }
0x143: {  	(xrf1) =	vsort.dscd.msk.f32 $0xffff, v13, v14;
	v11 =	vsel vm0, v19, v11;
	v18 =	vsel vm0, v20, v21;
	v13, v14, _ =	vpop (xrf1)  }
0x144: {  	s25 =	simm.s32 $0x80B0;
	(xrf1) =	vsort.dscd.msk.f32 $0xffff, v11, v18;
	v11 =	vsel vm0, v13, v16;
	v13, _, _ =	vpop (xrf2)  }
0x145: {  	[tilespmem:s25+$0xFFFFFFF0] =	vst.msk $0xff, v5;
	v17 =	vperm.xlane v17, v4;
	v5 =	vbroadcast v13, $0xF  }
0x146: {  	v12 =	vmul.f32 $2.500000000e+00, v12;
	v19 =	vpop (erf)  }
0x147: {  	v7 =	vperm.xlane v7, v4;
	v15 =	vperm.xlane v15, v4;
	v14 =	vsel vm0, v14, v17;
	v13, v16, _ =	vpop (xrf1)  }
0x148: {  	v12 =	vmul.f32 v19, v12  }
0x149: {  	(xrf1) =	vsort.dscd.msk.f32 $0xffff, v11, v14;
	v7 =	vsel vm0, v13, v7;
	v11 =	vsel vm0, v16, v15;
	(erf) = vrcp.f32 v5;
	v5, v13, _ =	vpop (xrf1)  }
0x14a: {  	s26 =	simm.s32 $0x8930;
	(xrf1) =	vsort.dscd.msk.f32 $0xffff, v7, v11;
	v7 =	vperm.xlane v13, v4  }
0x14b: {  	[tilespmem:s26+$0xFFFFFFF0] =	vst.msk $0xff, v12;
	v13, v14, _ =	vpop (xrf1)  }
0x14c: {  	v12 =	vld [tilespmem:s23+$0xFFFFFFB0];
	v5 =	vperm.xlane v5, v4;
	v7 =	vsel vm0, v14, v7  }
0x14d: {  	v11 =	vld [tilespmem:s23+$0xFFFFFF90]  }
0x14e: {  	v5 =	vsel vm0, v13, v5;
	v13 =	vpop (erf)  }
0x14f: {  	v15 =	vld [tilespmem:s23+$0xFFFFFFA0];
	(xrf1) =	vsort.dscd.msk.f32 $0xffff, v5, v7;
	v7, _, _ =	vpop (xrf2)  }
0x150: {  	v5 =	vadd.f32 $1.000000000e+00, v13  }
0x151: {  	(xrf1) =	vsort.dscd.msk.f32 $0xffff, v12, v3;
	v12 =	vbroadcast v7, $0xF;
	v13, v7, _ =	vpop (xrf1)  }
0x152: {  	(erf) = vrcp.f32 v5;
	v5 =	vmul.f32 $2.500000000e+00, v10;
	(xrf1) =	vsort.dscd.msk.f32 $0xffff, v11, v1;
	v10, v11, _ =	vpop (xrf1)  }
0x153: {  	v14 =	vld [tilespmem:s23+$0xFFFFFF80];
	v10 =	vperm.xlane v10, v4  }
0x154: {  	(xrf1) =	vsort.dscd.msk.f32 $0xffff, v15, v2;
	v15, v16, _ =	vpop (xrf1)  }
0x155: {  	v10 =	vsel vm0, v15, v10  }
0x156: {  	(erf) = vrcp.f32 v12;
	v13 =	vsub.f32 $0.0e+00, v13;
	v11 =	vperm.xlane v11, v4  }
0x157: {  	v12 =	vpop (erf)  }
0x158: {  	s30 =	simm.s32 $0x1100;
	(xrf1) =	vsort.dscd.msk.f32 $0xffff, v14, v0;
	v5 =	vmul.f32 v12, v5;
	v11 =	vsel vm0, v16, v11  }
0x159: {  	[tilespmem:s17+$0xFFFFFFF8] =	vst.msk $0xff, v8;
	v14 =	vld [tilespmem:s30+$0xFFFFFF10];
	(xrf1) =	vsort.dscd.msk.f32 $0xffff, v10, v11;
	v8, v10, _ =	vpop (xrf1)  }
0x15a: {  	v17 =	vld [tilespmem:s30+$0xFFFFFF30];
	[tilespmem:s18+$0xFFFFFFF8] =	vst.msk $0xff, v5;
	v5 =	vperm.xlane v8, v4;
	v8 =	vperm.xlane v10, v4  }
0x15b: {  	v11 =	vmul.f32 $1.442695020e+00, v13;
	v12, v13, _ =	vpop (xrf1)  }
0x15c: {  	v8 =	vsel vm0, v13, v8;
	_ =	sdelay $0x1  }
0x15d: {  	(xrf1) =	vsort.dscd.msk.f32 $0xffff, v14, v1;
	v10 =	vld [tilespmem:s28+$0x30];
	v5 =	vsel vm0, v12, v5;
	v12 =	vpop (erf)  }
0x15e: {  	(erf) = vpow2.f32 v11;
	v11 =	vld [tilespmem:s28+$0x10];
	v14 =	vmul.f32 $2.500000000e+00, v44;
	(xrf1) =	vsort.dscd.msk.f32 $0xffff, v17, v3;
	v15 =	vpop (erf)  }
0x15f: {  	v13 =	vld [tilespmem:s28+$0x20];
	(xrf1) =	vsort.dscd.msk.f32 $0xffff, v5, v8;
	v16, v8, _ =	vpop (xrf1)  }
0x160: {  	v5 =	vnsel vm0, $0x0, v12;
	v14 =	vmul.f32 v15, v14;
	v17, v18, _ =	vpop (xrf1)  }
0x161: {  	(xrf2) =	vadd.scan.msk.f32 $0xffff, v5;
	v5 =	vld [tilespmem:s28+$0x0];
	v15 =	vperm.xlane v17, v4  }
0x162: {  	(xrf1) =	vsort.dscd.msk.f32 $0xffff, v10, v3  }
0x163: {  	[tilespmem:s14+$0x0] =	vst.msk $0xff, v9;
	v10 =	vsub.f32 $0.0e+00, v16;
	(xrf1) =	vsort.dscd.msk.f32 $0xffff, v11, v1;
	v9 =	vperm.xlane v18, v4;
	v11, v16, _ =	vpop (xrf1)  }
0x164: {  	[tilespmem:s13+$0x0] =	vst.msk $0xff, v14;
	(xrf1) =	vsort.dscd.msk.f32 $0xffff, v13, v2;
	v11 =	vperm.xlane v11, v4;
	v13 =	vperm.xlane v16, v4;
	v14, v16, _ =	vpop (xrf1)  }
0x165: {  	v14 =	vsel vm0, v14, v15;
	v9 =	vsel vm0, v16, v9;
	v15, v16, _ =	vpop (xrf1)  }
0x166: {  	v10 =	vmul.f32 $1.442695020e+00, v10;
	(xrf1) =	vsort.dscd.msk.f32 $0xffff, v5, v0;
	v5 =	vsel vm0, v15, v11  }
0x167: {  	v17 =	vld [tilespmem:s0+$0xB0];
	v11 =	vsel vm0, v16, v13  }
0x168: {  	(erf) = vpow2.f32 v10;
	v10 =	vld [tilespmem:s0+$0x90];
	(xrf1) =	vsort.dscd.msk.f32 $0xffff, v14, v9;
	v9 =	vpop (erf)  }
0x169: {  	v9 =	vadd.f32 $1.000000000e+00, v9  }
0x16a: {  	v13 =	vld [tilespmem:s0+$0xA0];
	(xrf1) =	vsort.dscd.msk.f32 $0xffff, v5, v11;
	v11, v5, _ =	vpop (xrf1)  }
0x16b: {  	(erf) = vrcp.f32 v9;
	v9 =	vsub.f32 $0.0e+00, v11  }
0x16c: {  	(xrf1) =	vsort.dscd.msk.f32 $0xffff, v17, v3  }
0x16d: {  	v14 =	vld [tilespmem:s0+$0x80];
	(xrf1) =	vsort.dscd.msk.f32 $0xffff, v10, v1;
	v11, _, _ =	vpop (xrf2);
	v10 =	vmul.f32 $1.442695020e+00, v9  }
0x16e: {  	v15, v16, _ =	vpop (xrf1)  }
0x16f: {  	(xrf1) =	vsort.dscd.msk.f32 $0xffff, v13, v2;
	v13 =	vld [tilespmem:s30+$0xFFFFFF20];
	v17, v18, _ =	vpop (xrf1)  }
0x170: {  	v45, v9, _ =	vpop (xrf1)  }
0x171: {  	v19 =	vld [tilespmem:s30+$0xFFFFFF00];
	(erf) = vpow2.f32 v10;
	v10 =	vpop (erf)  }
0x172: {  	(xrf1) =	vsort.dscd.msk.f32 $0xffff, v14, v0;
	v14, v46, _ =	vpop (xrf1)  }
0x173: {  	v10 =	vadd.f32 $1.000000000e+00, v10;
	v14 =	vperm.xlane v14, v4;
	v48, v47, _ =	vpop (xrf1)  }
0x174: {  	(xrf1) =	vsort.dscd.msk.f32 $0xffff, v13, v2;
	v21 =	vperm.xlane v46, v4;
	v13, v24, _ =	vpop (xrf1)  }
0x175: {  	(erf) = vrcp.f32 v10;
	v10 =	vbroadcast v11, $0xF;
	v11 =	vsel vm0, v13, v14  }
0x176: {  	(xrf1) =	vsort.dscd.msk.f32 $0xffff, v19, v0;
	v19 =	vpop (erf);
	v14 =	vperm.xlane v48, v4  }
0x177: {  	v13 =	vsel vm0, v24, v21;
	v52, v51, _ =	vpop (xrf1)  }
0x178: {  	v49 =	vperm.xlane v47, v4;
	v50 =	vnsel vm0, $0x0, v19;
	(xrf1) =	vsort.dscd.msk.f32 $0xffff, v11, v13;
	v13 =	vsel vm0, v52, v14  }
0x179: {  	(xrf2) =	vadd.scan.msk.f32 $0xffff, v50;
	(erf) = vrcp.f32 v10;
	v10, v11, _ =	vpop (xrf1)  }
0x17a: {  	v14 =	vsel vm0, v51, v49;
	v54, v53, _ =	vpop (xrf1)  }
0x17b: {  	(xrf1) =	vsort.dscd.msk.f32 $0xffff, v13, v14;
	v14 =	vsub.f32 $0.0e+00, v45;
	v13 =	vpop (erf)  }
0x17c: {  	v10 =	vperm.xlane v10, v4;
	v11 =	vperm.xlane v11, v4;
	v56, v55, _ =	vpop (xrf1)  }
0x17d: {  	v14 =	vmul.f32 $1.442695020e+00, v14;
	v13 =	vadd.f32 $1.000000000e+00, v13;
	v23 =	vperm.xlane v55, v4;
	v57, v25, _ =	vpop (xrf1)  }
0x17e: {  	v20 =	vperm.xlane v56, v4;
	v10 =	vsel vm0, v54, v10;
	v58, v59, _ =	vpop (xrf1)  }
0x17f: {  	v11 =	vsel vm0, v53, v11;
	(erf) = vrcp.f32 v13;
	v13 =	vsel vm0, v59, v23  }
0x180: {  	(xrf1) =	vsort.dscd.msk.f32 $0xffff, v10, v11;
	v11 =	vsel vm0, v58, v20  }
0x181: {  	v17 =	vperm.xlane v17, v4;
	v10 =	vpop (erf);
	(xrf1) =	vsort.dscd.msk.f32 $0xffff, v11, v13;
	v11 =	vperm.xlane v57, v4  }
0x182: {  	v61 =	vperm.xlane v25, v4;
	(erf) = vpow2.f32 v14;
	v13, v14, _ =	vpop (xrf1)  }
0x183: {  	v60 =	vnsel vm0, $0x0, v10;
	v11 =	vsel vm0, v13, v11;
	v13, _, _ =	vpop (xrf2)  }
0x184: {  	v18 =	vperm.xlane v18, v4;
	(xrf2) =	vadd.scan.msk.f32 $0xffff, v60;
	v14 =	vsel vm0, v14, v61;
	v13 =	vbroadcast v13, $0xF  }
0x185: {  	s31 =	simm.s32 $0x80D0;
	v22, v23, _ =	vpop (xrf1);
	(xrf1) =	vsort.dscd.msk.f32 $0xffff, v11, v14;
	v14 =	vperm.xlane v16, v4  }
0x186: {  	[tilespmem:s31+$0xFFFFFFF0] =	vst.msk $0xff, v6;
	v15 =	vperm.xlane v15, v4;
	v11 =	vsel vm0, v22, v17;
	v6 =	vsel vm0, v23, v18;
	v16, v17, _ =	vpop (xrf1)  }
0x187: {  	v12 =	vmul.f32 $2.500000000e+00, v12;
	v14 =	vsel vm0, v17, v14  }
0x188: {  	v62 =	vpop (erf);
	(xrf1) =	vsort.dscd.msk.f32 $0xffff, v11, v6;
	v11 =	vsel vm0, v16, v15  }
0x189: {  	v12 =	vmul.f32 v62, v12;
	(erf) = vrcp.f32 v13;
	v6, v13, _ =	vpop (xrf1)  }
0x18a: {  	s0 =	simm.s32 $0x8950;
	v15 =	vperm.xlane v6, v4  }
0x18b: {  	[tilespmem:s0+$0xFFFFFFF0] =	vst.msk $0xff, v12;
	(xrf1) =	vsort.dscd.msk.f32 $0xffff, v11, v14;
	v11, v14, _ =	vpop (xrf1)  }
0x18c: {  	v12 =	vld [tilespmem:s22+$0xFFFFFFB0];
	v13 =	vperm.xlane v13, v4;
	v6 =	vpop (erf);
	v11 =	vsel vm0, v11, v15  }
0x18d: {  	v17 =	vnsel vm0, $0x0, v6  }
0x18e: {  	v16 =	vld [tilespmem:s22+$0xFFFFFF90];
	v13 =	vsel vm0, v14, v13;
	(xrf2) =	vadd.scan.msk.f32 $0xffff, v17  }
0x18f: {  	v18 =	vld [tilespmem:s22+$0xFFFFFFA0];
	(xrf1) =	vsort.dscd.msk.f32 $0xffff, v11, v13;
	v11, _, _ =	vpop (xrf2)  }
0x190: {  	v63 =	vpop (erf);
	v14 =	vld [tilespmem:s22+$0xFFFFFF80];
	v15 =	vbroadcast v11, $0xF  }
0x191: {  	v13 =	vadd.f32 $1.000000000e+00, v63;
	(xrf1) =	vsort.dscd.msk.f32 $0xffff, v12, v3;
	_ =	sdelay $0x1  }
0x192: {  	(erf) = vrcp.f32 v13;
	v12, v11, _ =	vpop (xrf1);
	(xrf1) =	vsort.dscd.msk.f32 $0xffff, v16, v1  }
0x193: {  	v13 =	vmul.f32 $2.500000000e+00, v19;
	(xrf1) =	vsort.dscd.msk.f32 $0xffff, v18, v2;
	(erf) = vrcp.f32 v15;
	v15, v16, _ =	vpop (xrf1)  }
0x194: {  	s8 =	simm.s32 $0x1300;
	s1 =	simm.s32 $0x20;
	(xrf1) =	vsort.dscd.msk.f32 $0xffff, v14, v0;
	v14 =	vpop (erf);
	v15 =	vperm.xlane v15, v4;
	v16 =	vperm.xlane v16, v4  }
.LBB2_2:
0x195: {  	v17 =	vld [tilespmem:s8+$0xFFFFFF10];
	v12 =	vsub.f32 $0.0e+00, v12;
	v18, v19, _ =	vpop (xrf1)  }
0x196: {  	v21 =	vmul.f32 v14, v13;
	v20 =	vld [tilespmem:s8+$0xFFFFFF30];
	v14 =	vsel vm0, v18, v15;
	v15 =	vsel vm0, v19, v16  }
0x197: {  	v16, v18, _ =	vpop (xrf1);
	[tilespmem:s19+$0xFFFFFFF8] =	vst.msk $0xff, v7;
	(xrf1) =	vsort.dscd.msk.f32 $0xffff, v14, v15;
	v7 =	vmov v11  }
0x198: {  	v12 =	vmul.f32 $1.442695020e+00, v12;
	v19 =	vperm.xlane v16, v4;
	[tilespmem:s20+$0xFFFFFFF8] =	vst.msk $0xff, v21;
	v13, _, _ =	vpop (xrf2)  }
0x199: {  	v21 =	vperm.xlane v18, v4;
	v15 =	vld [tilespmem:s21+$0x30];
	v13 =	vbroadcast v13, $0xF  }
0x19a: {  	(xrf1) =	vsort.dscd.msk.f32 $0xffff, v17, v1;
	v16, v17, _ =	vpop (xrf1);
	(erf) = vpow2.f32 v12;
	v12 =	vld [tilespmem:s21+$0x10]  }
0x19b: {  	(xrf1) =	vsort.dscd.msk.f32 $0xffff, v20, v3;
	v19 =	vsel vm0, v16, v19;
	v21 =	vsel vm0, v17, v21;
	v11 =	vpop (erf);
	v17 =	vld [tilespmem:s21+$0x20];
	(erf) = vrcp.f32 v13  }
0x19c: {  	v10 =	vmul.f32 $2.500000000e+00, v10;
	(xrf1) =	vsort.dscd.msk.f32 $0xffff, v19, v21;
	v13 =	vnsel vm0, $0x0, v11;
	v14 =	vpop (erf)  }
0x19d: {  	(xrf2) =	vadd.scan.msk.f32 $0xffff, v13;
	v13 =	vld [tilespmem:s21+$0x0];
	v16, v18, _ =	vpop (xrf1)  }
0x19e: {  	v10 =	vmul.f32 v14, v10;
	v19, v20, _ =	vpop (xrf1);
	(xrf1) =	vsort.dscd.msk.f32 $0xffff, v15, v3;
	v15 =	vsub.f32 $0.0e+00, v16  }
0x19f: {  	v14 =	vperm.xlane v19, v4;
	(xrf1) =	vsort.dscd.msk.f32 $0xffff, v12, v1;
	[tilespmem:s15+$0x0] =	vst.msk $0xff, v8;
	v8 =	vmov v18  }
0x1a0: {  	v21 =	vperm.xlane v20, v4;
	v16, v18, _ =	vpop (xrf1);
	(xrf1) =	vsort.dscd.msk.f32 $0xffff, v17, v2;
	v15 =	vmul.f32 $1.442695020e+00, v15;
	[tilespmem:s16+$0x0] =	vst.msk $0xff, v10  }
0x1a1: {  	v10 =	vperm.xlane v16, v4;
	v16 =	vperm.xlane v18, v4;
	v17, v18, _ =	vpop (xrf1);
	v19 =	vld [tilespmem:s29+$0xB0]  }
0x1a2: {  	v14 =	vsel vm0, v17, v14;
	v20 =	vsel vm0, v18, v21;
	v17, v18, _ =	vpop (xrf1);
	(xrf1) =	vsort.dscd.msk.f32 $0xffff, v13, v0;
	(erf) = vpow2.f32 v15;
	v13 =	vld [tilespmem:s29+$0x90]  }
0x1a3: {  	v6 =	vmul.f32 $2.500000000e+00, v6;
	v10 =	vsel vm0, v17, v10;
	v15 =	vsel vm0, v18, v16;
	(xrf1) =	vsort.dscd.msk.f32 $0xffff, v14, v20;
	v12 =	vpop (erf);
	v14 =	vld [tilespmem:s29+$0xA0]  }
0x1a4: {  	(xrf1) =	vsort.dscd.msk.f32 $0xffff, v10, v15;
	v10 =	vadd.f32 $1.000000000e+00, v12;
	v12 =	vpop (erf)  }
0x1a5: {  	v15 =	vld [tilespmem:s29+$0x80];
	v16, v17, _ =	vpop (xrf1);
	v20 =	vmul.f32 v12, v6;
	s29 =	smov.u32 s28;
	s28 =	smov.u32 s21;
	s21 =	smov.u32 s23  }
0x1a6: {  	v12 =	vld [tilespmem:s8+$0xFFFFFF20];
	(erf) = vrcp.f32 v10;
	(xrf1) =	vsort.dscd.msk.f32 $0xffff, v19, v3;
	v10 =	vsub.f32 $0.0e+00, v16;
	[tilespmem:s11+$0x8] =	vst.msk $0xff, v5;
	v5 =	vmovc v17;
	s11 =	smov.u32 s14;
	s14 =	smov.u32 s15;
	s15 =	smov.u32 s17  }
0x1a7: {  	s17 =	smov.u32 s19;
	s19 =	smov.u32 s25;
	s25 =	smov.u32 s31;
	v16, _, _ =	vpop (xrf2);
	(xrf1) =	vsort.dscd.msk.f32 $0xffff, v13, v1;
	[tilespmem:s12+$0x8] =	vst.msk $0xff, v20  }
0x1a8: {  	s12 =	smov.u32 s13;
	s13 =	smov.u32 s16;
	s16 =	smov.u32 s18;
	v6, v13, _ =	vpop (xrf1);
	(xrf1) =	vsort.dscd.msk.f32 $0xffff, v14, v2;
	v21 =	vmul.f32 $1.442695020e+00, v10  }
0x1a9: {  	s18 =	smov.u32 s20;
	s20 =	smov.u32 s26;
	s26 =	smov.u32 s0;
	v14 =	vld [tilespmem:s8+$0xFFFFFF00];
	v17, v18, _ =	vpop (xrf1)  }
0x1aa: {  	s23 =	smov.u32 s22;
	s22 =	smov.u32 s24;
	s24 =	smov.u32 s30;
	v19, v20, _ =	vpop (xrf1);
	(xrf1) =	vsort.dscd.msk.f32 $0xffff, v15, v0;
	(erf) = vpow2.f32 v21  }
0x1ab: {  	s30 =	smov.u32 s8;
	(xrf1) =	vsort.dscd.msk.f32 $0xffff, v12, v2;
	v10 =	vpop (erf)  }
0x1ac: {  	v12 =	vbroadcast v16, $0xF;
	v15, v16, _ =	vpop (xrf1);
	v10 =	vadd.f32 $1.000000000e+00, v10  }
0x1ad: {  	v26 =	vperm.xlane v15, v4;
	v16 =	vperm.xlane v16, v4;
	v21, v22, _ =	vpop (xrf1)  }
0x1ae: {  	(xrf1) =	vsort.dscd.msk.f32 $0xffff, v14, v0;
	v14 =	vperm.xlane v21, v4;
	v21, v23, _ =	vpop (xrf1);
	(erf) = vrcp.f32 v10  }
0x1af: {  	v24 =	vpop (erf)  }
0x1b0: {  	v25 =	vsel vm0, v21, v26;
	v21 =	vnsel vm0, $0x0, v24  }
0x1b1: {  	v10 =	vperm.xlane v22, v4;
	v16 =	vsel vm0, v23, v16  }
0x1b2: {  	v22, v23, _ =	vpop (xrf1);
	(xrf1) =	vsort.dscd.msk.f32 $0xffff, v25, v16  }
0x1b3: {  	(erf) = vrcp.f32 v12;
	v12, v15, _ =	vpop (xrf1);
	(xrf2) =	vadd.scan.msk.f32 $0xffff, v21;
	v14 =	vsel vm0, v22, v14;
	v10 =	vsel vm0, v23, v10  }
0x1b4: {  	v16 =	vsub.f32 $0.0e+00, v19;
	v12 =	vperm.xlane v12, v4;
	v19, v21, _ =	vpop (xrf1);
	(xrf1) =	vsort.dscd.msk.f32 $0xffff, v14, v10  }
0x1b5: {  	v14 =	vperm.xlane v17, v4;
	v10 =	vperm.xlane v15, v4;
	v15 =	vpop (erf)  }
0x1b6: {  	v16 =	vmul.f32 $1.442695020e+00, v16;
	v12 =	vsel vm0, v19, v12;
	v17, v19, _ =	vpop (xrf1);
	v15 =	vadd.f32 $1.000000000e+00, v15  }
0x1b7: {  	v25 =	vsel vm0, v21, v10;
	v17 =	vperm.xlane v17, v4;
	v19 =	vperm.xlane v19, v4;
	v21, v22, _ =	vpop (xrf1)  }
0x1b8: {  	(xrf1) =	vsort.dscd.msk.f32 $0xffff, v12, v25;
	v12 =	vperm.xlane v21, v4;
	v21, v23, _ =	vpop (xrf1)  }
0x1b9: {  	v19 =	vsel vm0, v23, v19  }
0x1ba: {  	(erf) = vrcp.f32 v15;
	v17 =	vsel vm0, v21, v17  }
0x1bb: {  	v15 =	vperm.xlane v22, v4;
	v10 =	vpop (erf)  }
0x1bc: {  	v18 =	vperm.xlane v18, v4;
	(erf) = vpow2.f32 v16;
	v23 =	vnsel vm0, $0x0, v10;
	v21, v22, _ =	vpop (xrf1);
	(xrf1) =	vsort.dscd.msk.f32 $0xffff, v17, v19  }
0x1bd: {  	v11 =	vmul.f32 $2.500000000e+00, v11;
	(xrf2) =	vadd.scan.msk.f32 $0xffff, v23;
	v12 =	vsel vm0, v21, v12;
	v21 =	vsel vm0, v22, v15;
	v17, v19, _ =	vpop (xrf1)  }
0x1be: {  	v6 =	vperm.xlane v6, v4;
	v16 =	vpop (erf);
	(xrf1) =	vsort.dscd.msk.f32 $0xffff, v12, v21  }
0x1bf: {  	s31 =	sadd.s32 $0x20, s31;
	v12 =	vsel vm0, v17, v14;
	v18 =	vsel vm0, v19, v18;
	v11 =	vmul.f32 v16, v11;
	v15, _, _ =	vpop (xrf2)  }
0x1c0: {  	s0 =	sadd.s32 $0x20, s0;
	v13 =	vperm.xlane v13, v4;
	v16, v17, _ =	vpop (xrf1);
	(xrf1) =	vsort.dscd.msk.f32 $0xffff, v12, v18;
	[tilespmem:s31+$0xFFFFFFF0] =	vst.msk $0xff, v9;
	v15 =	vbroadcast v15, $0xF  }
0x1c1: {  	v9 =	vmov v20;
	[tilespmem:s0+$0xFFFFFFF0] =	vst.msk $0xff, v11  }
0x1c2: {  	v18 =	vsel vm0, v16, v6;
	v11 =	vsel vm0, v17, v13;
	v13 =	vld [tilespmem:s22+$0xFFFFFFB0];
	(erf) = vrcp.f32 v15;
	v12, v14, _ =	vpop (xrf1)  }
0x1c3: {  	s1 =	sadd.s32 $0x4, s1;
	(xrf1) =	vsort.dscd.msk.f32 $0xffff, v18, v11;
	v11 =	vperm.xlane v12, v4;
	v12 =	vperm.xlane v14, v4;
	v6 =	vpop (erf)  }
0x1c4: {  	v15, v16, _ =	vpop (xrf1)  }
0x1c5: {  	p0 =	slt.u32 s1, $0xFC;
	v14 =	vld [tilespmem:s22+$0xFFFFFF90];
	v17 =	vnsel vm0, $0x0, v6;
	v11 =	vsel vm0, v15, v11  }
0x1c6: {  	v18 =	vpop (erf);
	v19 =	vld [tilespmem:s22+$0xFFFFFFA0];
	v12 =	vsel vm0, v16, v12;
	(xrf2) =	vadd.scan.msk.f32 $0xffff, v17  }
0x1c7: {  	v15 =	vld [tilespmem:s22+$0xFFFFFF80];
	(xrf1) =	vsort.dscd.msk.f32 $0xffff, v11, v12  }
.Ltmp0:
0x1c8: {  	v20 =	vadd.f32 $1.000000000e+00, v18;
	(xrf1) =	vsort.dscd.msk.f32 $0xffff, v13, v3;
	v13, _, _ =	vpop (xrf2);
	(pc) =	sbr.rel @p0 .LBB2_2-.Ltmp0, $4  }
0x1c9: {  	v18 =	vbroadcast v13, $0xF;
	v12, v11, _ =	vpop (xrf1)  }
0x1ca: {  	(erf) = vrcp.f32 v20;
	(xrf1) =	vsort.dscd.msk.f32 $0xffff, v14, v1  }
0x1cb: {  	v13 =	vmul.f32 $2.500000000e+00, v24;
	(xrf1) =	vsort.dscd.msk.f32 $0xffff, v19, v2;
	(erf) = vrcp.f32 v18;
	v16, v17, _ =	vpop (xrf1)  }
0x1cc: {  	s8 =	sadd.s32 $0x200, s8;
	(xrf1) =	vsort.dscd.msk.f32 $0xffff, v15, v0;
	v14 =	vpop (erf);
	v15 =	vperm.xlane v16, v4;
	v16 =	vperm.xlane v17, v4  }
0x1cd: {  	_ = 	snop  }
0x1ce: {  	v12 =	vsub.f32 $0.0e+00, v12;
	v13 =	vmul.f32 v14, v13  }
0x1cf: {  	v17, v18, _ =	vpop (xrf1);
	[tilespmem:s19+$0xFFFFFFF8] =	vst.msk $0xff, v7  }
0x1d0: {  	v43 =	vsel vm0, v17, v15;
	v44 =	vsel vm0, v18, v16;
	v7, v45, _ =	vpop (xrf1);
	v12 =	vmul.f32 $1.442695020e+00, v12;
	[tilespmem:s20+$0xFFFFFFF8] =	vst.msk $0xff, v13  }
0x1d1: {  	(xrf1) =	vsort.dscd.msk.f32 $0xffff, v43, v44;
	v7 =	vperm.xlane v7, v4;
	v46 =	vperm.xlane v45, v4;
	v47 =	vld [tilespmem:s21+$0x30]  }
0x1d2: {  	v50 =	vld [tilespmem:s21+$0x10];
	v48, v49, _ =	vpop (xrf1)  }
0x1d3: {  	v51 =	vld [tilespmem:s21+$0x20];
	(erf) = vpow2.f32 v12;
	v7 =	vsel vm0, v48, v7;
	v13 =	vsel vm0, v49, v46;
	v15 =	vpop (erf)  }
0x1d4: {  	v52, _, _ =	vpop (xrf2);
	(xrf1) =	vsort.dscd.msk.f32 $0xffff, v7, v13;
	v7 =	vnsel vm0, $0x0, v15  }
0x1d5: {  	v54 =	vmul.f32 $2.500000000e+00, v10;
	v53 =	vbroadcast v52, $0xF;
	(xrf2) =	vadd.scan.msk.f32 $0xffff, v7;
	v55, v10, _ =	vpop (xrf1)  }
0x1d6: {  	v19 =	vpop (erf);
	v7 =	vld [tilespmem:s21+$0x0];
	(xrf1) =	vsort.dscd.msk.f32 $0xffff, v47, v3;
	v56 =	vsub.f32 $0.0e+00, v55  }
0x1d7: {  	(erf) = vrcp.f32 v53;
	v58, v57, _ =	vpop (xrf1);
	(xrf1) =	vsort.dscd.msk.f32 $0xffff, v50, v1  }
0x1d8: {  	v17 =	vmul.f32 v19, v54;
	v61, v60, _ =	vpop (xrf1);
	(xrf1) =	vsort.dscd.msk.f32 $0xffff, v51, v2;
	v14 =	vmul.f32 $1.442695020e+00, v56  }
0x1d9: {  	[tilespmem:s15+$0x0] =	vst.msk $0xff, v8;
	v59 =	vperm.xlane v58, v4;
	v62 =	vperm.xlane v57, v4  }
0x1da: {  	[tilespmem:s16+$0x0] =	vst.msk $0xff, v17;
	v8 =	vperm.xlane v61, v4;
	v24, v63, _ =	vpop (xrf1);
	(erf) = vpow2.f32 v14  }
0x1db: {  	v25 =	vld [tilespmem:s29+$0xB0];
	v13 =	vperm.xlane v60, v4;
	v20, v21, _ =	vpop (xrf1);
	(xrf1) =	vsort.dscd.msk.f32 $0xffff, v7, v0;
	v7 =	vsel vm0, v24, v59  }
0x1dc: {  	v27 =	vld [tilespmem:s29+$0x90];
	v26 =	vsel vm0, v63, v62;
	v28 =	vpop (erf)  }
0x1dd: {  	v8 =	vsel vm0, v20, v8;
	v13 =	vsel vm0, v21, v13;
	(xrf1) =	vsort.dscd.msk.f32 $0xffff, v7, v26;
	v16 =	vadd.f32 $1.000000000e+00, v28  }
0x1de: {  	v29 =	vld [tilespmem:s29+$0xA0];
	(xrf1) =	vsort.dscd.msk.f32 $0xffff, v8, v13  }
0x1df: {  	(erf) = vrcp.f32 v16;
	v31, v7, _ =	vpop (xrf1)  }
0x1e0: {  	v30 =	vld [tilespmem:s29+$0x80];
	(xrf1) =	vsort.dscd.msk.f32 $0xffff, v25, v3;
	v32 =	vsub.f32 $0.0e+00, v31  }
0x1e1: {  	v8 =	vpop (erf);
	(xrf1) =	vsort.dscd.msk.f32 $0xffff, v27, v1  }
0x1e2: {  	v16 =	vmul.f32 $1.442695020e+00, v32;
	v34, v12, _ =	vpop (xrf1)  }
0x1e3: {  	(xrf1) =	vsort.dscd.msk.f32 $0xffff, v29, v2;
	v35 =	vpop (erf)  }
0x1e4: {  	(erf) = vpow2.f32 v16;
	v37, v36, _ =	vpop (xrf1)  }
0x1e5: {  	(xrf1) =	vsort.dscd.msk.f32 $0xffff, v30, v0;
	v18 =	vperm.xlane v36, v4;
	v39, v38, _ =	vpop (xrf1)  }
0x1e6: {  	v16 =	vperm.xlane v37, v4;
	v40, v22, _ =	vpop (xrf1)  }
0x1e7: {  	v33, _, _ =	vpop (xrf2);
	v13 =	vadd.f32 $1.000000000e+00, v35;
	v18 =	vsel vm0, v22, v18  }
0x1e8: {  	v19 =	vperm.xlane v39, v4;
	v41 =	vperm.xlane v38, v4;
	v23 =	vpop (erf);
	v16 =	vsel vm0, v40, v16  }
0x1e9: {  	(erf) = vrcp.f32 v13;
	v42 =	vnsel vm0, $0x0, v23;
	v43, v44, _ =	vpop (xrf1);
	(xrf1) =	vsort.dscd.msk.f32 $0xffff, v16, v18  }
0x1ea: {  	v14 =	vbroadcast v33, $0xF;
	(xrf2) =	vadd.scan.msk.f32 $0xffff, v42;
	v45 =	vsel vm0, v43, v19;
	v13 =	vsel vm0, v44, v41  }
0x1eb: {  	(xrf1) =	vsort.dscd.msk.f32 $0xffff, v45, v13;
	v16, v18, _ =	vpop (xrf1)  }
0x1ec: {  	(erf) = vrcp.f32 v14;
	v49, v48, _ =	vpop (xrf1)  }
0x1ed: {  	v50 =	vpop (erf)  }
0x1ee: {  	v47 =	vperm.xlane v16, v4;
	v52, v51, _ =	vpop (xrf1)  }
0x1ef: {  	v46 =	vsub.f32 $0.0e+00, v34;
	v18 =	vperm.xlane v18, v4;
	v16 =	vperm.xlane v52, v4;
	v55, v54, _ =	vpop (xrf1)  }
0x1f0: {  	v19 =	vadd.f32 $1.000000000e+00, v50;
	v53 =	vperm.xlane v51, v4;
	v21 =	vperm.xlane v54, v4  }
0x1f1: {  	v13 =	vmul.f32 $1.442695020e+00, v46;
	v14 =	vsel vm0, v49, v47;
	v17 =	vsel vm0, v48, v18;
	v57, v58, _ =	vpop (xrf1)  }
0x1f2: {  	(xrf1) =	vsort.dscd.msk.f32 $0xffff, v14, v17;
	(erf) = vrcp.f32 v19;
	v59 =	vpop (erf);
	v16 =	vsel vm0, v57, v16;
	v60 =	vsel vm0, v58, v53  }
0x1f3: {  	v56 =	vperm.xlane v55, v4;
	(erf) = vpow2.f32 v13;
	v61 =	vnsel vm0, $0x0, v59;
	v18, v20, _ =	vpop (xrf1);
	(xrf1) =	vsort.dscd.msk.f32 $0xffff, v16, v60  }
0x1f4: {  	v15 =	vmul.f32 $2.500000000e+00, v15;
	(xrf2) =	vadd.scan.msk.f32 $0xffff, v61;
	v63 =	vsel vm0, v20, v21;
	v21, _, _ =	vpop (xrf2)  }
0x1f5: {  	v62 =	vsel vm0, v18, v56;
	v20 =	vpop (erf);
	v13 =	vbroadcast v21, $0xF  }
0x1f6: {  	s29 =	sadd.s32 $0x20, s31;
	(xrf1) =	vsort.dscd.msk.f32 $0xffff, v62, v63;
	v22 =	vmul.f32 v20, v15  }
0x1f7: {  	s1 =	sadd.s32 $0x20, s0;
	[tilespmem:s29+$0xFFFFFFF0] =	vst.msk $0xff, v9;
	(erf) = vrcp.f32 v13;
	v24, v25, _ =	vpop (xrf1)  }
0x1f8: {  	[tilespmem:s1+$0xFFFFFFF0] =	vst.msk $0xff, v22;
	v26 =	vperm.xlane v24, v4;
	v13 =	vperm.xlane v25, v4  }
0x1f9: {  	v14 =	vld [tilespmem:s24+$0xFFFFFFB0];
	v28, v29, _ =	vpop (xrf1)  }
0x1fa: {  	v15 =	vsel vm0, v28, v26;
	v13 =	vsel vm0, v29, v13  }
0x1fb: {  	v27 =	vld [tilespmem:s24+$0xFFFFFF90];
	v9 =	vpop (erf);
	(xrf1) =	vsort.dscd.msk.f32 $0xffff, v15, v13  }
0x1fc: {  	v30 =	vld [tilespmem:s24+$0xFFFFFFA0];
	v31 =	vnsel vm0, $0x0, v9;
	v32 =	vpop (erf)  }
0x1fd: {  	v33 =	vld [tilespmem:s24+$0xFFFFFF80];
	(xrf2) =	vadd.scan.msk.f32 $0xffff, v31;
	v34 =	vadd.f32 $1.000000000e+00, v32  }
0x1fe: {  	(xrf1) =	vsort.dscd.msk.f32 $0xffff, v14, v3;
	v35, _, _ =	vpop (xrf2)  }
0x1ff: {  	v14 =	vbroadcast v35, $0xF;
	(erf) = vrcp.f32 v34  }
0x200: {  	v37 =	vmul.f32 $2.500000000e+00, v23;
	(xrf1) =	vsort.dscd.msk.f32 $0xffff, v27, v1;
	v36, v13, _ =	vpop (xrf1)  }
0x201: {  	(xrf1) =	vsort.dscd.msk.f32 $0xffff, v30, v2;
	(erf) = vrcp.f32 v14;
	v40 =	vpop (erf)  }
0x202: {  	v39, v38, _ =	vpop (xrf1);
	(xrf1) =	vsort.dscd.msk.f32 $0xffff, v33, v0;
	v16 =	vmul.f32 v40, v37  }
0x203: {  	[tilespmem:s25+$0xFFFFFFF8] =	vst.msk $0xff, v11;
	v14 =	vperm.xlane v39, v4  }
0x204: {  	v15 =	vsub.f32 $0.0e+00, v36;
	v17 =	vperm.xlane v38, v4;
	v41, v42, _ =	vpop (xrf1);
	[tilespmem:s26+$0xFFFFFFF8] =	vst.msk $0xff, v16  }
0x205: {  	v14 =	vsel vm0, v41, v14;
	v44 =	vld [tilespmem:s23+$0x30]  }
0x206: {  	v43 =	vmul.f32 $1.442695020e+00, v15;
	v17 =	vsel vm0, v42, v17;
	v45 =	vld [tilespmem:s23+$0x10]  }
0x207: {  	(xrf1) =	vsort.dscd.msk.f32 $0xffff, v14, v17;
	v46 =	vld [tilespmem:s23+$0x20];
	v47, _, _ =	vpop (xrf2)  }
0x208: {  	(erf) = vpow2.f32 v43;
	v16 =	vpop (erf)  }
0x209: {  	v19 =	vmul.f32 $2.500000000e+00, v59;
	v50 =	vld [tilespmem:s23+$0x0];
	v51, v14, _ =	vpop (xrf1)  }
0x20a: {  	v52 =	vpop (erf);
	(xrf1) =	vsort.dscd.msk.f32 $0xffff, v44, v3;
	v53 =	vsub.f32 $0.0e+00, v51  }
0x20b: {  	v49 =	vbroadcast v47, $0xF;
	v19 =	vmul.f32 v52, v19;
	(xrf1) =	vsort.dscd.msk.f32 $0xffff, v45, v1  }
0x20c: {  	[tilespmem:s17+$0x0] =	vst.msk $0xff, v10;
	v55, v54, _ =	vpop (xrf1);
	(xrf1) =	vsort.dscd.msk.f32 $0xffff, v46, v2;
	v15 =	vmul.f32 $1.442695020e+00, v53  }
0x20d: {  	(erf) = vrcp.f32 v49;
	v56 =	vperm.xlane v55, v4;
	[tilespmem:s18+$0x0] =	vst.msk $0xff, v19  }
0x20e: {  	v58, v57, _ =	vpop (xrf1);
	v59 =	vperm.xlane v54, v4;
	v62 =	vld [tilespmem:s28+$0xB0];
	(xrf1) =	vsort.dscd.msk.f32 $0xffff, v50, v0;
	(erf) = vpow2.f32 v15  }
0x20f: {  	v48 =	vnsel vm0, $0x0, v16;
	v10 =	vperm.xlane v58, v4;
	v61, v60, _ =	vpop (xrf1);
	v20 =	vperm.xlane v57, v4;
	v25 =	vld [tilespmem:s28+$0x90]  }
0x210: {  	(xrf2) =	vadd.scan.msk.f32 $0xffff, v48;
	v11 =	vsel vm0, v61, v56;
	v21 =	vsel vm0, v60, v59;
	v63, v24, _ =	vpop (xrf1)  }
0x211: {  	v26 =	vpop (erf);
	v28 =	vld [tilespmem:s28+$0xA0];
	(xrf1) =	vsort.dscd.msk.f32 $0xffff, v11, v21;
	v10 =	vsel vm0, v63, v10;
	v27 =	vsel vm0, v24, v20  }
0x212: {  	v29 =	vadd.f32 $1.000000000e+00, v26;
	(xrf1) =	vsort.dscd.msk.f32 $0xffff, v10, v27  }
0x213: {  	v30 =	vld [tilespmem:s28+$0x80];
	(xrf1) =	vsort.dscd.msk.f32 $0xffff, v62, v3  }
0x214: {  	(erf) = vrcp.f32 v29;
	(xrf1) =	vsort.dscd.msk.f32 $0xffff, v25, v1  }
0x215: {  	v19, v10, _ =	vpop (xrf1)  }
0x216: {  	v11 =	vpop (erf);
	(xrf1) =	vsort.dscd.msk.f32 $0xffff, v28, v2;
	v19 =	vsub.f32 $0.0e+00, v19  }
0x217: {  	v33 =	vpop (erf)  }
0x218: {  	(xrf1) =	vsort.dscd.msk.f32 $0xffff, v30, v0;
	v31 =	vmul.f32 $1.442695020e+00, v19;
	v35, v34, _ =	vpop (xrf1)  }
0x219: {  	v15 =	vadd.f32 $1.000000000e+00, v33;
	v18 =	vperm.xlane v35, v4;
	v19 =	vperm.xlane v34, v4;
	v37, v36, _ =	vpop (xrf1)  }
0x21a: {  	(erf) = vpow2.f32 v31;
	v20 =	vperm.xlane v37, v4;
	v39, v38, _ =	vpop (xrf1)  }
0x21b: {  	v32, _, _ =	vpop (xrf2);
	v21 =	vperm.xlane v36, v4;
	v18 =	vsel vm0, v39, v18;
	v19 =	vsel vm0, v38, v19  }
0x21c: {  	v17 =	vbroadcast v32, $0xF;
	(erf) = vrcp.f32 v15;
	v42, v41, _ =	vpop (xrf1);
	(xrf1) =	vsort.dscd.msk.f32 $0xffff, v18, v19  }
0x21d: {  	v43 =	vsel vm0, v42, v20;
	v44 =	vsel vm0, v41, v21;
	v15 =	vpop (erf)  }
0x21e: {  	(erf) = vrcp.f32 v17;
	(xrf1) =	vsort.dscd.msk.f32 $0xffff, v43, v44;
	v40 =	vnsel vm0, $0x0, v15  }
0x21f: {  	v45, v46, _ =	vpop (xrf1);
	(xrf2) =	vadd.scan.msk.f32 $0xffff, v40  }
0x220: {  	v47 =	vperm.xlane v45, v4;
	v48, v49, _ =	vpop (xrf1)  }
0x221: {  	v20 =	vperm.xlane v46, v4;
	v52, v51, _ =	vpop (xrf1)  }
0x222: {  	v17 =	vsel vm0, v48, v47;
	v55, v54, _ =	vpop (xrf1)  }
0x223: {  	v19 =	vsel vm0, v49, v20;
	v18 =	vperm.xlane v52, v4;
	v53 =	vperm.xlane v51, v4;
	v50 =	vpop (erf)  }
0x224: {  	v16 =	vmul.f32 $2.500000000e+00, v16;
	(xrf1) =	vsort.dscd.msk.f32 $0xffff, v17, v19;
	v57, v58, _ =	vpop (xrf1);
	v21 =	vadd.f32 $1.000000000e+00, v50  }
0x225: {  	v56 =	vperm.xlane v55, v4;
	v18 =	vsel vm0, v57, v18;
	v60 =	vsel vm0, v58, v53;
	v59 =	vpop (erf)  }
0x226: {  	v23 =	vperm.xlane v54, v4;
	v63, v62, _ =	vpop (xrf1);
	(xrf1) =	vsort.dscd.msk.f32 $0xffff, v18, v60;
	(erf) = vrcp.f32 v21;
	v61 =	vnsel vm0, $0x0, v59  }
0x227: {  	(xrf2) =	vadd.scan.msk.f32 $0xffff, v61;
	v26 =	vpop (erf)  }
0x228: {  	s28 =	sadd.s32 $0x20, s29;
	v17 =	vsel vm0, v63, v56;
	v25 =	vsel vm0, v62, v23;
	v16 =	vmul.f32 v26, v16  }
0x229: {  	s8 =	sadd.s32 $0x20, s1;
	[tilespmem:s28+$0xFFFFFFF0] =	vst.msk $0xff, v12;
	(xrf1) =	vsort.dscd.msk.f32 $0xffff, v17, v25;
	v27, _, _ =	vpop (xrf2)  }
0x22a: {  	[tilespmem:s8+$0xFFFFFFF0] =	vst.msk $0xff, v16;
	v17 =	vbroadcast v27, $0xF;
	v28, v29, _ =	vpop (xrf1)  }
0x22b: {  	v30 =	vld [tilespmem:s30+$0xFFFFFFB0];
	v31 =	vperm.xlane v28, v4;
	v16 =	vperm.xlane v29, v4  }
0x22c: {  	v33, v34, _ =	vpop (xrf1);
	(erf) = vrcp.f32 v17  }
0x22d: {  	v32 =	vld [tilespmem:s30+$0xFFFFFF90];
	v18 =	vsel vm0, v33, v31;
	v16 =	vsel vm0, v34, v16  }
0x22e: {  	v36 =	vld [tilespmem:s30+$0xFFFFFFA0];
	(xrf1) =	vsort.dscd.msk.f32 $0xffff, v18, v16  }
0x22f: {  	v12 =	vpop (erf)  }
0x230: {  	v37 =	vld [tilespmem:s30+$0xFFFFFF80];
	v35 =	vnsel vm0, $0x0, v12;
	(xrf1) =	vsort.dscd.msk.f32 $0xffff, v30, v3  }
0x231: {  	(xrf2) =	vadd.scan.msk.f32 $0xffff, v35;
	v38, _, _ =	vpop (xrf2)  }
0x232: {  	(xrf1) =	vsort.dscd.msk.f32 $0xffff, v32, v1;
	v39 =	vbroadcast v38, $0xF  }
0x233: {  	v40, v16, _ =	vpop (xrf1);
	(xrf1) =	vsort.dscd.msk.f32 $0xffff, v36, v2  }
0x234: {  	v15 =	vmul.f32 $2.500000000e+00, v15;
	v42, v41, _ =	vpop (xrf1);
	(erf) = vrcp.f32 v39  }
0x235: {  	(xrf1) =	vsort.dscd.msk.f32 $0xffff, v37, v0;
	v17 =	vperm.xlane v42, v4;
	v43 =	vpop (erf)  }
0x236: {  	v20 =	vperm.xlane v41, v4;
	v15 =	vmul.f32 v43, v15  }
0x237: {  	[tilespmem:s31+$0xFFFFFFF8] =	vst.msk $0xff, v13;
	v45, v44, _ =	vpop (xrf1)  }
0x238: {  	v17 =	vsel vm0, v45, v17;
	v46 =	vsel vm0, v44, v20;
	[tilespmem:s0+$0xFFFFFFF8] =	vst.msk $0xff, v15  }
0x239: {  	v47 =	vsub.f32 $0.0e+00, v40;
	(xrf1) =	vsort.dscd.msk.f32 $0xffff, v17, v46;
	v15 =	vld [tilespmem:s22+$0x30]  }
0x23a: {  	v48 =	vld [tilespmem:s22+$0x10]  }
0x23b: {  	v13 =	vmul.f32 $1.442695020e+00, v47;
	v49 =	vld [tilespmem:s22+$0x20];
	v50, _, _ =	vpop (xrf2)  }
0x23c: {  	v53 =	vld [tilespmem:s22+$0x0];
	v51 =	vbroadcast v50, $0xF;
	v54, v17, _ =	vpop (xrf1)  }
0x23d: {  	v52 =	vmul.f32 $2.500000000e+00, v59;
	(erf) = vpow2.f32 v13;
	v55 =	vpop (erf)  }
0x23e: {  	v56 =	vsub.f32 $0.0e+00, v54;
	(erf) = vrcp.f32 v51;
	v58, v57, _ =	vpop (xrf1);
	(xrf1) =	vsort.dscd.msk.f32 $0xffff, v15, v3  }
0x23f: {  	v20 =	vmul.f32 v55, v52;
	v13 =	vperm.xlane v58, v4;
	(xrf1) =	vsort.dscd.msk.f32 $0xffff, v48, v1  }
0x240: {  	v60, v59, _ =	vpop (xrf1);
	v61 =	vperm.xlane v57, v4;
	v15 =	vmul.f32 $1.442695020e+00, v56;
	(xrf1) =	vsort.dscd.msk.f32 $0xffff, v49, v2  }
0x241: {  	[tilespmem:s19+$0x0] =	vst.msk $0xff, v14;
	v14 =	vperm.xlane v60, v4;
	v18 =	vperm.xlane v59, v4;
	v63, v62, _ =	vpop (xrf1);
	(xrf1) =	vsort.dscd.msk.f32 $0xffff, v53, v0  }
0x242: {  	[tilespmem:s20+$0x0] =	vst.msk $0xff, v20;
	v13 =	vsel vm0, v63, v13;
	v25 =	vsel vm0, v62, v61;
	(erf) = vpow2.f32 v15  }
0x243: {  	v24 =	vld [tilespmem:s21+$0xB0];
	v27, v26, _ =	vpop (xrf1);
	(xrf1) =	vsort.dscd.msk.f32 $0xffff, v13, v25  }
0x244: {  	v28 =	vld [tilespmem:s21+$0x90];
	v14 =	vsel vm0, v27, v14;
	v18 =	vsel vm0, v26, v18  }
0x245: {  	v30 =	vld [tilespmem:s21+$0xA0];
	(xrf1) =	vsort.dscd.msk.f32 $0xffff, v14, v18;
	_ =	sdelay $0x1  }
0x246: {  	v32, v13, _ =	vpop (xrf1)  }
0x247: {  	v29 =	vpop (erf);
	(xrf1) =	vsort.dscd.msk.f32 $0xffff, v24, v3;
	v18 =	vsub.f32 $0.0e+00, v32  }
0x248: {  	v31 =	vadd.f32 $1.000000000e+00, v29;
	(xrf1) =	vsort.dscd.msk.f32 $0xffff, v28, v1  }
0x249: {  	v33 =	vld [tilespmem:s21+$0x80];
	v14 =	vpop (erf);
	v18 =	vmul.f32 $1.442695020e+00, v18;
	(xrf1) =	vsort.dscd.msk.f32 $0xffff, v30, v2  }
0x24a: {  	(erf) = vrcp.f32 v31;
	v34 =	vpop (erf)  }
0x24b: {  	(erf) = vpow2.f32 v18;
	v36, v35, _ =	vpop (xrf1)  }
0x24c: {  	v37 =	vperm.xlane v35, v4;
	v39, v38, _ =	vpop (xrf1)  }
0x24d: {  	v15 =	vadd.f32 $1.000000000e+00, v34;
	v40, v41, _ =	vpop (xrf1);
	v42 =	vperm.xlane v38, v4  }
0x24e: {  	(xrf1) =	vsort.dscd.msk.f32 $0xffff, v33, v0;
	v18 =	vperm.xlane v36, v4;
	v19 =	vsel vm0, v41, v37;
	v43, v44, _ =	vpop (xrf1)  }
0x24f: {  	(erf) = vrcp.f32 v15;
	v20 =	vperm.xlane v39, v4;
	v15 =	vsel vm0, v44, v42  }
0x250: {  	v18 =	vsel vm0, v40, v18;
	v48, v49, _ =	vpop (xrf1)  }
0x251: {  	(xrf1) =	vsort.dscd.msk.f32 $0xffff, v18, v19;
	v46 =	vsel vm0, v43, v20;
	v22 =	vperm.xlane v49, v4  }
0x252: {  	(xrf1) =	vsort.dscd.msk.f32 $0xffff, v46, v15;
	v50 =	vperm.xlane v48, v4;
	v15, v19, _ =	vpop (xrf1)  }
0x253: {  	v45 =	vpop (erf);
	v19 =	vsel vm0, v19, v22  }
0x254: {  	v47 =	vnsel vm0, $0x0, v45;
	v51 =	vpop (erf);
	v15 =	vsel vm0, v15, v50  }
0x255: {  	(xrf2) =	vadd.scan.msk.f32 $0xffff, v47;
	v53, v52, _ =	vpop (xrf1)  }
0x256: {  	v54, v25, _ =	vpop (xrf1);
	v56 =	vperm.xlane v52, v4  }
0x257: {  	v55 =	vperm.xlane v53, v4;
	(xrf1) =	vsort.dscd.msk.f32 $0xffff, v15, v19;
	v15, v19, _ =	vpop (xrf1)  }
0x258: {  	v57 =	vpop (erf);
	v19 =	vsel vm0, v19, v56  }
0x259: {  	v26 =	vnsel vm0, $0x0, v57;
	v15 =	vsel vm0, v15, v55  }
0x25a: {  	(xrf2) =	vadd.scan.msk.f32 $0xffff, v26  }
0x25b: {  	v21 =	vadd.f32 $1.000000000e+00, v51;
	v20 =	vperm.xlane v54, v4;
	v58 =	vperm.xlane v25, v4  }
0x25c: {  	(xrf1) =	vsort.dscd.msk.f32 $0xffff, v15, v19;
	v15, v19, _ =	vpop (xrf1)  }
0x25d: {  	(erf) = vrcp.f32 v21;
	v15 =	vsel vm0, v15, v20;
	v19 =	vsel vm0, v19, v58  }
0x25e: {  	(xrf1) =	vsort.dscd.msk.f32 $0xffff, v15, v19  }
0x25f: {  	v59, _, _ =	vpop (xrf2)  }
0x260: {  	v61, v60, _ =	vpop (xrf1);
	v15 =	vbroadcast v59, $0xF  }
0x261: {  	v19 =	vperm.xlane v61, v4;
	v20 =	vperm.xlane v60, v4  }
0x262: {  	v62, v63, _ =	vpop (xrf1);
	(erf) = vrcp.f32 v15  }
0x263: {  	v25 =	vsel vm0, v62, v19;
	v26 =	vsel vm0, v63, v20  }
0x264: {  	(xrf1) =	vsort.dscd.msk.f32 $0xffff, v25, v26;
	v27, _, _ =	vpop (xrf2)  }
0x265: {  	v28 =	vbroadcast v27, $0xF  }
0x266: {  	v15 =	vpop (erf)  }
0x267: {  	v30, v20, _ =	vpop (xrf1);
	(erf) = vrcp.f32 v28  }
0x268: {  	v29 =	vnsel vm0, $0x0, v15;
	v19 =	vsub.f32 $0.0e+00, v30  }
0x269: {  	(xrf2) =	vadd.scan.msk.f32 $0xffff, v29  }
0x26a: {  	v18 =	vmul.f32 $2.500000000e+00, v45;
	v19 =	vmul.f32 $1.442695020e+00, v19;
	v31, v32, _ =	vpop (xrf1)  }
0x26b: {  	v21 =	vperm.xlane v31, v4;
	v22 =	vperm.xlane v32, v4;
	v33 =	vpop (erf)  }
0x26c: {  	(erf) = vpow2.f32 v19;
	v18 =	vmul.f32 v33, v18;
	v35, v34, _ =	vpop (xrf1)  }
0x26d: {  	[tilespmem:s29+$0xFFFFFFF8] =	vst.msk $0xff, v16;
	v21 =	vsel vm0, v35, v21;
	v22 =	vsel vm0, v34, v22  }
0x26e: {  	[tilespmem:s1+$0xFFFFFFF8] =	vst.msk $0xff, v18;
	(xrf1) =	vsort.dscd.msk.f32 $0xffff, v21, v22  }
0x26f: {  	v36 =	vmul.f32 $2.500000000e+00, v57;
	v18 =	vld [tilespmem:s24+$0x30]  }
0x270: {  	v37 =	vpop (erf);
	v38 =	vld [tilespmem:s24+$0x10]  }
0x271: {  	v16 =	vmul.f32 v37, v36  }
0x272: {  	[tilespmem:s25+$0x0] =	vst.msk $0xff, v17;
	v41 =	vld [tilespmem:s24+$0x20];
	v39, v23, _ =	vpop (xrf1)  }
0x273: {  	v43 =	vld [tilespmem:s24+$0x0];
	v40, _, _ =	vpop (xrf2);
	v22 =	vsub.f32 $0.0e+00, v39;
	[tilespmem:s26+$0x0] =	vst.msk $0xff, v16  }
0x274: {  	v42 =	vbroadcast v40, $0xF;
	v45 =	vld [tilespmem:s23+$0xB0];
	(xrf1) =	vsort.dscd.msk.f32 $0xffff, v18, v3  }
0x275: {  	v46 =	vld [tilespmem:s23+$0x90];
	v44 =	vmul.f32 $1.442695020e+00, v22;
	v47 =	vpop (erf);
	(xrf1) =	vsort.dscd.msk.f32 $0xffff, v38, v1  }
0x276: {  	(erf) = vrcp.f32 v42;
	v48 =	vld [tilespmem:s23+$0xA0];
	v16 =	vadd.f32 $1.000000000e+00, v47  }
0x277: {  	(erf) = vpow2.f32 v44;
	(xrf1) =	vsort.dscd.msk.f32 $0xffff, v41, v2  }
0x278: {  	v49 =	vld [tilespmem:s23+$0x80];
	(xrf1) =	vsort.dscd.msk.f32 $0xffff, v43, v0;
	(erf) = vrcp.f32 v16  }
0x279: {  	(xrf1) =	vsort.dscd.msk.f32 $0xffff, v45, v3  }
0x27a: {  	(xrf1) =	vsort.dscd.msk.f32 $0xffff, v46, v1  }
0x27b: {  	(xrf1) =	vsort.dscd.msk.f32 $0xffff, v48, v2  }
0x27c: {  	v50, v16, _ =	vpop (xrf1)  }
0x27d: {  	(xrf1) =	vsort.dscd.msk.f32 $0xffff, v49, v0;
	v51 =	vsub.f32 $0.0e+00, v50;
	_ =	sdelay $0x1  }
0x27e: {  	v17 =	vpop (erf);
	v18 =	vmul.f32 $1.442695020e+00, v51  }
0x27f: {  	v52 =	vpop (erf)  }
0x280: {  	v19 =	vadd.f32 $1.000000000e+00, v52;
	v53 =	vpop (erf);
	(erf) = vpow2.f32 v18  }
0x281: {  	v55, v54, _ =	vpop (xrf1)  }
0x282: {  	v56 =	vnsel vm0, $0x0, v53;
	v18 =	vperm.xlane v55, v4;
	v58, v57, _ =	vpop (xrf1);
	(erf) = vrcp.f32 v19  }
0x283: {  	(xrf2) =	vadd.scan.msk.f32 $0xffff, v56;
	v21 =	vperm.xlane v54, v4;
	v25 =	vperm.xlane v57, v4  }
0x284: {  	v59 =	vperm.xlane v58, v4;
	v61, v60, _ =	vpop (xrf1)  }
0x285: {  	v18 =	vsel vm0, v61, v18;
	v21 =	vsel vm0, v60, v21;
	v62, v63, _ =	vpop (xrf1)  }
0x286: {  	(xrf1) =	vsort.dscd.msk.f32 $0xffff, v18, v21;
	v28 =	vsel vm0, v62, v59;
	v29, v30, _ =	vpop (xrf1);
	v31 =	vsel vm0, v63, v25  }
0x287: {  	v21 =	vperm.xlane v29, v4;
	v22 =	vperm.xlane v30, v4;
	(xrf1) =	vsort.dscd.msk.f32 $0xffff, v28, v31;
	v25, v26, _ =	vpop (xrf1)  }
0x288: {  	v18, v24, _ =	vpop (xrf1);
	v34 =	vperm.xlane v25, v4  }
0x289: {  	v26 =	vperm.xlane v26, v4;
	v18 =	vsel vm0, v18, v21;
	v32 =	vsel vm0, v24, v22;
	v27 =	vpop (erf)  }
0x28a: {  	(xrf1) =	vsort.dscd.msk.f32 $0xffff, v18, v32;
	v38, v37, _ =	vpop (xrf1)  }
0x28b: {  	v33 =	vadd.f32 $1.000000000e+00, v27;
	v35 =	vpop (erf);
	v39 =	vsel vm0, v38, v34;
	v40 =	vsel vm0, v37, v26  }
0x28c: {  	v36 =	vnsel vm0, $0x0, v35;
	(xrf1) =	vsort.dscd.msk.f32 $0xffff, v39, v40  }
0x28d: {  	v41, _, _ =	vpop (xrf2);
	(erf) = vrcp.f32 v33;
	(xrf2) =	vadd.scan.msk.f32 $0xffff, v36  }
0x28e: {  	v18 =	vbroadcast v41, $0xF;
	_ =	sdelay $0x1  }
0x28f: {  	(erf) = vrcp.f32 v18;
	_ =	sdelay $0x3  }
0x290: {  	v43, v42, _ =	vpop (xrf1)  }
0x291: {  	v44, v45, _ =	vpop (xrf1)  }
0x292: {  	v18 =	vpop (erf)  }
0x293: {  	v19 =	vmul.f32 $2.500000000e+00, v53;
	v46, _, _ =	vpop (xrf2)  }
0x294: {  	v21 =	vperm.xlane v43, v4;
	v22 =	vperm.xlane v42, v4;
	v28, v29, _ =	vpop (xrf1)  }
0x295: {  	v30 =	vpop (erf);
	v27 =	vbroadcast v46, $0xF;
	v28 =	vperm.xlane v28, v4  }
0x296: {  	v29 =	vperm.xlane v29, v4;
	v19 =	vmul.f32 v30, v19  }
0x297: {  	[tilespmem:s28+$0xFFFFFFF8] =	vst.msk $0xff, v20;
	v21 =	vsel vm0, v44, v21;
	v22 =	vsel vm0, v45, v22;
	(erf) = vrcp.f32 v27;
	v47, v48, _ =	vpop (xrf1)  }
0x298: {  	(xrf1) =	vsort.dscd.msk.f32 $0xffff, v21, v22;
	[tilespmem:s8+$0xFFFFFFF8] =	vst.msk $0xff, v19;
	v49 =	vsel vm0, v47, v28;
	v50 =	vsel vm0, v48, v29  }
0x299: {  	v19 =	vld [tilespmem:s30+$0x30];
	(xrf1) =	vsort.dscd.msk.f32 $0xffff, v49, v50  }
0x29a: {  	v51 =	vnsel vm0, $0x0, v18;
	v52 =	vld [tilespmem:s30+$0x10]  }
0x29b: {  	(xrf2) =	vadd.scan.msk.f32 $0xffff, v51;
	v53 =	vld [tilespmem:s30+$0x20];
	_ =	sdelay $0x1  }
0x29c: {  	v54 =	vld [tilespmem:s30+$0x0]  }
0x29d: {  	(xrf1) =	vsort.dscd.msk.f32 $0xffff, v19, v3  }
0x29e: {  	v55 =	vmul.f32 $2.500000000e+00, v35;
	(xrf1) =	vsort.dscd.msk.f32 $0xffff, v52, v1  }
0x29f: {  	(xrf1) =	vsort.dscd.msk.f32 $0xffff, v53, v2;
	v56 =	vpop (erf)  }
0x2a0: {  	v19 =	vmul.f32 v56, v55  }
0x2a1: {  	[tilespmem:s31+$0x0] =	vst.msk $0xff, v23;
	(xrf1) =	vsort.dscd.msk.f32 $0xffff, v54, v0  }
0x2a2: {  	[tilespmem:s0+$0x0] =	vst.msk $0xff, v19  }
0x2a3: {  	v57 =	vld [tilespmem:s22+$0xB0]  }
0x2a4: {  	v58, _, _ =	vpop (xrf2);
	v59 =	vld [tilespmem:s22+$0x90]  }
0x2a5: {  	v60, v24, _ =	vpop (xrf1);
	v23 =	vld [tilespmem:s22+$0xA0]  }
0x2a6: {  	v61 =	vsub.f32 $0.0e+00, v60;
	v62, v19, _ =	vpop (xrf1)  }
0x2a7: {  	v21 =	vbroadcast v58, $0xF;
	v63 =	vld [tilespmem:s22+$0x80];
	v26 =	vsub.f32 $0.0e+00, v62  }
0x2a8: {  	v25 =	vmul.f32 $1.442695020e+00, v61;
	(xrf1) =	vsort.dscd.msk.f32 $0xffff, v57, v3  }
0x2a9: {  	(erf) = vrcp.f32 v21;
	(xrf1) =	vsort.dscd.msk.f32 $0xffff, v59, v1;
	v30 =	vmul.f32 $1.442695020e+00, v26  }
0x2aa: {  	(erf) = vpow2.f32 v25;
	(xrf1) =	vsort.dscd.msk.f32 $0xffff, v23, v2  }
0x2ab: {  	v32, v31, _ =	vpop (xrf1);
	(erf) = vpow2.f32 v30  }
0x2ac: {  	(xrf1) =	vsort.dscd.msk.f32 $0xffff, v63, v0;
	v20 =	vperm.xlane v32, v4;
	v21 =	vperm.xlane v31, v4;
	v33, v34, _ =	vpop (xrf1)  }
0x2ad: {  	v22 =	vperm.xlane v33, v4;
	v36, v35, _ =	vpop (xrf1)  }
0x2ae: {  	v23 =	vperm.xlane v34, v4;
	v20 =	vsel vm0, v36, v20;
	v21 =	vsel vm0, v35, v21  }
0x2af: {  	v37, v38, _ =	vpop (xrf1);
	(xrf1) =	vsort.dscd.msk.f32 $0xffff, v20, v21  }
0x2b0: {  	v39 =	vsel vm0, v37, v22;
	v40 =	vsel vm0, v38, v23  }
0x2b1: {  	(xrf1) =	vsort.dscd.msk.f32 $0xffff, v39, v40;
	_ =	sdelay $0x1  }
0x2b2: {  	v20 =	vpop (erf)  }
0x2b3: {  	v41 =	vpop (erf)  }
0x2b4: {  	v42 =	vpop (erf)  }
0x2b5: {  	v21 =	vadd.f32 $1.000000000e+00, v41;
	v44, v43, _ =	vpop (xrf1)  }
0x2b6: {  	v23 =	vperm.xlane v44, v4;
	v25 =	vperm.xlane v43, v4;
	v46, v45, _ =	vpop (xrf1)  }
0x2b7: {  	(erf) = vrcp.f32 v21;
	v47 =	vadd.f32 $1.000000000e+00, v42;
	v48 =	vperm.xlane v46, v4;
	v50, v49, _ =	vpop (xrf1)  }
0x2b8: {  	v27 =	vperm.xlane v45, v4;
	v23 =	vsel vm0, v50, v23;
	v25 =	vsel vm0, v49, v25  }
0x2b9: {  	v51, v52, _ =	vpop (xrf1);
	(xrf1) =	vsort.dscd.msk.f32 $0xffff, v23, v25  }
0x2ba: {  	(erf) = vrcp.f32 v47;
	v53 =	vsel vm0, v51, v48;
	v54 =	vsel vm0, v52, v27  }
0x2bb: {  	(xrf1) =	vsort.dscd.msk.f32 $0xffff, v53, v54  }
0x2bc: {  	v21, v22, _ =	vpop (xrf1)  }
0x2bd: {  	v21 =	vperm.xlane v21, v4;
	v22 =	vperm.xlane v22, v4  }
0x2be: {  	v23, v25, _ =	vpop (xrf1)  }
0x2bf: {  	v21 =	vsel vm0, v23, v21;
	v22 =	vsel vm0, v25, v22  }
0x2c0: {  	(xrf1) =	vsort.dscd.msk.f32 $0xffff, v21, v22  }
0x2c1: {  	v55 =	vpop (erf)  }
0x2c2: {  	v56 =	vnsel vm0, $0x0, v55  }
0x2c3: {  	(xrf2) =	vadd.scan.msk.f32 $0xffff, v56;
	v21 =	vpop (erf)  }
0x2c4: {  	v57 =	vnsel vm0, $0x0, v21  }
0x2c5: {  	(xrf2) =	vadd.scan.msk.f32 $0xffff, v57;
	_ =	sdelay $0x1  }
0x2c6: {  	v59, v58, _ =	vpop (xrf1)  }
0x2c7: {  	v23 =	vperm.xlane v59, v4;
	v25 =	vperm.xlane v58, v4  }
0x2c8: {  	v60, v61, _ =	vpop (xrf1)  }
0x2c9: {  	v23 =	vsel vm0, v60, v23;
	v25 =	vsel vm0, v61, v25  }
0x2ca: {  	(xrf1) =	vsort.dscd.msk.f32 $0xffff, v23, v25;
	_ =	sdelay $0x1  }
0x2cb: {  	v62, _, _ =	vpop (xrf2)  }
0x2cc: {  	v33, v63, _ =	vpop (xrf1)  }
0x2cd: {  	v23 =	vbroadcast v62, $0xF;
	v34, _, _ =	vpop (xrf2);
	v25 =	vsub.f32 $0.0e+00, v33  }
0x2ce: {  	v27 =	vbroadcast v34, $0xF  }
0x2cf: {  	(erf) = vrcp.f32 v23;
	v35 =	vmul.f32 $1.442695020e+00, v25  }
0x2d0: {  	(erf) = vrcp.f32 v27  }
0x2d1: {  	(erf) = vpow2.f32 v35;
	_ =	sdelay $0x5  }
0x2d2: {  	v36 =	vmul.f32 $2.500000000e+00, v55;
	v37, v22, _ =	vpop (xrf1)  }
0x2d3: {  	v38 =	vpop (erf);
	v25 =	vsub.f32 $0.0e+00, v37  }
0x2d4: {  	v27 =	vmul.f32 v38, v36;
	v23 =	vpop (erf)  }
0x2d5: {  	[tilespmem:s29+$0x0] =	vst.msk $0xff, v24;
	v40 =	vpop (erf);
	v39 =	vmul.f32 $1.442695020e+00, v25  }
0x2d6: {  	[tilespmem:s1+$0x0] =	vst.msk $0xff, v27;
	v25 =	vadd.f32 $1.000000000e+00, v40  }
0x2d7: {  	v27 =	vld [tilespmem:s24+$0xB0];
	(erf) = vpow2.f32 v39  }
0x2d8: {  	v41 =	vld [tilespmem:s24+$0x90];
	(erf) = vrcp.f32 v25  }
0x2d9: {  	v42 =	vld [tilespmem:s24+$0xA0];
	_ =	sdelay $0x2  }
0x2da: {  	v43 =	vld [tilespmem:s24+$0x80];
	(xrf1) =	vsort.dscd.msk.f32 $0xffff, v27, v3  }
0x2db: {  	(xrf1) =	vsort.dscd.msk.f32 $0xffff, v41, v1  }
0x2dc: {  	(xrf1) =	vsort.dscd.msk.f32 $0xffff, v42, v2;
	_ =	sdelay $0x1  }
0x2dd: {  	v44 =	vpop (erf)  }
0x2de: {  	(xrf1) =	vsort.dscd.msk.f32 $0xffff, v43, v0;
	v45 =	vpop (erf)  }
0x2df: {  	v46 =	vnsel vm0, $0x0, v45  }
0x2e0: {  	(xrf2) =	vadd.scan.msk.f32 $0xffff, v46;
	_ =	sdelay $0x6  }
0x2e1: {  	v48, v47, _ =	vpop (xrf1)  }
0x2e2: {  	v50, v49, _ =	vpop (xrf1)  }
0x2e3: {  	v27 =	vperm.xlane v48, v4;
	v28 =	vperm.xlane v47, v4;
	v31, v32, _ =	vpop (xrf1)  }
0x2e4: {  	v24 =	vadd.f32 $1.000000000e+00, v44;
	v29 =	vperm.xlane v50, v4;
	v30 =	vperm.xlane v49, v4;
	v33, _, _ =	vpop (xrf2)  }
0x2e5: {  	v27 =	vsel vm0, v31, v27;
	v28 =	vsel vm0, v32, v28;
	v51 =	vbroadcast v33, $0xF  }
0x2e6: {  	(erf) = vrcp.f32 v24;
	v53, v52, _ =	vpop (xrf1);
	(xrf1) =	vsort.dscd.msk.f32 $0xffff, v27, v28  }
0x2e7: {  	v24 =	vsel vm0, v53, v29;
	v54 =	vsel vm0, v52, v30;
	(erf) = vrcp.f32 v51  }
0x2e8: {  	(xrf1) =	vsort.dscd.msk.f32 $0xffff, v24, v54;
	_ =	sdelay $0x6  }
0x2e9: {  	v25 =	vmul.f32 $2.500000000e+00, v45;
	v24 =	vpop (erf)  }
0x2ea: {  	v55 =	vpop (erf)  }
0x2eb: {  	v25 =	vmul.f32 v55, v25  }
0x2ec: {  	[tilespmem:s28+$0x0] =	vst.msk $0xff, v63  }
0x2ed: {  	[tilespmem:s8+$0x0] =	vst.msk $0xff, v25  }
0x2ee: {  	v57, v56, _ =	vpop (xrf1);
	v58 =	vld [tilespmem:s30+$0xB0]  }
0x2ef: {  	v26 =	vperm.xlane v56, v4;
	v25 =	vperm.xlane v57, v4;
	v59 =	vld [tilespmem:s30+$0x90]  }
0x2f0: {  	v60 =	vnsel vm0, $0x0, v24;
	v61, v62, _ =	vpop (xrf1);
	v63 =	vld [tilespmem:s30+$0xA0]  }
0x2f1: {  	(xrf2) =	vadd.scan.msk.f32 $0xffff, v60;
	v26 =	vsel vm0, v62, v26;
	v25 =	vsel vm0, v61, v25  }
0x2f2: {  	v34 =	vld [tilespmem:s30+$0x80];
	(xrf1) =	vsort.dscd.msk.f32 $0xffff, v25, v26  }
0x2f3: {  	(xrf1) =	vsort.dscd.msk.f32 $0xffff, v58, v3  }
0x2f4: {  	(xrf1) =	vsort.dscd.msk.f32 $0xffff, v59, v1  }
0x2f5: {  	(xrf1) =	vsort.dscd.msk.f32 $0xffff, v63, v2;
	_ =	sdelay $0x1  }
0x2f6: {  	(xrf1) =	vsort.dscd.msk.f32 $0xffff, v34, v0;
	_ =	sdelay $0x6  }
0x2f7: {  	v35, _, _ =	vpop (xrf2)  }
0x2f8: {  	v25 =	vbroadcast v35, $0xF  }
0x2f9: {  	v26, v27, _ =	vpop (xrf1)  }
0x2fa: {  	(erf) = vrcp.f32 v25;
	v26 =	vsub.f32 $0.0e+00, v26;
	v37, v36, _ =	vpop (xrf1)  }
0x2fb: {  	v28 =	vperm.xlane v37, v4;
	v38, v39, _ =	vpop (xrf1);
	v29 =	vperm.xlane v36, v4  }
0x2fc: {  	v26 =	vmul.f32 $1.442695020e+00, v26;
	v32, v40, _ =	vpop (xrf1);
	v42 =	vperm.xlane v38, v4  }
0x2fd: {  	v43 =	vperm.xlane v39, v4;
	v41 =	vsel vm0, v32, v28;
	v29 =	vsel vm0, v40, v29  }
0x2fe: {  	(erf) = vpow2.f32 v26;
	v45, v44, _ =	vpop (xrf1);
	(xrf1) =	vsort.dscd.msk.f32 $0xffff, v41, v29  }
0x2ff: {  	v46 =	vsel vm0, v45, v42;
	v47 =	vsel vm0, v44, v43  }
0x300: {  	(xrf1) =	vsort.dscd.msk.f32 $0xffff, v46, v47;
	_ =	sdelay $0x5  }
0x301: {  	v48 =	vpop (erf)  }
0x302: {  	v49 =	vpop (erf)  }
0x303: {  	v26 =	vadd.f32 $1.000000000e+00, v49;
	_ =	sdelay $0x1  }
0x304: {  	(erf) = vrcp.f32 v26;
	_ =	sdelay $0x1  }
0x305: {  	v51, v50, _ =	vpop (xrf1)  }
0x306: {  	v26 =	vperm.xlane v51, v4;
	v28 =	vperm.xlane v50, v4  }
0x307: {  	v52, v53, _ =	vpop (xrf1)  }
0x308: {  	v26 =	vsel vm0, v52, v26;
	v28 =	vsel vm0, v53, v28  }
0x309: {  	(xrf1) =	vsort.dscd.msk.f32 $0xffff, v26, v28;
	_ =	sdelay $0x2  }
0x30a: {  	v54 =	vpop (erf)  }
0x30b: {  	v55 =	vnsel vm0, $0x0, v54  }
0x30c: {  	(xrf2) =	vadd.scan.msk.f32 $0xffff, v55;
	_ =	sdelay $0x8  }
0x30d: {  	v57, v56, _ =	vpop (xrf1)  }
0x30e: {  	v58, _, _ =	vpop (xrf2);
	v28 =	vsub.f32 $0.0e+00, v57  }
0x30f: {  	v30 =	vbroadcast v58, $0xF  }
0x310: {  	v28 =	vmul.f32 $1.442695020e+00, v28  }
0x311: {  	(erf) = vrcp.f32 v30  }
0x312: {  	(erf) = vpow2.f32 v28;
	_ =	sdelay $0x7  }
0x313: {  	v59 =	vpop (erf)  }
0x314: {  	v60 =	vpop (erf)  }
0x315: {  	v30 =	vadd.f32 $1.000000000e+00, v60;
	_ =	sdelay $0x1  }
0x316: {  	(erf) = vrcp.f32 v30;
	_ =	sdelay $0x8  }
0x317: {  	v30 =	vpop (erf)  }
0x318: {  	v61 =	vnsel vm0, $0x0, v30  }
0x319: {  	(xrf2) =	vadd.scan.msk.f32 $0xffff, v61;
	_ =	sdelay $0x4  }
0x31a: {  	v6 =	vmul.f32 $2.500000000e+00, v6;
	_ =	sdelay $0x1  }
0x31b: {  	v6 =	vmul.f32 v8, v6;
	v62 =	vmul.f32 $2.500000000e+00, v9  }
0x31c: {  	[tilespmem:s11+$0x8] =	vst.msk $0xff, v5  }
0x31d: {  	[tilespmem:s12+$0x8] =	vst.msk $0xff, v6;
	v6 =	vmul.f32 $2.500000000e+00, v12;
	v5 =	vmul.f32 v11, v62  }
0x31e: {  	[tilespmem:s14+$0x8] =	vst.msk $0xff, v7;
	v7 =	vmul.f32 $2.500000000e+00, v15;
	v63, _, _ =	vpop (xrf2)  }
0x31f: {  	[tilespmem:s13+$0x8] =	vst.msk $0xff, v5;
	v5 =	vmul.f32 v14, v6;
	v6 =	vbroadcast v63, $0xF  }
0x320: {  	[tilespmem:s15+$0x8] =	vst.msk $0xff, v10;
	v7 =	vmul.f32 v17, v7  }
0x321: {  	[tilespmem:s16+$0x8] =	vst.msk $0xff, v5;
	v5 =	vmul.f32 $2.500000000e+00, v18;
	(erf) = vrcp.f32 v6  }
0x322: {  	[tilespmem:s17+$0x8] =	vst.msk $0xff, v13  }
0x323: {  	[tilespmem:s18+$0x8] =	vst.msk $0xff, v7;
	v5 =	vmul.f32 v20, v5;
	v6 =	vmul.f32 $2.500000000e+00, v21  }
0x324: {  	[tilespmem:s19+$0x8] =	vst.msk $0xff, v16  }
0x325: {  	[tilespmem:s20+$0x8] =	vst.msk $0xff, v5;
	v5 =	vmul.f32 v23, v6;
	v6 =	vmul.f32 $2.500000000e+00, v24  }
0x326: {  	[tilespmem:s25+$0x8] =	vst.msk $0xff, v19  }
0x327: {  	[tilespmem:s26+$0x8] =	vst.msk $0xff, v5;
	v5 =	vmul.f32 v48, v6;
	v6 =	vmul.f32 $2.500000000e+00, v54  }
0x328: {  	[tilespmem:s31+$0x8] =	vst.msk $0xff, v22  }
0x329: {  	[tilespmem:s0+$0x8] =	vst.msk $0xff, v5;
	v5 =	vmul.f32 v59, v6;
	v6 =	vmul.f32 $2.500000000e+00, v30  }
0x32a: {  	[tilespmem:s29+$0x8] =	vst.msk $0xff, v27;
	v7 =	vpop (erf)  }
0x32b: {  	[tilespmem:s1+$0x8] =	vst.msk $0xff, v5;
	v5 =	vmul.f32 v7, v6  }
0x32c: {  	[tilespmem:s28+$0x8] =	vst.msk $0xff, v56  }
0x32d: {  	s31 =	simm.s32 $0x8000;
	[tilespmem:s8+$0x8] =	vst.msk $0xff, v5  }
0x32e: {  	[hbm4b:s4+s2] =	stream.linear.scatter [tilespmem:s31], [sflag:$0x1], $0x800, $0x38;
	[tilespmem:$0x9100] =	vst v63  }
0x32f: {  	s10 =	sadd.s32 $0x1, s10;
	_ =	swait.ge [sflag:s7], $0x800  }
0x330: {  	p0 =	sne.s32 s10, s6;
	[sflag:s7] =	ssyncset.done $0x0  }
.Ltmp1:
0x331: {  	[sflag:s7] =	ssyncadd.s32 $0xFFFFF800;
	(pc) =	sbr.rel @p0 .LBB2_1-.Ltmp1, $4  }
0x332: {  	[hbm4b:s5+s2] =	stream.linear.scatter [tilespmem:s9], [sflag:$0x1], $0x800, $0x38;
	[tilespmem:$0x9100] =	vst v63  }
0x333: {  	_ =	swait.ge [sflag:s7], $0x800  }
0x334: {  	[sflag:s7] =	ssyncset.done $0x0  }
0x335: {  	[sflag:s7] =	ssyncadd.s32 $0xFFFFF800  }
0x336: {  	_ =	sfence.sel $0x180000  }
0x337: {  	[bflag:$0x0] =	sbarrier.arrive $0xFFFF  }
0x338: {  	_ =	strace $0x9000004D  }
0x339: {  	s0 =	stileid.u32;
	[bflag:$0x2] =	sbarrier.arrive $0xFFFF  }
0x33a: {  	p0 =	sne.s32 s0, $0x0;
	s0 =	rddreg [dreg:$0x1]  }
0x33b: {  	s0 =	sadd.s32 @!p0 $0x100000, s0  }
0x33c: {  	[sflag:s0] =	ssyncadd.tile.s32 @!p0 $0x1;
	_ =	shalt  }
.Lfunc_end2:
_tile_overlayer_lowered:
.L_overlay_start_2:
0x33d: {  	(tag) =	ssettag $0x2  }
0x33e: {  	s0 =	rddreg [dreg:$0x0];
	s2 =	stileid.u32  }
0x33f: {  	s1 =	rddreg [dreg:$0x1];
	p0 =	sne.s32 s2, $0x0  }
0x340: {  	s3 =	rddreg [dreg:$0x2];
	[bflag:$0x3] =	sbarrier.arrive $0xFFFF;
	s2 =	simm.s32 @!p0 $0x1C01  }
0x341: {  	[timem:s3], [sflag:s2] =	dma.local @!p0 [hbm:s0], s1  }
0x342: {  	s0 =	simm.s32 @!p0 $0x1  }
0x343: {  	_ =	swait.ge @!p0 [sflag:s0], s1  }
0x344: {  	s1 =	ssub.s32 @!p0 $0x0, s1;
	[sflag:s0] =	ssyncset.done @!p0 $0x0  }
0x345: {  	[sflag:s0] =	ssyncadd.s32 @!p0 s1  }
0x346: {  	[bflag:$0x3] =	sbarrier.arrive $0xFFFF  }
0x347: {  	_ =	shalt  }

// kernel: _gate.13.cloned.1.call-start
scs
__scs_entry_jumppad:
0x0: {  	(pc) =	sbr.rel $0x88, $3  }
0x1: {  	(tag) =	ssettag $0x0;
	lr =	simm.s32 $0x1  }
0x2: {  	[smem:$0x3F9F] =	sst lr;
	_ =	strace $0xD0000000  }
0x3: {  	_ = 	snop  }
0x4: {  	_ = 	snop  }
0x5: {  	_ = 	snop  }
0x6: {  	_ = 	snop  }
0x7: {  	_ = 	snop  }
__scs_overlays_trampoline_lowered:
0x8: {  	[smem:$0x3FAE] =	sst s0  }
0x9: {  	[smem:$0x3FAF] =	sst s1  }
0xa: {  	[smem:$0x3FB0] =	sst s2  }
0xb: {  	[smem:$0x3FB1] =	sst s3  }
0xc: {  	[smem:$0x3FB2] =	sst s4  }
0xd: {  	[smem:$0x3FB3] =	sst s5  }
0xe: {  	[smem:$0x3FB4] =	sst s6  }
0xf: {  	[smem:$0x3FB5] =	sst s7  }
0x10: {  	[smem:$0x3FB6] =	sst s8  }
0x11: {  	[smem:$0x3FB7] =	sst s9;
	s0 =	simm.s32 @!p0 $0x0  }
0x12: {  	s1 =	sld [smem:$0x3F9D];
	s0 =	simm.s32 @p0 $0x1  }
0x13: {  	[smem:$0x3FB8] =	sst s0;
	s0 =	simm.s32 @!p1 $0x0  }
0x14: {  	s2 =	sld [smem:$0x3F9C];
	s0 =	simm.s32 @p1 $0x1  }
0x15: {  	[smem:$0x3FB9] =	sst s0;
	s0 =	simm.s32 @!p2 $0x0  }
0x16: {  	s3 =	sld [smem:$0x3FDB];
	s0 =	simm.s32 @p2 $0x1  }
0x17: {  	s4 =	simm.s32 $0x1BF5;
	[smem:$0x3FBB] =	sst s0  }
0x18: {  	s0 =	sld [smem:$0x3F9E];
	_ =	swait.ge [sflag:s4], $0x0  }
0x19: {  	s7 =	sld [smem:$0x3F9F]  }
0x1a: {  	s8 =	sadd.s32 $0xFFFFE003, lr  }
0x1b: {  	s9 =	sadd.s32 $0xFFFFFEF7, lr;
	s5 =	simm.s32 $0xFFFFFFFF;
	p2 =	slt.u32 s8, $0xFFFFF086  }
0x1c: {  	p1 =	slt.u32 s9, $0xF7A;
	s5 =	simm.s32 @!p2 $0x0  }
0x1d: {  	s5 =	simm.s32 @p1 $0x1;
	p0 =	seq.s32 s7, s2  }
0x1e: {  	s7 =	smul.u32 @!p0 $0xF7A, s2;
	p2 =	seq.s32 @!p0 s5, $0x0  }
0x1f: {  	s9 =	smul.u32 $0xF7A, s1;
	s8 =	simm.s32 @!p0 $0x1BF5;
	p2 =	por !p2, p0  }
0x20: {  	[sflag:s8] =	ssyncset.s32 @!p0 $0xFFFFF086;
	s6 =	sadd.s32 @!p0 s3, s7;
	s7 =	simm.s32 @!p0 $0x108  }
0x21: {  	s3 =	sadd.s32 s3, s9;
	s6 =	sadd.s32 @!p0 $0x88, s6;
	s7 =	simm.s32 @p2 $0x1082  }
0x22: {  	[simem:s7], [sflag:s8] =	dma.local @!p0 [hbm:s6], $0xF7A  }
0x23: {  	s9 =	sor.u32 $0xD0000000, s2;
	s6 =	simm.s32 $0x108;
	_ =	swait.ge @!p0 [sflag:s8], $0x0  }
0x24: {  	s3 =	sadd.s32 $0x88, s3;
	s6 =	simm.s32 @!p1 $0x1082;
	[sflag:s4] =	ssyncset.s32 $0xFFFFF086  }
0x25: {  	[simem:s6], [sflag:s4] =	dma.local [hbm:s3], $0xF7A  }
0x26: {  	[smem:$0x3F9F] =	sst s1;
	(tag) =	ssettag s2;
	_ =	strace s9  }
0x27: {  	s1 =	sld [smem:$0x3FAF]  }
0x28: {  	s2 =	sld [smem:$0x3FB0]  }
0x29: {  	s4 =	sld [smem:$0x3FB2]  }
0x2a: {  	p0 =	seq.s32 s5, $0x0;
	s5 =	sld [smem:$0x3FB3]  }
0x2b: {  	s6 =	sld [smem:$0x3FB4]  }
0x2c: {  	s7 =	sld [smem:$0x3FB5]  }
0x2d: {  	s3 =	simm.s32 $0x108;
	s8 =	sld [smem:$0x3FB6]  }
0x2e: {  	s3 =	simm.s32 @!p0 $0x1082;
	s9 =	sld [smem:$0x3FB7]  }
0x2f: {  	lr =	sadd.s32 s0, s3;
	s0 =	sld [smem:$0x3FAE]  }
0x30: {  	s3 =	sld [smem:$0x3FB1]  }
0x31: {  	[smem:$0x3FBA] =	sst s10  }
0x32: {  	s10 =	sld [smem:$0x3FB8];
	_ =	sdelay $0x3  }
0x33: {  	p0 =	seq.s32 s10, $0x1;
	s10 =	sld [smem:$0x3FBA];
	_ =	sdelay $0x3  }
0x34: {  	[smem:$0x3FBA] =	sst s10  }
0x35: {  	s10 =	sld [smem:$0x3FB9];
	_ =	sdelay $0x3  }
0x36: {  	p1 =	seq.s32 s10, $0x1;
	s10 =	sld [smem:$0x3FBA];
	_ =	sdelay $0x3  }
0x37: {  	[smem:$0x3FBA] =	sst s10  }
0x38: {  	s10 =	sld [smem:$0x3FBB]  }
0x39: {  	_ = 	snop;
	(pc) =	sbr.ind lr, $3  }
0x3a: {  	_ = 	snop  }
0x3b: {  	_ = 	snop  }
0x3c: {  	p2 =	seq.s32 s10, $0x1;
	s10 =	sld [smem:$0x3FBA]  }
0x3d: {  	_ =	shalt  }
0x3e: {  	_ =	shalt  }
0x3f: {  	_ =	shalt  }
0x40: {  	_ =	shalt  }
0x41: {  	_ =	shalt  }
0x42: {  	_ =	shalt  }
0x43: {  	_ =	shalt  }
0x44: {  	_ =	shalt  }
0x45: {  	_ =	shalt  }
0x46: {  	_ =	shalt  }
0x47: {  	_ =	shalt  }
0x48: {  	_ =	shalt  }
0x49: {  	_ =	shalt  }
0x4a: {  	_ =	shalt  }
0x4b: {  	_ =	shalt  }
0x4c: {  	_ =	shalt  }
0x4d: {  	_ =	shalt  }
0x4e: {  	_ =	shalt  }
0x4f: {  	_ =	shalt  }
0x50: {  	_ =	shalt  }
0x51: {  	_ =	shalt  }
0x52: {  	_ =	shalt  }
0x53: {  	_ =	shalt  }
0x54: {  	_ =	shalt  }
0x55: {  	_ =	shalt  }
0x56: {  	_ =	shalt  }
0x57: {  	_ =	shalt  }
0x58: {  	_ =	shalt  }
0x59: {  	_ =	shalt  }
0x5a: {  	_ =	shalt  }
0x5b: {  	_ =	shalt  }
0x5c: {  	_ =	shalt  }
0x5d: {  	_ =	shalt  }
0x5e: {  	_ =	shalt  }
0x5f: {  	_ =	shalt  }
0x60: {  	_ =	shalt  }
0x61: {  	_ =	shalt  }
0x62: {  	_ =	shalt  }
0x63: {  	_ =	shalt  }
0x64: {  	_ =	shalt  }
0x65: {  	_ =	shalt  }
0x66: {  	_ =	shalt  }
0x67: {  	_ =	shalt  }
0x68: {  	_ =	shalt  }
0x69: {  	_ =	shalt  }
0x6a: {  	_ =	shalt  }
0x6b: {  	_ =	shalt  }
0x6c: {  	_ =	shalt  }
0x6d: {  	_ =	shalt  }
0x6e: {  	_ =	shalt  }
0x6f: {  	_ =	shalt  }
0x70: {  	_ =	shalt  }
0x71: {  	_ =	shalt  }
0x72: {  	_ =	shalt  }
0x73: {  	_ =	shalt  }
0x74: {  	_ =	shalt  }
0x75: {  	_ =	shalt  }
0x76: {  	_ =	shalt  }
0x77: {  	_ =	shalt  }
0x78: {  	_ =	shalt  }
0x79: {  	_ =	shalt  }
0x7a: {  	_ =	shalt  }
0x7b: {  	_ =	shalt  }
0x7c: {  	_ =	shalt  }
0x7d: {  	_ =	shalt  }
0x7e: {  	_ =	shalt  }
0x7f: {  	_ =	shalt  }
0x80: {  	_ =	shalt  }
0x81: {  	_ =	shalt  }
0x82: {  	_ =	shalt  }
0x83: {  	_ =	shalt  }
0x84: {  	_ =	shalt  }
0x85: {  	_ =	shalt  }
0x86: {  	_ =	shalt  }
0x87: {  	_ =	shalt  }
.Lfunc_end0:
.L_simem_size_0:
called_computation.1_lowered:
.L_overlay_start_0:
0x88: {  	s2 =	sld [smem:$0x3FD9]  }
0x89: {  	s3 =	sld [smem:$0x3FFE];
	_ =	sdelay $0x1  }
0x8a: {  	s1 =	srdreg.scid  }
0x8b: {  	s0 =	sand.u32 $0x1, s1  }
0x8c: {  	s15 =	sshll.u32 s0, $0xA;
	s2 =	sadd.s32 s3, s2  }
0x8d: {  	s2 =	sadd.s32 s2, s15  }
0x8e: {  	[smem:$0x3FC6] =	sst s2  }
0x8f: {  	_ = 	snop  }
0x90: {  	s2 =	sld [smem:$0x3FD0];
	_ =	sdelay $0x2  }
0x91: {  	s4 =	simm.s32 $0xD;
	s16 =	simm.s32 $0x10  }
0x92: {  	[smem:s16], [sflag:s4] =	dma.local [hbm:s2], $0x1  }
0x93: {  	_ =	swait.eq [sflag:s4], $0x1  }
0x94: {  	[sflag:s4] =	ssyncset.done $0x0  }
0x95: {  	s17 =	sld [smem:$0x10];
	[sflag:s4] =	ssyncadd.s32 $0xFFFFFFFF  }
0x96: {  	s18 =	sld [smem:$0x11];
	(tm) =	ssettm $0x1  }
0x97: {  	s19 =	sld [smem:$0x3FFB];
	_ =	sdelay $0x3  }
0x98: {  	_ =	strace s19  }
0x99: {  	s2 =	sld [smem:$0x3FFC];
	_ =	sdelay $0x3  }
0x9a: {  	_ =	strace s2  }
0x9b: {  	s2 =	sld [smem:$0x3FFD];
	_ =	sdelay $0x3  }
0x9c: {  	_ =	strace s2  }
0x9d: {  	_ =	strace $0x8FFFFFFF  }
0x9e: {  	s20 =	sld [smem:$0x3FDB];
	_ =	sdelay $0x1  }
0x9f: {  	s5 =	simm.s32 $_scs_section_size  }
0xa0: {  	s6 =	simm.s32 $_size__tile_overlayer_lowered;
	s7 =	simm.s32 $_tile_overlayer_lowered  }
0xa1: {  	s8 =	simm.s32 $0x1BFF;
	s21 =	sshll.u32 s7, $0x1;
	s5 =	sadd.s32 s5, s20  }
0xa2: {  	s22 =	simm.s32 $0x0;
	s6 =	sshll.u32 s6, $0x1;
	s7 =	sadd.s32 s21, s5  }
0xa3: {  	[timem:s22], [sflag:s8] =	dma.local [hbm:s7], s6  }
0xa4: {  	_ =	swait.ge [sflag:s8], s6  }
0xa5: {  	s6 =	ssub.s32 $0x0, s6;
	[sflag:s8] =	ssyncset.done $0x0  }
0xa6: {  	[sflag:s8] =	ssyncadd.s32 s6;
	_ =	sdelay $0x1  }
0xa7: {  	s23 =	simm.s32 $0x1B8B  }
0xa8: {  	_ =	swait.ge [sflag:s23], $0x1  }
0xa9: {  	[sflag:s23] =	ssyncset.done $0x0  }
0xaa: {  	[sflag:s23] =	ssyncadd.s32 $0xFFFFFFFF  }
0xab: {  	s6 =	sld [smem:$0x0]  }
0xac: {  	s7 =	sand.u32 $0xFFFFFFFE, s1  }
0xad: {  	p0 =	sne.s32 s1, s7  }
0xae: {  	s7 =	sshll.u32 @p0 s7, $0xE  }
0xaf: {  	s7 =	sadd.s32 @p0 $0x11B8D, s7;
	s8 =	sshll.u32 @p0 s6, $0x11  }
0xb0: {  	s7 =	sor.u32 @p0 s8, s7  }
0xb1: {  	[sflag:s7] =	ssyncadd.remote.s32 @p0 $0x1;
	_ =	sdelay $0x1  }
0xb2: {  	s7 =	simm.s32 @p0 $0x1B8D  }
0xb3: {  	_ =	swait.eq @p0 [sflag:s7], $0x1  }
0xb4: {  	[sflag:s7] =	ssyncadd.s32 @p0 $0xFFFFFFFF  }
0xb5: {  	s8 =	sshll.u32 @!p0 s1, $0xE  }
0xb6: {  	s8 =	sor.u32 @!p0 $0x4000, s8;
	s7 =	simm.s32 @!p0 $0x1B8D  }
0xb7: {  	s6 =	sshll.u32 @!p0 s6, $0x11;
	s8 =	sadd.s32 @!p0 $0x11B8D, s8;
	_ =	swait.eq @!p0 [sflag:s7], $0x1  }
0xb8: {  	s6 =	sor.u32 @!p0 s6, s8;
	[sflag:s7] =	ssyncadd.s32 @!p0 $0xFFFFFFFF  }
0xb9: {  	s25 =	simm.s32 $0x1B8E;
	s24 =	sld [smem:$0x3FFE];
	[sflag:s6] =	ssyncadd.remote.s32 @!p0 $0x1  }
0xba: {  	s26 =	simm.s32 $execute0_lowered;
	[smem:$0x3FD2] =	sst s25  }
0xbb: {  	s7 =	sshll.u32 s26, $0x1;
	_ =	strace $0x8000004F;
	[dreg:$0x1] =	wrdreg $0xFFFFFFFF  }
0xbc: {  	s28 =	simm.s32 $_size_execute0_lowered;
	s5 =	sadd.s32 s5, s7;
	[dreg:$0x0] =	wrdreg $0x0  }
0xbd: {  	s7 =	sshll.u32 s28, $0x1;
	[dreg:$0x2] =	wrdreg s5  }
0xbe: {  	[dreg:$0x3] =	wrdreg s7  }
0xbf: {  	[dreg:$0x4] =	wrdreg $0xC0  }
0xc0: {  	_ =	task [dreg:s22], $0x5FFFF  }
0xc1: {  	[dreg:$0x1] =	wrdreg $0xFFFFFFFF  }
0xc2: {  	[dreg:$0x0] =	wrdreg $0x60  }
0xc3: {  	[dreg:$0x2] =	wrdreg s24  }
0xc4: {  	[dreg:$0x3] =	wrdreg s18  }
0xc5: {  	[dreg:$0x4] =	wrdreg s17  }
0xc6: {  	[dreg:$0x5] =	wrdreg $0xA  }
0xc7: {  	_ =	task.clear_ibuf [dreg:s22], $0x6FFFF;
	_ =	strace $0x9000004F  }
0xc8: {  	s29 =	simm.s32 $0xA;
	_ =	strace $0x80000051  }
0xc9: {  	_ =	swait.ge [sflag:s29], $0x1  }
0xca: {  	[sflag:s29] =	ssyncadd.s32 $0xFFFFFFFF  }
0xcb: {  	_ =	strace $0x90000051  }
0xcc: {  	_ =	sfence  }
0xcd: {  	s30 =	sld [smem:$0x0];
	_ =	sdelay $0x2  }
0xce: {  	s31 =	sshll.u32 s1, $0xD;
	s1 =	sshrl.u32 s1, $0x2  }
0xcf: {  	s4 =	sand.u32 $0x4000, s31;
	s1 =	sadd.s32 s1, s30  }
0xd0: {  	s0 =	sor.u32 s4, s0;
	s1 =	sshll.u32 s1, $0x11  }
0xd1: {  	s0 =	sor.u32 s1, s0  }
0xd2: {  	s0 =	sadd.s32 $0x8F2B, s0  }
0xd3: {  	[sflag:s0] =	ssyncadd.remote.s32 $0x1  }
0xd4: {  	_ =	sfence.sel $0xFFFF  }
0xd5: {  	[dreg:$0x0] =	wrdreg $0xFFFFFFFF;
	(pc) =	sbr.abs _section_cstart, $3  }
0xd6: {  	[dreg:$0x1] =	wrdreg $0xFFFFFFFF  }
0xd7: {  	_ =	task.clear_ibuf [dreg:s22], $0x2FFFF;
	_ =	strace $0x9FFFFFFF  }
0xd8: {  	(tm) =	ssettm $0x7FFFFFFF  }
0xd9: {  	_ =	shalt  }
tec
execute0_lowered:
.L_overlay_start_1:
0x0: {  	(tag) =	ssettag $0x1  }
0x1: {  	s0 =	rddreg [dreg:$0x0]  }
0x2: {  	s1 =	rddreg [dreg:$0x1]  }
0x3: {  	s5 =	rddreg [dreg:$0x2]  }
0x4: {  	s3 =	srdreg.scid;
	s4 =	stileid.u32;
	s2 =	simm.s32 $0x0  }
0x5: {  	s9 =	simm.s32 $0x8880;
	s3 =	sand.u32 $0x1, s3;
	s4 =	sshll.u32 s4, $0x1  }
0x6: {  	s10 =	simm.s32 $0x0;
	[smem:$0x7FF] =	sst s2;
	s4 =	sor.u32 s3, s4  }
0x7: {  	v0 =	vlaneseq.u32;
	_ =	strace $0x80000050;
	s3 =	ssub.s32 $0x2, s3;
	s6 =	sshll.u32 s4, $0xC  }
0x8: {  	v4 =	vmul.u32 $0xFFFFFFFF, v0;
	s31 =	sshrl.u32 s3, $0x1;
	s7 =	sshll.u32 s4, $0x8;
	s0 =	sadd.s32 s6, s0  }
0x9: {  	vm0 =	vmmov $0xff;
	v1 =	vor.u32 $0x10, v0;
	s6 =	ssub.s32 s3, s31;
	s4 =	sadd.s32 s1, s7;
	s5 =	sadd.s32 s5, s7  }
0xa: {  	v2 =	vor.u32 $0x20, v0;
	v3 =	vor.u32 $0x30, v0;
	v4 =	vadd.s32 $0xF, v4;
	s7 =	simm.s32 $0x1;
	s3 =	sadd.s32 $0x6F000, s0;
	s6 =	smax.u32 s6, $0x1  }
.LBB2_1:
0xb: {  	[tilespmem:s2], [sflag:$0x1] =	stream.linear.gather [hbm4b:s3+s2], $0x8000, $0x38;
	[tilespmem:$0x9100] =	vst v63  }
0xc: {  	_ =	swait.ge [sflag:s7], $0x8000  }
0xd: {  	[sflag:s7] =	ssyncset.done $0x0  }
0xe: {  	s1 =	simm.s32 $0x100;
	[sflag:s7] =	ssyncadd.s32 $0xFFFF8000  }
0xf: {  	v5 =	vld [tilespmem:s1+$0xFFFFFF10]  }
0x10: {  	v6 =	vld [tilespmem:s1+$0xFFFFFF30];
	_ =	sdelay $0x1  }
0x11: {  	v7 =	vld [tilespmem:s1+$0xFFFFFF20];
	_ =	sdelay $0x1  }
0x12: {  	(xrf1) =	vsort.dscd.msk.f32 $0xffff, v5, v1;
	v5 =	vld [tilespmem:s1+$0xFFFFFF00]  }
0x13: {  	(xrf1) =	vsort.dscd.msk.f32 $0xffff, v6, v3;
	_ =	sdelay $0x1  }
0x14: {  	(xrf1) =	vsort.dscd.msk.f32 $0xffff, v7, v2;
	_ =	sdelay $0x1  }
0x15: {  	(xrf1) =	vsort.dscd.msk.f32 $0xffff, v5, v0;
	_ =	sdelay $0x8  }
0x16: {  	v5, v6, _ =	vpop (xrf1)  }
0x17: {  	v7, v8, _ =	vpop (xrf1)  }
0x18: {  	v7 =	vperm.xlane v7, v4;
	v8 =	vperm.xlane v8, v4  }
0x19: {  	v5 =	vperm.xlane v5, v4;
	v9, v10, _ =	vpop (xrf1)  }
0x1a: {  	v6 =	vperm.xlane v6, v4;
	v7 =	vsel vm0, v9, v7;
	v8 =	vsel vm0, v10, v8  }
0x1b: {  	v9, v10, _ =	vpop (xrf1);
	(xrf1) =	vsort.dscd.msk.f32 $0xffff, v7, v8  }
0x1c: {  	v5 =	vsel vm0, v9, v5;
	v6 =	vsel vm0, v10, v6  }
0x1d: {  	(xrf1) =	vsort.dscd.msk.f32 $0xffff, v5, v6;
	_ =	sdelay $0x7  }
0x1e: {  	s0 =	simm.s32 $0x300  }
0x1f: {  	v5 =	vld [tilespmem:s0+$0xFFFFFF10]  }
0x20: {  	v6 =	vld [tilespmem:s0+$0xFFFFFF30];
	_ =	sdelay $0x1  }
0x21: {  	v7, v8, _ =	vpop (xrf1)  }
0x22: {  	v7 =	vperm.xlane v7, v4;
	v8 =	vperm.xlane v8, v4  }
0x23: {  	(xrf1) =	vsort.dscd.msk.f32 $0xffff, v5, v1;
	v5, v9, _ =	vpop (xrf1)  }
0x24: {  	(xrf1) =	vsort.dscd.msk.f32 $0xffff, v6, v3;
	v5 =	vsel vm0, v5, v7;
	v6 =	vsel vm0, v9, v8  }
0x25: {  	(xrf1) =	vsort.dscd.msk.f32 $0xffff, v5, v6;
	_ =	sdelay $0x4  }
0x26: {  	v5 =	vld [tilespmem:s0+$0xFFFFFF20];
	_ =	sdelay $0x1  }
0x27: {  	v6 =	vld [tilespmem:s0+$0xFFFFFF00];
	_ =	sdelay $0x2  }
0x28: {  	(xrf1) =	vsort.dscd.msk.f32 $0xffff, v5, v2;
	_ =	sdelay $0x1  }
0x29: {  	v5, v7, _ =	vpop (xrf1);
	(xrf1) =	vsort.dscd.msk.f32 $0xffff, v6, v0  }
0x2a: {  	v6, v8, _ =	vpop (xrf1)  }
0x2b: {  	v9, v10, _ =	vpop (xrf1)  }
0x2c: {  	v9 =	vsub.f32 $0.0e+00, v9;
	_ =	sdelay $0x1  }
0x2d: {  	v9 =	vmul.f32 $1.442695020e+00, v9;
	_ =	sdelay $0x1  }
0x2e: {  	(erf) = vpow2.f32 v9;
	_ =	sdelay $0x3  }
0x2f: {  	v6 =	vperm.xlane v6, v4  }
0x30: {  	v8 =	vperm.xlane v8, v4;
	v9, v11, _ =	vpop (xrf1)  }
0x31: {  	v6 =	vsel vm0, v9, v6  }
0x32: {  	v8 =	vsel vm0, v11, v8;
	v9, v11, _ =	vpop (xrf1)  }
0x33: {  	(xrf1) =	vsort.dscd.msk.f32 $0xffff, v6, v8  }
0x34: {  	v6 =	vpop (erf)  }
0x35: {  	v6 =	vadd.f32 $1.000000000e+00, v6  }
0x36: {  	v5 =	vperm.xlane v5, v4;
	v7 =	vperm.xlane v7, v4  }
0x37: {  	(erf) = vrcp.f32 v6  }
0x38: {  	v5 =	vsel vm0, v9, v5;
	v7 =	vsel vm0, v11, v7  }
0x39: {  	(xrf1) =	vsort.dscd.msk.f32 $0xffff, v5, v7;
	_ =	sdelay $0x6  }
0x3a: {  	v7 =	vpop (erf)  }
0x3b: {  	s29 =	simm.s32 $0x500;
	v8 =	vnsel vm0, $0x0, v7  }
0x3c: {  	v5 =	vld [tilespmem:s29+$0xFFFFFF10];
	(xrf2) =	vadd.scan.msk.f32 $0xffff, v8  }
0x3d: {  	v6 =	vld [tilespmem:s29+$0xFFFFFF30];
	_ =	sdelay $0x1  }
0x3e: {  	v9, v11, _ =	vpop (xrf1)  }
0x3f: {  	v8 =	vperm.xlane v9, v4;
	v9 =	vperm.xlane v11, v4  }
0x40: {  	(xrf1) =	vsort.dscd.msk.f32 $0xffff, v5, v1;
	v5, v11, _ =	vpop (xrf1)  }
0x41: {  	(xrf1) =	vsort.dscd.msk.f32 $0xffff, v6, v3;
	v5 =	vsel vm0, v5, v8;
	v6 =	vsel vm0, v11, v9  }
0x42: {  	(xrf1) =	vsort.dscd.msk.f32 $0xffff, v5, v6  }
0x43: {  	v5 =	vld [tilespmem:s29+$0xFFFFFF20];
	_ =	sdelay $0x1  }
0x44: {  	v8, _, _ =	vpop (xrf2)  }
0x45: {  	v6 =	vld [tilespmem:s29+$0xFFFFFF00];
	v8 =	vbroadcast v8, $0xF;
	_ =	sdelay $0x1  }
0x46: {  	(xrf1) =	vsort.dscd.msk.f32 $0xffff, v5, v2;
	(erf) = vrcp.f32 v8;
	_ =	sdelay $0x2  }
0x47: {  	(xrf1) =	vsort.dscd.msk.f32 $0xffff, v6, v0;
	_ =	sdelay $0x2  }
0x48: {  	v5, v6, _ =	vpop (xrf1)  }
0x49: {  	v8, v9, _ =	vpop (xrf1)  }
0x4a: {  	v7 =	vmul.f32 $2.500000000e+00, v7;
	v11, v12, _ =	vpop (xrf1)  }
0x4b: {  	v11 =	vsub.f32 $0.0e+00, v11;
	v13 =	vpop (erf)  }
0x4c: {  	v7 =	vmul.f32 v13, v7  }
0x4d: {  	v11 =	vmul.f32 $1.442695020e+00, v11  }
0x4e: {  	s11 =	simm.s32 $0x8010;
	v8 =	vperm.xlane v8, v4  }
0x4f: {  	s12 =	simm.s32 $0x8890;
	[tilespmem:s11+$0xFFFFFFF0] =	vst.msk $0xff, v10;
	v9 =	vperm.xlane v9, v4;
	(erf) = vpow2.f32 v11  }
0x50: {  	[tilespmem:s12+$0xFFFFFFF0] =	vst.msk $0xff, v7;
	v7, v10, _ =	vpop (xrf1)  }
0x51: {  	v7 =	vsel vm0, v7, v8;
	v8 =	vsel vm0, v10, v9  }
0x52: {  	v5 =	vperm.xlane v5, v4;
	v6 =	vperm.xlane v6, v4;
	v11 =	vld [tilespmem:s1+$0xFFFFFFB0];
	(xrf1) =	vsort.dscd.msk.f32 $0xffff, v7, v8  }
0x53: {  	v13 =	vld [tilespmem:s1+$0xFFFFFF90];
	v9, v10, _ =	vpop (xrf1)  }
0x54: {  	v5 =	vsel vm0, v9, v5;
	v6 =	vsel vm0, v10, v6;
	v7 =	vld [tilespmem:s1+$0xFFFFFFA0]  }
0x55: {  	(xrf1) =	vsort.dscd.msk.f32 $0xffff, v5, v6  }
0x56: {  	v5 =	vld [tilespmem:s1+$0xFFFFFF80]  }
0x57: {  	(xrf1) =	vsort.dscd.msk.f32 $0xffff, v11, v3  }
0x58: {  	v6 =	vpop (erf);
	(xrf1) =	vsort.dscd.msk.f32 $0xffff, v13, v1  }
0x59: {  	v6 =	vadd.f32 $1.000000000e+00, v6;
	(xrf1) =	vsort.dscd.msk.f32 $0xffff, v7, v2;
	_ =	sdelay $0x1  }
0x5a: {  	(erf) = vrcp.f32 v6;
	(xrf1) =	vsort.dscd.msk.f32 $0xffff, v5, v0;
	_ =	sdelay $0x1  }
0x5b: {  	s28 =	simm.s32 $0x700  }
0x5c: {  	v5 =	vld [tilespmem:s28+$0xFFFFFF10]  }
0x5d: {  	v6 =	vld [tilespmem:s28+$0xFFFFFF30]  }
0x5e: {  	v7, v8, _ =	vpop (xrf1)  }
0x5f: {  	v7 =	vperm.xlane v7, v4  }
0x60: {  	v8 =	vperm.xlane v8, v4  }
0x61: {  	(xrf1) =	vsort.dscd.msk.f32 $0xffff, v5, v1;
	v9, v10, _ =	vpop (xrf1)  }
0x62: {  	(xrf1) =	vsort.dscd.msk.f32 $0xffff, v6, v3;
	v5 =	vpop (erf);
	v6 =	vsel vm0, v9, v7;
	v8 =	vsel vm0, v10, v8  }
0x63: {  	v7, v9, _ =	vpop (xrf1);
	(xrf1) =	vsort.dscd.msk.f32 $0xffff, v6, v8;
	v6 =	vnsel vm0, $0x0, v5  }
0x64: {  	v7 =	vperm.xlane v7, v4;
	v9 =	vperm.xlane v9, v4;
	v10, v11, _ =	vpop (xrf1);
	(xrf2) =	vadd.scan.msk.f32 $0xffff, v6  }
0x65: {  	v8 =	vperm.xlane v10, v4;
	v10, v13, _ =	vpop (xrf1)  }
0x66: {  	v6 =	vperm.xlane v11, v4;
	v7 =	vsel vm0, v10, v7;
	v9 =	vsel vm0, v13, v9  }
0x67: {  	v10, v11, _ =	vpop (xrf1);
	(xrf1) =	vsort.dscd.msk.f32 $0xffff, v7, v9  }
0x68: {  	v7 =	vsel vm0, v10, v8;
	v6 =	vsel vm0, v11, v6  }
0x69: {  	(xrf1) =	vsort.dscd.msk.f32 $0xffff, v7, v6;
	_ =	sdelay $0x3  }
0x6a: {  	v6 =	vld [tilespmem:s28+$0xFFFFFF20]  }
0x6b: {  	v7 =	vld [tilespmem:s28+$0xFFFFFF00];
	v8, _, _ =	vpop (xrf2)  }
0x6c: {  	v8 =	vbroadcast v8, $0xF;
	_ =	sdelay $0x2  }
0x6d: {  	v9, v10, _ =	vpop (xrf1);
	(xrf1) =	vsort.dscd.msk.f32 $0xffff, v6, v2;
	(erf) = vrcp.f32 v8  }
0x6e: {  	v6, v11, _ =	vpop (xrf1);
	(xrf1) =	vsort.dscd.msk.f32 $0xffff, v7, v0  }
0x6f: {  	v7, v8, _ =	vpop (xrf1)  }
0x70: {  	v13, v14, _ =	vpop (xrf1)  }
0x71: {  	v13 =	vperm.xlane v13, v4;
	v14 =	vperm.xlane v14, v4  }
0x72: {  	v15, v16, _ =	vpop (xrf1)  }
0x73: {  	v7 =	vsub.f32 $0.0e+00, v7;
	v13 =	vsel vm0, v15, v13;
	v14 =	vsel vm0, v16, v14  }
0x74: {  	(xrf1) =	vsort.dscd.msk.f32 $0xffff, v13, v14  }
0x75: {  	v5 =	vmul.f32 $2.500000000e+00, v5;
	v7 =	vmul.f32 $1.442695020e+00, v7  }
0x76: {  	v13 =	vpop (erf)  }
0x77: {  	(erf) = vpow2.f32 v7;
	v5 =	vmul.f32 v13, v5  }
0x78: {  	v7 =	vperm.xlane v11, v4  }
0x79: {  	s14 =	simm.s32 $0x8030  }
0x7a: {  	s13 =	simm.s32 $0x88B0;
	[tilespmem:s14+$0xFFFFFFF0] =	vst.msk $0xff, v12;
	v6 =	vperm.xlane v6, v4  }
0x7b: {  	v9 =	vperm.xlane v9, v4;
	v10 =	vperm.xlane v10, v4;
	[tilespmem:s13+$0xFFFFFFF0] =	vst.msk $0xff, v5;
	v5, v11, _ =	vpop (xrf1)  }
0x7c: {  	v12 =	vld [tilespmem:s0+$0xFFFFFFB0];
	v5 =	vsel vm0, v5, v6;
	v6 =	vsel vm0, v11, v7;
	v7, v11, _ =	vpop (xrf1)  }
0x7d: {  	v13 =	vld [tilespmem:s0+$0xFFFFFF90];
	(xrf1) =	vsort.dscd.msk.f32 $0xffff, v5, v6;
	v5 =	vsel vm0, v7, v9;
	v6 =	vsel vm0, v11, v10  }
0x7e: {  	(xrf1) =	vsort.dscd.msk.f32 $0xffff, v5, v6;
	v5 =	vld [tilespmem:s0+$0xFFFFFFA0];
	_ =	sdelay $0x1  }
0x7f: {  	v7 =	vpop (erf)  }
0x80: {  	v7 =	vadd.f32 $1.000000000e+00, v7;
	(xrf1) =	vsort.dscd.msk.f32 $0xffff, v12, v3  }
0x81: {  	v6 =	vld [tilespmem:s0+$0xFFFFFF80];
	(xrf1) =	vsort.dscd.msk.f32 $0xffff, v13, v1;
	v9, v10, _ =	vpop (xrf1)  }
0x82: {  	(erf) = vrcp.f32 v7;
	(xrf1) =	vsort.dscd.msk.f32 $0xffff, v5, v2;
	v5 =	vsub.f32 $0.0e+00, v9;
	_ =	sdelay $0x1  }
0x83: {  	v5 =	vmul.f32 $1.442695020e+00, v5;
	_ =	sdelay $0x1  }
0x84: {  	(xrf1) =	vsort.dscd.msk.f32 $0xffff, v6, v0;
	(erf) = vpow2.f32 v5;
	_ =	sdelay $0x1  }
0x85: {  	s21 =	simm.s32 $0x900  }
0x86: {  	v5 =	vld [tilespmem:s21+$0xFFFFFF10];
	_ =	sdelay $0x1  }
0x87: {  	v13 =	vpop (erf)  }
0x88: {  	v6 =	vld [tilespmem:s21+$0xFFFFFF30];
	v7, v9, _ =	vpop (xrf1)  }
0x89: {  	v11, v12, _ =	vpop (xrf1);
	v7 =	vperm.xlane v7, v4;
	v9 =	vperm.xlane v9, v4  }
0x8a: {  	(xrf1) =	vsort.dscd.msk.f32 $0xffff, v5, v1;
	v5, v14, _ =	vpop (xrf1)  }
0x8b: {  	v9 =	vsel vm0, v12, v9;
	v12 =	vperm.xlane v14, v4;
	v14 =	vpop (erf)  }
0x8c: {  	v14 =	vadd.f32 $1.000000000e+00, v14  }
0x8d: {  	(xrf1) =	vsort.dscd.msk.f32 $0xffff, v6, v3;
	v6 =	vsel vm0, v11, v7;
	v5 =	vperm.xlane v5, v4;
	v7, v11, _ =	vpop (xrf1)  }
0x8e: {  	(xrf1) =	vsort.dscd.msk.f32 $0xffff, v6, v9;
	v6 =	vnsel vm0, $0x0, v13;
	v7 =	vperm.xlane v7, v4;
	v9, v15, _ =	vpop (xrf1);
	(erf) = vrcp.f32 v14  }
0x8f: {  	(xrf2) =	vadd.scan.msk.f32 $0xffff, v6;
	v6 =	vperm.xlane v11, v4;
	v5 =	vsel vm0, v9, v5;
	v9 =	vsel vm0, v15, v12  }
0x90: {  	v11, v12, _ =	vpop (xrf1);
	(xrf1) =	vsort.dscd.msk.f32 $0xffff, v5, v9  }
0x91: {  	v5 =	vsel vm0, v11, v7;
	v6 =	vsel vm0, v12, v6;
	v7 =	vld [tilespmem:s21+$0xFFFFFF20]  }
0x92: {  	(xrf1) =	vsort.dscd.msk.f32 $0xffff, v5, v6;
	_ =	sdelay $0x1  }
0x93: {  	v5 =	vld [tilespmem:s21+$0xFFFFFF00];
	_ =	sdelay $0x1  }
0x94: {  	(xrf1) =	vsort.dscd.msk.f32 $0xffff, v7, v2  }
0x95: {  	v6 =	vpop (erf)  }
0x96: {  	v7 =	vnsel vm0, $0x0, v6  }
0x97: {  	(xrf1) =	vsort.dscd.msk.f32 $0xffff, v5, v0;
	v5, _, _ =	vpop (xrf2)  }
0x98: {  	v9, v11, _ =	vpop (xrf1);
	v14 =	vbroadcast v5, $0xF  }
0x99: {  	(xrf2) =	vadd.scan.msk.f32 $0xffff, v7;
	v7, v12, _ =	vpop (xrf1)  }
0x9a: {  	v15, v5, _ =	vpop (xrf1)  }
0x9b: {  	v15 =	vsub.f32 $0.0e+00, v15  }
0x9c: {  	(erf) = vrcp.f32 v14;
	v14, v16, _ =	vpop (xrf1)  }
0x9d: {  	v14 =	vperm.xlane v14, v4;
	v15 =	vmul.f32 $1.442695020e+00, v15  }
0x9e: {  	v16 =	vperm.xlane v16, v4;
	v17, v18, _ =	vpop (xrf1)  }
0x9f: {  	v14 =	vsel vm0, v17, v14  }
0xa0: {  	v16 =	vsel vm0, v18, v16;
	(erf) = vpow2.f32 v15  }
0xa1: {  	v7 =	vperm.xlane v7, v4;
	v12 =	vperm.xlane v12, v4;
	(xrf1) =	vsort.dscd.msk.f32 $0xffff, v14, v16  }
0xa2: {  	v14, v15, _ =	vpop (xrf1)  }
0xa3: {  	v7 =	vsel vm0, v14, v7;
	v12 =	vsel vm0, v15, v12  }
0xa4: {  	v13 =	vmul.f32 $2.500000000e+00, v13;
	v9 =	vperm.xlane v9, v4;
	v14, _, _ =	vpop (xrf2);
	(xrf1) =	vsort.dscd.msk.f32 $0xffff, v7, v12  }
0xa5: {  	v11 =	vperm.xlane v11, v4;
	v15, v16, _ =	vpop (xrf1);
	v7 =	vbroadcast v14, $0xF  }
0xa6: {  	v9 =	vsel vm0, v15, v9;
	v12 =	vpop (erf)  }
0xa7: {  	s15 =	simm.s32 $0x8050;
	v11 =	vsel vm0, v16, v11;
	(erf) = vrcp.f32 v7;
	v12 =	vmul.f32 v12, v13  }
0xa8: {  	s16 =	simm.s32 $0x88D0;
	[tilespmem:s15+$0xFFFFFFF0] =	vst.msk $0xff, v8;
	(xrf1) =	vsort.dscd.msk.f32 $0xffff, v9, v11  }
0xa9: {  	v8 =	vpop (erf);
	[tilespmem:s16+$0xFFFFFFF0] =	vst.msk $0xff, v12  }
0xaa: {  	v8 =	vadd.f32 $1.000000000e+00, v8;
	v7 =	vld [tilespmem:s29+$0xFFFFFFB0];
	_ =	sdelay $0x1  }
0xab: {  	v9 =	vld [tilespmem:s29+$0xFFFFFF90]  }
0xac: {  	v11 =	vld [tilespmem:s29+$0xFFFFFFA0]  }
0xad: {  	(erf) = vrcp.f32 v8  }
0xae: {  	v6 =	vmul.f32 $2.500000000e+00, v6;
	(xrf1) =	vsort.dscd.msk.f32 $0xffff, v7, v3;
	v7, v8, _ =	vpop (xrf1)  }
0xaf: {  	s23 =	simm.s32 $0xB00;
	v12 =	vld [tilespmem:s29+$0xFFFFFF80];
	v13 =	vpop (erf);
	v7 =	vsub.f32 $0.0e+00, v7  }
0xb0: {  	v14 =	vld [tilespmem:s23+$0xFFFFFF10];
	(xrf1) =	vsort.dscd.msk.f32 $0xffff, v9, v1;
	v6 =	vmul.f32 v13, v6  }
0xb1: {  	[tilespmem:s11+$0xFFFFFFF8] =	vst.msk $0xff, v10;
	v9 =	vld [tilespmem:s23+$0xFFFFFF30];
	(xrf1) =	vsort.dscd.msk.f32 $0xffff, v11, v2;
	v10, v11, _ =	vpop (xrf1);
	v7 =	vmul.f32 $1.442695020e+00, v7  }
0xb2: {  	[tilespmem:s12+$0xFFFFFFF8] =	vst.msk $0xff, v6;
	v6 =	vperm.xlane v10, v4;
	v10 =	vperm.xlane v11, v4;
	_ =	sdelay $0x1  }
0xb3: {  	(xrf1) =	vsort.dscd.msk.f32 $0xffff, v12, v0;
	(erf) = vpow2.f32 v7  }
0xb4: {  	v11 =	vld [tilespmem:s1+$0x30];
	(xrf1) =	vsort.dscd.msk.f32 $0xffff, v14, v1;
	v12, v13, _ =	vpop (xrf1)  }
0xb5: {  	v7 =	vld [tilespmem:s1+$0x10];
	(xrf1) =	vsort.dscd.msk.f32 $0xffff, v9, v3;
	v6 =	vsel vm0, v12, v6;
	v9 =	vsel vm0, v13, v10;
	v10 =	vpop (erf)  }
0xb6: {  	v12 =	vld [tilespmem:s1+$0x20];
	(xrf1) =	vsort.dscd.msk.f32 $0xffff, v6, v9;
	v6 =	vnsel vm0, $0x0, v10  }
0xb7: {  	(xrf2) =	vadd.scan.msk.f32 $0xffff, v6;
	v6 =	vld [tilespmem:s1+$0x0];
	_ =	sdelay $0x1  }
0xb8: {  	(xrf1) =	vsort.dscd.msk.f32 $0xffff, v11, v3  }
0xb9: {  	(xrf1) =	vsort.dscd.msk.f32 $0xffff, v7, v1  }
0xba: {  	(xrf1) =	vsort.dscd.msk.f32 $0xffff, v12, v2;
	v7, v9, _ =	vpop (xrf1)  }
0xbb: {  	(xrf1) =	vsort.dscd.msk.f32 $0xffff, v6, v0;
	v6 =	vpop (erf)  }
0xbc: {  	v6 =	vadd.f32 $1.000000000e+00, v6  }
0xbd: {  	v11, v12, _ =	vpop (xrf1)  }
0xbe: {  	v7 =	vperm.xlane v7, v4;
	v9 =	vperm.xlane v9, v4;
	v13, v14, _ =	vpop (xrf1)  }
0xbf: {  	v11 =	vperm.xlane v11, v4;
	v12 =	vperm.xlane v12, v4  }
0xc0: {  	v7 =	vsel vm0, v13, v7;
	v9 =	vsel vm0, v14, v9;
	(erf) = vrcp.f32 v6;
	v6, v13, _ =	vpop (xrf1)  }
0xc1: {  	(xrf1) =	vsort.dscd.msk.f32 $0xffff, v7, v9;
	v9 =	vsel vm0, v13, v12  }
0xc2: {  	v7 =	vld [tilespmem:s23+$0xFFFFFF20];
	v6 =	vsel vm0, v6, v11  }
0xc3: {  	v11, _, _ =	vpop (xrf2);
	(xrf1) =	vsort.dscd.msk.f32 $0xffff, v6, v9  }
0xc4: {  	v13 =	vld [tilespmem:s23+$0xFFFFFF00];
	v9, v12, _ =	vpop (xrf1)  }
0xc5: {  	v14, v15, _ =	vpop (xrf1)  }
0xc6: {  	v16, v6, _ =	vpop (xrf1)  }
0xc7: {  	(xrf1) =	vsort.dscd.msk.f32 $0xffff, v7, v2;
	v7, v17, _ =	vpop (xrf1)  }
0xc8: {  	v7 =	vperm.xlane v7, v4;
	v17 =	vperm.xlane v17, v4;
	v18, v19, _ =	vpop (xrf1)  }
0xc9: {  	(xrf1) =	vsort.dscd.msk.f32 $0xffff, v13, v0;
	v13 =	vperm.xlane v18, v4;
	v18, v20, _ =	vpop (xrf1)  }
0xca: {  	v7 =	vsel vm0, v18, v7;
	v17 =	vsel vm0, v20, v17;
	v25, v22, _ =	vpop (xrf1)  }
0xcb: {  	v21 =	vpop (erf);
	v19 =	vperm.xlane v19, v4;
	(xrf1) =	vsort.dscd.msk.f32 $0xffff, v7, v17;
	v7 =	vbroadcast v11, $0xF;
	v11 =	vsel vm0, v25, v13  }
0xcc: {  	v18 =	vnsel vm0, $0x0, v21  }
0xcd: {  	(xrf2) =	vadd.scan.msk.f32 $0xffff, v18;
	v13 =	vsel vm0, v22, v19;
	(erf) = vrcp.f32 v7  }
0xce: {  	(xrf1) =	vsort.dscd.msk.f32 $0xffff, v11, v13;
	v13 =	vsub.f32 $0.0e+00, v16  }
0xcf: {  	v7, v11, _ =	vpop (xrf1)  }
0xd0: {  	v13 =	vmul.f32 $1.442695020e+00, v13;
	v11 =	vperm.xlane v11, v4  }
0xd1: {  	v16, v17, _ =	vpop (xrf1)  }
0xd2: {  	v7 =	vperm.xlane v7, v4;
	v11 =	vsel vm0, v17, v11  }
0xd3: {  	v14 =	vperm.xlane v14, v4  }
0xd4: {  	v10 =	vmul.f32 $2.500000000e+00, v10;
	(erf) = vpow2.f32 v13;
	v7 =	vsel vm0, v16, v7  }
0xd5: {  	v12 =	vperm.xlane v12, v4;
	(xrf1) =	vsort.dscd.msk.f32 $0xffff, v7, v11;
	v7 =	vperm.xlane v15, v4;
	v11, v13, _ =	vpop (xrf1)  }
0xd6: {  	v9 =	vperm.xlane v9, v4;
	v15 =	vpop (erf)  }
0xd7: {  	v11 =	vsel vm0, v11, v14;
	v14, _, _ =	vpop (xrf2);
	v7 =	vsel vm0, v13, v7;
	v10 =	vmul.f32 v15, v10  }
0xd8: {  	v13 =	vbroadcast v14, $0xF;
	(xrf1) =	vsort.dscd.msk.f32 $0xffff, v11, v7;
	v14, v15, _ =	vpop (xrf1)  }
0xd9: {  	s17 =	simm.s32 $0x8070;
	v7 =	vsel vm0, v14, v9;
	v9 =	vsel vm0, v15, v12  }
0xda: {  	s18 =	simm.s32 $0x88F0;
	[tilespmem:s17+$0xFFFFFFF0] =	vst.msk $0xff, v5;
	(erf) = vrcp.f32 v13;
	v11, v12, _ =	vpop (xrf1);
	(xrf1) =	vsort.dscd.msk.f32 $0xffff, v7, v9  }
0xdb: {  	[tilespmem:s18+$0xFFFFFFF0] =	vst.msk $0xff, v10;
	v5 =	vperm.xlane v11, v4;
	v7 =	vperm.xlane v12, v4  }
0xdc: {  	v11 =	vld [tilespmem:s28+$0xFFFFFFB0];
	v9, v10, _ =	vpop (xrf1)  }
0xdd: {  	v5 =	vsel vm0, v9, v5;
	v7 =	vsel vm0, v10, v7;
	v9 =	vld [tilespmem:s28+$0xFFFFFF90];
	v10 =	vpop (erf)  }
0xde: {  	(xrf1) =	vsort.dscd.msk.f32 $0xffff, v5, v7;
	v5 =	vadd.f32 $1.000000000e+00, v10  }
0xdf: {  	v10 =	vld [tilespmem:s28+$0xFFFFFFA0]  }
0xe0: {  	(erf) = vrcp.f32 v5;
	v5 =	vld [tilespmem:s28+$0xFFFFFF80]  }
0xe1: {  	(xrf1) =	vsort.dscd.msk.f32 $0xffff, v11, v3  }
0xe2: {  	s22 =	simm.s32 $0xD00;
	(xrf1) =	vsort.dscd.msk.f32 $0xffff, v9, v1  }
0xe3: {  	v13 =	vld [tilespmem:s22+$0xFFFFFF10];
	v11, v7, _ =	vpop (xrf1);
	v9 =	vmul.f32 $2.500000000e+00, v21  }
0xe4: {  	v12 =	vpop (erf);
	(xrf1) =	vsort.dscd.msk.f32 $0xffff, v10, v2;
	v10 =	vsub.f32 $0.0e+00, v11;
	v11 =	vld [tilespmem:s22+$0xFFFFFF30]  }
0xe5: {  	v9 =	vmul.f32 v12, v9;
	(xrf1) =	vsort.dscd.msk.f32 $0xffff, v5, v0  }
0xe6: {  	[tilespmem:s14+$0xFFFFFFF8] =	vst.msk $0xff, v8;
	v5, v8, _ =	vpop (xrf1);
	v10 =	vmul.f32 $1.442695020e+00, v10  }
0xe7: {  	[tilespmem:s13+$0xFFFFFFF8] =	vst.msk $0xff, v9;
	v5 =	vperm.xlane v5, v4;
	v8 =	vperm.xlane v8, v4  }
0xe8: {  	(xrf1) =	vsort.dscd.msk.f32 $0xffff, v13, v1;
	v9 =	vld [tilespmem:s0+$0x30];
	(erf) = vpow2.f32 v10;
	v12, v13, _ =	vpop (xrf1)  }
0xe9: {  	v14 =	vld [tilespmem:s0+$0x10];
	(xrf1) =	vsort.dscd.msk.f32 $0xffff, v11, v3;
	v5 =	vsel vm0, v12, v5;
	v8 =	vsel vm0, v13, v8;
	v11 =	vpop (erf)  }
0xea: {  	v12 =	vld [tilespmem:s0+$0x20];
	(xrf1) =	vsort.dscd.msk.f32 $0xffff, v5, v8;
	v5 =	vnsel vm0, $0x0, v11  }
0xeb: {  	(xrf2) =	vadd.scan.msk.f32 $0xffff, v5;
	v5 =	vld [tilespmem:s0+$0x0]  }
0xec: {  	v8, v10, _ =	vpop (xrf1)  }
0xed: {  	(xrf1) =	vsort.dscd.msk.f32 $0xffff, v9, v3;
	v8 =	vsub.f32 $0.0e+00, v8  }
0xee: {  	(xrf1) =	vsort.dscd.msk.f32 $0xffff, v14, v1  }
0xef: {  	(xrf1) =	vsort.dscd.msk.f32 $0xffff, v12, v2;
	v9, v12, _ =	vpop (xrf1);
	v8 =	vmul.f32 $1.442695020e+00, v8  }
0xf0: {  	v13, v14, _ =	vpop (xrf1);
	(xrf1) =	vsort.dscd.msk.f32 $0xffff, v5, v0;
	v5 =	vperm.xlane v9, v4  }
0xf1: {  	v9 =	vpop (erf);
	(erf) = vpow2.f32 v8;
	v8 =	vperm.xlane v12, v4  }
0xf2: {  	v12 =	vperm.xlane v13, v4;
	v13, v15, _ =	vpop (xrf1);
	v9 =	vadd.f32 $1.000000000e+00, v9;
	v14 =	vperm.xlane v14, v4  }
0xf3: {  	v5 =	vsel vm0, v13, v5;
	v8 =	vsel vm0, v15, v8;
	v13, v15, _ =	vpop (xrf1)  }
0xf4: {  	(erf) = vrcp.f32 v9;
	v9 =	vsel vm0, v15, v14  }
0xf5: {  	(xrf1) =	vsort.dscd.msk.f32 $0xffff, v5, v8;
	v8 =	vld [tilespmem:s22+$0xFFFFFF20];
	v5 =	vsel vm0, v13, v12  }
0xf6: {  	v12, _, _ =	vpop (xrf2)  }
0xf7: {  	(xrf1) =	vsort.dscd.msk.f32 $0xffff, v5, v9;
	v9, v13, _ =	vpop (xrf1)  }
0xf8: {  	v15, v16, _ =	vpop (xrf1)  }
0xf9: {  	v14 =	vld [tilespmem:s22+$0xFFFFFF00];
	v17, v5, _ =	vpop (xrf1)  }
0xfa: {  	(xrf1) =	vsort.dscd.msk.f32 $0xffff, v8, v2;
	v8 =	vpop (erf)  }
0xfb: {  	v18, v19, _ =	vpop (xrf1)  }
0xfc: {  	v26, v27, _ =	vpop (xrf1)  }
0xfd: {  	v12 =	vbroadcast v12, $0xF;
	v8 =	vadd.f32 $1.000000000e+00, v8;
	v18 =	vperm.xlane v18, v4;
	v29, v28, _ =	vpop (xrf1)  }
0xfe: {  	(xrf1) =	vsort.dscd.msk.f32 $0xffff, v14, v0;
	v19 =	vperm.xlane v19, v4;
	v14 =	vperm.xlane v26, v4;
	v23 =	vpop (erf)  }
0xff: {  	(erf) = vrcp.f32 v8;
	v8 =	vperm.xlane v27, v4;
	v31, v32, _ =	vpop (xrf1)  }
0x100: {  	v30 =	vnsel vm0, $0x0, v23;
	(erf) = vrcp.f32 v12;
	v12 =	vsel vm0, v31, v14  }
0x101: {  	v18 =	vsel vm0, v29, v18;
	v19 =	vsel vm0, v28, v19;
	(xrf2) =	vadd.scan.msk.f32 $0xffff, v30;
	v8 =	vsel vm0, v32, v8  }
0x102: {  	(xrf1) =	vsort.dscd.msk.f32 $0xffff, v18, v19  }
0x103: {  	v14 =	vsub.f32 $0.0e+00, v17  }
0x104: {  	(xrf1) =	vsort.dscd.msk.f32 $0xffff, v12, v8;
	v8, v12, _ =	vpop (xrf1)  }
0x105: {  	v14 =	vmul.f32 $1.442695020e+00, v14;
	v12 =	vperm.xlane v12, v4  }
0x106: {  	v17, v18, _ =	vpop (xrf1)  }
0x107: {  	v15 =	vperm.xlane v15, v4;
	v8 =	vperm.xlane v8, v4;
	v12 =	vsel vm0, v18, v12;
	_ =	sdelay $0x1  }
0x108: {  	v8 =	vsel vm0, v17, v8;
	v17 =	vpop (erf)  }
0x109: {  	(erf) = vpow2.f32 v14;
	(xrf1) =	vsort.dscd.msk.f32 $0xffff, v8, v12;
	v12, v14, _ =	vpop (xrf1)  }
0x10a: {  	s19 =	simm.s32 $0x8090;
	v8 =	vnsel vm0, $0x0, v17;
	v12 =	vsel vm0, v12, v15;
	v15, _, _ =	vpop (xrf2)  }
0x10b: {  	[tilespmem:s19+$0xFFFFFFF0] =	vst.msk $0xff, v6;
	(xrf2) =	vadd.scan.msk.f32 $0xffff, v8;
	v8 =	vperm.xlane v16, v4;
	v6 =	vbroadcast v15, $0xF  }
0x10c: {  	v11 =	vmul.f32 $2.500000000e+00, v11;
	v13 =	vperm.xlane v13, v4  }
0x10d: {  	v9 =	vperm.xlane v9, v4;
	v16 =	vpop (erf);
	v8 =	vsel vm0, v14, v8  }
0x10e: {  	v11 =	vmul.f32 v16, v11;
	v14, v15, _ =	vpop (xrf1);
	(xrf1) =	vsort.dscd.msk.f32 $0xffff, v12, v8  }
0x10f: {  	s20 =	simm.s32 $0x8910;
	v8 =	vsel vm0, v14, v9;
	v9 =	vsel vm0, v15, v13;
	(erf) = vrcp.f32 v6;
	v6, v12, _ =	vpop (xrf1)  }
0x110: {  	[tilespmem:s20+$0xFFFFFFF0] =	vst.msk $0xff, v11;
	(xrf1) =	vsort.dscd.msk.f32 $0xffff, v8, v9;
	v8 =	vperm.xlane v12, v4  }
0x111: {  	v11 =	vld [tilespmem:s21+$0xFFFFFFB0];
	v12, v13, _ =	vpop (xrf1)  }
0x112: {  	v9 =	vld [tilespmem:s21+$0xFFFFFF90];
	v6 =	vperm.xlane v6, v4;
	v8 =	vsel vm0, v13, v8  }
0x113: {  	v14 =	vld [tilespmem:s21+$0xFFFFFFA0]  }
0x114: {  	v6 =	vsel vm0, v12, v6;
	v12 =	vpop (erf)  }
0x115: {  	(xrf1) =	vsort.dscd.msk.f32 $0xffff, v6, v8;
	v6 =	vadd.f32 $1.000000000e+00, v12;
	v8, _, _ =	vpop (xrf2)  }
0x116: {  	v13 =	vld [tilespmem:s21+$0xFFFFFF80];
	(xrf1) =	vsort.dscd.msk.f32 $0xffff, v11, v3;
	v8 =	vbroadcast v8, $0xF  }
0x117: {  	(erf) = vrcp.f32 v6;
	(xrf1) =	vsort.dscd.msk.f32 $0xffff, v9, v1  }
0x118: {  	s24 =	simm.s32 $0xF00;
	(xrf1) =	vsort.dscd.msk.f32 $0xffff, v14, v2;
	(erf) = vrcp.f32 v8  }
0x119: {  	v12 =	vld [tilespmem:s24+$0xFFFFFF10];
	v9 =	vmul.f32 $2.500000000e+00, v23  }
0x11a: {  	v11 =	vpop (erf)  }
0x11b: {  	v9 =	vmul.f32 v11, v9;
	v6, v8, _ =	vpop (xrf1);
	(xrf1) =	vsort.dscd.msk.f32 $0xffff, v13, v0  }
0x11c: {  	[tilespmem:s15+$0xFFFFFFF8] =	vst.msk $0xff, v7;
	v13 =	vld [tilespmem:s24+$0xFFFFFF30];
	v6 =	vsub.f32 $0.0e+00, v6;
	v7, v11, _ =	vpop (xrf1)  }
0x11d: {  	[tilespmem:s16+$0xFFFFFFF8] =	vst.msk $0xff, v9;
	v9 =	vperm.xlane v11, v4  }
0x11e: {  	(xrf1) =	vsort.dscd.msk.f32 $0xffff, v12, v1;
	v7 =	vperm.xlane v7, v4;
	v12, v14, _ =	vpop (xrf1);
	v6 =	vmul.f32 $1.442695020e+00, v6  }
0x11f: {  	v11 =	vld [tilespmem:s29+$0x30];
	v9 =	vsel vm0, v14, v9  }
0x120: {  	v7 =	vsel vm0, v12, v7;
	v12 =	vpop (erf);
	v14 =	vmul.f32 $2.500000000e+00, v17;
	(erf) = vpow2.f32 v6;
	v6 =	vld [tilespmem:s29+$0x10]  }
0x121: {  	(xrf1) =	vsort.dscd.msk.f32 $0xffff, v13, v3;
	v13 =	vld [tilespmem:s29+$0x20];
	v15 =	vpop (erf)  }
0x122: {  	(xrf1) =	vsort.dscd.msk.f32 $0xffff, v7, v9;
	v7 =	vnsel vm0, $0x0, v12;
	v14 =	vmul.f32 v15, v14  }
0x123: {  	(xrf2) =	vadd.scan.msk.f32 $0xffff, v7;
	v16, v9, _ =	vpop (xrf1)  }
0x124: {  	v7 =	vld [tilespmem:s29+$0x0];
	(xrf1) =	vsort.dscd.msk.f32 $0xffff, v11, v3;
	v17, v18, _ =	vpop (xrf1);
	v11 =	vsub.f32 $0.0e+00, v16  }
0x125: {  	[tilespmem:s11+$0x0] =	vst.msk $0xff, v10;
	v15 =	vperm.xlane v17, v4;
	(xrf1) =	vsort.dscd.msk.f32 $0xffff, v6, v1;
	v6 =	vperm.xlane v18, v4;
	v10, v16, _ =	vpop (xrf1)  }
0x126: {  	[tilespmem:s12+$0x0] =	vst.msk $0xff, v14;
	(xrf1) =	vsort.dscd.msk.f32 $0xffff, v13, v2;
	v11 =	vmul.f32 $1.442695020e+00, v11;
	v13 =	vperm.xlane v16, v4;
	v14, v16, _ =	vpop (xrf1)  }
0x127: {  	v6 =	vsel vm0, v16, v6  }
0x128: {  	v17 =	vld [tilespmem:s1+$0xB0];
	(erf) = vpow2.f32 v11  }
0x129: {  	v10 =	vperm.xlane v10, v4;
	v14 =	vsel vm0, v14, v15;
	(xrf1) =	vsort.dscd.msk.f32 $0xffff, v7, v0;
	v7 =	vld [tilespmem:s1+$0x90];
	v15, v16, _ =	vpop (xrf1)  }
0x12a: {  	(xrf1) =	vsort.dscd.msk.f32 $0xffff, v14, v6;
	v6 =	vpop (erf)  }
0x12b: {  	v11 =	vld [tilespmem:s1+$0xA0];
	v10 =	vsel vm0, v15, v10;
	v13 =	vsel vm0, v16, v13;
	v6 =	vadd.f32 $1.000000000e+00, v6  }
0x12c: {  	(xrf1) =	vsort.dscd.msk.f32 $0xffff, v10, v13;
	v10 =	vld [tilespmem:s1+$0x80]  }
0x12d: {  	v13 =	vld [tilespmem:s24+$0xFFFFFF20];
	(xrf1) =	vsort.dscd.msk.f32 $0xffff, v17, v3;
	v14, _, _ =	vpop (xrf2)  }
0x12e: {  	(xrf1) =	vsort.dscd.msk.f32 $0xffff, v7, v1;
	v7, v15, _ =	vpop (xrf1)  }
0x12f: {  	(erf) = vrcp.f32 v6;
	v16, v17, _ =	vpop (xrf1)  }
0x130: {  	(xrf1) =	vsort.dscd.msk.f32 $0xffff, v11, v2;
	v18, v6, _ =	vpop (xrf1)  }
0x131: {  	(xrf1) =	vsort.dscd.msk.f32 $0xffff, v10, v0;
	v10 =	vpop (erf)  }
0x132: {  	v11 =	vld [tilespmem:s24+$0xFFFFFF00];
	(xrf1) =	vsort.dscd.msk.f32 $0xffff, v13, v2;
	v13 =	vbroadcast v14, $0xF;
	v14, v19, _ =	vpop (xrf1)  }
0x133: {  	v14 =	vperm.xlane v14, v4;
	v33, v34, _ =	vpop (xrf1)  }
0x134: {  	v10 =	vadd.f32 $1.000000000e+00, v10;
	v36, v35, _ =	vpop (xrf1)  }
0x135: {  	v19 =	vperm.xlane v19, v4;
	v14 =	vsel vm0, v36, v14  }
0x136: {  	v21 =	vperm.xlane v34, v4  }
0x137: {  	(xrf1) =	vsort.dscd.msk.f32 $0xffff, v11, v0;
	v11 =	vperm.xlane v33, v4;
	v19 =	vsel vm0, v35, v19;
	v39, v38, _ =	vpop (xrf1)  }
0x138: {  	(erf) = vrcp.f32 v10;
	v10 =	vpop (erf);
	(xrf1) =	vsort.dscd.msk.f32 $0xffff, v14, v19;
	v19 =	vsel vm0, v38, v21  }
0x139: {  	(erf) = vrcp.f32 v13;
	v11 =	vsel vm0, v39, v11;
	v13, v14, _ =	vpop (xrf1)  }
0x13a: {  	v37 =	vnsel vm0, $0x0, v10;
	v13 =	vperm.xlane v13, v4  }
0x13b: {  	(xrf2) =	vadd.scan.msk.f32 $0xffff, v37;
	v14 =	vperm.xlane v14, v4  }
0x13c: {  	(xrf1) =	vsort.dscd.msk.f32 $0xffff, v11, v19;
	v11, v19, _ =	vpop (xrf1)  }
0x13d: {  	v14 =	vsel vm0, v19, v14  }
0x13e: {  	v18 =	vsub.f32 $0.0e+00, v18;
	v11 =	vsel vm0, v11, v13;
	v13, v40, _ =	vpop (xrf1)  }
0x13f: {  	v13 =	vperm.xlane v13, v4;
	v19 =	vperm.xlane v40, v4;
	v42, v41, _ =	vpop (xrf1)  }
0x140: {  	v18 =	vmul.f32 $1.442695020e+00, v18;
	(xrf1) =	vsort.dscd.msk.f32 $0xffff, v11, v14;
	v14, v43, _ =	vpop (xrf1)  }
0x141: {  	v13 =	vsel vm0, v14, v13;
	v14 =	vsel vm0, v43, v19  }
0x142: {  	v44 =	vpop (erf);
	(erf) = vpow2.f32 v18  }
0x143: {  	v18 =	vnsel vm0, $0x0, v44;
	v11 =	vperm.xlane v42, v4;
	v21 =	vperm.xlane v41, v4  }
0x144: {  	v16 =	vperm.xlane v16, v4;
	(xrf2) =	vadd.scan.msk.f32 $0xffff, v18;
	v19, v20, _ =	vpop (xrf1)  }
0x145: {  	(xrf1) =	vsort.dscd.msk.f32 $0xffff, v13, v14;
	v11 =	vsel vm0, v19, v11;
	v18 =	vsel vm0, v20, v21;
	v13, v14, _ =	vpop (xrf1)  }
0x146: {  	s25 =	simm.s32 $0x80B0;
	(xrf1) =	vsort.dscd.msk.f32 $0xffff, v11, v18;
	v11 =	vsel vm0, v13, v16;
	v13, _, _ =	vpop (xrf2)  }
0x147: {  	[tilespmem:s25+$0xFFFFFFF0] =	vst.msk $0xff, v5;
	v17 =	vperm.xlane v17, v4;
	v5 =	vbroadcast v13, $0xF  }
0x148: {  	v12 =	vmul.f32 $2.500000000e+00, v12;
	v19 =	vpop (erf)  }
0x149: {  	v7 =	vperm.xlane v7, v4;
	v15 =	vperm.xlane v15, v4;
	v14 =	vsel vm0, v14, v17;
	v13, v16, _ =	vpop (xrf1)  }
0x14a: {  	v12 =	vmul.f32 v19, v12  }
0x14b: {  	(xrf1) =	vsort.dscd.msk.f32 $0xffff, v11, v14;
	v7 =	vsel vm0, v13, v7;
	v11 =	vsel vm0, v16, v15;
	(erf) = vrcp.f32 v5;
	v5, v13, _ =	vpop (xrf1)  }
0x14c: {  	s26 =	simm.s32 $0x8930;
	(xrf1) =	vsort.dscd.msk.f32 $0xffff, v7, v11;
	v7 =	vperm.xlane v13, v4  }
0x14d: {  	[tilespmem:s26+$0xFFFFFFF0] =	vst.msk $0xff, v12;
	v13, v14, _ =	vpop (xrf1)  }
0x14e: {  	v12 =	vld [tilespmem:s23+$0xFFFFFFB0];
	v5 =	vperm.xlane v5, v4;
	v7 =	vsel vm0, v14, v7  }
0x14f: {  	v11 =	vld [tilespmem:s23+$0xFFFFFF90]  }
0x150: {  	v5 =	vsel vm0, v13, v5;
	v13 =	vpop (erf)  }
0x151: {  	v15 =	vld [tilespmem:s23+$0xFFFFFFA0];
	(xrf1) =	vsort.dscd.msk.f32 $0xffff, v5, v7;
	v7, _, _ =	vpop (xrf2)  }
0x152: {  	v5 =	vadd.f32 $1.000000000e+00, v13  }
0x153: {  	(xrf1) =	vsort.dscd.msk.f32 $0xffff, v12, v3;
	v12 =	vbroadcast v7, $0xF;
	v13, v7, _ =	vpop (xrf1)  }
0x154: {  	(erf) = vrcp.f32 v5;
	v5 =	vmul.f32 $2.500000000e+00, v10;
	(xrf1) =	vsort.dscd.msk.f32 $0xffff, v11, v1;
	v10, v11, _ =	vpop (xrf1)  }
0x155: {  	v14 =	vld [tilespmem:s23+$0xFFFFFF80];
	v10 =	vperm.xlane v10, v4  }
0x156: {  	(xrf1) =	vsort.dscd.msk.f32 $0xffff, v15, v2;
	v15, v16, _ =	vpop (xrf1)  }
0x157: {  	v10 =	vsel vm0, v15, v10  }
0x158: {  	(erf) = vrcp.f32 v12;
	v13 =	vsub.f32 $0.0e+00, v13;
	v11 =	vperm.xlane v11, v4  }
0x159: {  	v12 =	vpop (erf)  }
0x15a: {  	s30 =	simm.s32 $0x1100;
	(xrf1) =	vsort.dscd.msk.f32 $0xffff, v14, v0;
	v5 =	vmul.f32 v12, v5;
	v11 =	vsel vm0, v16, v11  }
0x15b: {  	[tilespmem:s17+$0xFFFFFFF8] =	vst.msk $0xff, v8;
	v14 =	vld [tilespmem:s30+$0xFFFFFF10];
	(xrf1) =	vsort.dscd.msk.f32 $0xffff, v10, v11;
	v8, v10, _ =	vpop (xrf1)  }
0x15c: {  	v17 =	vld [tilespmem:s30+$0xFFFFFF30];
	[tilespmem:s18+$0xFFFFFFF8] =	vst.msk $0xff, v5;
	v5 =	vperm.xlane v8, v4;
	v8 =	vperm.xlane v10, v4  }
0x15d: {  	v11 =	vmul.f32 $1.442695020e+00, v13;
	v12, v13, _ =	vpop (xrf1)  }
0x15e: {  	v8 =	vsel vm0, v13, v8;
	_ =	sdelay $0x1  }
0x15f: {  	(xrf1) =	vsort.dscd.msk.f32 $0xffff, v14, v1;
	v10 =	vld [tilespmem:s28+$0x30];
	v5 =	vsel vm0, v12, v5;
	v12 =	vpop (erf)  }
0x160: {  	(erf) = vpow2.f32 v11;
	v11 =	vld [tilespmem:s28+$0x10];
	v14 =	vmul.f32 $2.500000000e+00, v44;
	(xrf1) =	vsort.dscd.msk.f32 $0xffff, v17, v3;
	v15 =	vpop (erf)  }
0x161: {  	v13 =	vld [tilespmem:s28+$0x20];
	(xrf1) =	vsort.dscd.msk.f32 $0xffff, v5, v8;
	v16, v8, _ =	vpop (xrf1)  }
0x162: {  	v5 =	vnsel vm0, $0x0, v12;
	v14 =	vmul.f32 v15, v14;
	v17, v18, _ =	vpop (xrf1)  }
0x163: {  	(xrf2) =	vadd.scan.msk.f32 $0xffff, v5;
	v5 =	vld [tilespmem:s28+$0x0];
	v15 =	vperm.xlane v17, v4  }
0x164: {  	(xrf1) =	vsort.dscd.msk.f32 $0xffff, v10, v3  }
0x165: {  	[tilespmem:s14+$0x0] =	vst.msk $0xff, v9;
	v10 =	vsub.f32 $0.0e+00, v16;
	(xrf1) =	vsort.dscd.msk.f32 $0xffff, v11, v1;
	v9 =	vperm.xlane v18, v4;
	v11, v16, _ =	vpop (xrf1)  }
0x166: {  	[tilespmem:s13+$0x0] =	vst.msk $0xff, v14;
	(xrf1) =	vsort.dscd.msk.f32 $0xffff, v13, v2;
	v11 =	vperm.xlane v11, v4;
	v13 =	vperm.xlane v16, v4;
	v14, v16, _ =	vpop (xrf1)  }
0x167: {  	v14 =	vsel vm0, v14, v15;
	v9 =	vsel vm0, v16, v9;
	v15, v16, _ =	vpop (xrf1)  }
0x168: {  	v10 =	vmul.f32 $1.442695020e+00, v10;
	(xrf1) =	vsort.dscd.msk.f32 $0xffff, v5, v0;
	v5 =	vsel vm0, v15, v11  }
0x169: {  	v17 =	vld [tilespmem:s0+$0xB0];
	v11 =	vsel vm0, v16, v13  }
0x16a: {  	(erf) = vpow2.f32 v10;
	v10 =	vld [tilespmem:s0+$0x90];
	(xrf1) =	vsort.dscd.msk.f32 $0xffff, v14, v9;
	v9 =	vpop (erf)  }
0x16b: {  	v9 =	vadd.f32 $1.000000000e+00, v9  }
0x16c: {  	v13 =	vld [tilespmem:s0+$0xA0];
	(xrf1) =	vsort.dscd.msk.f32 $0xffff, v5, v11;
	v11, v5, _ =	vpop (xrf1)  }
0x16d: {  	(erf) = vrcp.f32 v9;
	v9 =	vsub.f32 $0.0e+00, v11  }
0x16e: {  	(xrf1) =	vsort.dscd.msk.f32 $0xffff, v17, v3  }
0x16f: {  	v14 =	vld [tilespmem:s0+$0x80];
	(xrf1) =	vsort.dscd.msk.f32 $0xffff, v10, v1;
	v11, _, _ =	vpop (xrf2);
	v10 =	vmul.f32 $1.442695020e+00, v9  }
0x170: {  	v15, v16, _ =	vpop (xrf1)  }
0x171: {  	(xrf1) =	vsort.dscd.msk.f32 $0xffff, v13, v2;
	v13 =	vld [tilespmem:s30+$0xFFFFFF20];
	v17, v18, _ =	vpop (xrf1)  }
0x172: {  	v45, v9, _ =	vpop (xrf1)  }
0x173: {  	v19 =	vld [tilespmem:s30+$0xFFFFFF00];
	(erf) = vpow2.f32 v10;
	v10 =	vpop (erf)  }
0x174: {  	(xrf1) =	vsort.dscd.msk.f32 $0xffff, v14, v0;
	v14, v46, _ =	vpop (xrf1)  }
0x175: {  	v10 =	vadd.f32 $1.000000000e+00, v10;
	v14 =	vperm.xlane v14, v4;
	v48, v47, _ =	vpop (xrf1)  }
0x176: {  	(xrf1) =	vsort.dscd.msk.f32 $0xffff, v13, v2;
	v21 =	vperm.xlane v46, v4;
	v13, v24, _ =	vpop (xrf1)  }
0x177: {  	(erf) = vrcp.f32 v10;
	v10 =	vbroadcast v11, $0xF;
	v11 =	vsel vm0, v13, v14  }
0x178: {  	(xrf1) =	vsort.dscd.msk.f32 $0xffff, v19, v0;
	v19 =	vpop (erf);
	v14 =	vperm.xlane v48, v4  }
0x179: {  	v13 =	vsel vm0, v24, v21;
	v52, v51, _ =	vpop (xrf1)  }
0x17a: {  	v49 =	vperm.xlane v47, v4;
	v50 =	vnsel vm0, $0x0, v19;
	(xrf1) =	vsort.dscd.msk.f32 $0xffff, v11, v13;
	v13 =	vsel vm0, v52, v14  }
0x17b: {  	(xrf2) =	vadd.scan.msk.f32 $0xffff, v50;
	(erf) = vrcp.f32 v10;
	v10, v11, _ =	vpop (xrf1)  }
0x17c: {  	v14 =	vsel vm0, v51, v49;
	v54, v53, _ =	vpop (xrf1)  }
0x17d: {  	(xrf1) =	vsort.dscd.msk.f32 $0xffff, v13, v14;
	v14 =	vsub.f32 $0.0e+00, v45;
	v13 =	vpop (erf)  }
0x17e: {  	v10 =	vperm.xlane v10, v4;
	v11 =	vperm.xlane v11, v4;
	v56, v55, _ =	vpop (xrf1)  }
0x17f: {  	v14 =	vmul.f32 $1.442695020e+00, v14;
	v13 =	vadd.f32 $1.000000000e+00, v13;
	v23 =	vperm.xlane v55, v4;
	v57, v25, _ =	vpop (xrf1)  }
0x180: {  	v20 =	vperm.xlane v56, v4;
	v10 =	vsel vm0, v54, v10;
	v58, v59, _ =	vpop (xrf1)  }
0x181: {  	v11 =	vsel vm0, v53, v11;
	(erf) = vrcp.f32 v13;
	v13 =	vsel vm0, v59, v23  }
0x182: {  	(xrf1) =	vsort.dscd.msk.f32 $0xffff, v10, v11;
	v11 =	vsel vm0, v58, v20  }
0x183: {  	v17 =	vperm.xlane v17, v4;
	v10 =	vpop (erf);
	(xrf1) =	vsort.dscd.msk.f32 $0xffff, v11, v13;
	v11 =	vperm.xlane v57, v4  }
0x184: {  	v61 =	vperm.xlane v25, v4;
	(erf) = vpow2.f32 v14;
	v13, v14, _ =	vpop (xrf1)  }
0x185: {  	v60 =	vnsel vm0, $0x0, v10;
	v11 =	vsel vm0, v13, v11;
	v13, _, _ =	vpop (xrf2)  }
0x186: {  	v18 =	vperm.xlane v18, v4;
	(xrf2) =	vadd.scan.msk.f32 $0xffff, v60;
	v14 =	vsel vm0, v14, v61;
	v13 =	vbroadcast v13, $0xF  }
0x187: {  	s31 =	simm.s32 $0x80D0;
	v22, v23, _ =	vpop (xrf1);
	(xrf1) =	vsort.dscd.msk.f32 $0xffff, v11, v14;
	v14 =	vperm.xlane v16, v4  }
0x188: {  	[tilespmem:s31+$0xFFFFFFF0] =	vst.msk $0xff, v6;
	v15 =	vperm.xlane v15, v4;
	v11 =	vsel vm0, v22, v17;
	v6 =	vsel vm0, v23, v18;
	v16, v17, _ =	vpop (xrf1)  }
0x189: {  	v12 =	vmul.f32 $2.500000000e+00, v12;
	v14 =	vsel vm0, v17, v14  }
0x18a: {  	v62 =	vpop (erf);
	(xrf1) =	vsort.dscd.msk.f32 $0xffff, v11, v6;
	v11 =	vsel vm0, v16, v15  }
0x18b: {  	v12 =	vmul.f32 v62, v12;
	(erf) = vrcp.f32 v13;
	v6, v13, _ =	vpop (xrf1)  }
0x18c: {  	s0 =	simm.s32 $0x8950;
	v15 =	vperm.xlane v6, v4  }
0x18d: {  	[tilespmem:s0+$0xFFFFFFF0] =	vst.msk $0xff, v12;
	(xrf1) =	vsort.dscd.msk.f32 $0xffff, v11, v14;
	v11, v14, _ =	vpop (xrf1)  }
0x18e: {  	v12 =	vld [tilespmem:s22+$0xFFFFFFB0];
	v13 =	vperm.xlane v13, v4;
	v6 =	vpop (erf);
	v11 =	vsel vm0, v11, v15  }
0x18f: {  	v17 =	vnsel vm0, $0x0, v6  }
0x190: {  	v16 =	vld [tilespmem:s22+$0xFFFFFF90];
	v13 =	vsel vm0, v14, v13;
	(xrf2) =	vadd.scan.msk.f32 $0xffff, v17  }
0x191: {  	v18 =	vld [tilespmem:s22+$0xFFFFFFA0];
	(xrf1) =	vsort.dscd.msk.f32 $0xffff, v11, v13;
	v11, _, _ =	vpop (xrf2)  }
0x192: {  	v63 =	vpop (erf);
	v14 =	vld [tilespmem:s22+$0xFFFFFF80];
	v15 =	vbroadcast v11, $0xF  }
0x193: {  	v13 =	vadd.f32 $1.000000000e+00, v63;
	(xrf1) =	vsort.dscd.msk.f32 $0xffff, v12, v3;
	_ =	sdelay $0x1  }
0x194: {  	(erf) = vrcp.f32 v13;
	v12, v11, _ =	vpop (xrf1);
	(xrf1) =	vsort.dscd.msk.f32 $0xffff, v16, v1  }
0x195: {  	v13 =	vmul.f32 $2.500000000e+00, v19;
	(xrf1) =	vsort.dscd.msk.f32 $0xffff, v18, v2;
	(erf) = vrcp.f32 v15;
	v15, v16, _ =	vpop (xrf1)  }
0x196: {  	s8 =	simm.s32 $0x1300;
	s1 =	simm.s32 $0x20;
	(xrf1) =	vsort.dscd.msk.f32 $0xffff, v14, v0;
	v14 =	vpop (erf);
	v15 =	vperm.xlane v15, v4;
	v16 =	vperm.xlane v16, v4  }
.LBB2_2:
0x197: {  	v17 =	vld [tilespmem:s8+$0xFFFFFF10];
	v12 =	vsub.f32 $0.0e+00, v12;
	v18, v19, _ =	vpop (xrf1)  }
0x198: {  	v21 =	vmul.f32 v14, v13;
	v20 =	vld [tilespmem:s8+$0xFFFFFF30];
	v14 =	vsel vm0, v18, v15;
	v15 =	vsel vm0, v19, v16  }
0x199: {  	v16, v18, _ =	vpop (xrf1);
	[tilespmem:s19+$0xFFFFFFF8] =	vst.msk $0xff, v7;
	(xrf1) =	vsort.dscd.msk.f32 $0xffff, v14, v15;
	v7 =	vmov v11  }
0x19a: {  	v12 =	vmul.f32 $1.442695020e+00, v12;
	v19 =	vperm.xlane v16, v4;
	[tilespmem:s20+$0xFFFFFFF8] =	vst.msk $0xff, v21;
	v13, _, _ =	vpop (xrf2)  }
0x19b: {  	v21 =	vperm.xlane v18, v4;
	v15 =	vld [tilespmem:s21+$0x30];
	v13 =	vbroadcast v13, $0xF  }
0x19c: {  	(xrf1) =	vsort.dscd.msk.f32 $0xffff, v17, v1;
	v16, v17, _ =	vpop (xrf1);
	(erf) = vpow2.f32 v12;
	v12 =	vld [tilespmem:s21+$0x10]  }
0x19d: {  	(xrf1) =	vsort.dscd.msk.f32 $0xffff, v20, v3;
	v19 =	vsel vm0, v16, v19;
	v21 =	vsel vm0, v17, v21;
	v11 =	vpop (erf);
	v17 =	vld [tilespmem:s21+$0x20];
	(erf) = vrcp.f32 v13  }
0x19e: {  	v10 =	vmul.f32 $2.500000000e+00, v10;
	(xrf1) =	vsort.dscd.msk.f32 $0xffff, v19, v21;
	v13 =	vnsel vm0, $0x0, v11;
	v14 =	vpop (erf)  }
0x19f: {  	(xrf2) =	vadd.scan.msk.f32 $0xffff, v13;
	v13 =	vld [tilespmem:s21+$0x0];
	v16, v18, _ =	vpop (xrf1)  }
0x1a0: {  	v10 =	vmul.f32 v14, v10;
	v19, v20, _ =	vpop (xrf1);
	(xrf1) =	vsort.dscd.msk.f32 $0xffff, v15, v3;
	v15 =	vsub.f32 $0.0e+00, v16  }
0x1a1: {  	v14 =	vperm.xlane v19, v4;
	(xrf1) =	vsort.dscd.msk.f32 $0xffff, v12, v1;
	[tilespmem:s15+$0x0] =	vst.msk $0xff, v8;
	v8 =	vmov v18  }
0x1a2: {  	v21 =	vperm.xlane v20, v4;
	v16, v18, _ =	vpop (xrf1);
	(xrf1) =	vsort.dscd.msk.f32 $0xffff, v17, v2;
	v15 =	vmul.f32 $1.442695020e+00, v15;
	[tilespmem:s16+$0x0] =	vst.msk $0xff, v10  }
0x1a3: {  	v10 =	vperm.xlane v16, v4;
	v16 =	vperm.xlane v18, v4;
	v17, v18, _ =	vpop (xrf1);
	v19 =	vld [tilespmem:s29+$0xB0]  }
0x1a4: {  	v14 =	vsel vm0, v17, v14;
	v20 =	vsel vm0, v18, v21;
	v17, v18, _ =	vpop (xrf1);
	(xrf1) =	vsort.dscd.msk.f32 $0xffff, v13, v0;
	(erf) = vpow2.f32 v15;
	v13 =	vld [tilespmem:s29+$0x90]  }
0x1a5: {  	v6 =	vmul.f32 $2.500000000e+00, v6;
	v10 =	vsel vm0, v17, v10;
	v15 =	vsel vm0, v18, v16;
	(xrf1) =	vsort.dscd.msk.f32 $0xffff, v14, v20;
	v12 =	vpop (erf);
	v14 =	vld [tilespmem:s29+$0xA0]  }
0x1a6: {  	(xrf1) =	vsort.dscd.msk.f32 $0xffff, v10, v15;
	v10 =	vadd.f32 $1.000000000e+00, v12;
	v12 =	vpop (erf)  }
0x1a7: {  	v15 =	vld [tilespmem:s29+$0x80];
	v16, v17, _ =	vpop (xrf1);
	v20 =	vmul.f32 v12, v6;
	s29 =	smov.u32 s28;
	s28 =	smov.u32 s21;
	s21 =	smov.u32 s23  }
0x1a8: {  	v12 =	vld [tilespmem:s8+$0xFFFFFF20];
	(erf) = vrcp.f32 v10;
	(xrf1) =	vsort.dscd.msk.f32 $0xffff, v19, v3;
	v10 =	vsub.f32 $0.0e+00, v16;
	[tilespmem:s11+$0x8] =	vst.msk $0xff, v5;
	v5 =	vmovc v17;
	s11 =	smov.u32 s14;
	s14 =	smov.u32 s15;
	s15 =	smov.u32 s17  }
0x1a9: {  	s17 =	smov.u32 s19;
	s19 =	smov.u32 s25;
	s25 =	smov.u32 s31;
	v16, _, _ =	vpop (xrf2);
	(xrf1) =	vsort.dscd.msk.f32 $0xffff, v13, v1;
	[tilespmem:s12+$0x8] =	vst.msk $0xff, v20  }
0x1aa: {  	s12 =	smov.u32 s13;
	s13 =	smov.u32 s16;
	s16 =	smov.u32 s18;
	v6, v13, _ =	vpop (xrf1);
	(xrf1) =	vsort.dscd.msk.f32 $0xffff, v14, v2;
	v21 =	vmul.f32 $1.442695020e+00, v10  }
0x1ab: {  	s18 =	smov.u32 s20;
	s20 =	smov.u32 s26;
	s26 =	smov.u32 s0;
	v14 =	vld [tilespmem:s8+$0xFFFFFF00];
	v17, v18, _ =	vpop (xrf1)  }
0x1ac: {  	s23 =	smov.u32 s22;
	s22 =	smov.u32 s24;
	s24 =	smov.u32 s30;
	v19, v20, _ =	vpop (xrf1);
	(xrf1) =	vsort.dscd.msk.f32 $0xffff, v15, v0;
	(erf) = vpow2.f32 v21  }
0x1ad: {  	s30 =	smov.u32 s8;
	(xrf1) =	vsort.dscd.msk.f32 $0xffff, v12, v2;
	v10 =	vpop (erf)  }
0x1ae: {  	v12 =	vbroadcast v16, $0xF;
	v15, v16, _ =	vpop (xrf1);
	v10 =	vadd.f32 $1.000000000e+00, v10  }
0x1af: {  	v26 =	vperm.xlane v15, v4;
	v16 =	vperm.xlane v16, v4;
	v21, v22, _ =	vpop (xrf1)  }
0x1b0: {  	(xrf1) =	vsort.dscd.msk.f32 $0xffff, v14, v0;
	v14 =	vperm.xlane v21, v4;
	v21, v23, _ =	vpop (xrf1);
	(erf) = vrcp.f32 v10  }
0x1b1: {  	v24 =	vpop (erf)  }
0x1b2: {  	v25 =	vsel vm0, v21, v26;
	v21 =	vnsel vm0, $0x0, v24  }
0x1b3: {  	v10 =	vperm.xlane v22, v4;
	v16 =	vsel vm0, v23, v16  }
0x1b4: {  	v22, v23, _ =	vpop (xrf1);
	(xrf1) =	vsort.dscd.msk.f32 $0xffff, v25, v16  }
0x1b5: {  	(erf) = vrcp.f32 v12;
	v12, v15, _ =	vpop (xrf1);
	(xrf2) =	vadd.scan.msk.f32 $0xffff, v21;
	v14 =	vsel vm0, v22, v14;
	v10 =	vsel vm0, v23, v10  }
0x1b6: {  	v16 =	vsub.f32 $0.0e+00, v19;
	v12 =	vperm.xlane v12, v4;
	v19, v21, _ =	vpop (xrf1);
	(xrf1) =	vsort.dscd.msk.f32 $0xffff, v14, v10  }
0x1b7: {  	v14 =	vperm.xlane v17, v4;
	v10 =	vperm.xlane v15, v4;
	v15 =	vpop (erf)  }
0x1b8: {  	v16 =	vmul.f32 $1.442695020e+00, v16;
	v12 =	vsel vm0, v19, v12;
	v17, v19, _ =	vpop (xrf1);
	v15 =	vadd.f32 $1.000000000e+00, v15  }
0x1b9: {  	v25 =	vsel vm0, v21, v10;
	v17 =	vperm.xlane v17, v4;
	v19 =	vperm.xlane v19, v4;
	v21, v22, _ =	vpop (xrf1)  }
0x1ba: {  	(xrf1) =	vsort.dscd.msk.f32 $0xffff, v12, v25;
	v12 =	vperm.xlane v21, v4;
	v21, v23, _ =	vpop (xrf1)  }
0x1bb: {  	v19 =	vsel vm0, v23, v19  }
0x1bc: {  	(erf) = vrcp.f32 v15;
	v17 =	vsel vm0, v21, v17  }
0x1bd: {  	v15 =	vperm.xlane v22, v4;
	v10 =	vpop (erf)  }
0x1be: {  	v18 =	vperm.xlane v18, v4;
	(erf) = vpow2.f32 v16;
	v23 =	vnsel vm0, $0x0, v10;
	v21, v22, _ =	vpop (xrf1);
	(xrf1) =	vsort.dscd.msk.f32 $0xffff, v17, v19  }
0x1bf: {  	v11 =	vmul.f32 $2.500000000e+00, v11;
	(xrf2) =	vadd.scan.msk.f32 $0xffff, v23;
	v12 =	vsel vm0, v21, v12;
	v21 =	vsel vm0, v22, v15;
	v17, v19, _ =	vpop (xrf1)  }
0x1c0: {  	v6 =	vperm.xlane v6, v4;
	v16 =	vpop (erf);
	(xrf1) =	vsort.dscd.msk.f32 $0xffff, v12, v21  }
0x1c1: {  	s31 =	sadd.s32 $0x20, s31;
	v12 =	vsel vm0, v17, v14;
	v18 =	vsel vm0, v19, v18;
	v11 =	vmul.f32 v16, v11;
	v15, _, _ =	vpop (xrf2)  }
0x1c2: {  	s0 =	sadd.s32 $0x20, s0;
	v13 =	vperm.xlane v13, v4;
	v16, v17, _ =	vpop (xrf1);
	(xrf1) =	vsort.dscd.msk.f32 $0xffff, v12, v18;
	[tilespmem:s31+$0xFFFFFFF0] =	vst.msk $0xff, v9;
	v15 =	vbroadcast v15, $0xF  }
0x1c3: {  	v9 =	vmov v20;
	[tilespmem:s0+$0xFFFFFFF0] =	vst.msk $0xff, v11  }
0x1c4: {  	v18 =	vsel vm0, v16, v6;
	v11 =	vsel vm0, v17, v13;
	v13 =	vld [tilespmem:s22+$0xFFFFFFB0];
	(erf) = vrcp.f32 v15;
	v12, v14, _ =	vpop (xrf1)  }
0x1c5: {  	s1 =	sadd.s32 $0x4, s1;
	(xrf1) =	vsort.dscd.msk.f32 $0xffff, v18, v11;
	v11 =	vperm.xlane v12, v4;
	v12 =	vperm.xlane v14, v4;
	v6 =	vpop (erf)  }
0x1c6: {  	v15, v16, _ =	vpop (xrf1)  }
0x1c7: {  	p0 =	slt.u32 s1, $0xFC;
	v14 =	vld [tilespmem:s22+$0xFFFFFF90];
	v17 =	vnsel vm0, $0x0, v6;
	v11 =	vsel vm0, v15, v11  }
0x1c8: {  	v18 =	vpop (erf);
	v19 =	vld [tilespmem:s22+$0xFFFFFFA0];
	v12 =	vsel vm0, v16, v12;
	(xrf2) =	vadd.scan.msk.f32 $0xffff, v17  }
0x1c9: {  	v15 =	vld [tilespmem:s22+$0xFFFFFF80];
	(xrf1) =	vsort.dscd.msk.f32 $0xffff, v11, v12  }
.Ltmp0:
0x1ca: {  	v20 =	vadd.f32 $1.000000000e+00, v18;
	(xrf1) =	vsort.dscd.msk.f32 $0xffff, v13, v3;
	v13, _, _ =	vpop (xrf2);
	(pc) =	sbr.rel @p0 .LBB2_2-.Ltmp0, $4  }
0x1cb: {  	v18 =	vbroadcast v13, $0xF;
	v12, v11, _ =	vpop (xrf1)  }
0x1cc: {  	(erf) = vrcp.f32 v20;
	(xrf1) =	vsort.dscd.msk.f32 $0xffff, v14, v1  }
0x1cd: {  	v13 =	vmul.f32 $2.500000000e+00, v24;
	(xrf1) =	vsort.dscd.msk.f32 $0xffff, v19, v2;
	(erf) = vrcp.f32 v18;
	v16, v17, _ =	vpop (xrf1)  }
0x1ce: {  	s8 =	sadd.s32 $0x200, s8;
	(xrf1) =	vsort.dscd.msk.f32 $0xffff, v15, v0;
	v14 =	vpop (erf);
	v15 =	vperm.xlane v16, v4;
	v16 =	vperm.xlane v17, v4  }
0x1cf: {  	_ = 	snop  }
0x1d0: {  	v12 =	vsub.f32 $0.0e+00, v12;
	v13 =	vmul.f32 v14, v13  }
0x1d1: {  	v17, v18, _ =	vpop (xrf1);
	[tilespmem:s19+$0xFFFFFFF8] =	vst.msk $0xff, v7  }
0x1d2: {  	v43 =	vsel vm0, v17, v15;
	v44 =	vsel vm0, v18, v16;
	v7, v45, _ =	vpop (xrf1);
	v12 =	vmul.f32 $1.442695020e+00, v12;
	[tilespmem:s20+$0xFFFFFFF8] =	vst.msk $0xff, v13  }
0x1d3: {  	(xrf1) =	vsort.dscd.msk.f32 $0xffff, v43, v44;
	v7 =	vperm.xlane v7, v4;
	v46 =	vperm.xlane v45, v4;
	v47 =	vld [tilespmem:s21+$0x30]  }
0x1d4: {  	v50 =	vld [tilespmem:s21+$0x10];
	v48, v49, _ =	vpop (xrf1)  }
0x1d5: {  	v51 =	vld [tilespmem:s21+$0x20];
	(erf) = vpow2.f32 v12;
	v7 =	vsel vm0, v48, v7;
	v13 =	vsel vm0, v49, v46;
	v15 =	vpop (erf)  }
0x1d6: {  	v52, _, _ =	vpop (xrf2);
	(xrf1) =	vsort.dscd.msk.f32 $0xffff, v7, v13;
	v7 =	vnsel vm0, $0x0, v15  }
0x1d7: {  	v54 =	vmul.f32 $2.500000000e+00, v10;
	v53 =	vbroadcast v52, $0xF;
	(xrf2) =	vadd.scan.msk.f32 $0xffff, v7;
	v55, v10, _ =	vpop (xrf1)  }
0x1d8: {  	v19 =	vpop (erf);
	v7 =	vld [tilespmem:s21+$0x0];
	(xrf1) =	vsort.dscd.msk.f32 $0xffff, v47, v3;
	v56 =	vsub.f32 $0.0e+00, v55  }
0x1d9: {  	(erf) = vrcp.f32 v53;
	v58, v57, _ =	vpop (xrf1);
	(xrf1) =	vsort.dscd.msk.f32 $0xffff, v50, v1  }
0x1da: {  	v17 =	vmul.f32 v19, v54;
	v61, v60, _ =	vpop (xrf1);
	(xrf1) =	vsort.dscd.msk.f32 $0xffff, v51, v2;
	v14 =	vmul.f32 $1.442695020e+00, v56  }
0x1db: {  	[tilespmem:s15+$0x0] =	vst.msk $0xff, v8;
	v59 =	vperm.xlane v58, v4;
	v62 =	vperm.xlane v57, v4  }
0x1dc: {  	[tilespmem:s16+$0x0] =	vst.msk $0xff, v17;
	v8 =	vperm.xlane v61, v4;
	v24, v63, _ =	vpop (xrf1);
	(erf) = vpow2.f32 v14  }
0x1dd: {  	v25 =	vld [tilespmem:s29+$0xB0];
	v13 =	vperm.xlane v60, v4;
	v20, v21, _ =	vpop (xrf1);
	(xrf1) =	vsort.dscd.msk.f32 $0xffff, v7, v0;
	v7 =	vsel vm0, v24, v59  }
0x1de: {  	v27 =	vld [tilespmem:s29+$0x90];
	v26 =	vsel vm0, v63, v62;
	v28 =	vpop (erf)  }
0x1df: {  	v8 =	vsel vm0, v20, v8;
	v13 =	vsel vm0, v21, v13;
	(xrf1) =	vsort.dscd.msk.f32 $0xffff, v7, v26;
	v16 =	vadd.f32 $1.000000000e+00, v28  }
0x1e0: {  	v29 =	vld [tilespmem:s29+$0xA0];
	(xrf1) =	vsort.dscd.msk.f32 $0xffff, v8, v13  }
0x1e1: {  	(erf) = vrcp.f32 v16;
	v31, v7, _ =	vpop (xrf1)  }
0x1e2: {  	v30 =	vld [tilespmem:s29+$0x80];
	(xrf1) =	vsort.dscd.msk.f32 $0xffff, v25, v3;
	v32 =	vsub.f32 $0.0e+00, v31  }
0x1e3: {  	v8 =	vpop (erf);
	(xrf1) =	vsort.dscd.msk.f32 $0xffff, v27, v1  }
0x1e4: {  	v16 =	vmul.f32 $1.442695020e+00, v32;
	v34, v12, _ =	vpop (xrf1)  }
0x1e5: {  	(xrf1) =	vsort.dscd.msk.f32 $0xffff, v29, v2;
	v35 =	vpop (erf)  }
0x1e6: {  	(erf) = vpow2.f32 v16;
	v37, v36, _ =	vpop (xrf1)  }
0x1e7: {  	(xrf1) =	vsort.dscd.msk.f32 $0xffff, v30, v0;
	v18 =	vperm.xlane v36, v4;
	v39, v38, _ =	vpop (xrf1)  }
0x1e8: {  	v16 =	vperm.xlane v37, v4;
	v40, v22, _ =	vpop (xrf1)  }
0x1e9: {  	v33, _, _ =	vpop (xrf2);
	v13 =	vadd.f32 $1.000000000e+00, v35;
	v18 =	vsel vm0, v22, v18  }
0x1ea: {  	v19 =	vperm.xlane v39, v4;
	v41 =	vperm.xlane v38, v4;
	v23 =	vpop (erf);
	v16 =	vsel vm0, v40, v16  }
0x1eb: {  	(erf) = vrcp.f32 v13;
	v42 =	vnsel vm0, $0x0, v23;
	v43, v44, _ =	vpop (xrf1);
	(xrf1) =	vsort.dscd.msk.f32 $0xffff, v16, v18  }
0x1ec: {  	v14 =	vbroadcast v33, $0xF;
	(xrf2) =	vadd.scan.msk.f32 $0xffff, v42;
	v45 =	vsel vm0, v43, v19;
	v13 =	vsel vm0, v44, v41  }
0x1ed: {  	(xrf1) =	vsort.dscd.msk.f32 $0xffff, v45, v13;
	v16, v18, _ =	vpop (xrf1)  }
0x1ee: {  	(erf) = vrcp.f32 v14;
	v49, v48, _ =	vpop (xrf1)  }
0x1ef: {  	v50 =	vpop (erf)  }
0x1f0: {  	v47 =	vperm.xlane v16, v4;
	v52, v51, _ =	vpop (xrf1)  }
0x1f1: {  	v46 =	vsub.f32 $0.0e+00, v34;
	v18 =	vperm.xlane v18, v4;
	v16 =	vperm.xlane v52, v4;
	v55, v54, _ =	vpop (xrf1)  }
0x1f2: {  	v19 =	vadd.f32 $1.000000000e+00, v50;
	v53 =	vperm.xlane v51, v4;
	v21 =	vperm.xlane v54, v4  }
0x1f3: {  	v13 =	vmul.f32 $1.442695020e+00, v46;
	v14 =	vsel vm0, v49, v47;
	v17 =	vsel vm0, v48, v18;
	v57, v58, _ =	vpop (xrf1)  }
0x1f4: {  	(xrf1) =	vsort.dscd.msk.f32 $0xffff, v14, v17;
	(erf) = vrcp.f32 v19;
	v59 =	vpop (erf);
	v16 =	vsel vm0, v57, v16;
	v60 =	vsel vm0, v58, v53  }
0x1f5: {  	v56 =	vperm.xlane v55, v4;
	(erf) = vpow2.f32 v13;
	v61 =	vnsel vm0, $0x0, v59;
	v18, v20, _ =	vpop (xrf1);
	(xrf1) =	vsort.dscd.msk.f32 $0xffff, v16, v60  }
0x1f6: {  	v15 =	vmul.f32 $2.500000000e+00, v15;
	(xrf2) =	vadd.scan.msk.f32 $0xffff, v61;
	v63 =	vsel vm0, v20, v21;
	v21, _, _ =	vpop (xrf2)  }
0x1f7: {  	v62 =	vsel vm0, v18, v56;
	v20 =	vpop (erf);
	v13 =	vbroadcast v21, $0xF  }
0x1f8: {  	s29 =	sadd.s32 $0x20, s31;
	(xrf1) =	vsort.dscd.msk.f32 $0xffff, v62, v63;
	v22 =	vmul.f32 v20, v15  }
0x1f9: {  	s1 =	sadd.s32 $0x20, s0;
	[tilespmem:s29+$0xFFFFFFF0] =	vst.msk $0xff, v9;
	(erf) = vrcp.f32 v13;
	v24, v25, _ =	vpop (xrf1)  }
0x1fa: {  	[tilespmem:s1+$0xFFFFFFF0] =	vst.msk $0xff, v22;
	v26 =	vperm.xlane v24, v4;
	v13 =	vperm.xlane v25, v4  }
0x1fb: {  	v14 =	vld [tilespmem:s24+$0xFFFFFFB0];
	v28, v29, _ =	vpop (xrf1)  }
0x1fc: {  	v15 =	vsel vm0, v28, v26;
	v13 =	vsel vm0, v29, v13  }
0x1fd: {  	v27 =	vld [tilespmem:s24+$0xFFFFFF90];
	v9 =	vpop (erf);
	(xrf1) =	vsort.dscd.msk.f32 $0xffff, v15, v13  }
0x1fe: {  	v30 =	vld [tilespmem:s24+$0xFFFFFFA0];
	v31 =	vnsel vm0, $0x0, v9;
	v32 =	vpop (erf)  }
0x1ff: {  	v33 =	vld [tilespmem:s24+$0xFFFFFF80];
	(xrf2) =	vadd.scan.msk.f32 $0xffff, v31;
	v34 =	vadd.f32 $1.000000000e+00, v32  }
0x200: {  	(xrf1) =	vsort.dscd.msk.f32 $0xffff, v14, v3;
	v35, _, _ =	vpop (xrf2)  }
0x201: {  	v14 =	vbroadcast v35, $0xF;
	(erf) = vrcp.f32 v34  }
0x202: {  	v37 =	vmul.f32 $2.500000000e+00, v23;
	(xrf1) =	vsort.dscd.msk.f32 $0xffff, v27, v1;
	v36, v13, _ =	vpop (xrf1)  }
0x203: {  	(xrf1) =	vsort.dscd.msk.f32 $0xffff, v30, v2;
	(erf) = vrcp.f32 v14;
	v40 =	vpop (erf)  }
0x204: {  	v39, v38, _ =	vpop (xrf1);
	(xrf1) =	vsort.dscd.msk.f32 $0xffff, v33, v0;
	v16 =	vmul.f32 v40, v37  }
0x205: {  	[tilespmem:s25+$0xFFFFFFF8] =	vst.msk $0xff, v11;
	v14 =	vperm.xlane v39, v4  }
0x206: {  	v15 =	vsub.f32 $0.0e+00, v36;
	v17 =	vperm.xlane v38, v4;
	v41, v42, _ =	vpop (xrf1);
	[tilespmem:s26+$0xFFFFFFF8] =	vst.msk $0xff, v16  }
0x207: {  	v14 =	vsel vm0, v41, v14;
	v44 =	vld [tilespmem:s23+$0x30]  }
0x208: {  	v43 =	vmul.f32 $1.442695020e+00, v15;
	v17 =	vsel vm0, v42, v17;
	v45 =	vld [tilespmem:s23+$0x10]  }
0x209: {  	(xrf1) =	vsort.dscd.msk.f32 $0xffff, v14, v17;
	v46 =	vld [tilespmem:s23+$0x20];
	v47, _, _ =	vpop (xrf2)  }
0x20a: {  	(erf) = vpow2.f32 v43;
	v16 =	vpop (erf)  }
0x20b: {  	v19 =	vmul.f32 $2.500000000e+00, v59;
	v50 =	vld [tilespmem:s23+$0x0];
	v51, v14, _ =	vpop (xrf1)  }
0x20c: {  	v52 =	vpop (erf);
	(xrf1) =	vsort.dscd.msk.f32 $0xffff, v44, v3;
	v53 =	vsub.f32 $0.0e+00, v51  }
0x20d: {  	v49 =	vbroadcast v47, $0xF;
	v19 =	vmul.f32 v52, v19;
	(xrf1) =	vsort.dscd.msk.f32 $0xffff, v45, v1  }
0x20e: {  	[tilespmem:s17+$0x0] =	vst.msk $0xff, v10;
	v55, v54, _ =	vpop (xrf1);
	(xrf1) =	vsort.dscd.msk.f32 $0xffff, v46, v2;
	v15 =	vmul.f32 $1.442695020e+00, v53  }
0x20f: {  	(erf) = vrcp.f32 v49;
	v56 =	vperm.xlane v55, v4;
	[tilespmem:s18+$0x0] =	vst.msk $0xff, v19  }
0x210: {  	v58, v57, _ =	vpop (xrf1);
	v59 =	vperm.xlane v54, v4;
	v62 =	vld [tilespmem:s28+$0xB0];
	(xrf1) =	vsort.dscd.msk.f32 $0xffff, v50, v0;
	(erf) = vpow2.f32 v15  }
0x211: {  	v48 =	vnsel vm0, $0x0, v16;
	v10 =	vperm.xlane v58, v4;
	v61, v60, _ =	vpop (xrf1);
	v20 =	vperm.xlane v57, v4;
	v25 =	vld [tilespmem:s28+$0x90]  }
0x212: {  	(xrf2) =	vadd.scan.msk.f32 $0xffff, v48;
	v11 =	vsel vm0, v61, v56;
	v21 =	vsel vm0, v60, v59;
	v63, v24, _ =	vpop (xrf1)  }
0x213: {  	v26 =	vpop (erf);
	v28 =	vld [tilespmem:s28+$0xA0];
	(xrf1) =	vsort.dscd.msk.f32 $0xffff, v11, v21;
	v10 =	vsel vm0, v63, v10;
	v27 =	vsel vm0, v24, v20  }
0x214: {  	v29 =	vadd.f32 $1.000000000e+00, v26;
	(xrf1) =	vsort.dscd.msk.f32 $0xffff, v10, v27  }
0x215: {  	v30 =	vld [tilespmem:s28+$0x80];
	(xrf1) =	vsort.dscd.msk.f32 $0xffff, v62, v3  }
0x216: {  	(erf) = vrcp.f32 v29;
	(xrf1) =	vsort.dscd.msk.f32 $0xffff, v25, v1  }
0x217: {  	v19, v10, _ =	vpop (xrf1)  }
0x218: {  	v11 =	vpop (erf);
	(xrf1) =	vsort.dscd.msk.f32 $0xffff, v28, v2;
	v19 =	vsub.f32 $0.0e+00, v19  }
0x219: {  	v33 =	vpop (erf)  }
0x21a: {  	(xrf1) =	vsort.dscd.msk.f32 $0xffff, v30, v0;
	v31 =	vmul.f32 $1.442695020e+00, v19;
	v35, v34, _ =	vpop (xrf1)  }
0x21b: {  	v15 =	vadd.f32 $1.000000000e+00, v33;
	v18 =	vperm.xlane v35, v4;
	v19 =	vperm.xlane v34, v4;
	v37, v36, _ =	vpop (xrf1)  }
0x21c: {  	(erf) = vpow2.f32 v31;
	v20 =	vperm.xlane v37, v4;
	v39, v38, _ =	vpop (xrf1)  }
0x21d: {  	v32, _, _ =	vpop (xrf2);
	v21 =	vperm.xlane v36, v4;
	v18 =	vsel vm0, v39, v18;
	v19 =	vsel vm0, v38, v19  }
0x21e: {  	v17 =	vbroadcast v32, $0xF;
	(erf) = vrcp.f32 v15;
	v42, v41, _ =	vpop (xrf1);
	(xrf1) =	vsort.dscd.msk.f32 $0xffff, v18, v19  }
0x21f: {  	v43 =	vsel vm0, v42, v20;
	v44 =	vsel vm0, v41, v21;
	v15 =	vpop (erf)  }
0x220: {  	(erf) = vrcp.f32 v17;
	(xrf1) =	vsort.dscd.msk.f32 $0xffff, v43, v44;
	v40 =	vnsel vm0, $0x0, v15  }
0x221: {  	v45, v46, _ =	vpop (xrf1);
	(xrf2) =	vadd.scan.msk.f32 $0xffff, v40  }
0x222: {  	v47 =	vperm.xlane v45, v4;
	v48, v49, _ =	vpop (xrf1)  }
0x223: {  	v20 =	vperm.xlane v46, v4;
	v52, v51, _ =	vpop (xrf1)  }
0x224: {  	v17 =	vsel vm0, v48, v47;
	v55, v54, _ =	vpop (xrf1)  }
0x225: {  	v19 =	vsel vm0, v49, v20;
	v18 =	vperm.xlane v52, v4;
	v53 =	vperm.xlane v51, v4;
	v50 =	vpop (erf)  }
0x226: {  	v16 =	vmul.f32 $2.500000000e+00, v16;
	(xrf1) =	vsort.dscd.msk.f32 $0xffff, v17, v19;
	v57, v58, _ =	vpop (xrf1);
	v21 =	vadd.f32 $1.000000000e+00, v50  }
0x227: {  	v56 =	vperm.xlane v55, v4;
	v18 =	vsel vm0, v57, v18;
	v60 =	vsel vm0, v58, v53;
	v59 =	vpop (erf)  }
0x228: {  	v23 =	vperm.xlane v54, v4;
	v63, v62, _ =	vpop (xrf1);
	(xrf1) =	vsort.dscd.msk.f32 $0xffff, v18, v60;
	(erf) = vrcp.f32 v21;
	v61 =	vnsel vm0, $0x0, v59  }
0x229: {  	(xrf2) =	vadd.scan.msk.f32 $0xffff, v61;
	v26 =	vpop (erf)  }
0x22a: {  	s28 =	sadd.s32 $0x20, s29;
	v17 =	vsel vm0, v63, v56;
	v25 =	vsel vm0, v62, v23;
	v16 =	vmul.f32 v26, v16  }
0x22b: {  	s8 =	sadd.s32 $0x20, s1;
	[tilespmem:s28+$0xFFFFFFF0] =	vst.msk $0xff, v12;
	(xrf1) =	vsort.dscd.msk.f32 $0xffff, v17, v25;
	v27, _, _ =	vpop (xrf2)  }
0x22c: {  	[tilespmem:s8+$0xFFFFFFF0] =	vst.msk $0xff, v16;
	v17 =	vbroadcast v27, $0xF;
	v28, v29, _ =	vpop (xrf1)  }
0x22d: {  	v30 =	vld [tilespmem:s30+$0xFFFFFFB0];
	v31 =	vperm.xlane v28, v4;
	v16 =	vperm.xlane v29, v4  }
0x22e: {  	v33, v34, _ =	vpop (xrf1);
	(erf) = vrcp.f32 v17  }
0x22f: {  	v32 =	vld [tilespmem:s30+$0xFFFFFF90];
	v18 =	vsel vm0, v33, v31;
	v16 =	vsel vm0, v34, v16  }
0x230: {  	v36 =	vld [tilespmem:s30+$0xFFFFFFA0];
	(xrf1) =	vsort.dscd.msk.f32 $0xffff, v18, v16  }
0x231: {  	v12 =	vpop (erf)  }
0x232: {  	v37 =	vld [tilespmem:s30+$0xFFFFFF80];
	v35 =	vnsel vm0, $0x0, v12;
	(xrf1) =	vsort.dscd.msk.f32 $0xffff, v30, v3  }
0x233: {  	(xrf2) =	vadd.scan.msk.f32 $0xffff, v35;
	v38, _, _ =	vpop (xrf2)  }
0x234: {  	(xrf1) =	vsort.dscd.msk.f32 $0xffff, v32, v1;
	v39 =	vbroadcast v38, $0xF  }
0x235: {  	v40, v16, _ =	vpop (xrf1);
	(xrf1) =	vsort.dscd.msk.f32 $0xffff, v36, v2  }
0x236: {  	v15 =	vmul.f32 $2.500000000e+00, v15;
	v42, v41, _ =	vpop (xrf1);
	(erf) = vrcp.f32 v39  }
0x237: {  	(xrf1) =	vsort.dscd.msk.f32 $0xffff, v37, v0;
	v17 =	vperm.xlane v42, v4;
	v43 =	vpop (erf)  }
0x238: {  	v20 =	vperm.xlane v41, v4;
	v15 =	vmul.f32 v43, v15  }
0x239: {  	[tilespmem:s31+$0xFFFFFFF8] =	vst.msk $0xff, v13;
	v45, v44, _ =	vpop (xrf1)  }
0x23a: {  	v17 =	vsel vm0, v45, v17;
	v46 =	vsel vm0, v44, v20;
	[tilespmem:s0+$0xFFFFFFF8] =	vst.msk $0xff, v15  }
0x23b: {  	v47 =	vsub.f32 $0.0e+00, v40;
	(xrf1) =	vsort.dscd.msk.f32 $0xffff, v17, v46;
	v15 =	vld [tilespmem:s22+$0x30]  }
0x23c: {  	v48 =	vld [tilespmem:s22+$0x10]  }
0x23d: {  	v13 =	vmul.f32 $1.442695020e+00, v47;
	v49 =	vld [tilespmem:s22+$0x20];
	v50, _, _ =	vpop (xrf2)  }
0x23e: {  	v53 =	vld [tilespmem:s22+$0x0];
	v51 =	vbroadcast v50, $0xF;
	v54, v17, _ =	vpop (xrf1)  }
0x23f: {  	v52 =	vmul.f32 $2.500000000e+00, v59;
	(erf) = vpow2.f32 v13;
	v55 =	vpop (erf)  }
0x240: {  	v56 =	vsub.f32 $0.0e+00, v54;
	(erf) = vrcp.f32 v51;
	v58, v57, _ =	vpop (xrf1);
	(xrf1) =	vsort.dscd.msk.f32 $0xffff, v15, v3  }
0x241: {  	v20 =	vmul.f32 v55, v52;
	v13 =	vperm.xlane v58, v4;
	(xrf1) =	vsort.dscd.msk.f32 $0xffff, v48, v1  }
0x242: {  	v60, v59, _ =	vpop (xrf1);
	v61 =	vperm.xlane v57, v4;
	v15 =	vmul.f32 $1.442695020e+00, v56;
	(xrf1) =	vsort.dscd.msk.f32 $0xffff, v49, v2  }
0x243: {  	[tilespmem:s19+$0x0] =	vst.msk $0xff, v14;
	v14 =	vperm.xlane v60, v4;
	v18 =	vperm.xlane v59, v4;
	v63, v62, _ =	vpop (xrf1);
	(xrf1) =	vsort.dscd.msk.f32 $0xffff, v53, v0  }
0x244: {  	[tilespmem:s20+$0x0] =	vst.msk $0xff, v20;
	v13 =	vsel vm0, v63, v13;
	v25 =	vsel vm0, v62, v61;
	(erf) = vpow2.f32 v15  }
0x245: {  	v24 =	vld [tilespmem:s21+$0xB0];
	v27, v26, _ =	vpop (xrf1);
	(xrf1) =	vsort.dscd.msk.f32 $0xffff, v13, v25  }
0x246: {  	v28 =	vld [tilespmem:s21+$0x90];
	v14 =	vsel vm0, v27, v14;
	v18 =	vsel vm0, v26, v18  }
0x247: {  	v30 =	vld [tilespmem:s21+$0xA0];
	(xrf1) =	vsort.dscd.msk.f32 $0xffff, v14, v18;
	_ =	sdelay $0x1  }
0x248: {  	v32, v13, _ =	vpop (xrf1)  }
0x249: {  	v29 =	vpop (erf);
	(xrf1) =	vsort.dscd.msk.f32 $0xffff, v24, v3;
	v18 =	vsub.f32 $0.0e+00, v32  }
0x24a: {  	v31 =	vadd.f32 $1.000000000e+00, v29;
	(xrf1) =	vsort.dscd.msk.f32 $0xffff, v28, v1  }
0x24b: {  	v33 =	vld [tilespmem:s21+$0x80];
	v14 =	vpop (erf);
	v18 =	vmul.f32 $1.442695020e+00, v18;
	(xrf1) =	vsort.dscd.msk.f32 $0xffff, v30, v2  }
0x24c: {  	(erf) = vrcp.f32 v31;
	v34 =	vpop (erf)  }
0x24d: {  	(erf) = vpow2.f32 v18;
	v36, v35, _ =	vpop (xrf1)  }
0x24e: {  	v37 =	vperm.xlane v35, v4;
	v39, v38, _ =	vpop (xrf1)  }
0x24f: {  	v15 =	vadd.f32 $1.000000000e+00, v34;
	v40, v41, _ =	vpop (xrf1);
	v42 =	vperm.xlane v38, v4  }
0x250: {  	(xrf1) =	vsort.dscd.msk.f32 $0xffff, v33, v0;
	v18 =	vperm.xlane v36, v4;
	v19 =	vsel vm0, v41, v37;
	v43, v44, _ =	vpop (xrf1)  }
0x251: {  	(erf) = vrcp.f32 v15;
	v20 =	vperm.xlane v39, v4;
	v15 =	vsel vm0, v44, v42  }
0x252: {  	v18 =	vsel vm0, v40, v18;
	v48, v49, _ =	vpop (xrf1)  }
0x253: {  	(xrf1) =	vsort.dscd.msk.f32 $0xffff, v18, v19;
	v46 =	vsel vm0, v43, v20;
	v22 =	vperm.xlane v49, v4  }
0x254: {  	(xrf1) =	vsort.dscd.msk.f32 $0xffff, v46, v15;
	v50 =	vperm.xlane v48, v4;
	v15, v19, _ =	vpop (xrf1)  }
0x255: {  	v45 =	vpop (erf);
	v19 =	vsel vm0, v19, v22  }
0x256: {  	v47 =	vnsel vm0, $0x0, v45;
	v51 =	vpop (erf);
	v15 =	vsel vm0, v15, v50  }
0x257: {  	(xrf2) =	vadd.scan.msk.f32 $0xffff, v47;
	v53, v52, _ =	vpop (xrf1)  }
0x258: {  	v54, v25, _ =	vpop (xrf1);
	v56 =	vperm.xlane v52, v4  }
0x259: {  	v55 =	vperm.xlane v53, v4;
	(xrf1) =	vsort.dscd.msk.f32 $0xffff, v15, v19;
	v15, v19, _ =	vpop (xrf1)  }
0x25a: {  	v57 =	vpop (erf);
	v19 =	vsel vm0, v19, v56  }
0x25b: {  	v26 =	vnsel vm0, $0x0, v57;
	v15 =	vsel vm0, v15, v55  }
0x25c: {  	(xrf2) =	vadd.scan.msk.f32 $0xffff, v26  }
0x25d: {  	v21 =	vadd.f32 $1.000000000e+00, v51;
	v20 =	vperm.xlane v54, v4;
	v58 =	vperm.xlane v25, v4  }
0x25e: {  	(xrf1) =	vsort.dscd.msk.f32 $0xffff, v15, v19;
	v15, v19, _ =	vpop (xrf1)  }
0x25f: {  	(erf) = vrcp.f32 v21;
	v15 =	vsel vm0, v15, v20;
	v19 =	vsel vm0, v19, v58  }
0x260: {  	(xrf1) =	vsort.dscd.msk.f32 $0xffff, v15, v19  }
0x261: {  	v59, _, _ =	vpop (xrf2)  }
0x262: {  	v61, v60, _ =	vpop (xrf1);
	v15 =	vbroadcast v59, $0xF  }
0x263: {  	v19 =	vperm.xlane v61, v4;
	v20 =	vperm.xlane v60, v4  }
0x264: {  	v62, v63, _ =	vpop (xrf1);
	(erf) = vrcp.f32 v15  }
0x265: {  	v25 =	vsel vm0, v62, v19;
	v26 =	vsel vm0, v63, v20  }
0x266: {  	(xrf1) =	vsort.dscd.msk.f32 $0xffff, v25, v26;
	v27, _, _ =	vpop (xrf2)  }
0x267: {  	v28 =	vbroadcast v27, $0xF  }
0x268: {  	v15 =	vpop (erf)  }
0x269: {  	v30, v20, _ =	vpop (xrf1);
	(erf) = vrcp.f32 v28  }
0x26a: {  	v29 =	vnsel vm0, $0x0, v15;
	v19 =	vsub.f32 $0.0e+00, v30  }
0x26b: {  	(xrf2) =	vadd.scan.msk.f32 $0xffff, v29  }
0x26c: {  	v18 =	vmul.f32 $2.500000000e+00, v45;
	v19 =	vmul.f32 $1.442695020e+00, v19;
	v31, v32, _ =	vpop (xrf1)  }
0x26d: {  	v21 =	vperm.xlane v31, v4;
	v22 =	vperm.xlane v32, v4;
	v33 =	vpop (erf)  }
0x26e: {  	(erf) = vpow2.f32 v19;
	v18 =	vmul.f32 v33, v18;
	v35, v34, _ =	vpop (xrf1)  }
0x26f: {  	[tilespmem:s29+$0xFFFFFFF8] =	vst.msk $0xff, v16;
	v21 =	vsel vm0, v35, v21;
	v22 =	vsel vm0, v34, v22  }
0x270: {  	[tilespmem:s1+$0xFFFFFFF8] =	vst.msk $0xff, v18;
	(xrf1) =	vsort.dscd.msk.f32 $0xffff, v21, v22  }
0x271: {  	v36 =	vmul.f32 $2.500000000e+00, v57;
	v18 =	vld [tilespmem:s24+$0x30]  }
0x272: {  	v37 =	vpop (erf);
	v38 =	vld [tilespmem:s24+$0x10]  }
0x273: {  	v16 =	vmul.f32 v37, v36  }
0x274: {  	[tilespmem:s25+$0x0] =	vst.msk $0xff, v17;
	v41 =	vld [tilespmem:s24+$0x20];
	v39, v23, _ =	vpop (xrf1)  }
0x275: {  	v43 =	vld [tilespmem:s24+$0x0];
	v40, _, _ =	vpop (xrf2);
	v22 =	vsub.f32 $0.0e+00, v39;
	[tilespmem:s26+$0x0] =	vst.msk $0xff, v16  }
0x276: {  	v42 =	vbroadcast v40, $0xF;
	v45 =	vld [tilespmem:s23+$0xB0];
	(xrf1) =	vsort.dscd.msk.f32 $0xffff, v18, v3  }
0x277: {  	v46 =	vld [tilespmem:s23+$0x90];
	v44 =	vmul.f32 $1.442695020e+00, v22;
	v47 =	vpop (erf);
	(xrf1) =	vsort.dscd.msk.f32 $0xffff, v38, v1  }
0x278: {  	(erf) = vrcp.f32 v42;
	v48 =	vld [tilespmem:s23+$0xA0];
	v16 =	vadd.f32 $1.000000000e+00, v47  }
0x279: {  	(erf) = vpow2.f32 v44;
	(xrf1) =	vsort.dscd.msk.f32 $0xffff, v41, v2  }
0x27a: {  	v49 =	vld [tilespmem:s23+$0x80];
	(xrf1) =	vsort.dscd.msk.f32 $0xffff, v43, v0;
	(erf) = vrcp.f32 v16  }
0x27b: {  	(xrf1) =	vsort.dscd.msk.f32 $0xffff, v45, v3  }
0x27c: {  	(xrf1) =	vsort.dscd.msk.f32 $0xffff, v46, v1  }
0x27d: {  	(xrf1) =	vsort.dscd.msk.f32 $0xffff, v48, v2  }
0x27e: {  	v50, v16, _ =	vpop (xrf1)  }
0x27f: {  	(xrf1) =	vsort.dscd.msk.f32 $0xffff, v49, v0;
	v51 =	vsub.f32 $0.0e+00, v50;
	_ =	sdelay $0x1  }
0x280: {  	v17 =	vpop (erf);
	v18 =	vmul.f32 $1.442695020e+00, v51  }
0x281: {  	v52 =	vpop (erf)  }
0x282: {  	v19 =	vadd.f32 $1.000000000e+00, v52;
	v53 =	vpop (erf);
	(erf) = vpow2.f32 v18  }
0x283: {  	v55, v54, _ =	vpop (xrf1)  }
0x284: {  	v56 =	vnsel vm0, $0x0, v53;
	v18 =	vperm.xlane v55, v4;
	v58, v57, _ =	vpop (xrf1);
	(erf) = vrcp.f32 v19  }
0x285: {  	(xrf2) =	vadd.scan.msk.f32 $0xffff, v56;
	v21 =	vperm.xlane v54, v4;
	v25 =	vperm.xlane v57, v4  }
0x286: {  	v59 =	vperm.xlane v58, v4;
	v61, v60, _ =	vpop (xrf1)  }
0x287: {  	v18 =	vsel vm0, v61, v18;
	v21 =	vsel vm0, v60, v21;
	v62, v63, _ =	vpop (xrf1)  }
0x288: {  	(xrf1) =	vsort.dscd.msk.f32 $0xffff, v18, v21;
	v28 =	vsel vm0, v62, v59;
	v29, v30, _ =	vpop (xrf1);
	v31 =	vsel vm0, v63, v25  }
0x289: {  	v21 =	vperm.xlane v29, v4;
	v22 =	vperm.xlane v30, v4;
	(xrf1) =	vsort.dscd.msk.f32 $0xffff, v28, v31;
	v25, v26, _ =	vpop (xrf1)  }
0x28a: {  	v18, v24, _ =	vpop (xrf1);
	v34 =	vperm.xlane v25, v4  }
0x28b: {  	v26 =	vperm.xlane v26, v4;
	v18 =	vsel vm0, v18, v21;
	v32 =	vsel vm0, v24, v22;
	v27 =	vpop (erf)  }
0x28c: {  	(xrf1) =	vsort.dscd.msk.f32 $0xffff, v18, v32;
	v38, v37, _ =	vpop (xrf1)  }
0x28d: {  	v33 =	vadd.f32 $1.000000000e+00, v27;
	v35 =	vpop (erf);
	v39 =	vsel vm0, v38, v34;
	v40 =	vsel vm0, v37, v26  }
0x28e: {  	v36 =	vnsel vm0, $0x0, v35;
	(xrf1) =	vsort.dscd.msk.f32 $0xffff, v39, v40  }
0x28f: {  	v41, _, _ =	vpop (xrf2);
	(erf) = vrcp.f32 v33;
	(xrf2) =	vadd.scan.msk.f32 $0xffff, v36  }
0x290: {  	v18 =	vbroadcast v41, $0xF;
	_ =	sdelay $0x1  }
0x291: {  	(erf) = vrcp.f32 v18;
	_ =	sdelay $0x3  }
0x292: {  	v43, v42, _ =	vpop (xrf1)  }
0x293: {  	v44, v45, _ =	vpop (xrf1)  }
0x294: {  	v18 =	vpop (erf)  }
0x295: {  	v19 =	vmul.f32 $2.500000000e+00, v53;
	v46, _, _ =	vpop (xrf2)  }
0x296: {  	v21 =	vperm.xlane v43, v4;
	v22 =	vperm.xlane v42, v4;
	v28, v29, _ =	vpop (xrf1)  }
0x297: {  	v30 =	vpop (erf);
	v27 =	vbroadcast v46, $0xF;
	v28 =	vperm.xlane v28, v4  }
0x298: {  	v29 =	vperm.xlane v29, v4;
	v19 =	vmul.f32 v30, v19  }
0x299: {  	[tilespmem:s28+$0xFFFFFFF8] =	vst.msk $0xff, v20;
	v21 =	vsel vm0, v44, v21;
	v22 =	vsel vm0, v45, v22;
	(erf) = vrcp.f32 v27;
	v47, v48, _ =	vpop (xrf1)  }
0x29a: {  	(xrf1) =	vsort.dscd.msk.f32 $0xffff, v21, v22;
	[tilespmem:s8+$0xFFFFFFF8] =	vst.msk $0xff, v19;
	v49 =	vsel vm0, v47, v28;
	v50 =	vsel vm0, v48, v29  }
0x29b: {  	v19 =	vld [tilespmem:s30+$0x30];
	(xrf1) =	vsort.dscd.msk.f32 $0xffff, v49, v50  }
0x29c: {  	v51 =	vnsel vm0, $0x0, v18;
	v52 =	vld [tilespmem:s30+$0x10]  }
0x29d: {  	(xrf2) =	vadd.scan.msk.f32 $0xffff, v51;
	v53 =	vld [tilespmem:s30+$0x20];
	_ =	sdelay $0x1  }
0x29e: {  	v54 =	vld [tilespmem:s30+$0x0]  }
0x29f: {  	(xrf1) =	vsort.dscd.msk.f32 $0xffff, v19, v3  }
0x2a0: {  	v55 =	vmul.f32 $2.500000000e+00, v35;
	(xrf1) =	vsort.dscd.msk.f32 $0xffff, v52, v1  }
0x2a1: {  	(xrf1) =	vsort.dscd.msk.f32 $0xffff, v53, v2;
	v56 =	vpop (erf)  }
0x2a2: {  	v19 =	vmul.f32 v56, v55  }
0x2a3: {  	[tilespmem:s31+$0x0] =	vst.msk $0xff, v23;
	(xrf1) =	vsort.dscd.msk.f32 $0xffff, v54, v0  }
0x2a4: {  	[tilespmem:s0+$0x0] =	vst.msk $0xff, v19  }
0x2a5: {  	v57 =	vld [tilespmem:s22+$0xB0]  }
0x2a6: {  	v58, _, _ =	vpop (xrf2);
	v59 =	vld [tilespmem:s22+$0x90]  }
0x2a7: {  	v60, v24, _ =	vpop (xrf1);
	v23 =	vld [tilespmem:s22+$0xA0]  }
0x2a8: {  	v61 =	vsub.f32 $0.0e+00, v60;
	v62, v19, _ =	vpop (xrf1)  }
0x2a9: {  	v21 =	vbroadcast v58, $0xF;
	v63 =	vld [tilespmem:s22+$0x80];
	v26 =	vsub.f32 $0.0e+00, v62  }
0x2aa: {  	v25 =	vmul.f32 $1.442695020e+00, v61;
	(xrf1) =	vsort.dscd.msk.f32 $0xffff, v57, v3  }
0x2ab: {  	(erf) = vrcp.f32 v21;
	(xrf1) =	vsort.dscd.msk.f32 $0xffff, v59, v1;
	v30 =	vmul.f32 $1.442695020e+00, v26  }
0x2ac: {  	(erf) = vpow2.f32 v25;
	(xrf1) =	vsort.dscd.msk.f32 $0xffff, v23, v2  }
0x2ad: {  	v32, v31, _ =	vpop (xrf1);
	(erf) = vpow2.f32 v30  }
0x2ae: {  	(xrf1) =	vsort.dscd.msk.f32 $0xffff, v63, v0;
	v20 =	vperm.xlane v32, v4;
	v21 =	vperm.xlane v31, v4;
	v33, v34, _ =	vpop (xrf1)  }
0x2af: {  	v22 =	vperm.xlane v33, v4;
	v36, v35, _ =	vpop (xrf1)  }
0x2b0: {  	v23 =	vperm.xlane v34, v4;
	v20 =	vsel vm0, v36, v20;
	v21 =	vsel vm0, v35, v21  }
0x2b1: {  	v37, v38, _ =	vpop (xrf1);
	(xrf1) =	vsort.dscd.msk.f32 $0xffff, v20, v21  }
0x2b2: {  	v39 =	vsel vm0, v37, v22;
	v40 =	vsel vm0, v38, v23  }
0x2b3: {  	(xrf1) =	vsort.dscd.msk.f32 $0xffff, v39, v40;
	_ =	sdelay $0x1  }
0x2b4: {  	v20 =	vpop (erf)  }
0x2b5: {  	v41 =	vpop (erf)  }
0x2b6: {  	v42 =	vpop (erf)  }
0x2b7: {  	v21 =	vadd.f32 $1.000000000e+00, v41;
	v44, v43, _ =	vpop (xrf1)  }
0x2b8: {  	v23 =	vperm.xlane v44, v4;
	v25 =	vperm.xlane v43, v4;
	v46, v45, _ =	vpop (xrf1)  }
0x2b9: {  	(erf) = vrcp.f32 v21;
	v47 =	vadd.f32 $1.000000000e+00, v42;
	v48 =	vperm.xlane v46, v4;
	v50, v49, _ =	vpop (xrf1)  }
0x2ba: {  	v27 =	vperm.xlane v45, v4;
	v23 =	vsel vm0, v50, v23;
	v25 =	vsel vm0, v49, v25  }
0x2bb: {  	v51, v52, _ =	vpop (xrf1);
	(xrf1) =	vsort.dscd.msk.f32 $0xffff, v23, v25  }
0x2bc: {  	(erf) = vrcp.f32 v47;
	v53 =	vsel vm0, v51, v48;
	v54 =	vsel vm0, v52, v27  }
0x2bd: {  	(xrf1) =	vsort.dscd.msk.f32 $0xffff, v53, v54  }
0x2be: {  	v21, v22, _ =	vpop (xrf1)  }
0x2bf: {  	v21 =	vperm.xlane v21, v4;
	v22 =	vperm.xlane v22, v4  }
0x2c0: {  	v23, v25, _ =	vpop (xrf1)  }
0x2c1: {  	v21 =	vsel vm0, v23, v21;
	v22 =	vsel vm0, v25, v22  }
0x2c2: {  	(xrf1) =	vsort.dscd.msk.f32 $0xffff, v21, v22  }
0x2c3: {  	v55 =	vpop (erf)  }
0x2c4: {  	v56 =	vnsel vm0, $0x0, v55  }
0x2c5: {  	(xrf2) =	vadd.scan.msk.f32 $0xffff, v56;
	v21 =	vpop (erf)  }
0x2c6: {  	v57 =	vnsel vm0, $0x0, v21  }
0x2c7: {  	(xrf2) =	vadd.scan.msk.f32 $0xffff, v57;
	_ =	sdelay $0x1  }
0x2c8: {  	v59, v58, _ =	vpop (xrf1)  }
0x2c9: {  	v23 =	vperm.xlane v59, v4;
	v25 =	vperm.xlane v58, v4  }
0x2ca: {  	v60, v61, _ =	vpop (xrf1)  }
0x2cb: {  	v23 =	vsel vm0, v60, v23;
	v25 =	vsel vm0, v61, v25  }
0x2cc: {  	(xrf1) =	vsort.dscd.msk.f32 $0xffff, v23, v25;
	_ =	sdelay $0x1  }
0x2cd: {  	v62, _, _ =	vpop (xrf2)  }
0x2ce: {  	v33, v63, _ =	vpop (xrf1)  }
0x2cf: {  	v23 =	vbroadcast v62, $0xF;
	v34, _, _ =	vpop (xrf2);
	v25 =	vsub.f32 $0.0e+00, v33  }
0x2d0: {  	v27 =	vbroadcast v34, $0xF  }
0x2d1: {  	(erf) = vrcp.f32 v23;
	v35 =	vmul.f32 $1.442695020e+00, v25  }
0x2d2: {  	(erf) = vrcp.f32 v27  }
0x2d3: {  	(erf) = vpow2.f32 v35;
	_ =	sdelay $0x5  }
0x2d4: {  	v36 =	vmul.f32 $2.500000000e+00, v55;
	v37, v22, _ =	vpop (xrf1)  }
0x2d5: {  	v38 =	vpop (erf);
	v25 =	vsub.f32 $0.0e+00, v37  }
0x2d6: {  	v27 =	vmul.f32 v38, v36;
	v23 =	vpop (erf)  }
0x2d7: {  	[tilespmem:s29+$0x0] =	vst.msk $0xff, v24;
	v40 =	vpop (erf);
	v39 =	vmul.f32 $1.442695020e+00, v25  }
0x2d8: {  	[tilespmem:s1+$0x0] =	vst.msk $0xff, v27;
	v25 =	vadd.f32 $1.000000000e+00, v40  }
0x2d9: {  	v27 =	vld [tilespmem:s24+$0xB0];
	(erf) = vpow2.f32 v39  }
0x2da: {  	v41 =	vld [tilespmem:s24+$0x90];
	(erf) = vrcp.f32 v25  }
0x2db: {  	v42 =	vld [tilespmem:s24+$0xA0];
	_ =	sdelay $0x2  }
0x2dc: {  	v43 =	vld [tilespmem:s24+$0x80];
	(xrf1) =	vsort.dscd.msk.f32 $0xffff, v27, v3  }
0x2dd: {  	(xrf1) =	vsort.dscd.msk.f32 $0xffff, v41, v1  }
0x2de: {  	(xrf1) =	vsort.dscd.msk.f32 $0xffff, v42, v2;
	_ =	sdelay $0x1  }
0x2df: {  	v44 =	vpop (erf)  }
0x2e0: {  	(xrf1) =	vsort.dscd.msk.f32 $0xffff, v43, v0;
	v45 =	vpop (erf)  }
0x2e1: {  	v46 =	vnsel vm0, $0x0, v45  }
0x2e2: {  	(xrf2) =	vadd.scan.msk.f32 $0xffff, v46;
	_ =	sdelay $0x6  }
0x2e3: {  	v48, v47, _ =	vpop (xrf1)  }
0x2e4: {  	v50, v49, _ =	vpop (xrf1)  }
0x2e5: {  	v27 =	vperm.xlane v48, v4;
	v28 =	vperm.xlane v47, v4;
	v31, v32, _ =	vpop (xrf1)  }
0x2e6: {  	v24 =	vadd.f32 $1.000000000e+00, v44;
	v29 =	vperm.xlane v50, v4;
	v30 =	vperm.xlane v49, v4;
	v33, _, _ =	vpop (xrf2)  }
0x2e7: {  	v27 =	vsel vm0, v31, v27;
	v28 =	vsel vm0, v32, v28;
	v51 =	vbroadcast v33, $0xF  }
0x2e8: {  	(erf) = vrcp.f32 v24;
	v53, v52, _ =	vpop (xrf1);
	(xrf1) =	vsort.dscd.msk.f32 $0xffff, v27, v28  }
0x2e9: {  	v24 =	vsel vm0, v53, v29;
	v54 =	vsel vm0, v52, v30;
	(erf) = vrcp.f32 v51  }
0x2ea: {  	(xrf1) =	vsort.dscd.msk.f32 $0xffff, v24, v54;
	_ =	sdelay $0x6  }
0x2eb: {  	v25 =	vmul.f32 $2.500000000e+00, v45;
	v24 =	vpop (erf)  }
0x2ec: {  	v55 =	vpop (erf)  }
0x2ed: {  	v25 =	vmul.f32 v55, v25  }
0x2ee: {  	[tilespmem:s28+$0x0] =	vst.msk $0xff, v63  }
0x2ef: {  	[tilespmem:s8+$0x0] =	vst.msk $0xff, v25  }
0x2f0: {  	v57, v56, _ =	vpop (xrf1);
	v58 =	vld [tilespmem:s30+$0xB0]  }
0x2f1: {  	v26 =	vperm.xlane v56, v4;
	v25 =	vperm.xlane v57, v4;
	v59 =	vld [tilespmem:s30+$0x90]  }
0x2f2: {  	v60 =	vnsel vm0, $0x0, v24;
	v61, v62, _ =	vpop (xrf1);
	v63 =	vld [tilespmem:s30+$0xA0]  }
0x2f3: {  	(xrf2) =	vadd.scan.msk.f32 $0xffff, v60;
	v26 =	vsel vm0, v62, v26;
	v25 =	vsel vm0, v61, v25  }
0x2f4: {  	v34 =	vld [tilespmem:s30+$0x80];
	(xrf1) =	vsort.dscd.msk.f32 $0xffff, v25, v26  }
0x2f5: {  	(xrf1) =	vsort.dscd.msk.f32 $0xffff, v58, v3  }
0x2f6: {  	(xrf1) =	vsort.dscd.msk.f32 $0xffff, v59, v1  }
0x2f7: {  	(xrf1) =	vsort.dscd.msk.f32 $0xffff, v63, v2;
	_ =	sdelay $0x1  }
0x2f8: {  	(xrf1) =	vsort.dscd.msk.f32 $0xffff, v34, v0;
	_ =	sdelay $0x6  }
0x2f9: {  	v35, _, _ =	vpop (xrf2)  }
0x2fa: {  	v25 =	vbroadcast v35, $0xF  }
0x2fb: {  	v26, v27, _ =	vpop (xrf1)  }
0x2fc: {  	(erf) = vrcp.f32 v25;
	v26 =	vsub.f32 $0.0e+00, v26;
	v37, v36, _ =	vpop (xrf1)  }
0x2fd: {  	v28 =	vperm.xlane v37, v4;
	v38, v39, _ =	vpop (xrf1);
	v29 =	vperm.xlane v36, v4  }
0x2fe: {  	v26 =	vmul.f32 $1.442695020e+00, v26;
	v32, v40, _ =	vpop (xrf1);
	v42 =	vperm.xlane v38, v4  }
0x2ff: {  	v43 =	vperm.xlane v39, v4;
	v41 =	vsel vm0, v32, v28;
	v29 =	vsel vm0, v40, v29  }
0x300: {  	(erf) = vpow2.f32 v26;
	v45, v44, _ =	vpop (xrf1);
	(xrf1) =	vsort.dscd.msk.f32 $0xffff, v41, v29  }
0x301: {  	v46 =	vsel vm0, v45, v42;
	v47 =	vsel vm0, v44, v43  }
0x302: {  	(xrf1) =	vsort.dscd.msk.f32 $0xffff, v46, v47;
	_ =	sdelay $0x5  }
0x303: {  	v48 =	vpop (erf)  }
0x304: {  	v49 =	vpop (erf)  }
0x305: {  	v26 =	vadd.f32 $1.000000000e+00, v49;
	_ =	sdelay $0x1  }
0x306: {  	(erf) = vrcp.f32 v26;
	_ =	sdelay $0x1  }
0x307: {  	v51, v50, _ =	vpop (xrf1)  }
0x308: {  	v26 =	vperm.xlane v51, v4;
	v28 =	vperm.xlane v50, v4  }
0x309: {  	v52, v53, _ =	vpop (xrf1)  }
0x30a: {  	v26 =	vsel vm0, v52, v26;
	v28 =	vsel vm0, v53, v28  }
0x30b: {  	(xrf1) =	vsort.dscd.msk.f32 $0xffff, v26, v28;
	_ =	sdelay $0x2  }
0x30c: {  	v54 =	vpop (erf)  }
0x30d: {  	v55 =	vnsel vm0, $0x0, v54  }
0x30e: {  	(xrf2) =	vadd.scan.msk.f32 $0xffff, v55;
	_ =	sdelay $0x8  }
0x30f: {  	v57, v56, _ =	vpop (xrf1)  }
0x310: {  	v58, _, _ =	vpop (xrf2);
	v28 =	vsub.f32 $0.0e+00, v57  }
0x311: {  	v30 =	vbroadcast v58, $0xF  }
0x312: {  	v28 =	vmul.f32 $1.442695020e+00, v28  }
0x313: {  	(erf) = vrcp.f32 v30  }
0x314: {  	(erf) = vpow2.f32 v28;
	_ =	sdelay $0x7  }
0x315: {  	v59 =	vpop (erf)  }
0x316: {  	v60 =	vpop (erf)  }
0x317: {  	v30 =	vadd.f32 $1.000000000e+00, v60;
	_ =	sdelay $0x1  }
0x318: {  	(erf) = vrcp.f32 v30;
	_ =	sdelay $0x8  }
0x319: {  	v30 =	vpop (erf)  }
0x31a: {  	v61 =	vnsel vm0, $0x0, v30  }
0x31b: {  	(xrf2) =	vadd.scan.msk.f32 $0xffff, v61;
	_ =	sdelay $0x4  }
0x31c: {  	v6 =	vmul.f32 $2.500000000e+00, v6;
	_ =	sdelay $0x1  }
0x31d: {  	v6 =	vmul.f32 v8, v6;
	v62 =	vmul.f32 $2.500000000e+00, v9  }
0x31e: {  	[tilespmem:s11+$0x8] =	vst.msk $0xff, v5  }
0x31f: {  	[tilespmem:s12+$0x8] =	vst.msk $0xff, v6;
	v6 =	vmul.f32 $2.500000000e+00, v12;
	v5 =	vmul.f32 v11, v62  }
0x320: {  	[tilespmem:s14+$0x8] =	vst.msk $0xff, v7;
	v7 =	vmul.f32 $2.500000000e+00, v15;
	v63, _, _ =	vpop (xrf2)  }
0x321: {  	[tilespmem:s13+$0x8] =	vst.msk $0xff, v5;
	v5 =	vmul.f32 v14, v6;
	v6 =	vbroadcast v63, $0xF  }
0x322: {  	[tilespmem:s15+$0x8] =	vst.msk $0xff, v10;
	v7 =	vmul.f32 v17, v7  }
0x323: {  	[tilespmem:s16+$0x8] =	vst.msk $0xff, v5;
	v5 =	vmul.f32 $2.500000000e+00, v18;
	(erf) = vrcp.f32 v6  }
0x324: {  	[tilespmem:s17+$0x8] =	vst.msk $0xff, v13  }
0x325: {  	[tilespmem:s18+$0x8] =	vst.msk $0xff, v7;
	v5 =	vmul.f32 v20, v5;
	v6 =	vmul.f32 $2.500000000e+00, v21  }
0x326: {  	[tilespmem:s19+$0x8] =	vst.msk $0xff, v16  }
0x327: {  	[tilespmem:s20+$0x8] =	vst.msk $0xff, v5;
	v5 =	vmul.f32 v23, v6;
	v6 =	vmul.f32 $2.500000000e+00, v24  }
0x328: {  	[tilespmem:s25+$0x8] =	vst.msk $0xff, v19  }
0x329: {  	[tilespmem:s26+$0x8] =	vst.msk $0xff, v5;
	v5 =	vmul.f32 v48, v6;
	v6 =	vmul.f32 $2.500000000e+00, v54  }
0x32a: {  	[tilespmem:s31+$0x8] =	vst.msk $0xff, v22  }
0x32b: {  	[tilespmem:s0+$0x8] =	vst.msk $0xff, v5;
	v5 =	vmul.f32 v59, v6;
	v6 =	vmul.f32 $2.500000000e+00, v30  }
0x32c: {  	[tilespmem:s29+$0x8] =	vst.msk $0xff, v27;
	v7 =	vpop (erf)  }
0x32d: {  	[tilespmem:s1+$0x8] =	vst.msk $0xff, v5;
	v5 =	vmul.f32 v7, v6  }
0x32e: {  	[tilespmem:s28+$0x8] =	vst.msk $0xff, v56  }
0x32f: {  	s31 =	simm.s32 $0x8000;
	[tilespmem:s8+$0x8] =	vst.msk $0xff, v5  }
0x330: {  	[hbm4b:s4+s2] =	stream.linear.scatter [tilespmem:s31], [sflag:$0x1], $0x800, $0x38;
	[tilespmem:$0x9100] =	vst v63  }
0x331: {  	s10 =	sadd.s32 $0x1, s10;
	_ =	swait.ge [sflag:s7], $0x800  }
0x332: {  	p0 =	sne.s32 s10, s6;
	[sflag:s7] =	ssyncset.done $0x0  }
.Ltmp1:
0x333: {  	[sflag:s7] =	ssyncadd.s32 $0xFFFFF800;
	(pc) =	sbr.rel @p0 .LBB2_1-.Ltmp1, $4  }
0x334: {  	[hbm4b:s5+s2] =	stream.linear.scatter [tilespmem:s9], [sflag:$0x1], $0x800, $0x38;
	[tilespmem:$0x9100] =	vst v63  }
0x335: {  	_ =	swait.ge [sflag:s7], $0x800  }
0x336: {  	[sflag:s7] =	ssyncset.done $0x0  }
0x337: {  	[sflag:s7] =	ssyncadd.s32 $0xFFFFF800  }
0x338: {  	_ =	sfence.sel $0x180000  }
0x339: {  	[bflag:$0x0] =	sbarrier.arrive $0xFFFF  }
0x33a: {  	_ =	strace $0x90000050  }
0x33b: {  	s0 =	stileid.u32;
	[bflag:$0x2] =	sbarrier.arrive $0xFFFF  }
0x33c: {  	p0 =	sne.s32 s0, $0x0;
	s0 =	rddreg [dreg:$0x3]  }
0x33d: {  	s0 =	sadd.s32 @!p0 $0x100000, s0  }
0x33e: {  	[sflag:s0] =	ssyncadd.tile.s32 @!p0 $0x1;
	_ =	shalt  }
.Lfunc_end2:
_tile_overlayer_lowered:
.L_overlay_start_2:
0x33f: {  	(tag) =	ssettag $0x2  }
0x340: {  	s0 =	rddreg [dreg:$0x0];
	s2 =	stileid.u32  }
0x341: {  	s1 =	rddreg [dreg:$0x1];
	p0 =	sne.s32 s2, $0x0  }
0x342: {  	s3 =	rddreg [dreg:$0x2];
	[bflag:$0x3] =	sbarrier.arrive $0xFFFF;
	s2 =	simm.s32 @!p0 $0x1C01  }
0x343: {  	[timem:s3], [sflag:s2] =	dma.local @!p0 [hbm:s0], s1  }
0x344: {  	s0 =	simm.s32 @!p0 $0x1  }
0x345: {  	_ =	swait.ge @!p0 [sflag:s0], s1  }
0x346: {  	s1 =	ssub.s32 @!p0 $0x0, s1;
	[sflag:s0] =	ssyncset.done @!p0 $0x0  }
0x347: {  	[sflag:s0] =	ssyncadd.s32 @!p0 s1  }
0x348: {  	[bflag:$0x3] =	sbarrier.arrive $0xFFFF  }
0x349: {  	_ =	shalt  }

// kernel: _gate.16.cloned.1.call-start
scs
__scs_entry_jumppad:
0x0: {  	(pc) =	sbr.rel $0x88, $3  }
0x1: {  	(tag) =	ssettag $0x0;
	lr =	simm.s32 $0x1  }
0x2: {  	[smem:$0x3F9F] =	sst lr;
	_ =	strace $0xD0000000  }
0x3: {  	_ = 	snop  }
0x4: {  	_ = 	snop  }
0x5: {  	_ = 	snop  }
0x6: {  	_ = 	snop  }
0x7: {  	_ = 	snop  }
__scs_overlays_trampoline_lowered:
0x8: {  	[smem:$0x3FAE] =	sst s0  }
0x9: {  	[smem:$0x3FAF] =	sst s1  }
0xa: {  	[smem:$0x3FB0] =	sst s2  }
0xb: {  	[smem:$0x3FB1] =	sst s3  }
0xc: {  	[smem:$0x3FB2] =	sst s4  }
0xd: {  	[smem:$0x3FB3] =	sst s5  }
0xe: {  	[smem:$0x3FB4] =	sst s6  }
0xf: {  	[smem:$0x3FB5] =	sst s7  }
0x10: {  	[smem:$0x3FB6] =	sst s8  }
0x11: {  	[smem:$0x3FB7] =	sst s9;
	s0 =	simm.s32 @!p0 $0x0  }
0x12: {  	s1 =	sld [smem:$0x3F9D];
	s0 =	simm.s32 @p0 $0x1  }
0x13: {  	[smem:$0x3FB8] =	sst s0;
	s0 =	simm.s32 @!p1 $0x0  }
0x14: {  	s2 =	sld [smem:$0x3F9C];
	s0 =	simm.s32 @p1 $0x1  }
0x15: {  	[smem:$0x3FB9] =	sst s0;
	s0 =	simm.s32 @!p2 $0x0  }
0x16: {  	s3 =	sld [smem:$0x3FDB];
	s0 =	simm.s32 @p2 $0x1  }
0x17: {  	s4 =	simm.s32 $0x1BF5;
	[smem:$0x3FBB] =	sst s0  }
0x18: {  	s0 =	sld [smem:$0x3F9E];
	_ =	swait.ge [sflag:s4], $0x0  }
0x19: {  	s7 =	sld [smem:$0x3F9F]  }
0x1a: {  	s8 =	sadd.s32 $0xFFFFE003, lr  }
0x1b: {  	s9 =	sadd.s32 $0xFFFFFEF7, lr;
	s5 =	simm.s32 $0xFFFFFFFF;
	p2 =	slt.u32 s8, $0xFFFFF086  }
0x1c: {  	p1 =	slt.u32 s9, $0xF7A;
	s5 =	simm.s32 @!p2 $0x0  }
0x1d: {  	s5 =	simm.s32 @p1 $0x1;
	p0 =	seq.s32 s7, s2  }
0x1e: {  	s7 =	smul.u32 @!p0 $0xF7A, s2;
	p2 =	seq.s32 @!p0 s5, $0x0  }
0x1f: {  	s9 =	smul.u32 $0xF7A, s1;
	s8 =	simm.s32 @!p0 $0x1BF5;
	p2 =	por !p2, p0  }
0x20: {  	[sflag:s8] =	ssyncset.s32 @!p0 $0xFFFFF086;
	s6 =	sadd.s32 @!p0 s3, s7;
	s7 =	simm.s32 @!p0 $0x108  }
0x21: {  	s3 =	sadd.s32 s3, s9;
	s6 =	sadd.s32 @!p0 $0x88, s6;
	s7 =	simm.s32 @p2 $0x1082  }
0x22: {  	[simem:s7], [sflag:s8] =	dma.local @!p0 [hbm:s6], $0xF7A  }
0x23: {  	s9 =	sor.u32 $0xD0000000, s2;
	s6 =	simm.s32 $0x108;
	_ =	swait.ge @!p0 [sflag:s8], $0x0  }
0x24: {  	s3 =	sadd.s32 $0x88, s3;
	s6 =	simm.s32 @!p1 $0x1082;
	[sflag:s4] =	ssyncset.s32 $0xFFFFF086  }
0x25: {  	[simem:s6], [sflag:s4] =	dma.local [hbm:s3], $0xF7A  }
0x26: {  	[smem:$0x3F9F] =	sst s1;
	(tag) =	ssettag s2;
	_ =	strace s9  }
0x27: {  	s1 =	sld [smem:$0x3FAF]  }
0x28: {  	s2 =	sld [smem:$0x3FB0]  }
0x29: {  	s4 =	sld [smem:$0x3FB2]  }
0x2a: {  	p0 =	seq.s32 s5, $0x0;
	s5 =	sld [smem:$0x3FB3]  }
0x2b: {  	s6 =	sld [smem:$0x3FB4]  }
0x2c: {  	s7 =	sld [smem:$0x3FB5]  }
0x2d: {  	s3 =	simm.s32 $0x108;
	s8 =	sld [smem:$0x3FB6]  }
0x2e: {  	s3 =	simm.s32 @!p0 $0x1082;
	s9 =	sld [smem:$0x3FB7]  }
0x2f: {  	lr =	sadd.s32 s0, s3;
	s0 =	sld [smem:$0x3FAE]  }
0x30: {  	s3 =	sld [smem:$0x3FB1]  }
0x31: {  	[smem:$0x3FBA] =	sst s10  }
0x32: {  	s10 =	sld [smem:$0x3FB8];
	_ =	sdelay $0x3  }
0x33: {  	p0 =	seq.s32 s10, $0x1;
	s10 =	sld [smem:$0x3FBA];
	_ =	sdelay $0x3  }
0x34: {  	[smem:$0x3FBA] =	sst s10  }
0x35: {  	s10 =	sld [smem:$0x3FB9];
	_ =	sdelay $0x3  }
0x36: {  	p1 =	seq.s32 s10, $0x1;
	s10 =	sld [smem:$0x3FBA];
	_ =	sdelay $0x3  }
0x37: {  	[smem:$0x3FBA] =	sst s10  }
0x38: {  	s10 =	sld [smem:$0x3FBB]  }
0x39: {  	_ = 	snop;
	(pc) =	sbr.ind lr, $3  }
0x3a: {  	_ = 	snop  }
0x3b: {  	_ = 	snop  }
0x3c: {  	p2 =	seq.s32 s10, $0x1;
	s10 =	sld [smem:$0x3FBA]  }
0x3d: {  	_ =	shalt  }
0x3e: {  	_ =	shalt  }
0x3f: {  	_ =	shalt  }
0x40: {  	_ =	shalt  }
0x41: {  	_ =	shalt  }
0x42: {  	_ =	shalt  }
0x43: {  	_ =	shalt  }
0x44: {  	_ =	shalt  }
0x45: {  	_ =	shalt  }
0x46: {  	_ =	shalt  }
0x47: {  	_ =	shalt  }
0x48: {  	_ =	shalt  }
0x49: {  	_ =	shalt  }
0x4a: {  	_ =	shalt  }
0x4b: {  	_ =	shalt  }
0x4c: {  	_ =	shalt  }
0x4d: {  	_ =	shalt  }
0x4e: {  	_ =	shalt  }
0x4f: {  	_ =	shalt  }
0x50: {  	_ =	shalt  }
0x51: {  	_ =	shalt  }
0x52: {  	_ =	shalt  }
0x53: {  	_ =	shalt  }
0x54: {  	_ =	shalt  }
0x55: {  	_ =	shalt  }
0x56: {  	_ =	shalt  }
0x57: {  	_ =	shalt  }
0x58: {  	_ =	shalt  }
0x59: {  	_ =	shalt  }
0x5a: {  	_ =	shalt  }
0x5b: {  	_ =	shalt  }
0x5c: {  	_ =	shalt  }
0x5d: {  	_ =	shalt  }
0x5e: {  	_ =	shalt  }
0x5f: {  	_ =	shalt  }
0x60: {  	_ =	shalt  }
0x61: {  	_ =	shalt  }
0x62: {  	_ =	shalt  }
0x63: {  	_ =	shalt  }
0x64: {  	_ =	shalt  }
0x65: {  	_ =	shalt  }
0x66: {  	_ =	shalt  }
0x67: {  	_ =	shalt  }
0x68: {  	_ =	shalt  }
0x69: {  	_ =	shalt  }
0x6a: {  	_ =	shalt  }
0x6b: {  	_ =	shalt  }
0x6c: {  	_ =	shalt  }
0x6d: {  	_ =	shalt  }
0x6e: {  	_ =	shalt  }
0x6f: {  	_ =	shalt  }
0x70: {  	_ =	shalt  }
0x71: {  	_ =	shalt  }
0x72: {  	_ =	shalt  }
0x73: {  	_ =	shalt  }
0x74: {  	_ =	shalt  }
0x75: {  	_ =	shalt  }
0x76: {  	_ =	shalt  }
0x77: {  	_ =	shalt  }
0x78: {  	_ =	shalt  }
0x79: {  	_ =	shalt  }
0x7a: {  	_ =	shalt  }
0x7b: {  	_ =	shalt  }
0x7c: {  	_ =	shalt  }
0x7d: {  	_ =	shalt  }
0x7e: {  	_ =	shalt  }
0x7f: {  	_ =	shalt  }
0x80: {  	_ =	shalt  }
0x81: {  	_ =	shalt  }
0x82: {  	_ =	shalt  }
0x83: {  	_ =	shalt  }
0x84: {  	_ =	shalt  }
0x85: {  	_ =	shalt  }
0x86: {  	_ =	shalt  }
0x87: {  	_ =	shalt  }
.Lfunc_end0:
.L_simem_size_0:
called_computation.2_lowered:
.L_overlay_start_0:
0x88: {  	s2 =	sld [smem:$0x3FD9]  }
0x89: {  	s3 =	sld [smem:$0x3FFE];
	_ =	sdelay $0x1  }
0x8a: {  	s1 =	srdreg.scid  }
0x8b: {  	s0 =	sand.u32 $0x1, s1  }
0x8c: {  	s17 =	sshll.u32 s0, $0xA;
	s2 =	sadd.s32 s3, s2  }
0x8d: {  	s2 =	sadd.s32 s2, s17  }
0x8e: {  	[smem:$0x3FC6] =	sst s2  }
0x8f: {  	_ = 	snop  }
0x90: {  	(tm) =	ssettm $0x1  }
0x91: {  	s18 =	sld [smem:$0x3FFB];
	_ =	sdelay $0x3  }
0x92: {  	_ =	strace s18  }
0x93: {  	s2 =	sld [smem:$0x3FFC];
	_ =	sdelay $0x3  }
0x94: {  	_ =	strace s2  }
0x95: {  	s2 =	sld [smem:$0x3FFD];
	_ =	sdelay $0x3  }
0x96: {  	_ =	strace s2  }
0x97: {  	_ =	strace $0x8FFFFFFF  }
0x98: {  	s19 =	sld [smem:$0x3FDB];
	_ =	sdelay $0x1  }
0x99: {  	s20 =	simm.s32 $_scs_section_size  }
0x9a: {  	s4 =	simm.s32 $_size__tile_overlayer_lowered;
	s5 =	simm.s32 $_tile_overlayer_lowered  }
0x9b: {  	s6 =	simm.s32 $0x1BFF;
	s21 =	sshll.u32 s5, $0x1;
	s3 =	sadd.s32 s20, s19  }
0x9c: {  	s22 =	simm.s32 $0x0;
	s4 =	sshll.u32 s4, $0x1;
	s5 =	sadd.s32 s21, s3  }
0x9d: {  	[timem:s22], [sflag:s6] =	dma.local [hbm:s5], s4  }
0x9e: {  	_ =	swait.ge [sflag:s6], s4  }
0x9f: {  	s4 =	ssub.s32 $0x0, s4;
	[sflag:s6] =	ssyncset.done $0x0  }
0xa0: {  	[sflag:s6] =	ssyncadd.s32 s4;
	_ =	sdelay $0x1  }
0xa1: {  	s23 =	simm.s32 $0x1B8B  }
0xa2: {  	_ =	swait.ge [sflag:s23], $0x1  }
0xa3: {  	[sflag:s23] =	ssyncset.done $0x0  }
0xa4: {  	[sflag:s23] =	ssyncadd.s32 $0xFFFFFFFF  }
0xa5: {  	s4 =	sld [smem:$0x0]  }
0xa6: {  	s5 =	sand.u32 $0xFFFFFFFE, s1  }
0xa7: {  	p0 =	sne.s32 s1, s5  }
0xa8: {  	s5 =	sshll.u32 @p0 s5, $0xE  }
0xa9: {  	s5 =	sadd.s32 @p0 $0x11B8D, s5;
	s6 =	sshll.u32 @p0 s4, $0x11  }
0xaa: {  	s5 =	sor.u32 @p0 s6, s5  }
0xab: {  	[sflag:s5] =	ssyncadd.remote.s32 @p0 $0x1;
	_ =	sdelay $0x1  }
0xac: {  	s5 =	simm.s32 @p0 $0x1B8D  }
0xad: {  	_ =	swait.eq @p0 [sflag:s5], $0x1  }
0xae: {  	[sflag:s5] =	ssyncadd.s32 @p0 $0xFFFFFFFF  }
0xaf: {  	s6 =	sshll.u32 @!p0 s1, $0xE  }
0xb0: {  	s6 =	sor.u32 @!p0 $0x4000, s6;
	s5 =	simm.s32 @!p0 $0x1B8D  }
0xb1: {  	s4 =	sshll.u32 @!p0 s4, $0x11;
	s6 =	sadd.s32 @!p0 $0x11B8D, s6;
	_ =	swait.eq @!p0 [sflag:s5], $0x1  }
0xb2: {  	s4 =	sor.u32 @!p0 s4, s6;
	[sflag:s5] =	ssyncadd.s32 @!p0 $0xFFFFFFFF  }
0xb3: {  	s25 =	simm.s32 $0x1B8E;
	s24 =	sld [smem:$0x3FFE];
	[sflag:s4] =	ssyncadd.remote.s32 @!p0 $0x1  }
0xb4: {  	s26 =	simm.s32 $execute0_lowered;
	[smem:$0x3FD2] =	sst s25  }
0xb5: {  	s5 =	sshll.u32 s26, $0x1;
	_ =	strace $0x80000049;
	[dreg:$0x1] =	wrdreg $0xFFFFFFFF  }
0xb6: {  	s28 =	simm.s32 $_size_execute0_lowered;
	s3 =	sadd.s32 s3, s5;
	[dreg:$0x0] =	wrdreg $0x0  }
0xb7: {  	s5 =	sshll.u32 s28, $0x1;
	[dreg:$0x2] =	wrdreg s3  }
0xb8: {  	[dreg:$0x3] =	wrdreg s5  }
0xb9: {  	[dreg:$0x4] =	wrdreg $0xC0  }
0xba: {  	_ =	task [dreg:s22], $0x5FFFF  }
0xbb: {  	[dreg:$0x1] =	wrdreg $0xFFFFFFFF  }
0xbc: {  	[dreg:$0x0] =	wrdreg $0x60  }
0xbd: {  	[dreg:$0x2] =	wrdreg s24  }
0xbe: {  	[dreg:$0x3] =	wrdreg $0xB  }
0xbf: {  	_ =	task.clear_ibuf [dreg:s22], $0x4FFFF;
	_ =	strace $0x90000049  }
0xc0: {  	s29 =	simm.s32 $0xB;
	_ =	strace $0x8000004B  }
0xc1: {  	_ =	swait.ge [sflag:s29], $0x1  }
0xc2: {  	[sflag:s29] =	ssyncadd.s32 $0xFFFFFFFF  }
0xc3: {  	_ =	strace $0x9000004B  }
0xc4: {  	_ =	sfence  }
0xc5: {  	s30 =	sld [smem:$0x0];
	_ =	sdelay $0x2  }
0xc6: {  	s31 =	sshll.u32 s1, $0xD;
	s1 =	sshrl.u32 s1, $0x2  }
0xc7: {  	s4 =	sand.u32 $0x4000, s31;
	s1 =	sadd.s32 s1, s30  }
0xc8: {  	s0 =	sor.u32 s4, s0;
	s1 =	sshll.u32 s1, $0x11  }
0xc9: {  	s0 =	sor.u32 s1, s0  }
0xca: {  	s0 =	sadd.s32 $0x8F2B, s0  }
0xcb: {  	[sflag:s0] =	ssyncadd.remote.s32 $0x1  }
0xcc: {  	_ =	sfence.sel $0xFFFF  }
0xcd: {  	[dreg:$0x0] =	wrdreg $0xFFFFFFFF;
	(pc) =	sbr.abs _section_cstart, $3  }
0xce: {  	[dreg:$0x1] =	wrdreg $0xFFFFFFFF  }
0xcf: {  	_ =	task.clear_ibuf [dreg:s22], $0x2FFFF;
	_ =	strace $0x9FFFFFFF  }
0xd0: {  	(tm) =	ssettm $0x7FFFFFFF  }
0xd1: {  	_ =	shalt  }
tec
execute0_lowered:
.L_overlay_start_1:
0x0: {  	(tag) =	ssettag $0x1  }
0x1: {  	s0 =	rddreg [dreg:$0x0];
	s2 =	simm.s32 $0x0  }
0x2: {  	s1 =	srdreg.scid;
	s3 =	stileid.u32;
	s7 =	simm.s32 $0x1  }
0x3: {  	s9 =	simm.s32 $0x8880;
	s1 =	sand.u32 $0x1, s1;
	s3 =	sshll.u32 s3, $0x1  }
0x4: {  	s10 =	simm.s32 $0x0;
	[smem:$0x7FF] =	sst s2;
	s3 =	sor.u32 s1, s3  }
0x5: {  	v0 =	vlaneseq.u32;
	_ =	strace $0x8000004A;
	s1 =	ssub.s32 $0x2, s1;
	s4 =	sshll.u32 s3, $0xC  }
0x6: {  	v4 =	vmul.u32 $0xFFFFFFFF, v0;
	s3 =	sshll.u32 s3, $0x8;
	s31 =	sshrl.u32 s1, $0x1;
	s4 =	sadd.s32 s4, s0  }
0x7: {  	vm0 =	vmmov $0xff;
	v1 =	vor.u32 $0x10, v0;
	s0 =	sadd.s32 s3, s0;
	s1 =	ssub.s32 s1, s31;
	s3 =	sadd.s32 $0x27000, s4  }
0x8: {  	v2 =	vor.u32 $0x20, v0;
	v3 =	vor.u32 $0x30, v0;
	v4 =	vadd.s32 $0xF, v4;
	s4 =	sadd.s32 $0x47000, s0;
	s5 =	sadd.s32 $0x49000, s0;
	s6 =	smax.u32 s1, $0x1  }
.LBB2_1:
0x9: {  	[tilespmem:s2], [sflag:$0x1] =	stream.linear.gather [hbm4b:s3+s2], $0x8000, $0x38;
	[tilespmem:$0x9100] =	vst v63  }
0xa: {  	_ =	swait.ge [sflag:s7], $0x8000  }
0xb: {  	[sflag:s7] =	ssyncset.done $0x0  }
0xc: {  	s1 =	simm.s32 $0x100;
	[sflag:s7] =	ssyncadd.s32 $0xFFFF8000  }
0xd: {  	v5 =	vld [tilespmem:s1+$0xFFFFFF10]  }
0xe: {  	v6 =	vld [tilespmem:s1+$0xFFFFFF30];
	_ =	sdelay $0x1  }
0xf: {  	v7 =	vld [tilespmem:s1+$0xFFFFFF20];
	_ =	sdelay $0x1  }
0x10: {  	(xrf1) =	vsort.dscd.msk.f32 $0xffff, v5, v1;
	v5 =	vld [tilespmem:s1+$0xFFFFFF00]  }
0x11: {  	(xrf1) =	vsort.dscd.msk.f32 $0xffff, v6, v3;
	_ =	sdelay $0x1  }
0x12: {  	(xrf1) =	vsort.dscd.msk.f32 $0xffff, v7, v2;
	_ =	sdelay $0x1  }
0x13: {  	(xrf1) =	vsort.dscd.msk.f32 $0xffff, v5, v0;
	_ =	sdelay $0x8  }
0x14: {  	v5, v6, _ =	vpop (xrf1)  }
0x15: {  	v7, v8, _ =	vpop (xrf1)  }
0x16: {  	v7 =	vperm.xlane v7, v4;
	v8 =	vperm.xlane v8, v4  }
0x17: {  	v5 =	vperm.xlane v5, v4;
	v9, v10, _ =	vpop (xrf1)  }
0x18: {  	v6 =	vperm.xlane v6, v4;
	v7 =	vsel vm0, v9, v7;
	v8 =	vsel vm0, v10, v8  }
0x19: {  	v9, v10, _ =	vpop (xrf1);
	(xrf1) =	vsort.dscd.msk.f32 $0xffff, v7, v8  }
0x1a: {  	v5 =	vsel vm0, v9, v5;
	v6 =	vsel vm0, v10, v6  }
0x1b: {  	(xrf1) =	vsort.dscd.msk.f32 $0xffff, v5, v6;
	_ =	sdelay $0x7  }
0x1c: {  	s0 =	simm.s32 $0x300  }
0x1d: {  	v5 =	vld [tilespmem:s0+$0xFFFFFF10]  }
0x1e: {  	v6 =	vld [tilespmem:s0+$0xFFFFFF30];
	_ =	sdelay $0x1  }
0x1f: {  	v7, v8, _ =	vpop (xrf1)  }
0x20: {  	v7 =	vperm.xlane v7, v4;
	v8 =	vperm.xlane v8, v4  }
0x21: {  	(xrf1) =	vsort.dscd.msk.f32 $0xffff, v5, v1;
	v5, v9, _ =	vpop (xrf1)  }
0x22: {  	(xrf1) =	vsort.dscd.msk.f32 $0xffff, v6, v3;
	v5 =	vsel vm0, v5, v7;
	v6 =	vsel vm0, v9, v8  }
0x23: {  	(xrf1) =	vsort.dscd.msk.f32 $0xffff, v5, v6;
	_ =	sdelay $0x4  }
0x24: {  	v5 =	vld [tilespmem:s0+$0xFFFFFF20];
	_ =	sdelay $0x1  }
0x25: {  	v6 =	vld [tilespmem:s0+$0xFFFFFF00];
	_ =	sdelay $0x2  }
0x26: {  	(xrf1) =	vsort.dscd.msk.f32 $0xffff, v5, v2;
	_ =	sdelay $0x1  }
0x27: {  	v5, v7, _ =	vpop (xrf1);
	(xrf1) =	vsort.dscd.msk.f32 $0xffff, v6, v0  }
0x28: {  	v6, v8, _ =	vpop (xrf1)  }
0x29: {  	v9, v10, _ =	vpop (xrf1)  }
0x2a: {  	v9 =	vsub.f32 $0.0e+00, v9;
	_ =	sdelay $0x1  }
0x2b: {  	v9 =	vmul.f32 $1.442695020e+00, v9;
	_ =	sdelay $0x1  }
0x2c: {  	(erf) = vpow2.f32 v9;
	_ =	sdelay $0x3  }
0x2d: {  	v6 =	vperm.xlane v6, v4  }
0x2e: {  	v8 =	vperm.xlane v8, v4;
	v9, v11, _ =	vpop (xrf1)  }
0x2f: {  	v6 =	vsel vm0, v9, v6  }
0x30: {  	v8 =	vsel vm0, v11, v8;
	v9, v11, _ =	vpop (xrf1)  }
0x31: {  	(xrf1) =	vsort.dscd.msk.f32 $0xffff, v6, v8  }
0x32: {  	v6 =	vpop (erf)  }
0x33: {  	v6 =	vadd.f32 $1.000000000e+00, v6  }
0x34: {  	v5 =	vperm.xlane v5, v4;
	v7 =	vperm.xlane v7, v4  }
0x35: {  	(erf) = vrcp.f32 v6  }
0x36: {  	v5 =	vsel vm0, v9, v5;
	v7 =	vsel vm0, v11, v7  }
0x37: {  	(xrf1) =	vsort.dscd.msk.f32 $0xffff, v5, v7;
	_ =	sdelay $0x6  }
0x38: {  	v7 =	vpop (erf)  }
0x39: {  	s29 =	simm.s32 $0x500;
	v8 =	vnsel vm0, $0x0, v7  }
0x3a: {  	v5 =	vld [tilespmem:s29+$0xFFFFFF10];
	(xrf2) =	vadd.scan.msk.f32 $0xffff, v8  }
0x3b: {  	v6 =	vld [tilespmem:s29+$0xFFFFFF30];
	_ =	sdelay $0x1  }
0x3c: {  	v9, v11, _ =	vpop (xrf1)  }
0x3d: {  	v8 =	vperm.xlane v9, v4;
	v9 =	vperm.xlane v11, v4  }
0x3e: {  	(xrf1) =	vsort.dscd.msk.f32 $0xffff, v5, v1;
	v5, v11, _ =	vpop (xrf1)  }
0x3f: {  	(xrf1) =	vsort.dscd.msk.f32 $0xffff, v6, v3;
	v5 =	vsel vm0, v5, v8;
	v6 =	vsel vm0, v11, v9  }
0x40: {  	(xrf1) =	vsort.dscd.msk.f32 $0xffff, v5, v6  }
0x41: {  	v5 =	vld [tilespmem:s29+$0xFFFFFF20];
	_ =	sdelay $0x1  }
0x42: {  	v8, _, _ =	vpop (xrf2)  }
0x43: {  	v6 =	vld [tilespmem:s29+$0xFFFFFF00];
	v8 =	vbroadcast v8, $0xF;
	_ =	sdelay $0x1  }
0x44: {  	(xrf1) =	vsort.dscd.msk.f32 $0xffff, v5, v2;
	(erf) = vrcp.f32 v8;
	_ =	sdelay $0x2  }
0x45: {  	(xrf1) =	vsort.dscd.msk.f32 $0xffff, v6, v0;
	_ =	sdelay $0x2  }
0x46: {  	v5, v6, _ =	vpop (xrf1)  }
0x47: {  	v8, v9, _ =	vpop (xrf1)  }
0x48: {  	v7 =	vmul.f32 $2.500000000e+00, v7;
	v11, v12, _ =	vpop (xrf1)  }
0x49: {  	v11 =	vsub.f32 $0.0e+00, v11;
	v13 =	vpop (erf)  }
0x4a: {  	v7 =	vmul.f32 v13, v7  }
0x4b: {  	v11 =	vmul.f32 $1.442695020e+00, v11  }
0x4c: {  	s11 =	simm.s32 $0x8010;
	v8 =	vperm.xlane v8, v4  }
0x4d: {  	s12 =	simm.s32 $0x8890;
	[tilespmem:s11+$0xFFFFFFF0] =	vst.msk $0xff, v10;
	v9 =	vperm.xlane v9, v4;
	(erf) = vpow2.f32 v11  }
0x4e: {  	[tilespmem:s12+$0xFFFFFFF0] =	vst.msk $0xff, v7;
	v7, v10, _ =	vpop (xrf1)  }
0x4f: {  	v7 =	vsel vm0, v7, v8;
	v8 =	vsel vm0, v10, v9  }
0x50: {  	v5 =	vperm.xlane v5, v4;
	v6 =	vperm.xlane v6, v4;
	v11 =	vld [tilespmem:s1+$0xFFFFFFB0];
	(xrf1) =	vsort.dscd.msk.f32 $0xffff, v7, v8  }
0x51: {  	v13 =	vld [tilespmem:s1+$0xFFFFFF90];
	v9, v10, _ =	vpop (xrf1)  }
0x52: {  	v5 =	vsel vm0, v9, v5;
	v6 =	vsel vm0, v10, v6;
	v7 =	vld [tilespmem:s1+$0xFFFFFFA0]  }
0x53: {  	(xrf1) =	vsort.dscd.msk.f32 $0xffff, v5, v6  }
0x54: {  	v5 =	vld [tilespmem:s1+$0xFFFFFF80]  }
0x55: {  	(xrf1) =	vsort.dscd.msk.f32 $0xffff, v11, v3  }
0x56: {  	v6 =	vpop (erf);
	(xrf1) =	vsort.dscd.msk.f32 $0xffff, v13, v1  }
0x57: {  	v6 =	vadd.f32 $1.000000000e+00, v6;
	(xrf1) =	vsort.dscd.msk.f32 $0xffff, v7, v2;
	_ =	sdelay $0x1  }
0x58: {  	(erf) = vrcp.f32 v6;
	(xrf1) =	vsort.dscd.msk.f32 $0xffff, v5, v0;
	_ =	sdelay $0x1  }
0x59: {  	s28 =	simm.s32 $0x700  }
0x5a: {  	v5 =	vld [tilespmem:s28+$0xFFFFFF10]  }
0x5b: {  	v6 =	vld [tilespmem:s28+$0xFFFFFF30]  }
0x5c: {  	v7, v8, _ =	vpop (xrf1)  }
0x5d: {  	v7 =	vperm.xlane v7, v4  }
0x5e: {  	v8 =	vperm.xlane v8, v4  }
0x5f: {  	(xrf1) =	vsort.dscd.msk.f32 $0xffff, v5, v1;
	v9, v10, _ =	vpop (xrf1)  }
0x60: {  	(xrf1) =	vsort.dscd.msk.f32 $0xffff, v6, v3;
	v5 =	vpop (erf);
	v6 =	vsel vm0, v9, v7;
	v8 =	vsel vm0, v10, v8  }
0x61: {  	v7, v9, _ =	vpop (xrf1);
	(xrf1) =	vsort.dscd.msk.f32 $0xffff, v6, v8;
	v6 =	vnsel vm0, $0x0, v5  }
0x62: {  	v7 =	vperm.xlane v7, v4;
	v9 =	vperm.xlane v9, v4;
	v10, v11, _ =	vpop (xrf1);
	(xrf2) =	vadd.scan.msk.f32 $0xffff, v6  }
0x63: {  	v8 =	vperm.xlane v10, v4;
	v10, v13, _ =	vpop (xrf1)  }
0x64: {  	v6 =	vperm.xlane v11, v4;
	v7 =	vsel vm0, v10, v7;
	v9 =	vsel vm0, v13, v9  }
0x65: {  	v10, v11, _ =	vpop (xrf1);
	(xrf1) =	vsort.dscd.msk.f32 $0xffff, v7, v9  }
0x66: {  	v7 =	vsel vm0, v10, v8;
	v6 =	vsel vm0, v11, v6  }
0x67: {  	(xrf1) =	vsort.dscd.msk.f32 $0xffff, v7, v6;
	_ =	sdelay $0x3  }
0x68: {  	v6 =	vld [tilespmem:s28+$0xFFFFFF20]  }
0x69: {  	v7 =	vld [tilespmem:s28+$0xFFFFFF00];
	v8, _, _ =	vpop (xrf2)  }
0x6a: {  	v8 =	vbroadcast v8, $0xF;
	_ =	sdelay $0x2  }
0x6b: {  	v9, v10, _ =	vpop (xrf1);
	(xrf1) =	vsort.dscd.msk.f32 $0xffff, v6, v2;
	(erf) = vrcp.f32 v8  }
0x6c: {  	v6, v11, _ =	vpop (xrf1);
	(xrf1) =	vsort.dscd.msk.f32 $0xffff, v7, v0  }
0x6d: {  	v7, v8, _ =	vpop (xrf1)  }
0x6e: {  	v13, v14, _ =	vpop (xrf1)  }
0x6f: {  	v13 =	vperm.xlane v13, v4;
	v14 =	vperm.xlane v14, v4  }
0x70: {  	v15, v16, _ =	vpop (xrf1)  }
0x71: {  	v7 =	vsub.f32 $0.0e+00, v7;
	v13 =	vsel vm0, v15, v13;
	v14 =	vsel vm0, v16, v14  }
0x72: {  	(xrf1) =	vsort.dscd.msk.f32 $0xffff, v13, v14  }
0x73: {  	v5 =	vmul.f32 $2.500000000e+00, v5;
	v7 =	vmul.f32 $1.442695020e+00, v7  }
0x74: {  	v13 =	vpop (erf)  }
0x75: {  	(erf) = vpow2.f32 v7;
	v5 =	vmul.f32 v13, v5  }
0x76: {  	v7 =	vperm.xlane v11, v4  }
0x77: {  	s14 =	simm.s32 $0x8030  }
0x78: {  	s13 =	simm.s32 $0x88B0;
	[tilespmem:s14+$0xFFFFFFF0] =	vst.msk $0xff, v12;
	v6 =	vperm.xlane v6, v4  }
0x79: {  	v9 =	vperm.xlane v9, v4;
	v10 =	vperm.xlane v10, v4;
	[tilespmem:s13+$0xFFFFFFF0] =	vst.msk $0xff, v5;
	v5, v11, _ =	vpop (xrf1)  }
0x7a: {  	v12 =	vld [tilespmem:s0+$0xFFFFFFB0];
	v5 =	vsel vm0, v5, v6;
	v6 =	vsel vm0, v11, v7;
	v7, v11, _ =	vpop (xrf1)  }
0x7b: {  	v13 =	vld [tilespmem:s0+$0xFFFFFF90];
	(xrf1) =	vsort.dscd.msk.f32 $0xffff, v5, v6;
	v5 =	vsel vm0, v7, v9;
	v6 =	vsel vm0, v11, v10  }
0x7c: {  	(xrf1) =	vsort.dscd.msk.f32 $0xffff, v5, v6;
	v5 =	vld [tilespmem:s0+$0xFFFFFFA0];
	_ =	sdelay $0x1  }
0x7d: {  	v7 =	vpop (erf)  }
0x7e: {  	v7 =	vadd.f32 $1.000000000e+00, v7;
	(xrf1) =	vsort.dscd.msk.f32 $0xffff, v12, v3  }
0x7f: {  	v6 =	vld [tilespmem:s0+$0xFFFFFF80];
	(xrf1) =	vsort.dscd.msk.f32 $0xffff, v13, v1;
	v9, v10, _ =	vpop (xrf1)  }
0x80: {  	(erf) = vrcp.f32 v7;
	(xrf1) =	vsort.dscd.msk.f32 $0xffff, v5, v2;
	v5 =	vsub.f32 $0.0e+00, v9;
	_ =	sdelay $0x1  }
0x81: {  	v5 =	vmul.f32 $1.442695020e+00, v5;
	_ =	sdelay $0x1  }
0x82: {  	(xrf1) =	vsort.dscd.msk.f32 $0xffff, v6, v0;
	(erf) = vpow2.f32 v5;
	_ =	sdelay $0x1  }
0x83: {  	s21 =	simm.s32 $0x900  }
0x84: {  	v5 =	vld [tilespmem:s21+$0xFFFFFF10];
	_ =	sdelay $0x1  }
0x85: {  	v13 =	vpop (erf)  }
0x86: {  	v6 =	vld [tilespmem:s21+$0xFFFFFF30];
	v7, v9, _ =	vpop (xrf1)  }
0x87: {  	v11, v12, _ =	vpop (xrf1);
	v7 =	vperm.xlane v7, v4;
	v9 =	vperm.xlane v9, v4  }
0x88: {  	(xrf1) =	vsort.dscd.msk.f32 $0xffff, v5, v1;
	v5, v14, _ =	vpop (xrf1)  }
0x89: {  	v9 =	vsel vm0, v12, v9;
	v12 =	vperm.xlane v14, v4;
	v14 =	vpop (erf)  }
0x8a: {  	v14 =	vadd.f32 $1.000000000e+00, v14  }
0x8b: {  	(xrf1) =	vsort.dscd.msk.f32 $0xffff, v6, v3;
	v6 =	vsel vm0, v11, v7;
	v5 =	vperm.xlane v5, v4;
	v7, v11, _ =	vpop (xrf1)  }
0x8c: {  	(xrf1) =	vsort.dscd.msk.f32 $0xffff, v6, v9;
	v6 =	vnsel vm0, $0x0, v13;
	v7 =	vperm.xlane v7, v4;
	v9, v15, _ =	vpop (xrf1);
	(erf) = vrcp.f32 v14  }
0x8d: {  	(xrf2) =	vadd.scan.msk.f32 $0xffff, v6;
	v6 =	vperm.xlane v11, v4;
	v5 =	vsel vm0, v9, v5;
	v9 =	vsel vm0, v15, v12  }
0x8e: {  	v11, v12, _ =	vpop (xrf1);
	(xrf1) =	vsort.dscd.msk.f32 $0xffff, v5, v9  }
0x8f: {  	v5 =	vsel vm0, v11, v7;
	v6 =	vsel vm0, v12, v6;
	v7 =	vld [tilespmem:s21+$0xFFFFFF20]  }
0x90: {  	(xrf1) =	vsort.dscd.msk.f32 $0xffff, v5, v6;
	_ =	sdelay $0x1  }
0x91: {  	v5 =	vld [tilespmem:s21+$0xFFFFFF00];
	_ =	sdelay $0x1  }
0x92: {  	(xrf1) =	vsort.dscd.msk.f32 $0xffff, v7, v2  }
0x93: {  	v6 =	vpop (erf)  }
0x94: {  	v7 =	vnsel vm0, $0x0, v6  }
0x95: {  	(xrf1) =	vsort.dscd.msk.f32 $0xffff, v5, v0;
	v5, _, _ =	vpop (xrf2)  }
0x96: {  	v9, v11, _ =	vpop (xrf1);
	v14 =	vbroadcast v5, $0xF  }
0x97: {  	(xrf2) =	vadd.scan.msk.f32 $0xffff, v7;
	v7, v12, _ =	vpop (xrf1)  }
0x98: {  	v15, v5, _ =	vpop (xrf1)  }
0x99: {  	v15 =	vsub.f32 $0.0e+00, v15  }
0x9a: {  	(erf) = vrcp.f32 v14;
	v14, v16, _ =	vpop (xrf1)  }
0x9b: {  	v14 =	vperm.xlane v14, v4;
	v15 =	vmul.f32 $1.442695020e+00, v15  }
0x9c: {  	v16 =	vperm.xlane v16, v4;
	v17, v18, _ =	vpop (xrf1)  }
0x9d: {  	v14 =	vsel vm0, v17, v14  }
0x9e: {  	v16 =	vsel vm0, v18, v16;
	(erf) = vpow2.f32 v15  }
0x9f: {  	v7 =	vperm.xlane v7, v4;
	v12 =	vperm.xlane v12, v4;
	(xrf1) =	vsort.dscd.msk.f32 $0xffff, v14, v16  }
0xa0: {  	v14, v15, _ =	vpop (xrf1)  }
0xa1: {  	v7 =	vsel vm0, v14, v7;
	v12 =	vsel vm0, v15, v12  }
0xa2: {  	v13 =	vmul.f32 $2.500000000e+00, v13;
	v9 =	vperm.xlane v9, v4;
	v14, _, _ =	vpop (xrf2);
	(xrf1) =	vsort.dscd.msk.f32 $0xffff, v7, v12  }
0xa3: {  	v11 =	vperm.xlane v11, v4;
	v15, v16, _ =	vpop (xrf1);
	v7 =	vbroadcast v14, $0xF  }
0xa4: {  	v9 =	vsel vm0, v15, v9;
	v12 =	vpop (erf)  }
0xa5: {  	s15 =	simm.s32 $0x8050;
	v11 =	vsel vm0, v16, v11;
	(erf) = vrcp.f32 v7;
	v12 =	vmul.f32 v12, v13  }
0xa6: {  	s16 =	simm.s32 $0x88D0;
	[tilespmem:s15+$0xFFFFFFF0] =	vst.msk $0xff, v8;
	(xrf1) =	vsort.dscd.msk.f32 $0xffff, v9, v11  }
0xa7: {  	v8 =	vpop (erf);
	[tilespmem:s16+$0xFFFFFFF0] =	vst.msk $0xff, v12  }
0xa8: {  	v8 =	vadd.f32 $1.000000000e+00, v8;
	v7 =	vld [tilespmem:s29+$0xFFFFFFB0];
	_ =	sdelay $0x1  }
0xa9: {  	v9 =	vld [tilespmem:s29+$0xFFFFFF90]  }
0xaa: {  	v11 =	vld [tilespmem:s29+$0xFFFFFFA0]  }
0xab: {  	(erf) = vrcp.f32 v8  }
0xac: {  	v6 =	vmul.f32 $2.500000000e+00, v6;
	(xrf1) =	vsort.dscd.msk.f32 $0xffff, v7, v3;
	v7, v8, _ =	vpop (xrf1)  }
0xad: {  	s23 =	simm.s32 $0xB00;
	v12 =	vld [tilespmem:s29+$0xFFFFFF80];
	v13 =	vpop (erf);
	v7 =	vsub.f32 $0.0e+00, v7  }
0xae: {  	v14 =	vld [tilespmem:s23+$0xFFFFFF10];
	(xrf1) =	vsort.dscd.msk.f32 $0xffff, v9, v1;
	v6 =	vmul.f32 v13, v6  }
0xaf: {  	[tilespmem:s11+$0xFFFFFFF8] =	vst.msk $0xff, v10;
	v9 =	vld [tilespmem:s23+$0xFFFFFF30];
	(xrf1) =	vsort.dscd.msk.f32 $0xffff, v11, v2;
	v10, v11, _ =	vpop (xrf1);
	v7 =	vmul.f32 $1.442695020e+00, v7  }
0xb0: {  	[tilespmem:s12+$0xFFFFFFF8] =	vst.msk $0xff, v6;
	v6 =	vperm.xlane v10, v4;
	v10 =	vperm.xlane v11, v4;
	_ =	sdelay $0x1  }
0xb1: {  	(xrf1) =	vsort.dscd.msk.f32 $0xffff, v12, v0;
	(erf) = vpow2.f32 v7  }
0xb2: {  	v11 =	vld [tilespmem:s1+$0x30];
	(xrf1) =	vsort.dscd.msk.f32 $0xffff, v14, v1;
	v12, v13, _ =	vpop (xrf1)  }
0xb3: {  	v7 =	vld [tilespmem:s1+$0x10];
	(xrf1) =	vsort.dscd.msk.f32 $0xffff, v9, v3;
	v6 =	vsel vm0, v12, v6;
	v9 =	vsel vm0, v13, v10;
	v10 =	vpop (erf)  }
0xb4: {  	v12 =	vld [tilespmem:s1+$0x20];
	(xrf1) =	vsort.dscd.msk.f32 $0xffff, v6, v9;
	v6 =	vnsel vm0, $0x0, v10  }
0xb5: {  	(xrf2) =	vadd.scan.msk.f32 $0xffff, v6;
	v6 =	vld [tilespmem:s1+$0x0];
	_ =	sdelay $0x1  }
0xb6: {  	(xrf1) =	vsort.dscd.msk.f32 $0xffff, v11, v3  }
0xb7: {  	(xrf1) =	vsort.dscd.msk.f32 $0xffff, v7, v1  }
0xb8: {  	(xrf1) =	vsort.dscd.msk.f32 $0xffff, v12, v2;
	v7, v9, _ =	vpop (xrf1)  }
0xb9: {  	(xrf1) =	vsort.dscd.msk.f32 $0xffff, v6, v0;
	v6 =	vpop (erf)  }
0xba: {  	v6 =	vadd.f32 $1.000000000e+00, v6  }
0xbb: {  	v11, v12, _ =	vpop (xrf1)  }
0xbc: {  	v7 =	vperm.xlane v7, v4;
	v9 =	vperm.xlane v9, v4;
	v13, v14, _ =	vpop (xrf1)  }
0xbd: {  	v11 =	vperm.xlane v11, v4;
	v12 =	vperm.xlane v12, v4  }
0xbe: {  	v7 =	vsel vm0, v13, v7;
	v9 =	vsel vm0, v14, v9;
	(erf) = vrcp.f32 v6;
	v6, v13, _ =	vpop (xrf1)  }
0xbf: {  	(xrf1) =	vsort.dscd.msk.f32 $0xffff, v7, v9;
	v9 =	vsel vm0, v13, v12  }
0xc0: {  	v7 =	vld [tilespmem:s23+$0xFFFFFF20];
	v6 =	vsel vm0, v6, v11  }
0xc1: {  	v11, _, _ =	vpop (xrf2);
	(xrf1) =	vsort.dscd.msk.f32 $0xffff, v6, v9  }
0xc2: {  	v13 =	vld [tilespmem:s23+$0xFFFFFF00];
	v9, v12, _ =	vpop (xrf1)  }
0xc3: {  	v14, v15, _ =	vpop (xrf1)  }
0xc4: {  	v16, v6, _ =	vpop (xrf1)  }
0xc5: {  	(xrf1) =	vsort.dscd.msk.f32 $0xffff, v7, v2;
	v7, v17, _ =	vpop (xrf1)  }
0xc6: {  	v7 =	vperm.xlane v7, v4;
	v17 =	vperm.xlane v17, v4;
	v18, v19, _ =	vpop (xrf1)  }
0xc7: {  	(xrf1) =	vsort.dscd.msk.f32 $0xffff, v13, v0;
	v13 =	vperm.xlane v18, v4;
	v18, v20, _ =	vpop (xrf1)  }
0xc8: {  	v7 =	vsel vm0, v18, v7;
	v17 =	vsel vm0, v20, v17;
	v25, v22, _ =	vpop (xrf1)  }
0xc9: {  	v21 =	vpop (erf);
	v19 =	vperm.xlane v19, v4;
	(xrf1) =	vsort.dscd.msk.f32 $0xffff, v7, v17;
	v7 =	vbroadcast v11, $0xF;
	v11 =	vsel vm0, v25, v13  }
0xca: {  	v18 =	vnsel vm0, $0x0, v21  }
0xcb: {  	(xrf2) =	vadd.scan.msk.f32 $0xffff, v18;
	v13 =	vsel vm0, v22, v19;
	(erf) = vrcp.f32 v7  }
0xcc: {  	(xrf1) =	vsort.dscd.msk.f32 $0xffff, v11, v13;
	v13 =	vsub.f32 $0.0e+00, v16  }
0xcd: {  	v7, v11, _ =	vpop (xrf1)  }
0xce: {  	v13 =	vmul.f32 $1.442695020e+00, v13;
	v11 =	vperm.xlane v11, v4  }
0xcf: {  	v16, v17, _ =	vpop (xrf1)  }
0xd0: {  	v7 =	vperm.xlane v7, v4;
	v11 =	vsel vm0, v17, v11  }
0xd1: {  	v14 =	vperm.xlane v14, v4  }
0xd2: {  	v10 =	vmul.f32 $2.500000000e+00, v10;
	(erf) = vpow2.f32 v13;
	v7 =	vsel vm0, v16, v7  }
0xd3: {  	v12 =	vperm.xlane v12, v4;
	(xrf1) =	vsort.dscd.msk.f32 $0xffff, v7, v11;
	v7 =	vperm.xlane v15, v4;
	v11, v13, _ =	vpop (xrf1)  }
0xd4: {  	v9 =	vperm.xlane v9, v4;
	v15 =	vpop (erf)  }
0xd5: {  	v11 =	vsel vm0, v11, v14;
	v14, _, _ =	vpop (xrf2);
	v7 =	vsel vm0, v13, v7;
	v10 =	vmul.f32 v15, v10  }
0xd6: {  	v13 =	vbroadcast v14, $0xF;
	(xrf1) =	vsort.dscd.msk.f32 $0xffff, v11, v7;
	v14, v15, _ =	vpop (xrf1)  }
0xd7: {  	s17 =	simm.s32 $0x8070;
	v7 =	vsel vm0, v14, v9;
	v9 =	vsel vm0, v15, v12  }
0xd8: {  	s18 =	simm.s32 $0x88F0;
	[tilespmem:s17+$0xFFFFFFF0] =	vst.msk $0xff, v5;
	(erf) = vrcp.f32 v13;
	v11, v12, _ =	vpop (xrf1);
	(xrf1) =	vsort.dscd.msk.f32 $0xffff, v7, v9  }
0xd9: {  	[tilespmem:s18+$0xFFFFFFF0] =	vst.msk $0xff, v10;
	v5 =	vperm.xlane v11, v4;
	v7 =	vperm.xlane v12, v4  }
0xda: {  	v11 =	vld [tilespmem:s28+$0xFFFFFFB0];
	v9, v10, _ =	vpop (xrf1)  }
0xdb: {  	v5 =	vsel vm0, v9, v5;
	v7 =	vsel vm0, v10, v7;
	v9 =	vld [tilespmem:s28+$0xFFFFFF90];
	v10 =	vpop (erf)  }
0xdc: {  	(xrf1) =	vsort.dscd.msk.f32 $0xffff, v5, v7;
	v5 =	vadd.f32 $1.000000000e+00, v10  }
0xdd: {  	v10 =	vld [tilespmem:s28+$0xFFFFFFA0]  }
0xde: {  	(erf) = vrcp.f32 v5;
	v5 =	vld [tilespmem:s28+$0xFFFFFF80]  }
0xdf: {  	(xrf1) =	vsort.dscd.msk.f32 $0xffff, v11, v3  }
0xe0: {  	s22 =	simm.s32 $0xD00;
	(xrf1) =	vsort.dscd.msk.f32 $0xffff, v9, v1  }
0xe1: {  	v13 =	vld [tilespmem:s22+$0xFFFFFF10];
	v11, v7, _ =	vpop (xrf1);
	v9 =	vmul.f32 $2.500000000e+00, v21  }
0xe2: {  	v12 =	vpop (erf);
	(xrf1) =	vsort.dscd.msk.f32 $0xffff, v10, v2;
	v10 =	vsub.f32 $0.0e+00, v11;
	v11 =	vld [tilespmem:s22+$0xFFFFFF30]  }
0xe3: {  	v9 =	vmul.f32 v12, v9;
	(xrf1) =	vsort.dscd.msk.f32 $0xffff, v5, v0  }
0xe4: {  	[tilespmem:s14+$0xFFFFFFF8] =	vst.msk $0xff, v8;
	v5, v8, _ =	vpop (xrf1);
	v10 =	vmul.f32 $1.442695020e+00, v10  }
0xe5: {  	[tilespmem:s13+$0xFFFFFFF8] =	vst.msk $0xff, v9;
	v5 =	vperm.xlane v5, v4;
	v8 =	vperm.xlane v8, v4  }
0xe6: {  	(xrf1) =	vsort.dscd.msk.f32 $0xffff, v13, v1;
	v9 =	vld [tilespmem:s0+$0x30];
	(erf) = vpow2.f32 v10;
	v12, v13, _ =	vpop (xrf1)  }
0xe7: {  	v14 =	vld [tilespmem:s0+$0x10];
	(xrf1) =	vsort.dscd.msk.f32 $0xffff, v11, v3;
	v5 =	vsel vm0, v12, v5;
	v8 =	vsel vm0, v13, v8;
	v11 =	vpop (erf)  }
0xe8: {  	v12 =	vld [tilespmem:s0+$0x20];
	(xrf1) =	vsort.dscd.msk.f32 $0xffff, v5, v8;
	v5 =	vnsel vm0, $0x0, v11  }
0xe9: {  	(xrf2) =	vadd.scan.msk.f32 $0xffff, v5;
	v5 =	vld [tilespmem:s0+$0x0]  }
0xea: {  	v8, v10, _ =	vpop (xrf1)  }
0xeb: {  	(xrf1) =	vsort.dscd.msk.f32 $0xffff, v9, v3;
	v8 =	vsub.f32 $0.0e+00, v8  }
0xec: {  	(xrf1) =	vsort.dscd.msk.f32 $0xffff, v14, v1  }
0xed: {  	(xrf1) =	vsort.dscd.msk.f32 $0xffff, v12, v2;
	v9, v12, _ =	vpop (xrf1);
	v8 =	vmul.f32 $1.442695020e+00, v8  }
0xee: {  	v13, v14, _ =	vpop (xrf1);
	(xrf1) =	vsort.dscd.msk.f32 $0xffff, v5, v0;
	v5 =	vperm.xlane v9, v4  }
0xef: {  	v9 =	vpop (erf);
	(erf) = vpow2.f32 v8;
	v8 =	vperm.xlane v12, v4  }
0xf0: {  	v12 =	vperm.xlane v13, v4;
	v13, v15, _ =	vpop (xrf1);
	v9 =	vadd.f32 $1.000000000e+00, v9;
	v14 =	vperm.xlane v14, v4  }
0xf1: {  	v5 =	vsel vm0, v13, v5;
	v8 =	vsel vm0, v15, v8;
	v13, v15, _ =	vpop (xrf1)  }
0xf2: {  	(erf) = vrcp.f32 v9;
	v9 =	vsel vm0, v15, v14  }
0xf3: {  	(xrf1) =	vsort.dscd.msk.f32 $0xffff, v5, v8;
	v8 =	vld [tilespmem:s22+$0xFFFFFF20];
	v5 =	vsel vm0, v13, v12  }
0xf4: {  	v12, _, _ =	vpop (xrf2)  }
0xf5: {  	(xrf1) =	vsort.dscd.msk.f32 $0xffff, v5, v9;
	v9, v13, _ =	vpop (xrf1)  }
0xf6: {  	v15, v16, _ =	vpop (xrf1)  }
0xf7: {  	v14 =	vld [tilespmem:s22+$0xFFFFFF00];
	v17, v5, _ =	vpop (xrf1)  }
0xf8: {  	(xrf1) =	vsort.dscd.msk.f32 $0xffff, v8, v2;
	v8 =	vpop (erf)  }
0xf9: {  	v18, v19, _ =	vpop (xrf1)  }
0xfa: {  	v26, v27, _ =	vpop (xrf1)  }
0xfb: {  	v12 =	vbroadcast v12, $0xF;
	v8 =	vadd.f32 $1.000000000e+00, v8;
	v18 =	vperm.xlane v18, v4;
	v29, v28, _ =	vpop (xrf1)  }
0xfc: {  	(xrf1) =	vsort.dscd.msk.f32 $0xffff, v14, v0;
	v19 =	vperm.xlane v19, v4;
	v14 =	vperm.xlane v26, v4;
	v23 =	vpop (erf)  }
0xfd: {  	(erf) = vrcp.f32 v8;
	v8 =	vperm.xlane v27, v4;
	v31, v32, _ =	vpop (xrf1)  }
0xfe: {  	v30 =	vnsel vm0, $0x0, v23;
	(erf) = vrcp.f32 v12;
	v12 =	vsel vm0, v31, v14  }
0xff: {  	v18 =	vsel vm0, v29, v18;
	v19 =	vsel vm0, v28, v19;
	(xrf2) =	vadd.scan.msk.f32 $0xffff, v30;
	v8 =	vsel vm0, v32, v8  }
0x100: {  	(xrf1) =	vsort.dscd.msk.f32 $0xffff, v18, v19  }
0x101: {  	v14 =	vsub.f32 $0.0e+00, v17  }
0x102: {  	(xrf1) =	vsort.dscd.msk.f32 $0xffff, v12, v8;
	v8, v12, _ =	vpop (xrf1)  }
0x103: {  	v14 =	vmul.f32 $1.442695020e+00, v14;
	v12 =	vperm.xlane v12, v4  }
0x104: {  	v17, v18, _ =	vpop (xrf1)  }
0x105: {  	v15 =	vperm.xlane v15, v4;
	v8 =	vperm.xlane v8, v4;
	v12 =	vsel vm0, v18, v12;
	_ =	sdelay $0x1  }
0x106: {  	v8 =	vsel vm0, v17, v8;
	v17 =	vpop (erf)  }
0x107: {  	(erf) = vpow2.f32 v14;
	(xrf1) =	vsort.dscd.msk.f32 $0xffff, v8, v12;
	v12, v14, _ =	vpop (xrf1)  }
0x108: {  	s19 =	simm.s32 $0x8090;
	v8 =	vnsel vm0, $0x0, v17;
	v12 =	vsel vm0, v12, v15;
	v15, _, _ =	vpop (xrf2)  }
0x109: {  	[tilespmem:s19+$0xFFFFFFF0] =	vst.msk $0xff, v6;
	(xrf2) =	vadd.scan.msk.f32 $0xffff, v8;
	v8 =	vperm.xlane v16, v4;
	v6 =	vbroadcast v15, $0xF  }
0x10a: {  	v11 =	vmul.f32 $2.500000000e+00, v11;
	v13 =	vperm.xlane v13, v4  }
0x10b: {  	v9 =	vperm.xlane v9, v4;
	v16 =	vpop (erf);
	v8 =	vsel vm0, v14, v8  }
0x10c: {  	v11 =	vmul.f32 v16, v11;
	v14, v15, _ =	vpop (xrf1);
	(xrf1) =	vsort.dscd.msk.f32 $0xffff, v12, v8  }
0x10d: {  	s20 =	simm.s32 $0x8910;
	v8 =	vsel vm0, v14, v9;
	v9 =	vsel vm0, v15, v13;
	(erf) = vrcp.f32 v6;
	v6, v12, _ =	vpop (xrf1)  }
0x10e: {  	[tilespmem:s20+$0xFFFFFFF0] =	vst.msk $0xff, v11;
	(xrf1) =	vsort.dscd.msk.f32 $0xffff, v8, v9;
	v8 =	vperm.xlane v12, v4  }
0x10f: {  	v11 =	vld [tilespmem:s21+$0xFFFFFFB0];
	v12, v13, _ =	vpop (xrf1)  }
0x110: {  	v9 =	vld [tilespmem:s21+$0xFFFFFF90];
	v6 =	vperm.xlane v6, v4;
	v8 =	vsel vm0, v13, v8  }
0x111: {  	v14 =	vld [tilespmem:s21+$0xFFFFFFA0]  }
0x112: {  	v6 =	vsel vm0, v12, v6;
	v12 =	vpop (erf)  }
0x113: {  	(xrf1) =	vsort.dscd.msk.f32 $0xffff, v6, v8;
	v6 =	vadd.f32 $1.000000000e+00, v12;
	v8, _, _ =	vpop (xrf2)  }
0x114: {  	v13 =	vld [tilespmem:s21+$0xFFFFFF80];
	(xrf1) =	vsort.dscd.msk.f32 $0xffff, v11, v3;
	v8 =	vbroadcast v8, $0xF  }
0x115: {  	(erf) = vrcp.f32 v6;
	(xrf1) =	vsort.dscd.msk.f32 $0xffff, v9, v1  }
0x116: {  	s24 =	simm.s32 $0xF00;
	(xrf1) =	vsort.dscd.msk.f32 $0xffff, v14, v2;
	(erf) = vrcp.f32 v8  }
0x117: {  	v12 =	vld [tilespmem:s24+$0xFFFFFF10];
	v9 =	vmul.f32 $2.500000000e+00, v23  }
0x118: {  	v11 =	vpop (erf)  }
0x119: {  	v9 =	vmul.f32 v11, v9;
	v6, v8, _ =	vpop (xrf1);
	(xrf1) =	vsort.dscd.msk.f32 $0xffff, v13, v0  }
0x11a: {  	[tilespmem:s15+$0xFFFFFFF8] =	vst.msk $0xff, v7;
	v13 =	vld [tilespmem:s24+$0xFFFFFF30];
	v6 =	vsub.f32 $0.0e+00, v6;
	v7, v11, _ =	vpop (xrf1)  }
0x11b: {  	[tilespmem:s16+$0xFFFFFFF8] =	vst.msk $0xff, v9;
	v9 =	vperm.xlane v11, v4  }
0x11c: {  	(xrf1) =	vsort.dscd.msk.f32 $0xffff, v12, v1;
	v7 =	vperm.xlane v7, v4;
	v12, v14, _ =	vpop (xrf1);
	v6 =	vmul.f32 $1.442695020e+00, v6  }
0x11d: {  	v11 =	vld [tilespmem:s29+$0x30];
	v9 =	vsel vm0, v14, v9  }
0x11e: {  	v7 =	vsel vm0, v12, v7;
	v12 =	vpop (erf);
	v14 =	vmul.f32 $2.500000000e+00, v17;
	(erf) = vpow2.f32 v6;
	v6 =	vld [tilespmem:s29+$0x10]  }
0x11f: {  	(xrf1) =	vsort.dscd.msk.f32 $0xffff, v13, v3;
	v13 =	vld [tilespmem:s29+$0x20];
	v15 =	vpop (erf)  }
0x120: {  	(xrf1) =	vsort.dscd.msk.f32 $0xffff, v7, v9;
	v7 =	vnsel vm0, $0x0, v12;
	v14 =	vmul.f32 v15, v14  }
0x121: {  	(xrf2) =	vadd.scan.msk.f32 $0xffff, v7;
	v16, v9, _ =	vpop (xrf1)  }
0x122: {  	v7 =	vld [tilespmem:s29+$0x0];
	(xrf1) =	vsort.dscd.msk.f32 $0xffff, v11, v3;
	v17, v18, _ =	vpop (xrf1);
	v11 =	vsub.f32 $0.0e+00, v16  }
0x123: {  	[tilespmem:s11+$0x0] =	vst.msk $0xff, v10;
	v15 =	vperm.xlane v17, v4;
	(xrf1) =	vsort.dscd.msk.f32 $0xffff, v6, v1;
	v6 =	vperm.xlane v18, v4;
	v10, v16, _ =	vpop (xrf1)  }
0x124: {  	[tilespmem:s12+$0x0] =	vst.msk $0xff, v14;
	(xrf1) =	vsort.dscd.msk.f32 $0xffff, v13, v2;
	v11 =	vmul.f32 $1.442695020e+00, v11;
	v13 =	vperm.xlane v16, v4;
	v14, v16, _ =	vpop (xrf1)  }
0x125: {  	v6 =	vsel vm0, v16, v6  }
0x126: {  	v17 =	vld [tilespmem:s1+$0xB0];
	(erf) = vpow2.f32 v11  }
0x127: {  	v10 =	vperm.xlane v10, v4;
	v14 =	vsel vm0, v14, v15;
	(xrf1) =	vsort.dscd.msk.f32 $0xffff, v7, v0;
	v7 =	vld [tilespmem:s1+$0x90];
	v15, v16, _ =	vpop (xrf1)  }
0x128: {  	(xrf1) =	vsort.dscd.msk.f32 $0xffff, v14, v6;
	v6 =	vpop (erf)  }
0x129: {  	v11 =	vld [tilespmem:s1+$0xA0];
	v10 =	vsel vm0, v15, v10;
	v13 =	vsel vm0, v16, v13;
	v6 =	vadd.f32 $1.000000000e+00, v6  }
0x12a: {  	(xrf1) =	vsort.dscd.msk.f32 $0xffff, v10, v13;
	v10 =	vld [tilespmem:s1+$0x80]  }
0x12b: {  	v13 =	vld [tilespmem:s24+$0xFFFFFF20];
	(xrf1) =	vsort.dscd.msk.f32 $0xffff, v17, v3;
	v14, _, _ =	vpop (xrf2)  }
0x12c: {  	(xrf1) =	vsort.dscd.msk.f32 $0xffff, v7, v1;
	v7, v15, _ =	vpop (xrf1)  }
0x12d: {  	(erf) = vrcp.f32 v6;
	v16, v17, _ =	vpop (xrf1)  }
0x12e: {  	(xrf1) =	vsort.dscd.msk.f32 $0xffff, v11, v2;
	v18, v6, _ =	vpop (xrf1)  }
0x12f: {  	(xrf1) =	vsort.dscd.msk.f32 $0xffff, v10, v0;
	v10 =	vpop (erf)  }
0x130: {  	v11 =	vld [tilespmem:s24+$0xFFFFFF00];
	(xrf1) =	vsort.dscd.msk.f32 $0xffff, v13, v2;
	v13 =	vbroadcast v14, $0xF;
	v14, v19, _ =	vpop (xrf1)  }
0x131: {  	v14 =	vperm.xlane v14, v4;
	v33, v34, _ =	vpop (xrf1)  }
0x132: {  	v10 =	vadd.f32 $1.000000000e+00, v10;
	v36, v35, _ =	vpop (xrf1)  }
0x133: {  	v19 =	vperm.xlane v19, v4;
	v14 =	vsel vm0, v36, v14  }
0x134: {  	v21 =	vperm.xlane v34, v4  }
0x135: {  	(xrf1) =	vsort.dscd.msk.f32 $0xffff, v11, v0;
	v11 =	vperm.xlane v33, v4;
	v19 =	vsel vm0, v35, v19;
	v39, v38, _ =	vpop (xrf1)  }
0x136: {  	(erf) = vrcp.f32 v10;
	v10 =	vpop (erf);
	(xrf1) =	vsort.dscd.msk.f32 $0xffff, v14, v19;
	v19 =	vsel vm0, v38, v21  }
0x137: {  	(erf) = vrcp.f32 v13;
	v11 =	vsel vm0, v39, v11;
	v13, v14, _ =	vpop (xrf1)  }
0x138: {  	v37 =	vnsel vm0, $0x0, v10;
	v13 =	vperm.xlane v13, v4  }
0x139: {  	(xrf2) =	vadd.scan.msk.f32 $0xffff, v37;
	v14 =	vperm.xlane v14, v4  }
0x13a: {  	(xrf1) =	vsort.dscd.msk.f32 $0xffff, v11, v19;
	v11, v19, _ =	vpop (xrf1)  }
0x13b: {  	v14 =	vsel vm0, v19, v14  }
0x13c: {  	v18 =	vsub.f32 $0.0e+00, v18;
	v11 =	vsel vm0, v11, v13;
	v13, v40, _ =	vpop (xrf1)  }
0x13d: {  	v13 =	vperm.xlane v13, v4;
	v19 =	vperm.xlane v40, v4;
	v42, v41, _ =	vpop (xrf1)  }
0x13e: {  	v18 =	vmul.f32 $1.442695020e+00, v18;
	(xrf1) =	vsort.dscd.msk.f32 $0xffff, v11, v14;
	v14, v43, _ =	vpop (xrf1)  }
0x13f: {  	v13 =	vsel vm0, v14, v13;
	v14 =	vsel vm0, v43, v19  }
0x140: {  	v44 =	vpop (erf);
	(erf) = vpow2.f32 v18  }
0x141: {  	v18 =	vnsel vm0, $0x0, v44;
	v11 =	vperm.xlane v42, v4;
	v21 =	vperm.xlane v41, v4  }
0x142: {  	v16 =	vperm.xlane v16, v4;
	(xrf2) =	vadd.scan.msk.f32 $0xffff, v18;
	v19, v20, _ =	vpop (xrf1)  }
0x143: {  	(xrf1) =	vsort.dscd.msk.f32 $0xffff, v13, v14;
	v11 =	vsel vm0, v19, v11;
	v18 =	vsel vm0, v20, v21;
	v13, v14, _ =	vpop (xrf1)  }
0x144: {  	s25 =	simm.s32 $0x80B0;
	(xrf1) =	vsort.dscd.msk.f32 $0xffff, v11, v18;
	v11 =	vsel vm0, v13, v16;
	v13, _, _ =	vpop (xrf2)  }
0x145: {  	[tilespmem:s25+$0xFFFFFFF0] =	vst.msk $0xff, v5;
	v17 =	vperm.xlane v17, v4;
	v5 =	vbroadcast v13, $0xF  }
0x146: {  	v12 =	vmul.f32 $2.500000000e+00, v12;
	v19 =	vpop (erf)  }
0x147: {  	v7 =	vperm.xlane v7, v4;
	v15 =	vperm.xlane v15, v4;
	v14 =	vsel vm0, v14, v17;
	v13, v16, _ =	vpop (xrf1)  }
0x148: {  	v12 =	vmul.f32 v19, v12  }
0x149: {  	(xrf1) =	vsort.dscd.msk.f32 $0xffff, v11, v14;
	v7 =	vsel vm0, v13, v7;
	v11 =	vsel vm0, v16, v15;
	(erf) = vrcp.f32 v5;
	v5, v13, _ =	vpop (xrf1)  }
0x14a: {  	s26 =	simm.s32 $0x8930;
	(xrf1) =	vsort.dscd.msk.f32 $0xffff, v7, v11;
	v7 =	vperm.xlane v13, v4  }
0x14b: {  	[tilespmem:s26+$0xFFFFFFF0] =	vst.msk $0xff, v12;
	v13, v14, _ =	vpop (xrf1)  }
0x14c: {  	v12 =	vld [tilespmem:s23+$0xFFFFFFB0];
	v5 =	vperm.xlane v5, v4;
	v7 =	vsel vm0, v14, v7  }
0x14d: {  	v11 =	vld [tilespmem:s23+$0xFFFFFF90]  }
0x14e: {  	v5 =	vsel vm0, v13, v5;
	v13 =	vpop (erf)  }
0x14f: {  	v15 =	vld [tilespmem:s23+$0xFFFFFFA0];
	(xrf1) =	vsort.dscd.msk.f32 $0xffff, v5, v7;
	v7, _, _ =	vpop (xrf2)  }
0x150: {  	v5 =	vadd.f32 $1.000000000e+00, v13  }
0x151: {  	(xrf1) =	vsort.dscd.msk.f32 $0xffff, v12, v3;
	v12 =	vbroadcast v7, $0xF;
	v13, v7, _ =	vpop (xrf1)  }
0x152: {  	(erf) = vrcp.f32 v5;
	v5 =	vmul.f32 $2.500000000e+00, v10;
	(xrf1) =	vsort.dscd.msk.f32 $0xffff, v11, v1;
	v10, v11, _ =	vpop (xrf1)  }
0x153: {  	v14 =	vld [tilespmem:s23+$0xFFFFFF80];
	v10 =	vperm.xlane v10, v4  }
0x154: {  	(xrf1) =	vsort.dscd.msk.f32 $0xffff, v15, v2;
	v15, v16, _ =	vpop (xrf1)  }
0x155: {  	v10 =	vsel vm0, v15, v10  }
0x156: {  	(erf) = vrcp.f32 v12;
	v13 =	vsub.f32 $0.0e+00, v13;
	v11 =	vperm.xlane v11, v4  }
0x157: {  	v12 =	vpop (erf)  }
0x158: {  	s30 =	simm.s32 $0x1100;
	(xrf1) =	vsort.dscd.msk.f32 $0xffff, v14, v0;
	v5 =	vmul.f32 v12, v5;
	v11 =	vsel vm0, v16, v11  }
0x159: {  	[tilespmem:s17+$0xFFFFFFF8] =	vst.msk $0xff, v8;
	v14 =	vld [tilespmem:s30+$0xFFFFFF10];
	(xrf1) =	vsort.dscd.msk.f32 $0xffff, v10, v11;
	v8, v10, _ =	vpop (xrf1)  }
0x15a: {  	v17 =	vld [tilespmem:s30+$0xFFFFFF30];
	[tilespmem:s18+$0xFFFFFFF8] =	vst.msk $0xff, v5;
	v5 =	vperm.xlane v8, v4;
	v8 =	vperm.xlane v10, v4  }
0x15b: {  	v11 =	vmul.f32 $1.442695020e+00, v13;
	v12, v13, _ =	vpop (xrf1)  }
0x15c: {  	v8 =	vsel vm0, v13, v8;
	_ =	sdelay $0x1  }
0x15d: {  	(xrf1) =	vsort.dscd.msk.f32 $0xffff, v14, v1;
	v10 =	vld [tilespmem:s28+$0x30];
	v5 =	vsel vm0, v12, v5;
	v12 =	vpop (erf)  }
0x15e: {  	(erf) = vpow2.f32 v11;
	v11 =	vld [tilespmem:s28+$0x10];
	v14 =	vmul.f32 $2.500000000e+00, v44;
	(xrf1) =	vsort.dscd.msk.f32 $0xffff, v17, v3;
	v15 =	vpop (erf)  }
0x15f: {  	v13 =	vld [tilespmem:s28+$0x20];
	(xrf1) =	vsort.dscd.msk.f32 $0xffff, v5, v8;
	v16, v8, _ =	vpop (xrf1)  }
0x160: {  	v5 =	vnsel vm0, $0x0, v12;
	v14 =	vmul.f32 v15, v14;
	v17, v18, _ =	vpop (xrf1)  }
0x161: {  	(xrf2) =	vadd.scan.msk.f32 $0xffff, v5;
	v5 =	vld [tilespmem:s28+$0x0];
	v15 =	vperm.xlane v17, v4  }
0x162: {  	(xrf1) =	vsort.dscd.msk.f32 $0xffff, v10, v3  }
0x163: {  	[tilespmem:s14+$0x0] =	vst.msk $0xff, v9;
	v10 =	vsub.f32 $0.0e+00, v16;
	(xrf1) =	vsort.dscd.msk.f32 $0xffff, v11, v1;
	v9 =	vperm.xlane v18, v4;
	v11, v16, _ =	vpop (xrf1)  }
0x164: {  	[tilespmem:s13+$0x0] =	vst.msk $0xff, v14;
	(xrf1) =	vsort.dscd.msk.f32 $0xffff, v13, v2;
	v11 =	vperm.xlane v11, v4;
	v13 =	vperm.xlane v16, v4;
	v14, v16, _ =	vpop (xrf1)  }
0x165: {  	v14 =	vsel vm0, v14, v15;
	v9 =	vsel vm0, v16, v9;
	v15, v16, _ =	vpop (xrf1)  }
0x166: {  	v10 =	vmul.f32 $1.442695020e+00, v10;
	(xrf1) =	vsort.dscd.msk.f32 $0xffff, v5, v0;
	v5 =	vsel vm0, v15, v11  }
0x167: {  	v17 =	vld [tilespmem:s0+$0xB0];
	v11 =	vsel vm0, v16, v13  }
0x168: {  	(erf) = vpow2.f32 v10;
	v10 =	vld [tilespmem:s0+$0x90];
	(xrf1) =	vsort.dscd.msk.f32 $0xffff, v14, v9;
	v9 =	vpop (erf)  }
0x169: {  	v9 =	vadd.f32 $1.000000000e+00, v9  }
0x16a: {  	v13 =	vld [tilespmem:s0+$0xA0];
	(xrf1) =	vsort.dscd.msk.f32 $0xffff, v5, v11;
	v11, v5, _ =	vpop (xrf1)  }
0x16b: {  	(erf) = vrcp.f32 v9;
	v9 =	vsub.f32 $0.0e+00, v11  }
0x16c: {  	(xrf1) =	vsort.dscd.msk.f32 $0xffff, v17, v3  }
0x16d: {  	v14 =	vld [tilespmem:s0+$0x80];
	(xrf1) =	vsort.dscd.msk.f32 $0xffff, v10, v1;
	v11, _, _ =	vpop (xrf2);
	v10 =	vmul.f32 $1.442695020e+00, v9  }
0x16e: {  	v15, v16, _ =	vpop (xrf1)  }
0x16f: {  	(xrf1) =	vsort.dscd.msk.f32 $0xffff, v13, v2;
	v13 =	vld [tilespmem:s30+$0xFFFFFF20];
	v17, v18, _ =	vpop (xrf1)  }
0x170: {  	v45, v9, _ =	vpop (xrf1)  }
0x171: {  	v19 =	vld [tilespmem:s30+$0xFFFFFF00];
	(erf) = vpow2.f32 v10;
	v10 =	vpop (erf)  }
0x172: {  	(xrf1) =	vsort.dscd.msk.f32 $0xffff, v14, v0;
	v14, v46, _ =	vpop (xrf1)  }
0x173: {  	v10 =	vadd.f32 $1.000000000e+00, v10;
	v14 =	vperm.xlane v14, v4;
	v48, v47, _ =	vpop (xrf1)  }
0x174: {  	(xrf1) =	vsort.dscd.msk.f32 $0xffff, v13, v2;
	v21 =	vperm.xlane v46, v4;
	v13, v24, _ =	vpop (xrf1)  }
0x175: {  	(erf) = vrcp.f32 v10;
	v10 =	vbroadcast v11, $0xF;
	v11 =	vsel vm0, v13, v14  }
0x176: {  	(xrf1) =	vsort.dscd.msk.f32 $0xffff, v19, v0;
	v19 =	vpop (erf);
	v14 =	vperm.xlane v48, v4  }
0x177: {  	v13 =	vsel vm0, v24, v21;
	v52, v51, _ =	vpop (xrf1)  }
0x178: {  	v49 =	vperm.xlane v47, v4;
	v50 =	vnsel vm0, $0x0, v19;
	(xrf1) =	vsort.dscd.msk.f32 $0xffff, v11, v13;
	v13 =	vsel vm0, v52, v14  }
0x179: {  	(xrf2) =	vadd.scan.msk.f32 $0xffff, v50;
	(erf) = vrcp.f32 v10;
	v10, v11, _ =	vpop (xrf1)  }
0x17a: {  	v14 =	vsel vm0, v51, v49;
	v54, v53, _ =	vpop (xrf1)  }
0x17b: {  	(xrf1) =	vsort.dscd.msk.f32 $0xffff, v13, v14;
	v14 =	vsub.f32 $0.0e+00, v45;
	v13 =	vpop (erf)  }
0x17c: {  	v10 =	vperm.xlane v10, v4;
	v11 =	vperm.xlane v11, v4;
	v56, v55, _ =	vpop (xrf1)  }
0x17d: {  	v14 =	vmul.f32 $1.442695020e+00, v14;
	v13 =	vadd.f32 $1.000000000e+00, v13;
	v23 =	vperm.xlane v55, v4;
	v57, v25, _ =	vpop (xrf1)  }
0x17e: {  	v20 =	vperm.xlane v56, v4;
	v10 =	vsel vm0, v54, v10;
	v58, v59, _ =	vpop (xrf1)  }
0x17f: {  	v11 =	vsel vm0, v53, v11;
	(erf) = vrcp.f32 v13;
	v13 =	vsel vm0, v59, v23  }
0x180: {  	(xrf1) =	vsort.dscd.msk.f32 $0xffff, v10, v11;
	v11 =	vsel vm0, v58, v20  }
0x181: {  	v17 =	vperm.xlane v17, v4;
	v10 =	vpop (erf);
	(xrf1) =	vsort.dscd.msk.f32 $0xffff, v11, v13;
	v11 =	vperm.xlane v57, v4  }
0x182: {  	v61 =	vperm.xlane v25, v4;
	(erf) = vpow2.f32 v14;
	v13, v14, _ =	vpop (xrf1)  }
0x183: {  	v60 =	vnsel vm0, $0x0, v10;
	v11 =	vsel vm0, v13, v11;
	v13, _, _ =	vpop (xrf2)  }
0x184: {  	v18 =	vperm.xlane v18, v4;
	(xrf2) =	vadd.scan.msk.f32 $0xffff, v60;
	v14 =	vsel vm0, v14, v61;
	v13 =	vbroadcast v13, $0xF  }
0x185: {  	s31 =	simm.s32 $0x80D0;
	v22, v23, _ =	vpop (xrf1);
	(xrf1) =	vsort.dscd.msk.f32 $0xffff, v11, v14;
	v14 =	vperm.xlane v16, v4  }
0x186: {  	[tilespmem:s31+$0xFFFFFFF0] =	vst.msk $0xff, v6;
	v15 =	vperm.xlane v15, v4;
	v11 =	vsel vm0, v22, v17;
	v6 =	vsel vm0, v23, v18;
	v16, v17, _ =	vpop (xrf1)  }
0x187: {  	v12 =	vmul.f32 $2.500000000e+00, v12;
	v14 =	vsel vm0, v17, v14  }
0x188: {  	v62 =	vpop (erf);
	(xrf1) =	vsort.dscd.msk.f32 $0xffff, v11, v6;
	v11 =	vsel vm0, v16, v15  }
0x189: {  	v12 =	vmul.f32 v62, v12;
	(erf) = vrcp.f32 v13;
	v6, v13, _ =	vpop (xrf1)  }
0x18a: {  	s0 =	simm.s32 $0x8950;
	v15 =	vperm.xlane v6, v4  }
0x18b: {  	[tilespmem:s0+$0xFFFFFFF0] =	vst.msk $0xff, v12;
	(xrf1) =	vsort.dscd.msk.f32 $0xffff, v11, v14;
	v11, v14, _ =	vpop (xrf1)  }
0x18c: {  	v12 =	vld [tilespmem:s22+$0xFFFFFFB0];
	v13 =	vperm.xlane v13, v4;
	v6 =	vpop (erf);
	v11 =	vsel vm0, v11, v15  }
0x18d: {  	v17 =	vnsel vm0, $0x0, v6  }
0x18e: {  	v16 =	vld [tilespmem:s22+$0xFFFFFF90];
	v13 =	vsel vm0, v14, v13;
	(xrf2) =	vadd.scan.msk.f32 $0xffff, v17  }
0x18f: {  	v18 =	vld [tilespmem:s22+$0xFFFFFFA0];
	(xrf1) =	vsort.dscd.msk.f32 $0xffff, v11, v13;
	v11, _, _ =	vpop (xrf2)  }
0x190: {  	v63 =	vpop (erf);
	v14 =	vld [tilespmem:s22+$0xFFFFFF80];
	v15 =	vbroadcast v11, $0xF  }
0x191: {  	v13 =	vadd.f32 $1.000000000e+00, v63;
	(xrf1) =	vsort.dscd.msk.f32 $0xffff, v12, v3;
	_ =	sdelay $0x1  }
0x192: {  	(erf) = vrcp.f32 v13;
	v12, v11, _ =	vpop (xrf1);
	(xrf1) =	vsort.dscd.msk.f32 $0xffff, v16, v1  }
0x193: {  	v13 =	vmul.f32 $2.500000000e+00, v19;
	(xrf1) =	vsort.dscd.msk.f32 $0xffff, v18, v2;
	(erf) = vrcp.f32 v15;
	v15, v16, _ =	vpop (xrf1)  }
0x194: {  	s8 =	simm.s32 $0x1300;
	s1 =	simm.s32 $0x20;
	(xrf1) =	vsort.dscd.msk.f32 $0xffff, v14, v0;
	v14 =	vpop (erf);
	v15 =	vperm.xlane v15, v4;
	v16 =	vperm.xlane v16, v4  }
.LBB2_2:
0x195: {  	v17 =	vld [tilespmem:s8+$0xFFFFFF10];
	v12 =	vsub.f32 $0.0e+00, v12;
	v18, v19, _ =	vpop (xrf1)  }
0x196: {  	v21 =	vmul.f32 v14, v13;
	v20 =	vld [tilespmem:s8+$0xFFFFFF30];
	v14 =	vsel vm0, v18, v15;
	v15 =	vsel vm0, v19, v16  }
0x197: {  	v16, v18, _ =	vpop (xrf1);
	[tilespmem:s19+$0xFFFFFFF8] =	vst.msk $0xff, v7;
	(xrf1) =	vsort.dscd.msk.f32 $0xffff, v14, v15;
	v7 =	vmov v11  }
0x198: {  	v12 =	vmul.f32 $1.442695020e+00, v12;
	v19 =	vperm.xlane v16, v4;
	[tilespmem:s20+$0xFFFFFFF8] =	vst.msk $0xff, v21;
	v13, _, _ =	vpop (xrf2)  }
0x199: {  	v21 =	vperm.xlane v18, v4;
	v15 =	vld [tilespmem:s21+$0x30];
	v13 =	vbroadcast v13, $0xF  }
0x19a: {  	(xrf1) =	vsort.dscd.msk.f32 $0xffff, v17, v1;
	v16, v17, _ =	vpop (xrf1);
	(erf) = vpow2.f32 v12;
	v12 =	vld [tilespmem:s21+$0x10]  }
0x19b: {  	(xrf1) =	vsort.dscd.msk.f32 $0xffff, v20, v3;
	v19 =	vsel vm0, v16, v19;
	v21 =	vsel vm0, v17, v21;
	v11 =	vpop (erf);
	v17 =	vld [tilespmem:s21+$0x20];
	(erf) = vrcp.f32 v13  }
0x19c: {  	v10 =	vmul.f32 $2.500000000e+00, v10;
	(xrf1) =	vsort.dscd.msk.f32 $0xffff, v19, v21;
	v13 =	vnsel vm0, $0x0, v11;
	v14 =	vpop (erf)  }
0x19d: {  	(xrf2) =	vadd.scan.msk.f32 $0xffff, v13;
	v13 =	vld [tilespmem:s21+$0x0];
	v16, v18, _ =	vpop (xrf1)  }
0x19e: {  	v10 =	vmul.f32 v14, v10;
	v19, v20, _ =	vpop (xrf1);
	(xrf1) =	vsort.dscd.msk.f32 $0xffff, v15, v3;
	v15 =	vsub.f32 $0.0e+00, v16  }
0x19f: {  	v14 =	vperm.xlane v19, v4;
	(xrf1) =	vsort.dscd.msk.f32 $0xffff, v12, v1;
	[tilespmem:s15+$0x0] =	vst.msk $0xff, v8;
	v8 =	vmov v18  }
0x1a0: {  	v21 =	vperm.xlane v20, v4;
	v16, v18, _ =	vpop (xrf1);
	(xrf1) =	vsort.dscd.msk.f32 $0xffff, v17, v2;
	v15 =	vmul.f32 $1.442695020e+00, v15;
	[tilespmem:s16+$0x0] =	vst.msk $0xff, v10  }
0x1a1: {  	v10 =	vperm.xlane v16, v4;
	v16 =	vperm.xlane v18, v4;
	v17, v18, _ =	vpop (xrf1);
	v19 =	vld [tilespmem:s29+$0xB0]  }
0x1a2: {  	v14 =	vsel vm0, v17, v14;
	v20 =	vsel vm0, v18, v21;
	v17, v18, _ =	vpop (xrf1);
	(xrf1) =	vsort.dscd.msk.f32 $0xffff, v13, v0;
	(erf) = vpow2.f32 v15;
	v13 =	vld [tilespmem:s29+$0x90]  }
0x1a3: {  	v6 =	vmul.f32 $2.500000000e+00, v6;
	v10 =	vsel vm0, v17, v10;
	v15 =	vsel vm0, v18, v16;
	(xrf1) =	vsort.dscd.msk.f32 $0xffff, v14, v20;
	v12 =	vpop (erf);
	v14 =	vld [tilespmem:s29+$0xA0]  }
0x1a4: {  	(xrf1) =	vsort.dscd.msk.f32 $0xffff, v10, v15;
	v10 =	vadd.f32 $1.000000000e+00, v12;
	v12 =	vpop (erf)  }
0x1a5: {  	v15 =	vld [tilespmem:s29+$0x80];
	v16, v17, _ =	vpop (xrf1);
	v20 =	vmul.f32 v12, v6;
	s29 =	smov.u32 s28;
	s28 =	smov.u32 s21;
	s21 =	smov.u32 s23  }
0x1a6: {  	v12 =	vld [tilespmem:s8+$0xFFFFFF20];
	(erf) = vrcp.f32 v10;
	(xrf1) =	vsort.dscd.msk.f32 $0xffff, v19, v3;
	v10 =	vsub.f32 $0.0e+00, v16;
	[tilespmem:s11+$0x8] =	vst.msk $0xff, v5;
	v5 =	vmovc v17;
	s11 =	smov.u32 s14;
	s14 =	smov.u32 s15;
	s15 =	smov.u32 s17  }
0x1a7: {  	s17 =	smov.u32 s19;
	s19 =	smov.u32 s25;
	s25 =	smov.u32 s31;
	v16, _, _ =	vpop (xrf2);
	(xrf1) =	vsort.dscd.msk.f32 $0xffff, v13, v1;
	[tilespmem:s12+$0x8] =	vst.msk $0xff, v20  }
0x1a8: {  	s12 =	smov.u32 s13;
	s13 =	smov.u32 s16;
	s16 =	smov.u32 s18;
	v6, v13, _ =	vpop (xrf1);
	(xrf1) =	vsort.dscd.msk.f32 $0xffff, v14, v2;
	v21 =	vmul.f32 $1.442695020e+00, v10  }
0x1a9: {  	s18 =	smov.u32 s20;
	s20 =	smov.u32 s26;
	s26 =	smov.u32 s0;
	v14 =	vld [tilespmem:s8+$0xFFFFFF00];
	v17, v18, _ =	vpop (xrf1)  }
0x1aa: {  	s23 =	smov.u32 s22;
	s22 =	smov.u32 s24;
	s24 =	smov.u32 s30;
	v19, v20, _ =	vpop (xrf1);
	(xrf1) =	vsort.dscd.msk.f32 $0xffff, v15, v0;
	(erf) = vpow2.f32 v21  }
0x1ab: {  	s30 =	smov.u32 s8;
	(xrf1) =	vsort.dscd.msk.f32 $0xffff, v12, v2;
	v10 =	vpop (erf)  }
0x1ac: {  	v12 =	vbroadcast v16, $0xF;
	v15, v16, _ =	vpop (xrf1);
	v10 =	vadd.f32 $1.000000000e+00, v10  }
0x1ad: {  	v26 =	vperm.xlane v15, v4;
	v16 =	vperm.xlane v16, v4;
	v21, v22, _ =	vpop (xrf1)  }
0x1ae: {  	(xrf1) =	vsort.dscd.msk.f32 $0xffff, v14, v0;
	v14 =	vperm.xlane v21, v4;
	v21, v23, _ =	vpop (xrf1);
	(erf) = vrcp.f32 v10  }
0x1af: {  	v24 =	vpop (erf)  }
0x1b0: {  	v25 =	vsel vm0, v21, v26;
	v21 =	vnsel vm0, $0x0, v24  }
0x1b1: {  	v10 =	vperm.xlane v22, v4;
	v16 =	vsel vm0, v23, v16  }
0x1b2: {  	v22, v23, _ =	vpop (xrf1);
	(xrf1) =	vsort.dscd.msk.f32 $0xffff, v25, v16  }
0x1b3: {  	(erf) = vrcp.f32 v12;
	v12, v15, _ =	vpop (xrf1);
	(xrf2) =	vadd.scan.msk.f32 $0xffff, v21;
	v14 =	vsel vm0, v22, v14;
	v10 =	vsel vm0, v23, v10  }
0x1b4: {  	v16 =	vsub.f32 $0.0e+00, v19;
	v12 =	vperm.xlane v12, v4;
	v19, v21, _ =	vpop (xrf1);
	(xrf1) =	vsort.dscd.msk.f32 $0xffff, v14, v10  }
0x1b5: {  	v14 =	vperm.xlane v17, v4;
	v10 =	vperm.xlane v15, v4;
	v15 =	vpop (erf)  }
0x1b6: {  	v16 =	vmul.f32 $1.442695020e+00, v16;
	v12 =	vsel vm0, v19, v12;
	v17, v19, _ =	vpop (xrf1);
	v15 =	vadd.f32 $1.000000000e+00, v15  }
0x1b7: {  	v25 =	vsel vm0, v21, v10;
	v17 =	vperm.xlane v17, v4;
	v19 =	vperm.xlane v19, v4;
	v21, v22, _ =	vpop (xrf1)  }
0x1b8: {  	(xrf1) =	vsort.dscd.msk.f32 $0xffff, v12, v25;
	v12 =	vperm.xlane v21, v4;
	v21, v23, _ =	vpop (xrf1)  }
0x1b9: {  	v19 =	vsel vm0, v23, v19  }
0x1ba: {  	(erf) = vrcp.f32 v15;
	v17 =	vsel vm0, v21, v17  }
0x1bb: {  	v15 =	vperm.xlane v22, v4;
	v10 =	vpop (erf)  }
0x1bc: {  	v18 =	vperm.xlane v18, v4;
	(erf) = vpow2.f32 v16;
	v23 =	vnsel vm0, $0x0, v10;
	v21, v22, _ =	vpop (xrf1);
	(xrf1) =	vsort.dscd.msk.f32 $0xffff, v17, v19  }
0x1bd: {  	v11 =	vmul.f32 $2.500000000e+00, v11;
	(xrf2) =	vadd.scan.msk.f32 $0xffff, v23;
	v12 =	vsel vm0, v21, v12;
	v21 =	vsel vm0, v22, v15;
	v17, v19, _ =	vpop (xrf1)  }
0x1be: {  	v6 =	vperm.xlane v6, v4;
	v16 =	vpop (erf);
	(xrf1) =	vsort.dscd.msk.f32 $0xffff, v12, v21  }
0x1bf: {  	s31 =	sadd.s32 $0x20, s31;
	v12 =	vsel vm0, v17, v14;
	v18 =	vsel vm0, v19, v18;
	v11 =	vmul.f32 v16, v11;
	v15, _, _ =	vpop (xrf2)  }
0x1c0: {  	s0 =	sadd.s32 $0x20, s0;
	v13 =	vperm.xlane v13, v4;
	v16, v17, _ =	vpop (xrf1);
	(xrf1) =	vsort.dscd.msk.f32 $0xffff, v12, v18;
	[tilespmem:s31+$0xFFFFFFF0] =	vst.msk $0xff, v9;
	v15 =	vbroadcast v15, $0xF  }
0x1c1: {  	v9 =	vmov v20;
	[tilespmem:s0+$0xFFFFFFF0] =	vst.msk $0xff, v11  }
0x1c2: {  	v18 =	vsel vm0, v16, v6;
	v11 =	vsel vm0, v17, v13;
	v13 =	vld [tilespmem:s22+$0xFFFFFFB0];
	(erf) = vrcp.f32 v15;
	v12, v14, _ =	vpop (xrf1)  }
0x1c3: {  	s1 =	sadd.s32 $0x4, s1;
	(xrf1) =	vsort.dscd.msk.f32 $0xffff, v18, v11;
	v11 =	vperm.xlane v12, v4;
	v12 =	vperm.xlane v14, v4;
	v6 =	vpop (erf)  }
0x1c4: {  	v15, v16, _ =	vpop (xrf1)  }
0x1c5: {  	p0 =	slt.u32 s1, $0xFC;
	v14 =	vld [tilespmem:s22+$0xFFFFFF90];
	v17 =	vnsel vm0, $0x0, v6;
	v11 =	vsel vm0, v15, v11  }
0x1c6: {  	v18 =	vpop (erf);
	v19 =	vld [tilespmem:s22+$0xFFFFFFA0];
	v12 =	vsel vm0, v16, v12;
	(xrf2) =	vadd.scan.msk.f32 $0xffff, v17  }
0x1c7: {  	v15 =	vld [tilespmem:s22+$0xFFFFFF80];
	(xrf1) =	vsort.dscd.msk.f32 $0xffff, v11, v12  }
.Ltmp0:
0x1c8: {  	v20 =	vadd.f32 $1.000000000e+00, v18;
	(xrf1) =	vsort.dscd.msk.f32 $0xffff, v13, v3;
	v13, _, _ =	vpop (xrf2);
	(pc) =	sbr.rel @p0 .LBB2_2-.Ltmp0, $4  }
0x1c9: {  	v18 =	vbroadcast v13, $0xF;
	v12, v11, _ =	vpop (xrf1)  }
0x1ca: {  	(erf) = vrcp.f32 v20;
	(xrf1) =	vsort.dscd.msk.f32 $0xffff, v14, v1  }
0x1cb: {  	v13 =	vmul.f32 $2.500000000e+00, v24;
	(xrf1) =	vsort.dscd.msk.f32 $0xffff, v19, v2;
	(erf) = vrcp.f32 v18;
	v16, v17, _ =	vpop (xrf1)  }
0x1cc: {  	s8 =	sadd.s32 $0x200, s8;
	(xrf1) =	vsort.dscd.msk.f32 $0xffff, v15, v0;
	v14 =	vpop (erf);
	v15 =	vperm.xlane v16, v4;
	v16 =	vperm.xlane v17, v4  }
0x1cd: {  	_ = 	snop  }
0x1ce: {  	v12 =	vsub.f32 $0.0e+00, v12;
	v13 =	vmul.f32 v14, v13  }
0x1cf: {  	v17, v18, _ =	vpop (xrf1);
	[tilespmem:s19+$0xFFFFFFF8] =	vst.msk $0xff, v7  }
0x1d0: {  	v43 =	vsel vm0, v17, v15;
	v44 =	vsel vm0, v18, v16;
	v7, v45, _ =	vpop (xrf1);
	v12 =	vmul.f32 $1.442695020e+00, v12;
	[tilespmem:s20+$0xFFFFFFF8] =	vst.msk $0xff, v13  }
0x1d1: {  	(xrf1) =	vsort.dscd.msk.f32 $0xffff, v43, v44;
	v7 =	vperm.xlane v7, v4;
	v46 =	vperm.xlane v45, v4;
	v47 =	vld [tilespmem:s21+$0x30]  }
0x1d2: {  	v50 =	vld [tilespmem:s21+$0x10];
	v48, v49, _ =	vpop (xrf1)  }
0x1d3: {  	v51 =	vld [tilespmem:s21+$0x20];
	(erf) = vpow2.f32 v12;
	v7 =	vsel vm0, v48, v7;
	v13 =	vsel vm0, v49, v46;
	v15 =	vpop (erf)  }
0x1d4: {  	v52, _, _ =	vpop (xrf2);
	(xrf1) =	vsort.dscd.msk.f32 $0xffff, v7, v13;
	v7 =	vnsel vm0, $0x0, v15  }
0x1d5: {  	v54 =	vmul.f32 $2.500000000e+00, v10;
	v53 =	vbroadcast v52, $0xF;
	(xrf2) =	vadd.scan.msk.f32 $0xffff, v7;
	v55, v10, _ =	vpop (xrf1)  }
0x1d6: {  	v19 =	vpop (erf);
	v7 =	vld [tilespmem:s21+$0x0];
	(xrf1) =	vsort.dscd.msk.f32 $0xffff, v47, v3;
	v56 =	vsub.f32 $0.0e+00, v55  }
0x1d7: {  	(erf) = vrcp.f32 v53;
	v58, v57, _ =	vpop (xrf1);
	(xrf1) =	vsort.dscd.msk.f32 $0xffff, v50, v1  }
0x1d8: {  	v17 =	vmul.f32 v19, v54;
	v61, v60, _ =	vpop (xrf1);
	(xrf1) =	vsort.dscd.msk.f32 $0xffff, v51, v2;
	v14 =	vmul.f32 $1.442695020e+00, v56  }
0x1d9: {  	[tilespmem:s15+$0x0] =	vst.msk $0xff, v8;
	v59 =	vperm.xlane v58, v4;
	v62 =	vperm.xlane v57, v4  }
0x1da: {  	[tilespmem:s16+$0x0] =	vst.msk $0xff, v17;
	v8 =	vperm.xlane v61, v4;
	v24, v63, _ =	vpop (xrf1);
	(erf) = vpow2.f32 v14  }
0x1db: {  	v25 =	vld [tilespmem:s29+$0xB0];
	v13 =	vperm.xlane v60, v4;
	v20, v21, _ =	vpop (xrf1);
	(xrf1) =	vsort.dscd.msk.f32 $0xffff, v7, v0;
	v7 =	vsel vm0, v24, v59  }
0x1dc: {  	v27 =	vld [tilespmem:s29+$0x90];
	v26 =	vsel vm0, v63, v62;
	v28 =	vpop (erf)  }
0x1dd: {  	v8 =	vsel vm0, v20, v8;
	v13 =	vsel vm0, v21, v13;
	(xrf1) =	vsort.dscd.msk.f32 $0xffff, v7, v26;
	v16 =	vadd.f32 $1.000000000e+00, v28  }
0x1de: {  	v29 =	vld [tilespmem:s29+$0xA0];
	(xrf1) =	vsort.dscd.msk.f32 $0xffff, v8, v13  }
0x1df: {  	(erf) = vrcp.f32 v16;
	v31, v7, _ =	vpop (xrf1)  }
0x1e0: {  	v30 =	vld [tilespmem:s29+$0x80];
	(xrf1) =	vsort.dscd.msk.f32 $0xffff, v25, v3;
	v32 =	vsub.f32 $0.0e+00, v31  }
0x1e1: {  	v8 =	vpop (erf);
	(xrf1) =	vsort.dscd.msk.f32 $0xffff, v27, v1  }
0x1e2: {  	v16 =	vmul.f32 $1.442695020e+00, v32;
	v34, v12, _ =	vpop (xrf1)  }
0x1e3: {  	(xrf1) =	vsort.dscd.msk.f32 $0xffff, v29, v2;
	v35 =	vpop (erf)  }
0x1e4: {  	(erf) = vpow2.f32 v16;
	v37, v36, _ =	vpop (xrf1)  }
0x1e5: {  	(xrf1) =	vsort.dscd.msk.f32 $0xffff, v30, v0;
	v18 =	vperm.xlane v36, v4;
	v39, v38, _ =	vpop (xrf1)  }
0x1e6: {  	v16 =	vperm.xlane v37, v4;
	v40, v22, _ =	vpop (xrf1)  }
0x1e7: {  	v33, _, _ =	vpop (xrf2);
	v13 =	vadd.f32 $1.000000000e+00, v35;
	v18 =	vsel vm0, v22, v18  }
0x1e8: {  	v19 =	vperm.xlane v39, v4;
	v41 =	vperm.xlane v38, v4;
	v23 =	vpop (erf);
	v16 =	vsel vm0, v40, v16  }
0x1e9: {  	(erf) = vrcp.f32 v13;
	v42 =	vnsel vm0, $0x0, v23;
	v43, v44, _ =	vpop (xrf1);
	(xrf1) =	vsort.dscd.msk.f32 $0xffff, v16, v18  }
0x1ea: {  	v14 =	vbroadcast v33, $0xF;
	(xrf2) =	vadd.scan.msk.f32 $0xffff, v42;
	v45 =	vsel vm0, v43, v19;
	v13 =	vsel vm0, v44, v41  }
0x1eb: {  	(xrf1) =	vsort.dscd.msk.f32 $0xffff, v45, v13;
	v16, v18, _ =	vpop (xrf1)  }
0x1ec: {  	(erf) = vrcp.f32 v14;
	v49, v48, _ =	vpop (xrf1)  }
0x1ed: {  	v50 =	vpop (erf)  }
0x1ee: {  	v47 =	vperm.xlane v16, v4;
	v52, v51, _ =	vpop (xrf1)  }
0x1ef: {  	v46 =	vsub.f32 $0.0e+00, v34;
	v18 =	vperm.xlane v18, v4;
	v16 =	vperm.xlane v52, v4;
	v55, v54, _ =	vpop (xrf1)  }
0x1f0: {  	v19 =	vadd.f32 $1.000000000e+00, v50;
	v53 =	vperm.xlane v51, v4;
	v21 =	vperm.xlane v54, v4  }
0x1f1: {  	v13 =	vmul.f32 $1.442695020e+00, v46;
	v14 =	vsel vm0, v49, v47;
	v17 =	vsel vm0, v48, v18;
	v57, v58, _ =	vpop (xrf1)  }
0x1f2: {  	(xrf1) =	vsort.dscd.msk.f32 $0xffff, v14, v17;
	(erf) = vrcp.f32 v19;
	v59 =	vpop (erf);
	v16 =	vsel vm0, v57, v16;
	v60 =	vsel vm0, v58, v53  }
0x1f3: {  	v56 =	vperm.xlane v55, v4;
	(erf) = vpow2.f32 v13;
	v61 =	vnsel vm0, $0x0, v59;
	v18, v20, _ =	vpop (xrf1);
	(xrf1) =	vsort.dscd.msk.f32 $0xffff, v16, v60  }
0x1f4: {  	v15 =	vmul.f32 $2.500000000e+00, v15;
	(xrf2) =	vadd.scan.msk.f32 $0xffff, v61;
	v63 =	vsel vm0, v20, v21;
	v21, _, _ =	vpop (xrf2)  }
0x1f5: {  	v62 =	vsel vm0, v18, v56;
	v20 =	vpop (erf);
	v13 =	vbroadcast v21, $0xF  }
0x1f6: {  	s29 =	sadd.s32 $0x20, s31;
	(xrf1) =	vsort.dscd.msk.f32 $0xffff, v62, v63;
	v22 =	vmul.f32 v20, v15  }
0x1f7: {  	s1 =	sadd.s32 $0x20, s0;
	[tilespmem:s29+$0xFFFFFFF0] =	vst.msk $0xff, v9;
	(erf) = vrcp.f32 v13;
	v24, v25, _ =	vpop (xrf1)  }
0x1f8: {  	[tilespmem:s1+$0xFFFFFFF0] =	vst.msk $0xff, v22;
	v26 =	vperm.xlane v24, v4;
	v13 =	vperm.xlane v25, v4  }
0x1f9: {  	v14 =	vld [tilespmem:s24+$0xFFFFFFB0];
	v28, v29, _ =	vpop (xrf1)  }
0x1fa: {  	v15 =	vsel vm0, v28, v26;
	v13 =	vsel vm0, v29, v13  }
0x1fb: {  	v27 =	vld [tilespmem:s24+$0xFFFFFF90];
	v9 =	vpop (erf);
	(xrf1) =	vsort.dscd.msk.f32 $0xffff, v15, v13  }
0x1fc: {  	v30 =	vld [tilespmem:s24+$0xFFFFFFA0];
	v31 =	vnsel vm0, $0x0, v9;
	v32 =	vpop (erf)  }
0x1fd: {  	v33 =	vld [tilespmem:s24+$0xFFFFFF80];
	(xrf2) =	vadd.scan.msk.f32 $0xffff, v31;
	v34 =	vadd.f32 $1.000000000e+00, v32  }
0x1fe: {  	(xrf1) =	vsort.dscd.msk.f32 $0xffff, v14, v3;
	v35, _, _ =	vpop (xrf2)  }
0x1ff: {  	v14 =	vbroadcast v35, $0xF;
	(erf) = vrcp.f32 v34  }
0x200: {  	v37 =	vmul.f32 $2.500000000e+00, v23;
	(xrf1) =	vsort.dscd.msk.f32 $0xffff, v27, v1;
	v36, v13, _ =	vpop (xrf1)  }
0x201: {  	(xrf1) =	vsort.dscd.msk.f32 $0xffff, v30, v2;
	(erf) = vrcp.f32 v14;
	v40 =	vpop (erf)  }
0x202: {  	v39, v38, _ =	vpop (xrf1);
	(xrf1) =	vsort.dscd.msk.f32 $0xffff, v33, v0;
	v16 =	vmul.f32 v40, v37  }
0x203: {  	[tilespmem:s25+$0xFFFFFFF8] =	vst.msk $0xff, v11;
	v14 =	vperm.xlane v39, v4  }
0x204: {  	v15 =	vsub.f32 $0.0e+00, v36;
	v17 =	vperm.xlane v38, v4;
	v41, v42, _ =	vpop (xrf1);
	[tilespmem:s26+$0xFFFFFFF8] =	vst.msk $0xff, v16  }
0x205: {  	v14 =	vsel vm0, v41, v14;
	v44 =	vld [tilespmem:s23+$0x30]  }
0x206: {  	v43 =	vmul.f32 $1.442695020e+00, v15;
	v17 =	vsel vm0, v42, v17;
	v45 =	vld [tilespmem:s23+$0x10]  }
0x207: {  	(xrf1) =	vsort.dscd.msk.f32 $0xffff, v14, v17;
	v46 =	vld [tilespmem:s23+$0x20];
	v47, _, _ =	vpop (xrf2)  }
0x208: {  	(erf) = vpow2.f32 v43;
	v16 =	vpop (erf)  }
0x209: {  	v19 =	vmul.f32 $2.500000000e+00, v59;
	v50 =	vld [tilespmem:s23+$0x0];
	v51, v14, _ =	vpop (xrf1)  }
0x20a: {  	v52 =	vpop (erf);
	(xrf1) =	vsort.dscd.msk.f32 $0xffff, v44, v3;
	v53 =	vsub.f32 $0.0e+00, v51  }
0x20b: {  	v49 =	vbroadcast v47, $0xF;
	v19 =	vmul.f32 v52, v19;
	(xrf1) =	vsort.dscd.msk.f32 $0xffff, v45, v1  }
0x20c: {  	[tilespmem:s17+$0x0] =	vst.msk $0xff, v10;
	v55, v54, _ =	vpop (xrf1);
	(xrf1) =	vsort.dscd.msk.f32 $0xffff, v46, v2;
	v15 =	vmul.f32 $1.442695020e+00, v53  }
0x20d: {  	(erf) = vrcp.f32 v49;
	v56 =	vperm.xlane v55, v4;
	[tilespmem:s18+$0x0] =	vst.msk $0xff, v19  }
0x20e: {  	v58, v57, _ =	vpop (xrf1);
	v59 =	vperm.xlane v54, v4;
	v62 =	vld [tilespmem:s28+$0xB0];
	(xrf1) =	vsort.dscd.msk.f32 $0xffff, v50, v0;
	(erf) = vpow2.f32 v15  }
0x20f: {  	v48 =	vnsel vm0, $0x0, v16;
	v10 =	vperm.xlane v58, v4;
	v61, v60, _ =	vpop (xrf1);
	v20 =	vperm.xlane v57, v4;
	v25 =	vld [tilespmem:s28+$0x90]  }
0x210: {  	(xrf2) =	vadd.scan.msk.f32 $0xffff, v48;
	v11 =	vsel vm0, v61, v56;
	v21 =	vsel vm0, v60, v59;
	v63, v24, _ =	vpop (xrf1)  }
0x211: {  	v26 =	vpop (erf);
	v28 =	vld [tilespmem:s28+$0xA0];
	(xrf1) =	vsort.dscd.msk.f32 $0xffff, v11, v21;
	v10 =	vsel vm0, v63, v10;
	v27 =	vsel vm0, v24, v20  }
0x212: {  	v29 =	vadd.f32 $1.000000000e+00, v26;
	(xrf1) =	vsort.dscd.msk.f32 $0xffff, v10, v27  }
0x213: {  	v30 =	vld [tilespmem:s28+$0x80];
	(xrf1) =	vsort.dscd.msk.f32 $0xffff, v62, v3  }
0x214: {  	(erf) = vrcp.f32 v29;
	(xrf1) =	vsort.dscd.msk.f32 $0xffff, v25, v1  }
0x215: {  	v19, v10, _ =	vpop (xrf1)  }
0x216: {  	v11 =	vpop (erf);
	(xrf1) =	vsort.dscd.msk.f32 $0xffff, v28, v2;
	v19 =	vsub.f32 $0.0e+00, v19  }
0x217: {  	v33 =	vpop (erf)  }
0x218: {  	(xrf1) =	vsort.dscd.msk.f32 $0xffff, v30, v0;
	v31 =	vmul.f32 $1.442695020e+00, v19;
	v35, v34, _ =	vpop (xrf1)  }
0x219: {  	v15 =	vadd.f32 $1.000000000e+00, v33;
	v18 =	vperm.xlane v35, v4;
	v19 =	vperm.xlane v34, v4;
	v37, v36, _ =	vpop (xrf1)  }
0x21a: {  	(erf) = vpow2.f32 v31;
	v20 =	vperm.xlane v37, v4;
	v39, v38, _ =	vpop (xrf1)  }
0x21b: {  	v32, _, _ =	vpop (xrf2);
	v21 =	vperm.xlane v36, v4;
	v18 =	vsel vm0, v39, v18;
	v19 =	vsel vm0, v38, v19  }
0x21c: {  	v17 =	vbroadcast v32, $0xF;
	(erf) = vrcp.f32 v15;
	v42, v41, _ =	vpop (xrf1);
	(xrf1) =	vsort.dscd.msk.f32 $0xffff, v18, v19  }
0x21d: {  	v43 =	vsel vm0, v42, v20;
	v44 =	vsel vm0, v41, v21;
	v15 =	vpop (erf)  }
0x21e: {  	(erf) = vrcp.f32 v17;
	(xrf1) =	vsort.dscd.msk.f32 $0xffff, v43, v44;
	v40 =	vnsel vm0, $0x0, v15  }
0x21f: {  	v45, v46, _ =	vpop (xrf1);
	(xrf2) =	vadd.scan.msk.f32 $0xffff, v40  }
0x220: {  	v47 =	vperm.xlane v45, v4;
	v48, v49, _ =	vpop (xrf1)  }
0x221: {  	v20 =	vperm.xlane v46, v4;
	v52, v51, _ =	vpop (xrf1)  }
0x222: {  	v17 =	vsel vm0, v48, v47;
	v55, v54, _ =	vpop (xrf1)  }
0x223: {  	v19 =	vsel vm0, v49, v20;
	v18 =	vperm.xlane v52, v4;
	v53 =	vperm.xlane v51, v4;
	v50 =	vpop (erf)  }
0x224: {  	v16 =	vmul.f32 $2.500000000e+00, v16;
	(xrf1) =	vsort.dscd.msk.f32 $0xffff, v17, v19;
	v57, v58, _ =	vpop (xrf1);
	v21 =	vadd.f32 $1.000000000e+00, v50  }
0x225: {  	v56 =	vperm.xlane v55, v4;
	v18 =	vsel vm0, v57, v18;
	v60 =	vsel vm0, v58, v53;
	v59 =	vpop (erf)  }
0x226: {  	v23 =	vperm.xlane v54, v4;
	v63, v62, _ =	vpop (xrf1);
	(xrf1) =	vsort.dscd.msk.f32 $0xffff, v18, v60;
	(erf) = vrcp.f32 v21;
	v61 =	vnsel vm0, $0x0, v59  }
0x227: {  	(xrf2) =	vadd.scan.msk.f32 $0xffff, v61;
	v26 =	vpop (erf)  }
0x228: {  	s28 =	sadd.s32 $0x20, s29;
	v17 =	vsel vm0, v63, v56;
	v25 =	vsel vm0, v62, v23;
	v16 =	vmul.f32 v26, v16  }
0x229: {  	s8 =	sadd.s32 $0x20, s1;
	[tilespmem:s28+$0xFFFFFFF0] =	vst.msk $0xff, v12;
	(xrf1) =	vsort.dscd.msk.f32 $0xffff, v17, v25;
	v27, _, _ =	vpop (xrf2)  }
0x22a: {  	[tilespmem:s8+$0xFFFFFFF0] =	vst.msk $0xff, v16;
	v17 =	vbroadcast v27, $0xF;
	v28, v29, _ =	vpop (xrf1)  }
0x22b: {  	v30 =	vld [tilespmem:s30+$0xFFFFFFB0];
	v31 =	vperm.xlane v28, v4;
	v16 =	vperm.xlane v29, v4  }
0x22c: {  	v33, v34, _ =	vpop (xrf1);
	(erf) = vrcp.f32 v17  }
0x22d: {  	v32 =	vld [tilespmem:s30+$0xFFFFFF90];
	v18 =	vsel vm0, v33, v31;
	v16 =	vsel vm0, v34, v16  }
0x22e: {  	v36 =	vld [tilespmem:s30+$0xFFFFFFA0];
	(xrf1) =	vsort.dscd.msk.f32 $0xffff, v18, v16  }
0x22f: {  	v12 =	vpop (erf)  }
0x230: {  	v37 =	vld [tilespmem:s30+$0xFFFFFF80];
	v35 =	vnsel vm0, $0x0, v12;
	(xrf1) =	vsort.dscd.msk.f32 $0xffff, v30, v3  }
0x231: {  	(xrf2) =	vadd.scan.msk.f32 $0xffff, v35;
	v38, _, _ =	vpop (xrf2)  }
0x232: {  	(xrf1) =	vsort.dscd.msk.f32 $0xffff, v32, v1;
	v39 =	vbroadcast v38, $0xF  }
0x233: {  	v40, v16, _ =	vpop (xrf1);
	(xrf1) =	vsort.dscd.msk.f32 $0xffff, v36, v2  }
0x234: {  	v15 =	vmul.f32 $2.500000000e+00, v15;
	v42, v41, _ =	vpop (xrf1);
	(erf) = vrcp.f32 v39  }
0x235: {  	(xrf1) =	vsort.dscd.msk.f32 $0xffff, v37, v0;
	v17 =	vperm.xlane v42, v4;
	v43 =	vpop (erf)  }
0x236: {  	v20 =	vperm.xlane v41, v4;
	v15 =	vmul.f32 v43, v15  }
0x237: {  	[tilespmem:s31+$0xFFFFFFF8] =	vst.msk $0xff, v13;
	v45, v44, _ =	vpop (xrf1)  }
0x238: {  	v17 =	vsel vm0, v45, v17;
	v46 =	vsel vm0, v44, v20;
	[tilespmem:s0+$0xFFFFFFF8] =	vst.msk $0xff, v15  }
0x239: {  	v47 =	vsub.f32 $0.0e+00, v40;
	(xrf1) =	vsort.dscd.msk.f32 $0xffff, v17, v46;
	v15 =	vld [tilespmem:s22+$0x30]  }
0x23a: {  	v48 =	vld [tilespmem:s22+$0x10]  }
0x23b: {  	v13 =	vmul.f32 $1.442695020e+00, v47;
	v49 =	vld [tilespmem:s22+$0x20];
	v50, _, _ =	vpop (xrf2)  }
0x23c: {  	v53 =	vld [tilespmem:s22+$0x0];
	v51 =	vbroadcast v50, $0xF;
	v54, v17, _ =	vpop (xrf1)  }
0x23d: {  	v52 =	vmul.f32 $2.500000000e+00, v59;
	(erf) = vpow2.f32 v13;
	v55 =	vpop (erf)  }
0x23e: {  	v56 =	vsub.f32 $0.0e+00, v54;
	(erf) = vrcp.f32 v51;
	v58, v57, _ =	vpop (xrf1);
	(xrf1) =	vsort.dscd.msk.f32 $0xffff, v15, v3  }
0x23f: {  	v20 =	vmul.f32 v55, v52;
	v13 =	vperm.xlane v58, v4;
	(xrf1) =	vsort.dscd.msk.f32 $0xffff, v48, v1  }
0x240: {  	v60, v59, _ =	vpop (xrf1);
	v61 =	vperm.xlane v57, v4;
	v15 =	vmul.f32 $1.442695020e+00, v56;
	(xrf1) =	vsort.dscd.msk.f32 $0xffff, v49, v2  }
0x241: {  	[tilespmem:s19+$0x0] =	vst.msk $0xff, v14;
	v14 =	vperm.xlane v60, v4;
	v18 =	vperm.xlane v59, v4;
	v63, v62, _ =	vpop (xrf1);
	(xrf1) =	vsort.dscd.msk.f32 $0xffff, v53, v0  }
0x242: {  	[tilespmem:s20+$0x0] =	vst.msk $0xff, v20;
	v13 =	vsel vm0, v63, v13;
	v25 =	vsel vm0, v62, v61;
	(erf) = vpow2.f32 v15  }
0x243: {  	v24 =	vld [tilespmem:s21+$0xB0];
	v27, v26, _ =	vpop (xrf1);
	(xrf1) =	vsort.dscd.msk.f32 $0xffff, v13, v25  }
0x244: {  	v28 =	vld [tilespmem:s21+$0x90];
	v14 =	vsel vm0, v27, v14;
	v18 =	vsel vm0, v26, v18  }
0x245: {  	v30 =	vld [tilespmem:s21+$0xA0];
	(xrf1) =	vsort.dscd.msk.f32 $0xffff, v14, v18;
	_ =	sdelay $0x1  }
0x246: {  	v32, v13, _ =	vpop (xrf1)  }
0x247: {  	v29 =	vpop (erf);
	(xrf1) =	vsort.dscd.msk.f32 $0xffff, v24, v3;
	v18 =	vsub.f32 $0.0e+00, v32  }
0x248: {  	v31 =	vadd.f32 $1.000000000e+00, v29;
	(xrf1) =	vsort.dscd.msk.f32 $0xffff, v28, v1  }
0x249: {  	v33 =	vld [tilespmem:s21+$0x80];
	v14 =	vpop (erf);
	v18 =	vmul.f32 $1.442695020e+00, v18;
	(xrf1) =	vsort.dscd.msk.f32 $0xffff, v30, v2  }
0x24a: {  	(erf) = vrcp.f32 v31;
	v34 =	vpop (erf)  }
0x24b: {  	(erf) = vpow2.f32 v18;
	v36, v35, _ =	vpop (xrf1)  }
0x24c: {  	v37 =	vperm.xlane v35, v4;
	v39, v38, _ =	vpop (xrf1)  }
0x24d: {  	v15 =	vadd.f32 $1.000000000e+00, v34;
	v40, v41, _ =	vpop (xrf1);
	v42 =	vperm.xlane v38, v4  }
0x24e: {  	(xrf1) =	vsort.dscd.msk.f32 $0xffff, v33, v0;
	v18 =	vperm.xlane v36, v4;
	v19 =	vsel vm0, v41, v37;
	v43, v44, _ =	vpop (xrf1)  }
0x24f: {  	(erf) = vrcp.f32 v15;
	v20 =	vperm.xlane v39, v4;
	v15 =	vsel vm0, v44, v42  }
0x250: {  	v18 =	vsel vm0, v40, v18;
	v48, v49, _ =	vpop (xrf1)  }
0x251: {  	(xrf1) =	vsort.dscd.msk.f32 $0xffff, v18, v19;
	v46 =	vsel vm0, v43, v20;
	v22 =	vperm.xlane v49, v4  }
0x252: {  	(xrf1) =	vsort.dscd.msk.f32 $0xffff, v46, v15;
	v50 =	vperm.xlane v48, v4;
	v15, v19, _ =	vpop (xrf1)  }
0x253: {  	v45 =	vpop (erf);
	v19 =	vsel vm0, v19, v22  }
0x254: {  	v47 =	vnsel vm0, $0x0, v45;
	v51 =	vpop (erf);
	v15 =	vsel vm0, v15, v50  }
0x255: {  	(xrf2) =	vadd.scan.msk.f32 $0xffff, v47;
	v53, v52, _ =	vpop (xrf1)  }
0x256: {  	v54, v25, _ =	vpop (xrf1);
	v56 =	vperm.xlane v52, v4  }
0x257: {  	v55 =	vperm.xlane v53, v4;
	(xrf1) =	vsort.dscd.msk.f32 $0xffff, v15, v19;
	v15, v19, _ =	vpop (xrf1)  }
0x258: {  	v57 =	vpop (erf);
	v19 =	vsel vm0, v19, v56  }
0x259: {  	v26 =	vnsel vm0, $0x0, v57;
	v15 =	vsel vm0, v15, v55  }
0x25a: {  	(xrf2) =	vadd.scan.msk.f32 $0xffff, v26  }
0x25b: {  	v21 =	vadd.f32 $1.000000000e+00, v51;
	v20 =	vperm.xlane v54, v4;
	v58 =	vperm.xlane v25, v4  }
0x25c: {  	(xrf1) =	vsort.dscd.msk.f32 $0xffff, v15, v19;
	v15, v19, _ =	vpop (xrf1)  }
0x25d: {  	(erf) = vrcp.f32 v21;
	v15 =	vsel vm0, v15, v20;
	v19 =	vsel vm0, v19, v58  }
0x25e: {  	(xrf1) =	vsort.dscd.msk.f32 $0xffff, v15, v19  }
0x25f: {  	v59, _, _ =	vpop (xrf2)  }
0x260: {  	v61, v60, _ =	vpop (xrf1);
	v15 =	vbroadcast v59, $0xF  }
0x261: {  	v19 =	vperm.xlane v61, v4;
	v20 =	vperm.xlane v60, v4  }
0x262: {  	v62, v63, _ =	vpop (xrf1);
	(erf) = vrcp.f32 v15  }
0x263: {  	v25 =	vsel vm0, v62, v19;
	v26 =	vsel vm0, v63, v20  }
0x264: {  	(xrf1) =	vsort.dscd.msk.f32 $0xffff, v25, v26;
	v27, _, _ =	vpop (xrf2)  }
0x265: {  	v28 =	vbroadcast v27, $0xF  }
0x266: {  	v15 =	vpop (erf)  }
0x267: {  	v30, v20, _ =	vpop (xrf1);
	(erf) = vrcp.f32 v28  }
0x268: {  	v29 =	vnsel vm0, $0x0, v15;
	v19 =	vsub.f32 $0.0e+00, v30  }
0x269: {  	(xrf2) =	vadd.scan.msk.f32 $0xffff, v29  }
0x26a: {  	v18 =	vmul.f32 $2.500000000e+00, v45;
	v19 =	vmul.f32 $1.442695020e+00, v19;
	v31, v32, _ =	vpop (xrf1)  }
0x26b: {  	v21 =	vperm.xlane v31, v4;
	v22 =	vperm.xlane v32, v4;
	v33 =	vpop (erf)  }
0x26c: {  	(erf) = vpow2.f32 v19;
	v18 =	vmul.f32 v33, v18;
	v35, v34, _ =	vpop (xrf1)  }
0x26d: {  	[tilespmem:s29+$0xFFFFFFF8] =	vst.msk $0xff, v16;
	v21 =	vsel vm0, v35, v21;
	v22 =	vsel vm0, v34, v22  }
0x26e: {  	[tilespmem:s1+$0xFFFFFFF8] =	vst.msk $0xff, v18;
	(xrf1) =	vsort.dscd.msk.f32 $0xffff, v21, v22  }
0x26f: {  	v36 =	vmul.f32 $2.500000000e+00, v57;
	v18 =	vld [tilespmem:s24+$0x30]  }
0x270: {  	v37 =	vpop (erf);
	v38 =	vld [tilespmem:s24+$0x10]  }
0x271: {  	v16 =	vmul.f32 v37, v36  }
0x272: {  	[tilespmem:s25+$0x0] =	vst.msk $0xff, v17;
	v41 =	vld [tilespmem:s24+$0x20];
	v39, v23, _ =	vpop (xrf1)  }
0x273: {  	v43 =	vld [tilespmem:s24+$0x0];
	v40, _, _ =	vpop (xrf2);
	v22 =	vsub.f32 $0.0e+00, v39;
	[tilespmem:s26+$0x0] =	vst.msk $0xff, v16  }
0x274: {  	v42 =	vbroadcast v40, $0xF;
	v45 =	vld [tilespmem:s23+$0xB0];
	(xrf1) =	vsort.dscd.msk.f32 $0xffff, v18, v3  }
0x275: {  	v46 =	vld [tilespmem:s23+$0x90];
	v44 =	vmul.f32 $1.442695020e+00, v22;
	v47 =	vpop (erf);
	(xrf1) =	vsort.dscd.msk.f32 $0xffff, v38, v1  }
0x276: {  	(erf) = vrcp.f32 v42;
	v48 =	vld [tilespmem:s23+$0xA0];
	v16 =	vadd.f32 $1.000000000e+00, v47  }
0x277: {  	(erf) = vpow2.f32 v44;
	(xrf1) =	vsort.dscd.msk.f32 $0xffff, v41, v2  }
0x278: {  	v49 =	vld [tilespmem:s23+$0x80];
	(xrf1) =	vsort.dscd.msk.f32 $0xffff, v43, v0;
	(erf) = vrcp.f32 v16  }
0x279: {  	(xrf1) =	vsort.dscd.msk.f32 $0xffff, v45, v3  }
0x27a: {  	(xrf1) =	vsort.dscd.msk.f32 $0xffff, v46, v1  }
0x27b: {  	(xrf1) =	vsort.dscd.msk.f32 $0xffff, v48, v2  }
0x27c: {  	v50, v16, _ =	vpop (xrf1)  }
0x27d: {  	(xrf1) =	vsort.dscd.msk.f32 $0xffff, v49, v0;
	v51 =	vsub.f32 $0.0e+00, v50;
	_ =	sdelay $0x1  }
0x27e: {  	v17 =	vpop (erf);
	v18 =	vmul.f32 $1.442695020e+00, v51  }
0x27f: {  	v52 =	vpop (erf)  }
0x280: {  	v19 =	vadd.f32 $1.000000000e+00, v52;
	v53 =	vpop (erf);
	(erf) = vpow2.f32 v18  }
0x281: {  	v55, v54, _ =	vpop (xrf1)  }
0x282: {  	v56 =	vnsel vm0, $0x0, v53;
	v18 =	vperm.xlane v55, v4;
	v58, v57, _ =	vpop (xrf1);
	(erf) = vrcp.f32 v19  }
0x283: {  	(xrf2) =	vadd.scan.msk.f32 $0xffff, v56;
	v21 =	vperm.xlane v54, v4;
	v25 =	vperm.xlane v57, v4  }
0x284: {  	v59 =	vperm.xlane v58, v4;
	v61, v60, _ =	vpop (xrf1)  }
0x285: {  	v18 =	vsel vm0, v61, v18;
	v21 =	vsel vm0, v60, v21;
	v62, v63, _ =	vpop (xrf1)  }
0x286: {  	(xrf1) =	vsort.dscd.msk.f32 $0xffff, v18, v21;
	v28 =	vsel vm0, v62, v59;
	v29, v30, _ =	vpop (xrf1);
	v31 =	vsel vm0, v63, v25  }
0x287: {  	v21 =	vperm.xlane v29, v4;
	v22 =	vperm.xlane v30, v4;
	(xrf1) =	vsort.dscd.msk.f32 $0xffff, v28, v31;
	v25, v26, _ =	vpop (xrf1)  }
0x288: {  	v18, v24, _ =	vpop (xrf1);
	v34 =	vperm.xlane v25, v4  }
0x289: {  	v26 =	vperm.xlane v26, v4;
	v18 =	vsel vm0, v18, v21;
	v32 =	vsel vm0, v24, v22;
	v27 =	vpop (erf)  }
0x28a: {  	(xrf1) =	vsort.dscd.msk.f32 $0xffff, v18, v32;
	v38, v37, _ =	vpop (xrf1)  }
0x28b: {  	v33 =	vadd.f32 $1.000000000e+00, v27;
	v35 =	vpop (erf);
	v39 =	vsel vm0, v38, v34;
	v40 =	vsel vm0, v37, v26  }
0x28c: {  	v36 =	vnsel vm0, $0x0, v35;
	(xrf1) =	vsort.dscd.msk.f32 $0xffff, v39, v40  }
0x28d: {  	v41, _, _ =	vpop (xrf2);
	(erf) = vrcp.f32 v33;
	(xrf2) =	vadd.scan.msk.f32 $0xffff, v36  }
0x28e: {  	v18 =	vbroadcast v41, $0xF;
	_ =	sdelay $0x1  }
0x28f: {  	(erf) = vrcp.f32 v18;
	_ =	sdelay $0x3  }
0x290: {  	v43, v42, _ =	vpop (xrf1)  }
0x291: {  	v44, v45, _ =	vpop (xrf1)  }
0x292: {  	v18 =	vpop (erf)  }
0x293: {  	v19 =	vmul.f32 $2.500000000e+00, v53;
	v46, _, _ =	vpop (xrf2)  }
0x294: {  	v21 =	vperm.xlane v43, v4;
	v22 =	vperm.xlane v42, v4;
	v28, v29, _ =	vpop (xrf1)  }
0x295: {  	v30 =	vpop (erf);
	v27 =	vbroadcast v46, $0xF;
	v28 =	vperm.xlane v28, v4  }
0x296: {  	v29 =	vperm.xlane v29, v4;
	v19 =	vmul.f32 v30, v19  }
0x297: {  	[tilespmem:s28+$0xFFFFFFF8] =	vst.msk $0xff, v20;
	v21 =	vsel vm0, v44, v21;
	v22 =	vsel vm0, v45, v22;
	(erf) = vrcp.f32 v27;
	v47, v48, _ =	vpop (xrf1)  }
0x298: {  	(xrf1) =	vsort.dscd.msk.f32 $0xffff, v21, v22;
	[tilespmem:s8+$0xFFFFFFF8] =	vst.msk $0xff, v19;
	v49 =	vsel vm0, v47, v28;
	v50 =	vsel vm0, v48, v29  }
0x299: {  	v19 =	vld [tilespmem:s30+$0x30];
	(xrf1) =	vsort.dscd.msk.f32 $0xffff, v49, v50  }
0x29a: {  	v51 =	vnsel vm0, $0x0, v18;
	v52 =	vld [tilespmem:s30+$0x10]  }
0x29b: {  	(xrf2) =	vadd.scan.msk.f32 $0xffff, v51;
	v53 =	vld [tilespmem:s30+$0x20];
	_ =	sdelay $0x1  }
0x29c: {  	v54 =	vld [tilespmem:s30+$0x0]  }
0x29d: {  	(xrf1) =	vsort.dscd.msk.f32 $0xffff, v19, v3  }
0x29e: {  	v55 =	vmul.f32 $2.500000000e+00, v35;
	(xrf1) =	vsort.dscd.msk.f32 $0xffff, v52, v1  }
0x29f: {  	(xrf1) =	vsort.dscd.msk.f32 $0xffff, v53, v2;
	v56 =	vpop (erf)  }
0x2a0: {  	v19 =	vmul.f32 v56, v55  }
0x2a1: {  	[tilespmem:s31+$0x0] =	vst.msk $0xff, v23;
	(xrf1) =	vsort.dscd.msk.f32 $0xffff, v54, v0  }
0x2a2: {  	[tilespmem:s0+$0x0] =	vst.msk $0xff, v19  }
0x2a3: {  	v57 =	vld [tilespmem:s22+$0xB0]  }
0x2a4: {  	v58, _, _ =	vpop (xrf2);
	v59 =	vld [tilespmem:s22+$0x90]  }
0x2a5: {  	v60, v24, _ =	vpop (xrf1);
	v23 =	vld [tilespmem:s22+$0xA0]  }
0x2a6: {  	v61 =	vsub.f32 $0.0e+00, v60;
	v62, v19, _ =	vpop (xrf1)  }
0x2a7: {  	v21 =	vbroadcast v58, $0xF;
	v63 =	vld [tilespmem:s22+$0x80];
	v26 =	vsub.f32 $0.0e+00, v62  }
0x2a8: {  	v25 =	vmul.f32 $1.442695020e+00, v61;
	(xrf1) =	vsort.dscd.msk.f32 $0xffff, v57, v3  }
0x2a9: {  	(erf) = vrcp.f32 v21;
	(xrf1) =	vsort.dscd.msk.f32 $0xffff, v59, v1;
	v30 =	vmul.f32 $1.442695020e+00, v26  }
0x2aa: {  	(erf) = vpow2.f32 v25;
	(xrf1) =	vsort.dscd.msk.f32 $0xffff, v23, v2  }
0x2ab: {  	v32, v31, _ =	vpop (xrf1);
	(erf) = vpow2.f32 v30  }
0x2ac: {  	(xrf1) =	vsort.dscd.msk.f32 $0xffff, v63, v0;
	v20 =	vperm.xlane v32, v4;
	v21 =	vperm.xlane v31, v4;
	v33, v34, _ =	vpop (xrf1)  }
0x2ad: {  	v22 =	vperm.xlane v33, v4;
	v36, v35, _ =	vpop (xrf1)  }
0x2ae: {  	v23 =	vperm.xlane v34, v4;
	v20 =	vsel vm0, v36, v20;
	v21 =	vsel vm0, v35, v21  }
0x2af: {  	v37, v38, _ =	vpop (xrf1);
	(xrf1) =	vsort.dscd.msk.f32 $0xffff, v20, v21  }
0x2b0: {  	v39 =	vsel vm0, v37, v22;
	v40 =	vsel vm0, v38, v23  }
0x2b1: {  	(xrf1) =	vsort.dscd.msk.f32 $0xffff, v39, v40;
	_ =	sdelay $0x1  }
0x2b2: {  	v20 =	vpop (erf)  }
0x2b3: {  	v41 =	vpop (erf)  }
0x2b4: {  	v42 =	vpop (erf)  }
0x2b5: {  	v21 =	vadd.f32 $1.000000000e+00, v41;
	v44, v43, _ =	vpop (xrf1)  }
0x2b6: {  	v23 =	vperm.xlane v44, v4;
	v25 =	vperm.xlane v43, v4;
	v46, v45, _ =	vpop (xrf1)  }
0x2b7: {  	(erf) = vrcp.f32 v21;
	v47 =	vadd.f32 $1.000000000e+00, v42;
	v48 =	vperm.xlane v46, v4;
	v50, v49, _ =	vpop (xrf1)  }
0x2b8: {  	v27 =	vperm.xlane v45, v4;
	v23 =	vsel vm0, v50, v23;
	v25 =	vsel vm0, v49, v25  }
0x2b9: {  	v51, v52, _ =	vpop (xrf1);
	(xrf1) =	vsort.dscd.msk.f32 $0xffff, v23, v25  }
0x2ba: {  	(erf) = vrcp.f32 v47;
	v53 =	vsel vm0, v51, v48;
	v54 =	vsel vm0, v52, v27  }
0x2bb: {  	(xrf1) =	vsort.dscd.msk.f32 $0xffff, v53, v54  }
0x2bc: {  	v21, v22, _ =	vpop (xrf1)  }
0x2bd: {  	v21 =	vperm.xlane v21, v4;
	v22 =	vperm.xlane v22, v4  }
0x2be: {  	v23, v25, _ =	vpop (xrf1)  }
0x2bf: {  	v21 =	vsel vm0, v23, v21;
	v22 =	vsel vm0, v25, v22  }
0x2c0: {  	(xrf1) =	vsort.dscd.msk.f32 $0xffff, v21, v22  }
0x2c1: {  	v55 =	vpop (erf)  }
0x2c2: {  	v56 =	vnsel vm0, $0x0, v55  }
0x2c3: {  	(xrf2) =	vadd.scan.msk.f32 $0xffff, v56;
	v21 =	vpop (erf)  }
0x2c4: {  	v57 =	vnsel vm0, $0x0, v21  }
0x2c5: {  	(xrf2) =	vadd.scan.msk.f32 $0xffff, v57;
	_ =	sdelay $0x1  }
0x2c6: {  	v59, v58, _ =	vpop (xrf1)  }
0x2c7: {  	v23 =	vperm.xlane v59, v4;
	v25 =	vperm.xlane v58, v4  }
0x2c8: {  	v60, v61, _ =	vpop (xrf1)  }
0x2c9: {  	v23 =	vsel vm0, v60, v23;
	v25 =	vsel vm0, v61, v25  }
0x2ca: {  	(xrf1) =	vsort.dscd.msk.f32 $0xffff, v23, v25;
	_ =	sdelay $0x1  }
0x2cb: {  	v62, _, _ =	vpop (xrf2)  }
0x2cc: {  	v33, v63, _ =	vpop (xrf1)  }
0x2cd: {  	v23 =	vbroadcast v62, $0xF;
	v34, _, _ =	vpop (xrf2);
	v25 =	vsub.f32 $0.0e+00, v33  }
0x2ce: {  	v27 =	vbroadcast v34, $0xF  }
0x2cf: {  	(erf) = vrcp.f32 v23;
	v35 =	vmul.f32 $1.442695020e+00, v25  }
0x2d0: {  	(erf) = vrcp.f32 v27  }
0x2d1: {  	(erf) = vpow2.f32 v35;
	_ =	sdelay $0x5  }
0x2d2: {  	v36 =	vmul.f32 $2.500000000e+00, v55;
	v37, v22, _ =	vpop (xrf1)  }
0x2d3: {  	v38 =	vpop (erf);
	v25 =	vsub.f32 $0.0e+00, v37  }
0x2d4: {  	v27 =	vmul.f32 v38, v36;
	v23 =	vpop (erf)  }
0x2d5: {  	[tilespmem:s29+$0x0] =	vst.msk $0xff, v24;
	v40 =	vpop (erf);
	v39 =	vmul.f32 $1.442695020e+00, v25  }
0x2d6: {  	[tilespmem:s1+$0x0] =	vst.msk $0xff, v27;
	v25 =	vadd.f32 $1.000000000e+00, v40  }
0x2d7: {  	v27 =	vld [tilespmem:s24+$0xB0];
	(erf) = vpow2.f32 v39  }
0x2d8: {  	v41 =	vld [tilespmem:s24+$0x90];
	(erf) = vrcp.f32 v25  }
0x2d9: {  	v42 =	vld [tilespmem:s24+$0xA0];
	_ =	sdelay $0x2  }
0x2da: {  	v43 =	vld [tilespmem:s24+$0x80];
	(xrf1) =	vsort.dscd.msk.f32 $0xffff, v27, v3  }
0x2db: {  	(xrf1) =	vsort.dscd.msk.f32 $0xffff, v41, v1  }
0x2dc: {  	(xrf1) =	vsort.dscd.msk.f32 $0xffff, v42, v2;
	_ =	sdelay $0x1  }
0x2dd: {  	v44 =	vpop (erf)  }
0x2de: {  	(xrf1) =	vsort.dscd.msk.f32 $0xffff, v43, v0;
	v45 =	vpop (erf)  }
0x2df: {  	v46 =	vnsel vm0, $0x0, v45  }
0x2e0: {  	(xrf2) =	vadd.scan.msk.f32 $0xffff, v46;
	_ =	sdelay $0x6  }
0x2e1: {  	v48, v47, _ =	vpop (xrf1)  }
0x2e2: {  	v50, v49, _ =	vpop (xrf1)  }
0x2e3: {  	v27 =	vperm.xlane v48, v4;
	v28 =	vperm.xlane v47, v4;
	v31, v32, _ =	vpop (xrf1)  }
0x2e4: {  	v24 =	vadd.f32 $1.000000000e+00, v44;
	v29 =	vperm.xlane v50, v4;
	v30 =	vperm.xlane v49, v4;
	v33, _, _ =	vpop (xrf2)  }
0x2e5: {  	v27 =	vsel vm0, v31, v27;
	v28 =	vsel vm0, v32, v28;
	v51 =	vbroadcast v33, $0xF  }
0x2e6: {  	(erf) = vrcp.f32 v24;
	v53, v52, _ =	vpop (xrf1);
	(xrf1) =	vsort.dscd.msk.f32 $0xffff, v27, v28  }
0x2e7: {  	v24 =	vsel vm0, v53, v29;
	v54 =	vsel vm0, v52, v30;
	(erf) = vrcp.f32 v51  }
0x2e8: {  	(xrf1) =	vsort.dscd.msk.f32 $0xffff, v24, v54;
	_ =	sdelay $0x6  }
0x2e9: {  	v25 =	vmul.f32 $2.500000000e+00, v45;
	v24 =	vpop (erf)  }
0x2ea: {  	v55 =	vpop (erf)  }
0x2eb: {  	v25 =	vmul.f32 v55, v25  }
0x2ec: {  	[tilespmem:s28+$0x0] =	vst.msk $0xff, v63  }
0x2ed: {  	[tilespmem:s8+$0x0] =	vst.msk $0xff, v25  }
0x2ee: {  	v57, v56, _ =	vpop (xrf1);
	v58 =	vld [tilespmem:s30+$0xB0]  }
0x2ef: {  	v26 =	vperm.xlane v56, v4;
	v25 =	vperm.xlane v57, v4;
	v59 =	vld [tilespmem:s30+$0x90]  }
0x2f0: {  	v60 =	vnsel vm0, $0x0, v24;
	v61, v62, _ =	vpop (xrf1);
	v63 =	vld [tilespmem:s30+$0xA0]  }
0x2f1: {  	(xrf2) =	vadd.scan.msk.f32 $0xffff, v60;
	v26 =	vsel vm0, v62, v26;
	v25 =	vsel vm0, v61, v25  }
0x2f2: {  	v34 =	vld [tilespmem:s30+$0x80];
	(xrf1) =	vsort.dscd.msk.f32 $0xffff, v25, v26  }
0x2f3: {  	(xrf1) =	vsort.dscd.msk.f32 $0xffff, v58, v3  }
0x2f4: {  	(xrf1) =	vsort.dscd.msk.f32 $0xffff, v59, v1  }
0x2f5: {  	(xrf1) =	vsort.dscd.msk.f32 $0xffff, v63, v2;
	_ =	sdelay $0x1  }
0x2f6: {  	(xrf1) =	vsort.dscd.msk.f32 $0xffff, v34, v0;
	_ =	sdelay $0x6  }
0x2f7: {  	v35, _, _ =	vpop (xrf2)  }
0x2f8: {  	v25 =	vbroadcast v35, $0xF  }
0x2f9: {  	v26, v27, _ =	vpop (xrf1)  }
0x2fa: {  	(erf) = vrcp.f32 v25;
	v26 =	vsub.f32 $0.0e+00, v26;
	v37, v36, _ =	vpop (xrf1)  }
0x2fb: {  	v28 =	vperm.xlane v37, v4;
	v38, v39, _ =	vpop (xrf1);
	v29 =	vperm.xlane v36, v4  }
0x2fc: {  	v26 =	vmul.f32 $1.442695020e+00, v26;
	v32, v40, _ =	vpop (xrf1);
	v42 =	vperm.xlane v38, v4  }
0x2fd: {  	v43 =	vperm.xlane v39, v4;
	v41 =	vsel vm0, v32, v28;
	v29 =	vsel vm0, v40, v29  }
0x2fe: {  	(erf) = vpow2.f32 v26;
	v45, v44, _ =	vpop (xrf1);
	(xrf1) =	vsort.dscd.msk.f32 $0xffff, v41, v29  }
0x2ff: {  	v46 =	vsel vm0, v45, v42;
	v47 =	vsel vm0, v44, v43  }
0x300: {  	(xrf1) =	vsort.dscd.msk.f32 $0xffff, v46, v47;
	_ =	sdelay $0x5  }
0x301: {  	v48 =	vpop (erf)  }
0x302: {  	v49 =	vpop (erf)  }
0x303: {  	v26 =	vadd.f32 $1.000000000e+00, v49;
	_ =	sdelay $0x1  }
0x304: {  	(erf) = vrcp.f32 v26;
	_ =	sdelay $0x1  }
0x305: {  	v51, v50, _ =	vpop (xrf1)  }
0x306: {  	v26 =	vperm.xlane v51, v4;
	v28 =	vperm.xlane v50, v4  }
0x307: {  	v52, v53, _ =	vpop (xrf1)  }
0x308: {  	v26 =	vsel vm0, v52, v26;
	v28 =	vsel vm0, v53, v28  }
0x309: {  	(xrf1) =	vsort.dscd.msk.f32 $0xffff, v26, v28;
	_ =	sdelay $0x2  }
0x30a: {  	v54 =	vpop (erf)  }
0x30b: {  	v55 =	vnsel vm0, $0x0, v54  }
0x30c: {  	(xrf2) =	vadd.scan.msk.f32 $0xffff, v55;
	_ =	sdelay $0x8  }
0x30d: {  	v57, v56, _ =	vpop (xrf1)  }
0x30e: {  	v58, _, _ =	vpop (xrf2);
	v28 =	vsub.f32 $0.0e+00, v57  }
0x30f: {  	v30 =	vbroadcast v58, $0xF  }
0x310: {  	v28 =	vmul.f32 $1.442695020e+00, v28  }
0x311: {  	(erf) = vrcp.f32 v30  }
0x312: {  	(erf) = vpow2.f32 v28;
	_ =	sdelay $0x7  }
0x313: {  	v59 =	vpop (erf)  }
0x314: {  	v60 =	vpop (erf)  }
0x315: {  	v30 =	vadd.f32 $1.000000000e+00, v60;
	_ =	sdelay $0x1  }
0x316: {  	(erf) = vrcp.f32 v30;
	_ =	sdelay $0x8  }
0x317: {  	v30 =	vpop (erf)  }
0x318: {  	v61 =	vnsel vm0, $0x0, v30  }
0x319: {  	(xrf2) =	vadd.scan.msk.f32 $0xffff, v61;
	_ =	sdelay $0x4  }
0x31a: {  	v6 =	vmul.f32 $2.500000000e+00, v6;
	_ =	sdelay $0x1  }
0x31b: {  	v6 =	vmul.f32 v8, v6;
	v62 =	vmul.f32 $2.500000000e+00, v9  }
0x31c: {  	[tilespmem:s11+$0x8] =	vst.msk $0xff, v5  }
0x31d: {  	[tilespmem:s12+$0x8] =	vst.msk $0xff, v6;
	v6 =	vmul.f32 $2.500000000e+00, v12;
	v5 =	vmul.f32 v11, v62  }
0x31e: {  	[tilespmem:s14+$0x8] =	vst.msk $0xff, v7;
	v7 =	vmul.f32 $2.500000000e+00, v15;
	v63, _, _ =	vpop (xrf2)  }
0x31f: {  	[tilespmem:s13+$0x8] =	vst.msk $0xff, v5;
	v5 =	vmul.f32 v14, v6;
	v6 =	vbroadcast v63, $0xF  }
0x320: {  	[tilespmem:s15+$0x8] =	vst.msk $0xff, v10;
	v7 =	vmul.f32 v17, v7  }
0x321: {  	[tilespmem:s16+$0x8] =	vst.msk $0xff, v5;
	v5 =	vmul.f32 $2.500000000e+00, v18;
	(erf) = vrcp.f32 v6  }
0x322: {  	[tilespmem:s17+$0x8] =	vst.msk $0xff, v13  }
0x323: {  	[tilespmem:s18+$0x8] =	vst.msk $0xff, v7;
	v5 =	vmul.f32 v20, v5;
	v6 =	vmul.f32 $2.500000000e+00, v21  }
0x324: {  	[tilespmem:s19+$0x8] =	vst.msk $0xff, v16  }
0x325: {  	[tilespmem:s20+$0x8] =	vst.msk $0xff, v5;
	v5 =	vmul.f32 v23, v6;
	v6 =	vmul.f32 $2.500000000e+00, v24  }
0x326: {  	[tilespmem:s25+$0x8] =	vst.msk $0xff, v19  }
0x327: {  	[tilespmem:s26+$0x8] =	vst.msk $0xff, v5;
	v5 =	vmul.f32 v48, v6;
	v6 =	vmul.f32 $2.500000000e+00, v54  }
0x328: {  	[tilespmem:s31+$0x8] =	vst.msk $0xff, v22  }
0x329: {  	[tilespmem:s0+$0x8] =	vst.msk $0xff, v5;
	v5 =	vmul.f32 v59, v6;
	v6 =	vmul.f32 $2.500000000e+00, v30  }
0x32a: {  	[tilespmem:s29+$0x8] =	vst.msk $0xff, v27;
	v7 =	vpop (erf)  }
0x32b: {  	[tilespmem:s1+$0x8] =	vst.msk $0xff, v5;
	v5 =	vmul.f32 v7, v6  }
0x32c: {  	[tilespmem:s28+$0x8] =	vst.msk $0xff, v56  }
0x32d: {  	s31 =	simm.s32 $0x8000;
	[tilespmem:s8+$0x8] =	vst.msk $0xff, v5  }
0x32e: {  	[hbm4b:s4+s2] =	stream.linear.scatter [tilespmem:s31], [sflag:$0x1], $0x800, $0x38;
	[tilespmem:$0x9100] =	vst v63  }
0x32f: {  	s10 =	sadd.s32 $0x1, s10;
	_ =	swait.ge [sflag:s7], $0x800  }
0x330: {  	p0 =	sne.s32 s10, s6;
	[sflag:s7] =	ssyncset.done $0x0  }
.Ltmp1:
0x331: {  	[sflag:s7] =	ssyncadd.s32 $0xFFFFF800;
	(pc) =	sbr.rel @p0 .LBB2_1-.Ltmp1, $4  }
0x332: {  	[hbm4b:s5+s2] =	stream.linear.scatter [tilespmem:s9], [sflag:$0x1], $0x800, $0x38;
	[tilespmem:$0x9100] =	vst v63  }
0x333: {  	_ =	swait.ge [sflag:s7], $0x800  }
0x334: {  	[sflag:s7] =	ssyncset.done $0x0  }
0x335: {  	[sflag:s7] =	ssyncadd.s32 $0xFFFFF800  }
0x336: {  	_ =	sfence.sel $0x180000  }
0x337: {  	[bflag:$0x0] =	sbarrier.arrive $0xFFFF  }
0x338: {  	_ =	strace $0x9000004A  }
0x339: {  	s0 =	stileid.u32;
	[bflag:$0x2] =	sbarrier.arrive $0xFFFF  }
0x33a: {  	p0 =	sne.s32 s0, $0x0;
	s0 =	rddreg [dreg:$0x1]  }
0x33b: {  	s0 =	sadd.s32 @!p0 $0x100000, s0  }
0x33c: {  	[sflag:s0] =	ssyncadd.tile.s32 @!p0 $0x1;
	_ =	shalt  }
.Lfunc_end2:
_tile_overlayer_lowered:
.L_overlay_start_2:
0x33d: {  	(tag) =	ssettag $0x2  }
0x33e: {  	s0 =	rddreg [dreg:$0x0];
	s2 =	stileid.u32  }
0x33f: {  	s1 =	rddreg [dreg:$0x1];
	p0 =	sne.s32 s2, $0x0  }
0x340: {  	s3 =	rddreg [dreg:$0x2];
	[bflag:$0x3] =	sbarrier.arrive $0xFFFF;
	s2 =	simm.s32 @!p0 $0x1C01  }
0x341: {  	[timem:s3], [sflag:s2] =	dma.local @!p0 [hbm:s0], s1  }
0x342: {  	s0 =	simm.s32 @!p0 $0x1  }
0x343: {  	_ =	swait.ge @!p0 [sflag:s0], s1  }
0x344: {  	s1 =	ssub.s32 @!p0 $0x0, s1;
	[sflag:s0] =	ssyncset.done @!p0 $0x0  }
0x345: {  	[sflag:s0] =	ssyncadd.s32 @!p0 s1  }
0x346: {  	[bflag:$0x3] =	sbarrier.arrive $0xFFFF  }
0x347: {  	_ =	shalt  }

// kernel: _gate.19.cloned.1.call-start
scs
__scs_entry_jumppad:
0x0: {  	(pc) =	sbr.rel $0x88, $3  }
0x1: {  	(tag) =	ssettag $0x0;
	lr =	simm.s32 $0x1  }
0x2: {  	[smem:$0x3F9F] =	sst lr;
	_ =	strace $0xD0000000  }
0x3: {  	_ = 	snop  }
0x4: {  	_ = 	snop  }
0x5: {  	_ = 	snop  }
0x6: {  	_ = 	snop  }
0x7: {  	_ = 	snop  }
__scs_overlays_trampoline_lowered:
0x8: {  	[smem:$0x3FAE] =	sst s0  }
0x9: {  	[smem:$0x3FAF] =	sst s1  }
0xa: {  	[smem:$0x3FB0] =	sst s2  }
0xb: {  	[smem:$0x3FB1] =	sst s3  }
0xc: {  	[smem:$0x3FB2] =	sst s4  }
0xd: {  	[smem:$0x3FB3] =	sst s5  }
0xe: {  	[smem:$0x3FB4] =	sst s6  }
0xf: {  	[smem:$0x3FB5] =	sst s7  }
0x10: {  	[smem:$0x3FB6] =	sst s8  }
0x11: {  	[smem:$0x3FB7] =	sst s9;
	s0 =	simm.s32 @!p0 $0x0  }
0x12: {  	s1 =	sld [smem:$0x3F9D];
	s0 =	simm.s32 @p0 $0x1  }
0x13: {  	[smem:$0x3FB8] =	sst s0;
	s0 =	simm.s32 @!p1 $0x0  }
0x14: {  	s2 =	sld [smem:$0x3F9C];
	s0 =	simm.s32 @p1 $0x1  }
0x15: {  	[smem:$0x3FB9] =	sst s0;
	s0 =	simm.s32 @!p2 $0x0  }
0x16: {  	s3 =	sld [smem:$0x3FDB];
	s0 =	simm.s32 @p2 $0x1  }
0x17: {  	s4 =	simm.s32 $0x1BF5;
	[smem:$0x3FBB] =	sst s0  }
0x18: {  	s0 =	sld [smem:$0x3F9E];
	_ =	swait.ge [sflag:s4], $0x0  }
0x19: {  	s7 =	sld [smem:$0x3F9F]  }
0x1a: {  	s8 =	sadd.s32 $0xFFFFE003, lr  }
0x1b: {  	s9 =	sadd.s32 $0xFFFFFEF7, lr;
	s5 =	simm.s32 $0xFFFFFFFF;
	p2 =	slt.u32 s8, $0xFFFFF086  }
0x1c: {  	p1 =	slt.u32 s9, $0xF7A;
	s5 =	simm.s32 @!p2 $0x0  }
0x1d: {  	s5 =	simm.s32 @p1 $0x1;
	p0 =	seq.s32 s7, s2  }
0x1e: {  	s7 =	smul.u32 @!p0 $0xF7A, s2;
	p2 =	seq.s32 @!p0 s5, $0x0  }
0x1f: {  	s9 =	smul.u32 $0xF7A, s1;
	s8 =	simm.s32 @!p0 $0x1BF5;
	p2 =	por !p2, p0  }
0x20: {  	[sflag:s8] =	ssyncset.s32 @!p0 $0xFFFFF086;
	s6 =	sadd.s32 @!p0 s3, s7;
	s7 =	simm.s32 @!p0 $0x108  }
0x21: {  	s3 =	sadd.s32 s3, s9;
	s6 =	sadd.s32 @!p0 $0x88, s6;
	s7 =	simm.s32 @p2 $0x1082  }
0x22: {  	[simem:s7], [sflag:s8] =	dma.local @!p0 [hbm:s6], $0xF7A  }
0x23: {  	s9 =	sor.u32 $0xD0000000, s2;
	s6 =	simm.s32 $0x108;
	_ =	swait.ge @!p0 [sflag:s8], $0x0  }
0x24: {  	s3 =	sadd.s32 $0x88, s3;
	s6 =	simm.s32 @!p1 $0x1082;
	[sflag:s4] =	ssyncset.s32 $0xFFFFF086  }
0x25: {  	[simem:s6], [sflag:s4] =	dma.local [hbm:s3], $0xF7A  }
0x26: {  	[smem:$0x3F9F] =	sst s1;
	(tag) =	ssettag s2;
	_ =	strace s9  }
0x27: {  	s1 =	sld [smem:$0x3FAF]  }
0x28: {  	s2 =	sld [smem:$0x3FB0]  }
0x29: {  	s4 =	sld [smem:$0x3FB2]  }
0x2a: {  	p0 =	seq.s32 s5, $0x0;
	s5 =	sld [smem:$0x3FB3]  }
0x2b: {  	s6 =	sld [smem:$0x3FB4]  }
0x2c: {  	s7 =	sld [smem:$0x3FB5]  }
0x2d: {  	s3 =	simm.s32 $0x108;
	s8 =	sld [smem:$0x3FB6]  }
0x2e: {  	s3 =	simm.s32 @!p0 $0x1082;
	s9 =	sld [smem:$0x3FB7]  }
0x2f: {  	lr =	sadd.s32 s0, s3;
	s0 =	sld [smem:$0x3FAE]  }
0x30: {  	s3 =	sld [smem:$0x3FB1]  }
0x31: {  	[smem:$0x3FBA] =	sst s10  }
0x32: {  	s10 =	sld [smem:$0x3FB8];
	_ =	sdelay $0x3  }
0x33: {  	p0 =	seq.s32 s10, $0x1;
	s10 =	sld [smem:$0x3FBA];
	_ =	sdelay $0x3  }
0x34: {  	[smem:$0x3FBA] =	sst s10  }
0x35: {  	s10 =	sld [smem:$0x3FB9];
	_ =	sdelay $0x3  }
0x36: {  	p1 =	seq.s32 s10, $0x1;
	s10 =	sld [smem:$0x3FBA];
	_ =	sdelay $0x3  }
0x37: {  	[smem:$0x3FBA] =	sst s10  }
0x38: {  	s10 =	sld [smem:$0x3FBB]  }
0x39: {  	_ = 	snop;
	(pc) =	sbr.ind lr, $3  }
0x3a: {  	_ = 	snop  }
0x3b: {  	_ = 	snop  }
0x3c: {  	p2 =	seq.s32 s10, $0x1;
	s10 =	sld [smem:$0x3FBA]  }
0x3d: {  	_ =	shalt  }
0x3e: {  	_ =	shalt  }
0x3f: {  	_ =	shalt  }
0x40: {  	_ =	shalt  }
0x41: {  	_ =	shalt  }
0x42: {  	_ =	shalt  }
0x43: {  	_ =	shalt  }
0x44: {  	_ =	shalt  }
0x45: {  	_ =	shalt  }
0x46: {  	_ =	shalt  }
0x47: {  	_ =	shalt  }
0x48: {  	_ =	shalt  }
0x49: {  	_ =	shalt  }
0x4a: {  	_ =	shalt  }
0x4b: {  	_ =	shalt  }
0x4c: {  	_ =	shalt  }
0x4d: {  	_ =	shalt  }
0x4e: {  	_ =	shalt  }
0x4f: {  	_ =	shalt  }
0x50: {  	_ =	shalt  }
0x51: {  	_ =	shalt  }
0x52: {  	_ =	shalt  }
0x53: {  	_ =	shalt  }
0x54: {  	_ =	shalt  }
0x55: {  	_ =	shalt  }
0x56: {  	_ =	shalt  }
0x57: {  	_ =	shalt  }
0x58: {  	_ =	shalt  }
0x59: {  	_ =	shalt  }
0x5a: {  	_ =	shalt  }
0x5b: {  	_ =	shalt  }
0x5c: {  	_ =	shalt  }
0x5d: {  	_ =	shalt  }
0x5e: {  	_ =	shalt  }
0x5f: {  	_ =	shalt  }
0x60: {  	_ =	shalt  }
0x61: {  	_ =	shalt  }
0x62: {  	_ =	shalt  }
0x63: {  	_ =	shalt  }
0x64: {  	_ =	shalt  }
0x65: {  	_ =	shalt  }
0x66: {  	_ =	shalt  }
0x67: {  	_ =	shalt  }
0x68: {  	_ =	shalt  }
0x69: {  	_ =	shalt  }
0x6a: {  	_ =	shalt  }
0x6b: {  	_ =	shalt  }
0x6c: {  	_ =	shalt  }
0x6d: {  	_ =	shalt  }
0x6e: {  	_ =	shalt  }
0x6f: {  	_ =	shalt  }
0x70: {  	_ =	shalt  }
0x71: {  	_ =	shalt  }
0x72: {  	_ =	shalt  }
0x73: {  	_ =	shalt  }
0x74: {  	_ =	shalt  }
0x75: {  	_ =	shalt  }
0x76: {  	_ =	shalt  }
0x77: {  	_ =	shalt  }
0x78: {  	_ =	shalt  }
0x79: {  	_ =	shalt  }
0x7a: {  	_ =	shalt  }
0x7b: {  	_ =	shalt  }
0x7c: {  	_ =	shalt  }
0x7d: {  	_ =	shalt  }
0x7e: {  	_ =	shalt  }
0x7f: {  	_ =	shalt  }
0x80: {  	_ =	shalt  }
0x81: {  	_ =	shalt  }
0x82: {  	_ =	shalt  }
0x83: {  	_ =	shalt  }
0x84: {  	_ =	shalt  }
0x85: {  	_ =	shalt  }
0x86: {  	_ =	shalt  }
0x87: {  	_ =	shalt  }
.Lfunc_end0:
.L_simem_size_0:
called_computation.3_lowered:
.L_overlay_start_0:
0x88: {  	s2 =	sld [smem:$0x3FD9]  }
0x89: {  	s3 =	sld [smem:$0x3FFE];
	_ =	sdelay $0x1  }
0x8a: {  	s1 =	srdreg.scid  }
0x8b: {  	s0 =	sand.u32 $0x1, s1  }
0x8c: {  	s16 =	sshll.u32 s0, $0xA;
	s2 =	sadd.s32 s3, s2  }
0x8d: {  	s2 =	sadd.s32 s2, s16  }
0x8e: {  	[smem:$0x3FC6] =	sst s2  }
0x8f: {  	_ = 	snop  }
0x90: {  	(tm) =	ssettm $0x1  }
0x91: {  	s17 =	sld [smem:$0x3FFB];
	_ =	sdelay $0x3  }
0x92: {  	_ =	strace s17  }
0x93: {  	s2 =	sld [smem:$0x3FFC];
	_ =	sdelay $0x3  }
0x94: {  	_ =	strace s2  }
0x95: {  	s2 =	sld [smem:$0x3FFD];
	_ =	sdelay $0x3  }
0x96: {  	_ =	strace s2  }
0x97: {  	_ =	strace $0x8FFFFFFF  }
0x98: {  	s18 =	sld [smem:$0x3FDB];
	_ =	sdelay $0x1  }
0x99: {  	s19 =	simm.s32 $_scs_section_size  }
0x9a: {  	s4 =	simm.s32 $_size__tile_overlayer_lowered;
	s5 =	simm.s32 $_tile_overlayer_lowered  }
0x9b: {  	s22 =	simm.s32 $0x1BFF;
	s21 =	sshll.u32 s5, $0x1;
	s2 =	sadd.s32 s19, s18  }
0x9c: {  	s6 =	simm.s32 $0x0;
	s20 =	sshll.u32 s4, $0x1;
	s4 =	sadd.s32 s21, s2  }
0x9d: {  	[timem:s6], [sflag:s22] =	dma.local [hbm:s4], s20  }
0x9e: {  	_ =	swait.ge [sflag:s22], s20  }
0x9f: {  	s3 =	ssub.s32 $0x0, s20;
	[sflag:s22] =	ssyncset.done $0x0  }
0xa0: {  	[sflag:s22] =	ssyncadd.s32 s3;
	_ =	sdelay $0x1  }
0xa1: {  	s23 =	simm.s32 $0x1B8B  }
0xa2: {  	_ =	swait.ge [sflag:s23], $0x1  }
0xa3: {  	[sflag:s23] =	ssyncset.done $0x0  }
0xa4: {  	s25 =	simm.s32 $0x1B8E;
	s24 =	sld [smem:$0x3FFE];
	[sflag:s23] =	ssyncadd.s32 $0xFFFFFFFF  }
0xa5: {  	s26 =	simm.s32 $execute0_lowered;
	[smem:$0x3FD2] =	sst s25  }
0xa6: {  	s4 =	sshll.u32 s26, $0x1;
	_ =	strace $0x80000046;
	[dreg:$0x1] =	wrdreg $0xFFFFFFFF  }
0xa7: {  	s28 =	simm.s32 $_size_execute0_lowered;
	s2 =	sadd.s32 s2, s4;
	[dreg:$0x0] =	wrdreg $0x0  }
0xa8: {  	s4 =	sshll.u32 s28, $0x1;
	[dreg:$0x2] =	wrdreg s2  }
0xa9: {  	[dreg:$0x3] =	wrdreg s4  }
0xaa: {  	[dreg:$0x4] =	wrdreg $0xC0  }
0xab: {  	_ =	task [dreg:s6], $0x5FFFF  }
0xac: {  	[dreg:$0x1] =	wrdreg $0xFFFFFFFF  }
0xad: {  	[dreg:$0x0] =	wrdreg $0x60  }
0xae: {  	[dreg:$0x2] =	wrdreg s24  }
0xaf: {  	[dreg:$0x3] =	wrdreg $0xC  }
0xb0: {  	_ =	task.clear_ibuf [dreg:s6], $0x4FFFF;
	_ =	strace $0x90000046  }
0xb1: {  	s29 =	simm.s32 $0xC;
	_ =	strace $0x80000048  }
0xb2: {  	_ =	swait.ge [sflag:s29], $0x1  }
0xb3: {  	[sflag:s29] =	ssyncadd.s32 $0xFFFFFFFF  }
0xb4: {  	_ =	strace $0x90000048  }
0xb5: {  	_ =	sfence  }
0xb6: {  	s30 =	sld [smem:$0x0];
	_ =	sdelay $0x2  }
0xb7: {  	s31 =	sshll.u32 s1, $0xD;
	s1 =	sshrl.u32 s1, $0x2  }
0xb8: {  	s3 =	sand.u32 $0x4000, s31;
	s1 =	sadd.s32 s1, s30  }
0xb9: {  	s0 =	sor.u32 s3, s0;
	s1 =	sshll.u32 s1, $0x11  }
0xba: {  	s0 =	sor.u32 s1, s0  }
0xbb: {  	s0 =	sadd.s32 $0x8F2B, s0  }
0xbc: {  	[sflag:s0] =	ssyncadd.remote.s32 $0x1  }
0xbd: {  	_ =	sfence.sel $0xFFFF  }
0xbe: {  	[dreg:$0x0] =	wrdreg $0xFFFFFFFF;
	(pc) =	sbr.abs _section_cstart, $3  }
0xbf: {  	[dreg:$0x1] =	wrdreg $0xFFFFFFFF  }
0xc0: {  	_ =	task.clear_ibuf [dreg:s6], $0x2FFFF;
	_ =	strace $0x9FFFFFFF  }
0xc1: {  	(tm) =	ssettm $0x7FFFFFFF  }
tec
execute0_lowered:
.L_overlay_start_1:
0x0: {  	(tag) =	ssettag $0x1  }
0x1: {  	s0 =	rddreg [dreg:$0x0];
	s2 =	simm.s32 $0x0  }
0x2: {  	s1 =	srdreg.scid;
	s3 =	stileid.u32;
	s7 =	simm.s32 $0x1  }
0x3: {  	s9 =	simm.s32 $0x8880;
	s1 =	sand.u32 $0x1, s1;
	s3 =	sshll.u32 s3, $0x1  }
0x4: {  	s10 =	simm.s32 $0x0;
	[smem:$0x7FF] =	sst s2;
	s3 =	sor.u32 s1, s3  }
0x5: {  	v0 =	vlaneseq.u32;
	_ =	strace $0x80000047;
	s1 =	ssub.s32 $0x2, s1;
	s4 =	sshll.u32 s3, $0xC  }
0x6: {  	v4 =	vmul.u32 $0xFFFFFFFF, v0;
	s3 =	sshll.u32 s3, $0x8;
	s31 =	sshrl.u32 s1, $0x1;
	s4 =	sadd.s32 s4, s0  }
0x7: {  	vm0 =	vmmov $0xff;
	v1 =	vor.u32 $0x10, v0;
	s0 =	sadd.s32 s3, s0;
	s1 =	ssub.s32 s1, s31;
	s3 =	sadd.s32 $0x3000, s4  }
0x8: {  	v2 =	vor.u32 $0x20, v0;
	v3 =	vor.u32 $0x30, v0;
	v4 =	vadd.s32 $0xF, v4;
	s4 =	sadd.s32 $0x23000, s0;
	s5 =	sadd.s32 $0x25000, s0;
	s6 =	smax.u32 s1, $0x1  }
.LBB2_1:
0x9: {  	[tilespmem:s2], [sflag:$0x1] =	stream.linear.gather [hbm4b:s3+s2], $0x8000, $0x38;
	[tilespmem:$0x9100] =	vst v63  }
0xa: {  	_ =	swait.ge [sflag:s7], $0x8000  }
0xb: {  	[sflag:s7] =	ssyncset.done $0x0  }
0xc: {  	s1 =	simm.s32 $0x100;
	[sflag:s7] =	ssyncadd.s32 $0xFFFF8000  }
0xd: {  	v5 =	vld [tilespmem:s1+$0xFFFFFF10]  }
0xe: {  	v6 =	vld [tilespmem:s1+$0xFFFFFF30];
	_ =	sdelay $0x1  }
0xf: {  	v7 =	vld [tilespmem:s1+$0xFFFFFF20];
	_ =	sdelay $0x1  }
0x10: {  	(xrf1) =	vsort.dscd.msk.f32 $0xffff, v5, v1;
	v5 =	vld [tilespmem:s1+$0xFFFFFF00]  }
0x11: {  	(xrf1) =	vsort.dscd.msk.f32 $0xffff, v6, v3;
	_ =	sdelay $0x1  }
0x12: {  	(xrf1) =	vsort.dscd.msk.f32 $0xffff, v7, v2;
	_ =	sdelay $0x1  }
0x13: {  	(xrf1) =	vsort.dscd.msk.f32 $0xffff, v5, v0;
	_ =	sdelay $0x8  }
0x14: {  	v5, v6, _ =	vpop (xrf1)  }
0x15: {  	v7, v8, _ =	vpop (xrf1)  }
0x16: {  	v7 =	vperm.xlane v7, v4;
	v8 =	vperm.xlane v8, v4  }
0x17: {  	v5 =	vperm.xlane v5, v4;
	v9, v10, _ =	vpop (xrf1)  }
0x18: {  	v6 =	vperm.xlane v6, v4;
	v7 =	vsel vm0, v9, v7;
	v8 =	vsel vm0, v10, v8  }
0x19: {  	v9, v10, _ =	vpop (xrf1);
	(xrf1) =	vsort.dscd.msk.f32 $0xffff, v7, v8  }
0x1a: {  	v5 =	vsel vm0, v9, v5;
	v6 =	vsel vm0, v10, v6  }
0x1b: {  	(xrf1) =	vsort.dscd.msk.f32 $0xffff, v5, v6;
	_ =	sdelay $0x7  }
0x1c: {  	s0 =	simm.s32 $0x300  }
0x1d: {  	v5 =	vld [tilespmem:s0+$0xFFFFFF10]  }
0x1e: {  	v6 =	vld [tilespmem:s0+$0xFFFFFF30];
	_ =	sdelay $0x1  }
0x1f: {  	v7, v8, _ =	vpop (xrf1)  }
0x20: {  	v7 =	vperm.xlane v7, v4;
	v8 =	vperm.xlane v8, v4  }
0x21: {  	(xrf1) =	vsort.dscd.msk.f32 $0xffff, v5, v1;
	v5, v9, _ =	vpop (xrf1)  }
0x22: {  	(xrf1) =	vsort.dscd.msk.f32 $0xffff, v6, v3;
	v5 =	vsel vm0, v5, v7;
	v6 =	vsel vm0, v9, v8  }
0x23: {  	(xrf1) =	vsort.dscd.msk.f32 $0xffff, v5, v6;
	_ =	sdelay $0x4  }
0x24: {  	v5 =	vld [tilespmem:s0+$0xFFFFFF20];
	_ =	sdelay $0x1  }
0x25: {  	v6 =	vld [tilespmem:s0+$0xFFFFFF00];
	_ =	sdelay $0x2  }
0x26: {  	(xrf1) =	vsort.dscd.msk.f32 $0xffff, v5, v2;
	_ =	sdelay $0x1  }
0x27: {  	v5, v7, _ =	vpop (xrf1);
	(xrf1) =	vsort.dscd.msk.f32 $0xffff, v6, v0  }
0x28: {  	v6, v8, _ =	vpop (xrf1)  }
0x29: {  	v9, v10, _ =	vpop (xrf1)  }
0x2a: {  	v9 =	vsub.f32 $0.0e+00, v9;
	_ =	sdelay $0x1  }
0x2b: {  	v9 =	vmul.f32 $1.442695020e+00, v9;
	_ =	sdelay $0x1  }
0x2c: {  	(erf) = vpow2.f32 v9;
	_ =	sdelay $0x3  }
0x2d: {  	v6 =	vperm.xlane v6, v4  }
0x2e: {  	v8 =	vperm.xlane v8, v4;
	v9, v11, _ =	vpop (xrf1)  }
0x2f: {  	v6 =	vsel vm0, v9, v6  }
0x30: {  	v8 =	vsel vm0, v11, v8;
	v9, v11, _ =	vpop (xrf1)  }
0x31: {  	(xrf1) =	vsort.dscd.msk.f32 $0xffff, v6, v8  }
0x32: {  	v6 =	vpop (erf)  }
0x33: {  	v6 =	vadd.f32 $1.000000000e+00, v6  }
0x34: {  	v5 =	vperm.xlane v5, v4;
	v7 =	vperm.xlane v7, v4  }
0x35: {  	(erf) = vrcp.f32 v6  }
0x36: {  	v5 =	vsel vm0, v9, v5;
	v7 =	vsel vm0, v11, v7  }
0x37: {  	(xrf1) =	vsort.dscd.msk.f32 $0xffff, v5, v7;
	_ =	sdelay $0x6  }
0x38: {  	v7 =	vpop (erf)  }
0x39: {  	s29 =	simm.s32 $0x500;
	v8 =	vnsel vm0, $0x0, v7  }
0x3a: {  	v5 =	vld [tilespmem:s29+$0xFFFFFF10];
	(xrf2) =	vadd.scan.msk.f32 $0xffff, v8  }
0x3b: {  	v6 =	vld [tilespmem:s29+$0xFFFFFF30];
	_ =	sdelay $0x1  }
0x3c: {  	v9, v11, _ =	vpop (xrf1)  }
0x3d: {  	v8 =	vperm.xlane v9, v4;
	v9 =	vperm.xlane v11, v4  }
0x3e: {  	(xrf1) =	vsort.dscd.msk.f32 $0xffff, v5, v1;
	v5, v11, _ =	vpop (xrf1)  }
0x3f: {  	(xrf1) =	vsort.dscd.msk.f32 $0xffff, v6, v3;
	v5 =	vsel vm0, v5, v8;
	v6 =	vsel vm0, v11, v9  }
0x40: {  	(xrf1) =	vsort.dscd.msk.f32 $0xffff, v5, v6  }
0x41: {  	v5 =	vld [tilespmem:s29+$0xFFFFFF20];
	_ =	sdelay $0x1  }
0x42: {  	v8, _, _ =	vpop (xrf2)  }
0x43: {  	v6 =	vld [tilespmem:s29+$0xFFFFFF00];
	v8 =	vbroadcast v8, $0xF;
	_ =	sdelay $0x1  }
0x44: {  	(xrf1) =	vsort.dscd.msk.f32 $0xffff, v5, v2;
	(erf) = vrcp.f32 v8;
	_ =	sdelay $0x2  }
0x45: {  	(xrf1) =	vsort.dscd.msk.f32 $0xffff, v6, v0;
	_ =	sdelay $0x2  }
0x46: {  	v5, v6, _ =	vpop (xrf1)  }
0x47: {  	v8, v9, _ =	vpop (xrf1)  }
0x48: {  	v7 =	vmul.f32 $2.500000000e+00, v7;
	v11, v12, _ =	vpop (xrf1)  }
0x49: {  	v11 =	vsub.f32 $0.0e+00, v11;
	v13 =	vpop (erf)  }
0x4a: {  	v7 =	vmul.f32 v13, v7  }
0x4b: {  	v11 =	vmul.f32 $1.442695020e+00, v11  }
0x4c: {  	s11 =	simm.s32 $0x8010;
	v8 =	vperm.xlane v8, v4  }
0x4d: {  	s12 =	simm.s32 $0x8890;
	[tilespmem:s11+$0xFFFFFFF0] =	vst.msk $0xff, v10;
	v9 =	vperm.xlane v9, v4;
	(erf) = vpow2.f32 v11  }
0x4e: {  	[tilespmem:s12+$0xFFFFFFF0] =	vst.msk $0xff, v7;
	v7, v10, _ =	vpop (xrf1)  }
0x4f: {  	v7 =	vsel vm0, v7, v8;
	v8 =	vsel vm0, v10, v9  }
0x50: {  	v5 =	vperm.xlane v5, v4;
	v6 =	vperm.xlane v6, v4;
	v11 =	vld [tilespmem:s1+$0xFFFFFFB0];
	(xrf1) =	vsort.dscd.msk.f32 $0xffff, v7, v8  }
0x51: {  	v13 =	vld [tilespmem:s1+$0xFFFFFF90];
	v9, v10, _ =	vpop (xrf1)  }
0x52: {  	v5 =	vsel vm0, v9, v5;
	v6 =	vsel vm0, v10, v6;
	v7 =	vld [tilespmem:s1+$0xFFFFFFA0]  }
0x53: {  	(xrf1) =	vsort.dscd.msk.f32 $0xffff, v5, v6  }
0x54: {  	v5 =	vld [tilespmem:s1+$0xFFFFFF80]  }
0x55: {  	(xrf1) =	vsort.dscd.msk.f32 $0xffff, v11, v3  }
0x56: {  	v6 =	vpop (erf);
	(xrf1) =	vsort.dscd.msk.f32 $0xffff, v13, v1  }
0x57: {  	v6 =	vadd.f32 $1.000000000e+00, v6;
	(xrf1) =	vsort.dscd.msk.f32 $0xffff, v7, v2;
	_ =	sdelay $0x1  }
0x58: {  	(erf) = vrcp.f32 v6;
	(xrf1) =	vsort.dscd.msk.f32 $0xffff, v5, v0;
	_ =	sdelay $0x1  }
0x59: {  	s28 =	simm.s32 $0x700  }
0x5a: {  	v5 =	vld [tilespmem:s28+$0xFFFFFF10]  }
0x5b: {  	v6 =	vld [tilespmem:s28+$0xFFFFFF30]  }
0x5c: {  	v7, v8, _ =	vpop (xrf1)  }
0x5d: {  	v7 =	vperm.xlane v7, v4  }
0x5e: {  	v8 =	vperm.xlane v8, v4  }
0x5f: {  	(xrf1) =	vsort.dscd.msk.f32 $0xffff, v5, v1;
	v9, v10, _ =	vpop (xrf1)  }
0x60: {  	(xrf1) =	vsort.dscd.msk.f32 $0xffff, v6, v3;
	v5 =	vpop (erf);
	v6 =	vsel vm0, v9, v7;
	v8 =	vsel vm0, v10, v8  }
0x61: {  	v7, v9, _ =	vpop (xrf1);
	(xrf1) =	vsort.dscd.msk.f32 $0xffff, v6, v8;
	v6 =	vnsel vm0, $0x0, v5  }
0x62: {  	v7 =	vperm.xlane v7, v4;
	v9 =	vperm.xlane v9, v4;
	v10, v11, _ =	vpop (xrf1);
	(xrf2) =	vadd.scan.msk.f32 $0xffff, v6  }
0x63: {  	v8 =	vperm.xlane v10, v4;
	v10, v13, _ =	vpop (xrf1)  }
0x64: {  	v6 =	vperm.xlane v11, v4;
	v7 =	vsel vm0, v10, v7;
	v9 =	vsel vm0, v13, v9  }
0x65: {  	v10, v11, _ =	vpop (xrf1);
	(xrf1) =	vsort.dscd.msk.f32 $0xffff, v7, v9  }
0x66: {  	v7 =	vsel vm0, v10, v8;
	v6 =	vsel vm0, v11, v6  }
0x67: {  	(xrf1) =	vsort.dscd.msk.f32 $0xffff, v7, v6;
	_ =	sdelay $0x3  }
0x68: {  	v6 =	vld [tilespmem:s28+$0xFFFFFF20]  }
0x69: {  	v7 =	vld [tilespmem:s28+$0xFFFFFF00];
	v8, _, _ =	vpop (xrf2)  }
0x6a: {  	v8 =	vbroadcast v8, $0xF;
	_ =	sdelay $0x2  }
0x6b: {  	v9, v10, _ =	vpop (xrf1);
	(xrf1) =	vsort.dscd.msk.f32 $0xffff, v6, v2;
	(erf) = vrcp.f32 v8  }
0x6c: {  	v6, v11, _ =	vpop (xrf1);
	(xrf1) =	vsort.dscd.msk.f32 $0xffff, v7, v0  }
0x6d: {  	v7, v8, _ =	vpop (xrf1)  }
0x6e: {  	v13, v14, _ =	vpop (xrf1)  }
0x6f: {  	v13 =	vperm.xlane v13, v4;
	v14 =	vperm.xlane v14, v4  }
0x70: {  	v15, v16, _ =	vpop (xrf1)  }
0x71: {  	v7 =	vsub.f32 $0.0e+00, v7;
	v13 =	vsel vm0, v15, v13;
	v14 =	vsel vm0, v16, v14  }
0x72: {  	(xrf1) =	vsort.dscd.msk.f32 $0xffff, v13, v14  }
0x73: {  	v5 =	vmul.f32 $2.500000000e+00, v5;
	v7 =	vmul.f32 $1.442695020e+00, v7  }
0x74: {  	v13 =	vpop (erf)  }
0x75: {  	(erf) = vpow2.f32 v7;
	v5 =	vmul.f32 v13, v5  }
0x76: {  	v7 =	vperm.xlane v11, v4  }
0x77: {  	s14 =	simm.s32 $0x8030  }
0x78: {  	s13 =	simm.s32 $0x88B0;
	[tilespmem:s14+$0xFFFFFFF0] =	vst.msk $0xff, v12;
	v6 =	vperm.xlane v6, v4  }
0x79: {  	v9 =	vperm.xlane v9, v4;
	v10 =	vperm.xlane v10, v4;
	[tilespmem:s13+$0xFFFFFFF0] =	vst.msk $0xff, v5;
	v5, v11, _ =	vpop (xrf1)  }
0x7a: {  	v12 =	vld [tilespmem:s0+$0xFFFFFFB0];
	v5 =	vsel vm0, v5, v6;
	v6 =	vsel vm0, v11, v7;
	v7, v11, _ =	vpop (xrf1)  }
0x7b: {  	v13 =	vld [tilespmem:s0+$0xFFFFFF90];
	(xrf1) =	vsort.dscd.msk.f32 $0xffff, v5, v6;
	v5 =	vsel vm0, v7, v9;
	v6 =	vsel vm0, v11, v10  }
0x7c: {  	(xrf1) =	vsort.dscd.msk.f32 $0xffff, v5, v6;
	v5 =	vld [tilespmem:s0+$0xFFFFFFA0];
	_ =	sdelay $0x1  }
0x7d: {  	v7 =	vpop (erf)  }
0x7e: {  	v7 =	vadd.f32 $1.000000000e+00, v7;
	(xrf1) =	vsort.dscd.msk.f32 $0xffff, v12, v3  }
0x7f: {  	v6 =	vld [tilespmem:s0+$0xFFFFFF80];
	(xrf1) =	vsort.dscd.msk.f32 $0xffff, v13, v1;
	v9, v10, _ =	vpop (xrf1)  }
0x80: {  	(erf) = vrcp.f32 v7;
	(xrf1) =	vsort.dscd.msk.f32 $0xffff, v5, v2;
	v5 =	vsub.f32 $0.0e+00, v9;
	_ =	sdelay $0x1  }
0x81: {  	v5 =	vmul.f32 $1.442695020e+00, v5;
	_ =	sdelay $0x1  }
0x82: {  	(xrf1) =	vsort.dscd.msk.f32 $0xffff, v6, v0;
	(erf) = vpow2.f32 v5;
	_ =	sdelay $0x1  }
0x83: {  	s21 =	simm.s32 $0x900  }
0x84: {  	v5 =	vld [tilespmem:s21+$0xFFFFFF10];
	_ =	sdelay $0x1  }
0x85: {  	v13 =	vpop (erf)  }
0x86: {  	v6 =	vld [tilespmem:s21+$0xFFFFFF30];
	v7, v9, _ =	vpop (xrf1)  }
0x87: {  	v11, v12, _ =	vpop (xrf1);
	v7 =	vperm.xlane v7, v4;
	v9 =	vperm.xlane v9, v4  }
0x88: {  	(xrf1) =	vsort.dscd.msk.f32 $0xffff, v5, v1;
	v5, v14, _ =	vpop (xrf1)  }
0x89: {  	v9 =	vsel vm0, v12, v9;
	v12 =	vperm.xlane v14, v4;
	v14 =	vpop (erf)  }
0x8a: {  	v14 =	vadd.f32 $1.000000000e+00, v14  }
0x8b: {  	(xrf1) =	vsort.dscd.msk.f32 $0xffff, v6, v3;
	v6 =	vsel vm0, v11, v7;
	v5 =	vperm.xlane v5, v4;
	v7, v11, _ =	vpop (xrf1)  }
0x8c: {  	(xrf1) =	vsort.dscd.msk.f32 $0xffff, v6, v9;
	v6 =	vnsel vm0, $0x0, v13;
	v7 =	vperm.xlane v7, v4;
	v9, v15, _ =	vpop (xrf1);
	(erf) = vrcp.f32 v14  }
0x8d: {  	(xrf2) =	vadd.scan.msk.f32 $0xffff, v6;
	v6 =	vperm.xlane v11, v4;
	v5 =	vsel vm0, v9, v5;
	v9 =	vsel vm0, v15, v12  }
0x8e: {  	v11, v12, _ =	vpop (xrf1);
	(xrf1) =	vsort.dscd.msk.f32 $0xffff, v5, v9  }
0x8f: {  	v5 =	vsel vm0, v11, v7;
	v6 =	vsel vm0, v12, v6;
	v7 =	vld [tilespmem:s21+$0xFFFFFF20]  }
0x90: {  	(xrf1) =	vsort.dscd.msk.f32 $0xffff, v5, v6;
	_ =	sdelay $0x1  }
0x91: {  	v5 =	vld [tilespmem:s21+$0xFFFFFF00];
	_ =	sdelay $0x1  }
0x92: {  	(xrf1) =	vsort.dscd.msk.f32 $0xffff, v7, v2  }
0x93: {  	v6 =	vpop (erf)  }
0x94: {  	v7 =	vnsel vm0, $0x0, v6  }
0x95: {  	(xrf1) =	vsort.dscd.msk.f32 $0xffff, v5, v0;
	v5, _, _ =	vpop (xrf2)  }
0x96: {  	v9, v11, _ =	vpop (xrf1);
	v14 =	vbroadcast v5, $0xF  }
0x97: {  	(xrf2) =	vadd.scan.msk.f32 $0xffff, v7;
	v7, v12, _ =	vpop (xrf1)  }
0x98: {  	v15, v5, _ =	vpop (xrf1)  }
0x99: {  	v15 =	vsub.f32 $0.0e+00, v15  }
0x9a: {  	(erf) = vrcp.f32 v14;
	v14, v16, _ =	vpop (xrf1)  }
0x9b: {  	v14 =	vperm.xlane v14, v4;
	v15 =	vmul.f32 $1.442695020e+00, v15  }
0x9c: {  	v16 =	vperm.xlane v16, v4;
	v17, v18, _ =	vpop (xrf1)  }
0x9d: {  	v14 =	vsel vm0, v17, v14  }
0x9e: {  	v16 =	vsel vm0, v18, v16;
	(erf) = vpow2.f32 v15  }
0x9f: {  	v7 =	vperm.xlane v7, v4;
	v12 =	vperm.xlane v12, v4;
	(xrf1) =	vsort.dscd.msk.f32 $0xffff, v14, v16  }
0xa0: {  	v14, v15, _ =	vpop (xrf1)  }
0xa1: {  	v7 =	vsel vm0, v14, v7;
	v12 =	vsel vm0, v15, v12  }
0xa2: {  	v13 =	vmul.f32 $2.500000000e+00, v13;
	v9 =	vperm.xlane v9, v4;
	v14, _, _ =	vpop (xrf2);
	(xrf1) =	vsort.dscd.msk.f32 $0xffff, v7, v12  }
0xa3: {  	v11 =	vperm.xlane v11, v4;
	v15, v16, _ =	vpop (xrf1);
	v7 =	vbroadcast v14, $0xF  }
0xa4: {  	v9 =	vsel vm0, v15, v9;
	v12 =	vpop (erf)  }
0xa5: {  	s15 =	simm.s32 $0x8050;
	v11 =	vsel vm0, v16, v11;
	(erf) = vrcp.f32 v7;
	v12 =	vmul.f32 v12, v13  }
0xa6: {  	s16 =	simm.s32 $0x88D0;
	[tilespmem:s15+$0xFFFFFFF0] =	vst.msk $0xff, v8;
	(xrf1) =	vsort.dscd.msk.f32 $0xffff, v9, v11  }
0xa7: {  	v8 =	vpop (erf);
	[tilespmem:s16+$0xFFFFFFF0] =	vst.msk $0xff, v12  }
0xa8: {  	v8 =	vadd.f32 $1.000000000e+00, v8;
	v7 =	vld [tilespmem:s29+$0xFFFFFFB0];
	_ =	sdelay $0x1  }
0xa9: {  	v9 =	vld [tilespmem:s29+$0xFFFFFF90]  }
0xaa: {  	v11 =	vld [tilespmem:s29+$0xFFFFFFA0]  }
0xab: {  	(erf) = vrcp.f32 v8  }
0xac: {  	v6 =	vmul.f32 $2.500000000e+00, v6;
	(xrf1) =	vsort.dscd.msk.f32 $0xffff, v7, v3;
	v7, v8, _ =	vpop (xrf1)  }
0xad: {  	s23 =	simm.s32 $0xB00;
	v12 =	vld [tilespmem:s29+$0xFFFFFF80];
	v13 =	vpop (erf);
	v7 =	vsub.f32 $0.0e+00, v7  }
0xae: {  	v14 =	vld [tilespmem:s23+$0xFFFFFF10];
	(xrf1) =	vsort.dscd.msk.f32 $0xffff, v9, v1;
	v6 =	vmul.f32 v13, v6  }
0xaf: {  	[tilespmem:s11+$0xFFFFFFF8] =	vst.msk $0xff, v10;
	v9 =	vld [tilespmem:s23+$0xFFFFFF30];
	(xrf1) =	vsort.dscd.msk.f32 $0xffff, v11, v2;
	v10, v11, _ =	vpop (xrf1);
	v7 =	vmul.f32 $1.442695020e+00, v7  }
0xb0: {  	[tilespmem:s12+$0xFFFFFFF8] =	vst.msk $0xff, v6;
	v6 =	vperm.xlane v10, v4;
	v10 =	vperm.xlane v11, v4;
	_ =	sdelay $0x1  }
0xb1: {  	(xrf1) =	vsort.dscd.msk.f32 $0xffff, v12, v0;
	(erf) = vpow2.f32 v7  }
0xb2: {  	v11 =	vld [tilespmem:s1+$0x30];
	(xrf1) =	vsort.dscd.msk.f32 $0xffff, v14, v1;
	v12, v13, _ =	vpop (xrf1)  }
0xb3: {  	v7 =	vld [tilespmem:s1+$0x10];
	(xrf1) =	vsort.dscd.msk.f32 $0xffff, v9, v3;
	v6 =	vsel vm0, v12, v6;
	v9 =	vsel vm0, v13, v10;
	v10 =	vpop (erf)  }
0xb4: {  	v12 =	vld [tilespmem:s1+$0x20];
	(xrf1) =	vsort.dscd.msk.f32 $0xffff, v6, v9;
	v6 =	vnsel vm0, $0x0, v10  }
0xb5: {  	(xrf2) =	vadd.scan.msk.f32 $0xffff, v6;
	v6 =	vld [tilespmem:s1+$0x0];
	_ =	sdelay $0x1  }
0xb6: {  	(xrf1) =	vsort.dscd.msk.f32 $0xffff, v11, v3  }
0xb7: {  	(xrf1) =	vsort.dscd.msk.f32 $0xffff, v7, v1  }
0xb8: {  	(xrf1) =	vsort.dscd.msk.f32 $0xffff, v12, v2;
	v7, v9, _ =	vpop (xrf1)  }
0xb9: {  	(xrf1) =	vsort.dscd.msk.f32 $0xffff, v6, v0;
	v6 =	vpop (erf)  }
0xba: {  	v6 =	vadd.f32 $1.000000000e+00, v6  }
0xbb: {  	v11, v12, _ =	vpop (xrf1)  }
0xbc: {  	v7 =	vperm.xlane v7, v4;
	v9 =	vperm.xlane v9, v4;
	v13, v14, _ =	vpop (xrf1)  }
0xbd: {  	v11 =	vperm.xlane v11, v4;
	v12 =	vperm.xlane v12, v4  }
0xbe: {  	v7 =	vsel vm0, v13, v7;
	v9 =	vsel vm0, v14, v9;
	(erf) = vrcp.f32 v6;
	v6, v13, _ =	vpop (xrf1)  }
0xbf: {  	(xrf1) =	vsort.dscd.msk.f32 $0xffff, v7, v9;
	v9 =	vsel vm0, v13, v12  }
0xc0: {  	v7 =	vld [tilespmem:s23+$0xFFFFFF20];
	v6 =	vsel vm0, v6, v11  }
0xc1: {  	v11, _, _ =	vpop (xrf2);
	(xrf1) =	vsort.dscd.msk.f32 $0xffff, v6, v9  }
0xc2: {  	v13 =	vld [tilespmem:s23+$0xFFFFFF00];
	v9, v12, _ =	vpop (xrf1)  }
0xc3: {  	v14, v15, _ =	vpop (xrf1)  }
0xc4: {  	v16, v6, _ =	vpop (xrf1)  }
0xc5: {  	(xrf1) =	vsort.dscd.msk.f32 $0xffff, v7, v2;
	v7, v17, _ =	vpop (xrf1)  }
0xc6: {  	v7 =	vperm.xlane v7, v4;
	v17 =	vperm.xlane v17, v4;
	v18, v19, _ =	vpop (xrf1)  }
0xc7: {  	(xrf1) =	vsort.dscd.msk.f32 $0xffff, v13, v0;
	v13 =	vperm.xlane v18, v4;
	v18, v20, _ =	vpop (xrf1)  }
0xc8: {  	v7 =	vsel vm0, v18, v7;
	v17 =	vsel vm0, v20, v17;
	v25, v22, _ =	vpop (xrf1)  }
0xc9: {  	v21 =	vpop (erf);
	v19 =	vperm.xlane v19, v4;
	(xrf1) =	vsort.dscd.msk.f32 $0xffff, v7, v17;
	v7 =	vbroadcast v11, $0xF;
	v11 =	vsel vm0, v25, v13  }
0xca: {  	v18 =	vnsel vm0, $0x0, v21  }
0xcb: {  	(xrf2) =	vadd.scan.msk.f32 $0xffff, v18;
	v13 =	vsel vm0, v22, v19;
	(erf) = vrcp.f32 v7  }
0xcc: {  	(xrf1) =	vsort.dscd.msk.f32 $0xffff, v11, v13;
	v13 =	vsub.f32 $0.0e+00, v16  }
0xcd: {  	v7, v11, _ =	vpop (xrf1)  }
0xce: {  	v13 =	vmul.f32 $1.442695020e+00, v13;
	v11 =	vperm.xlane v11, v4  }
0xcf: {  	v16, v17, _ =	vpop (xrf1)  }
0xd0: {  	v7 =	vperm.xlane v7, v4;
	v11 =	vsel vm0, v17, v11  }
0xd1: {  	v14 =	vperm.xlane v14, v4  }
0xd2: {  	v10 =	vmul.f32 $2.500000000e+00, v10;
	(erf) = vpow2.f32 v13;
	v7 =	vsel vm0, v16, v7  }
0xd3: {  	v12 =	vperm.xlane v12, v4;
	(xrf1) =	vsort.dscd.msk.f32 $0xffff, v7, v11;
	v7 =	vperm.xlane v15, v4;
	v11, v13, _ =	vpop (xrf1)  }
0xd4: {  	v9 =	vperm.xlane v9, v4;
	v15 =	vpop (erf)  }
0xd5: {  	v11 =	vsel vm0, v11, v14;
	v14, _, _ =	vpop (xrf2);
	v7 =	vsel vm0, v13, v7;
	v10 =	vmul.f32 v15, v10  }
0xd6: {  	v13 =	vbroadcast v14, $0xF;
	(xrf1) =	vsort.dscd.msk.f32 $0xffff, v11, v7;
	v14, v15, _ =	vpop (xrf1)  }
0xd7: {  	s17 =	simm.s32 $0x8070;
	v7 =	vsel vm0, v14, v9;
	v9 =	vsel vm0, v15, v12  }
0xd8: {  	s18 =	simm.s32 $0x88F0;
	[tilespmem:s17+$0xFFFFFFF0] =	vst.msk $0xff, v5;
	(erf) = vrcp.f32 v13;
	v11, v12, _ =	vpop (xrf1);
	(xrf1) =	vsort.dscd.msk.f32 $0xffff, v7, v9  }
0xd9: {  	[tilespmem:s18+$0xFFFFFFF0] =	vst.msk $0xff, v10;
	v5 =	vperm.xlane v11, v4;
	v7 =	vperm.xlane v12, v4  }
0xda: {  	v11 =	vld [tilespmem:s28+$0xFFFFFFB0];
	v9, v10, _ =	vpop (xrf1)  }
0xdb: {  	v5 =	vsel vm0, v9, v5;
	v7 =	vsel vm0, v10, v7;
	v9 =	vld [tilespmem:s28+$0xFFFFFF90];
	v10 =	vpop (erf)  }
0xdc: {  	(xrf1) =	vsort.dscd.msk.f32 $0xffff, v5, v7;
	v5 =	vadd.f32 $1.000000000e+00, v10  }
0xdd: {  	v10 =	vld [tilespmem:s28+$0xFFFFFFA0]  }
0xde: {  	(erf) = vrcp.f32 v5;
	v5 =	vld [tilespmem:s28+$0xFFFFFF80]  }
0xdf: {  	(xrf1) =	vsort.dscd.msk.f32 $0xffff, v11, v3  }
0xe0: {  	s22 =	simm.s32 $0xD00;
	(xrf1) =	vsort.dscd.msk.f32 $0xffff, v9, v1  }
0xe1: {  	v13 =	vld [tilespmem:s22+$0xFFFFFF10];
	v11, v7, _ =	vpop (xrf1);
	v9 =	vmul.f32 $2.500000000e+00, v21  }
0xe2: {  	v12 =	vpop (erf);
	(xrf1) =	vsort.dscd.msk.f32 $0xffff, v10, v2;
	v10 =	vsub.f32 $0.0e+00, v11;
	v11 =	vld [tilespmem:s22+$0xFFFFFF30]  }
0xe3: {  	v9 =	vmul.f32 v12, v9;
	(xrf1) =	vsort.dscd.msk.f32 $0xffff, v5, v0  }
0xe4: {  	[tilespmem:s14+$0xFFFFFFF8] =	vst.msk $0xff, v8;
	v5, v8, _ =	vpop (xrf1);
	v10 =	vmul.f32 $1.442695020e+00, v10  }
0xe5: {  	[tilespmem:s13+$0xFFFFFFF8] =	vst.msk $0xff, v9;
	v5 =	vperm.xlane v5, v4;
	v8 =	vperm.xlane v8, v4  }
0xe6: {  	(xrf1) =	vsort.dscd.msk.f32 $0xffff, v13, v1;
	v9 =	vld [tilespmem:s0+$0x30];
	(erf) = vpow2.f32 v10;
	v12, v13, _ =	vpop (xrf1)  }
0xe7: {  	v14 =	vld [tilespmem:s0+$0x10];
	(xrf1) =	vsort.dscd.msk.f32 $0xffff, v11, v3;
	v5 =	vsel vm0, v12, v5;
	v8 =	vsel vm0, v13, v8;
	v11 =	vpop (erf)  }
0xe8: {  	v12 =	vld [tilespmem:s0+$0x20];
	(xrf1) =	vsort.dscd.msk.f32 $0xffff, v5, v8;
	v5 =	vnsel vm0, $0x0, v11  }
0xe9: {  	(xrf2) =	vadd.scan.msk.f32 $0xffff, v5;
	v5 =	vld [tilespmem:s0+$0x0]  }
0xea: {  	v8, v10, _ =	vpop (xrf1)  }
0xeb: {  	(xrf1) =	vsort.dscd.msk.f32 $0xffff, v9, v3;
	v8 =	vsub.f32 $0.0e+00, v8  }
0xec: {  	(xrf1) =	vsort.dscd.msk.f32 $0xffff, v14, v1  }
0xed: {  	(xrf1) =	vsort.dscd.msk.f32 $0xffff, v12, v2;
	v9, v12, _ =	vpop (xrf1);
	v8 =	vmul.f32 $1.442695020e+00, v8  }
0xee: {  	v13, v14, _ =	vpop (xrf1);
	(xrf1) =	vsort.dscd.msk.f32 $0xffff, v5, v0;
	v5 =	vperm.xlane v9, v4  }
0xef: {  	v9 =	vpop (erf);
	(erf) = vpow2.f32 v8;
	v8 =	vperm.xlane v12, v4  }
0xf0: {  	v12 =	vperm.xlane v13, v4;
	v13, v15, _ =	vpop (xrf1);
	v9 =	vadd.f32 $1.000000000e+00, v9;
	v14 =	vperm.xlane v14, v4  }
0xf1: {  	v5 =	vsel vm0, v13, v5;
	v8 =	vsel vm0, v15, v8;
	v13, v15, _ =	vpop (xrf1)  }
0xf2: {  	(erf) = vrcp.f32 v9;
	v9 =	vsel vm0, v15, v14  }
0xf3: {  	(xrf1) =	vsort.dscd.msk.f32 $0xffff, v5, v8;
	v8 =	vld [tilespmem:s22+$0xFFFFFF20];
	v5 =	vsel vm0, v13, v12  }
0xf4: {  	v12, _, _ =	vpop (xrf2)  }
0xf5: {  	(xrf1) =	vsort.dscd.msk.f32 $0xffff, v5, v9;
	v9, v13, _ =	vpop (xrf1)  }
0xf6: {  	v15, v16, _ =	vpop (xrf1)  }
0xf7: {  	v14 =	vld [tilespmem:s22+$0xFFFFFF00];
	v17, v5, _ =	vpop (xrf1)  }
0xf8: {  	(xrf1) =	vsort.dscd.msk.f32 $0xffff, v8, v2;
	v8 =	vpop (erf)  }
0xf9: {  	v18, v19, _ =	vpop (xrf1)  }
0xfa: {  	v26, v27, _ =	vpop (xrf1)  }
0xfb: {  	v12 =	vbroadcast v12, $0xF;
	v8 =	vadd.f32 $1.000000000e+00, v8;
	v18 =	vperm.xlane v18, v4;
	v29, v28, _ =	vpop (xrf1)  }
0xfc: {  	(xrf1) =	vsort.dscd.msk.f32 $0xffff, v14, v0;
	v19 =	vperm.xlane v19, v4;
	v14 =	vperm.xlane v26, v4;
	v23 =	vpop (erf)  }
0xfd: {  	(erf) = vrcp.f32 v8;
	v8 =	vperm.xlane v27, v4;
	v31, v32, _ =	vpop (xrf1)  }
0xfe: {  	v30 =	vnsel vm0, $0x0, v23;
	(erf) = vrcp.f32 v12;
	v12 =	vsel vm0, v31, v14  }
0xff: {  	v18 =	vsel vm0, v29, v18;
	v19 =	vsel vm0, v28, v19;
	(xrf2) =	vadd.scan.msk.f32 $0xffff, v30;
	v8 =	vsel vm0, v32, v8  }
0x100: {  	(xrf1) =	vsort.dscd.msk.f32 $0xffff, v18, v19  }
0x101: {  	v14 =	vsub.f32 $0.0e+00, v17  }
0x102: {  	(xrf1) =	vsort.dscd.msk.f32 $0xffff, v12, v8;
	v8, v12, _ =	vpop (xrf1)  }
0x103: {  	v14 =	vmul.f32 $1.442695020e+00, v14;
	v12 =	vperm.xlane v12, v4  }
0x104: {  	v17, v18, _ =	vpop (xrf1)  }
0x105: {  	v15 =	vperm.xlane v15, v4;
	v8 =	vperm.xlane v8, v4;
	v12 =	vsel vm0, v18, v12;
	_ =	sdelay $0x1  }
0x106: {  	v8 =	vsel vm0, v17, v8;
	v17 =	vpop (erf)  }
0x107: {  	(erf) = vpow2.f32 v14;
	(xrf1) =	vsort.dscd.msk.f32 $0xffff, v8, v12;
	v12, v14, _ =	vpop (xrf1)  }
0x108: {  	s19 =	simm.s32 $0x8090;
	v8 =	vnsel vm0, $0x0, v17;
	v12 =	vsel vm0, v12, v15;
	v15, _, _ =	vpop (xrf2)  }
0x109: {  	[tilespmem:s19+$0xFFFFFFF0] =	vst.msk $0xff, v6;
	(xrf2) =	vadd.scan.msk.f32 $0xffff, v8;
	v8 =	vperm.xlane v16, v4;
	v6 =	vbroadcast v15, $0xF  }
0x10a: {  	v11 =	vmul.f32 $2.500000000e+00, v11;
	v13 =	vperm.xlane v13, v4  }
0x10b: {  	v9 =	vperm.xlane v9, v4;
	v16 =	vpop (erf);
	v8 =	vsel vm0, v14, v8  }
0x10c: {  	v11 =	vmul.f32 v16, v11;
	v14, v15, _ =	vpop (xrf1);
	(xrf1) =	vsort.dscd.msk.f32 $0xffff, v12, v8  }
0x10d: {  	s20 =	simm.s32 $0x8910;
	v8 =	vsel vm0, v14, v9;
	v9 =	vsel vm0, v15, v13;
	(erf) = vrcp.f32 v6;
	v6, v12, _ =	vpop (xrf1)  }
0x10e: {  	[tilespmem:s20+$0xFFFFFFF0] =	vst.msk $0xff, v11;
	(xrf1) =	vsort.dscd.msk.f32 $0xffff, v8, v9;
	v8 =	vperm.xlane v12, v4  }
0x10f: {  	v11 =	vld [tilespmem:s21+$0xFFFFFFB0];
	v12, v13, _ =	vpop (xrf1)  }
0x110: {  	v9 =	vld [tilespmem:s21+$0xFFFFFF90];
	v6 =	vperm.xlane v6, v4;
	v8 =	vsel vm0, v13, v8  }
0x111: {  	v14 =	vld [tilespmem:s21+$0xFFFFFFA0]  }
0x112: {  	v6 =	vsel vm0, v12, v6;
	v12 =	vpop (erf)  }
0x113: {  	(xrf1) =	vsort.dscd.msk.f32 $0xffff, v6, v8;
	v6 =	vadd.f32 $1.000000000e+00, v12;
	v8, _, _ =	vpop (xrf2)  }
0x114: {  	v13 =	vld [tilespmem:s21+$0xFFFFFF80];
	(xrf1) =	vsort.dscd.msk.f32 $0xffff, v11, v3;
	v8 =	vbroadcast v8, $0xF  }
0x115: {  	(erf) = vrcp.f32 v6;
	(xrf1) =	vsort.dscd.msk.f32 $0xffff, v9, v1  }
0x116: {  	s24 =	simm.s32 $0xF00;
	(xrf1) =	vsort.dscd.msk.f32 $0xffff, v14, v2;
	(erf) = vrcp.f32 v8  }
0x117: {  	v12 =	vld [tilespmem:s24+$0xFFFFFF10];
	v9 =	vmul.f32 $2.500000000e+00, v23  }
0x118: {  	v11 =	vpop (erf)  }
0x119: {  	v9 =	vmul.f32 v11, v9;
	v6, v8, _ =	vpop (xrf1);
	(xrf1) =	vsort.dscd.msk.f32 $0xffff, v13, v0  }
0x11a: {  	[tilespmem:s15+$0xFFFFFFF8] =	vst.msk $0xff, v7;
	v13 =	vld [tilespmem:s24+$0xFFFFFF30];
	v6 =	vsub.f32 $0.0e+00, v6;
	v7, v11, _ =	vpop (xrf1)  }
0x11b: {  	[tilespmem:s16+$0xFFFFFFF8] =	vst.msk $0xff, v9;
	v9 =	vperm.xlane v11, v4  }
0x11c: {  	(xrf1) =	vsort.dscd.msk.f32 $0xffff, v12, v1;
	v7 =	vperm.xlane v7, v4;
	v12, v14, _ =	vpop (xrf1);
	v6 =	vmul.f32 $1.442695020e+00, v6  }
0x11d: {  	v11 =	vld [tilespmem:s29+$0x30];
	v9 =	vsel vm0, v14, v9  }
0x11e: {  	v7 =	vsel vm0, v12, v7;
	v12 =	vpop (erf);
	v14 =	vmul.f32 $2.500000000e+00, v17;
	(erf) = vpow2.f32 v6;
	v6 =	vld [tilespmem:s29+$0x10]  }
0x11f: {  	(xrf1) =	vsort.dscd.msk.f32 $0xffff, v13, v3;
	v13 =	vld [tilespmem:s29+$0x20];
	v15 =	vpop (erf)  }
0x120: {  	(xrf1) =	vsort.dscd.msk.f32 $0xffff, v7, v9;
	v7 =	vnsel vm0, $0x0, v12;
	v14 =	vmul.f32 v15, v14  }
0x121: {  	(xrf2) =	vadd.scan.msk.f32 $0xffff, v7;
	v16, v9, _ =	vpop (xrf1)  }
0x122: {  	v7 =	vld [tilespmem:s29+$0x0];
	(xrf1) =	vsort.dscd.msk.f32 $0xffff, v11, v3;
	v17, v18, _ =	vpop (xrf1);
	v11 =	vsub.f32 $0.0e+00, v16  }
0x123: {  	[tilespmem:s11+$0x0] =	vst.msk $0xff, v10;
	v15 =	vperm.xlane v17, v4;
	(xrf1) =	vsort.dscd.msk.f32 $0xffff, v6, v1;
	v6 =	vperm.xlane v18, v4;
	v10, v16, _ =	vpop (xrf1)  }
0x124: {  	[tilespmem:s12+$0x0] =	vst.msk $0xff, v14;
	(xrf1) =	vsort.dscd.msk.f32 $0xffff, v13, v2;
	v11 =	vmul.f32 $1.442695020e+00, v11;
	v13 =	vperm.xlane v16, v4;
	v14, v16, _ =	vpop (xrf1)  }
0x125: {  	v6 =	vsel vm0, v16, v6  }
0x126: {  	v17 =	vld [tilespmem:s1+$0xB0];
	(erf) = vpow2.f32 v11  }
0x127: {  	v10 =	vperm.xlane v10, v4;
	v14 =	vsel vm0, v14, v15;
	(xrf1) =	vsort.dscd.msk.f32 $0xffff, v7, v0;
	v7 =	vld [tilespmem:s1+$0x90];
	v15, v16, _ =	vpop (xrf1)  }
0x128: {  	(xrf1) =	vsort.dscd.msk.f32 $0xffff, v14, v6;
	v6 =	vpop (erf)  }
0x129: {  	v11 =	vld [tilespmem:s1+$0xA0];
	v10 =	vsel vm0, v15, v10;
	v13 =	vsel vm0, v16, v13;
	v6 =	vadd.f32 $1.000000000e+00, v6  }
0x12a: {  	(xrf1) =	vsort.dscd.msk.f32 $0xffff, v10, v13;
	v10 =	vld [tilespmem:s1+$0x80]  }
0x12b: {  	v13 =	vld [tilespmem:s24+$0xFFFFFF20];
	(xrf1) =	vsort.dscd.msk.f32 $0xffff, v17, v3;
	v14, _, _ =	vpop (xrf2)  }
0x12c: {  	(xrf1) =	vsort.dscd.msk.f32 $0xffff, v7, v1;
	v7, v15, _ =	vpop (xrf1)  }
0x12d: {  	(erf) = vrcp.f32 v6;
	v16, v17, _ =	vpop (xrf1)  }
0x12e: {  	(xrf1) =	vsort.dscd.msk.f32 $0xffff, v11, v2;
	v18, v6, _ =	vpop (xrf1)  }
0x12f: {  	(xrf1) =	vsort.dscd.msk.f32 $0xffff, v10, v0;
	v10 =	vpop (erf)  }
0x130: {  	v11 =	vld [tilespmem:s24+$0xFFFFFF00];
	(xrf1) =	vsort.dscd.msk.f32 $0xffff, v13, v2;
	v13 =	vbroadcast v14, $0xF;
	v14, v19, _ =	vpop (xrf1)  }
0x131: {  	v14 =	vperm.xlane v14, v4;
	v33, v34, _ =	vpop (xrf1)  }
0x132: {  	v10 =	vadd.f32 $1.000000000e+00, v10;
	v36, v35, _ =	vpop (xrf1)  }
0x133: {  	v19 =	vperm.xlane v19, v4;
	v14 =	vsel vm0, v36, v14  }
0x134: {  	v21 =	vperm.xlane v34, v4  }
0x135: {  	(xrf1) =	vsort.dscd.msk.f32 $0xffff, v11, v0;
	v11 =	vperm.xlane v33, v4;
	v19 =	vsel vm0, v35, v19;
	v39, v38, _ =	vpop (xrf1)  }
0x136: {  	(erf) = vrcp.f32 v10;
	v10 =	vpop (erf);
	(xrf1) =	vsort.dscd.msk.f32 $0xffff, v14, v19;
	v19 =	vsel vm0, v38, v21  }
0x137: {  	(erf) = vrcp.f32 v13;
	v11 =	vsel vm0, v39, v11;
	v13, v14, _ =	vpop (xrf1)  }
0x138: {  	v37 =	vnsel vm0, $0x0, v10;
	v13 =	vperm.xlane v13, v4  }
0x139: {  	(xrf2) =	vadd.scan.msk.f32 $0xffff, v37;
	v14 =	vperm.xlane v14, v4  }
0x13a: {  	(xrf1) =	vsort.dscd.msk.f32 $0xffff, v11, v19;
	v11, v19, _ =	vpop (xrf1)  }
0x13b: {  	v14 =	vsel vm0, v19, v14  }
0x13c: {  	v18 =	vsub.f32 $0.0e+00, v18;
	v11 =	vsel vm0, v11, v13;
	v13, v40, _ =	vpop (xrf1)  }
0x13d: {  	v13 =	vperm.xlane v13, v4;
	v19 =	vperm.xlane v40, v4;
	v42, v41, _ =	vpop (xrf1)  }
0x13e: {  	v18 =	vmul.f32 $1.442695020e+00, v18;
	(xrf1) =	vsort.dscd.msk.f32 $0xffff, v11, v14;
	v14, v43, _ =	vpop (xrf1)  }
0x13f: {  	v13 =	vsel vm0, v14, v13;
	v14 =	vsel vm0, v43, v19  }
0x140: {  	v44 =	vpop (erf);
	(erf) = vpow2.f32 v18  }
0x141: {  	v18 =	vnsel vm0, $0x0, v44;
	v11 =	vperm.xlane v42, v4;
	v21 =	vperm.xlane v41, v4  }
0x142: {  	v16 =	vperm.xlane v16, v4;
	(xrf2) =	vadd.scan.msk.f32 $0xffff, v18;
	v19, v20, _ =	vpop (xrf1)  }
0x143: {  	(xrf1) =	vsort.dscd.msk.f32 $0xffff, v13, v14;
	v11 =	vsel vm0, v19, v11;
	v18 =	vsel vm0, v20, v21;
	v13, v14, _ =	vpop (xrf1)  }
0x144: {  	s25 =	simm.s32 $0x80B0;
	(xrf1) =	vsort.dscd.msk.f32 $0xffff, v11, v18;
	v11 =	vsel vm0, v13, v16;
	v13, _, _ =	vpop (xrf2)  }
0x145: {  	[tilespmem:s25+$0xFFFFFFF0] =	vst.msk $0xff, v5;
	v17 =	vperm.xlane v17, v4;
	v5 =	vbroadcast v13, $0xF  }
0x146: {  	v12 =	vmul.f32 $2.500000000e+00, v12;
	v19 =	vpop (erf)  }
0x147: {  	v7 =	vperm.xlane v7, v4;
	v15 =	vperm.xlane v15, v4;
	v14 =	vsel vm0, v14, v17;
	v13, v16, _ =	vpop (xrf1)  }
0x148: {  	v12 =	vmul.f32 v19, v12  }
0x149: {  	(xrf1) =	vsort.dscd.msk.f32 $0xffff, v11, v14;
	v7 =	vsel vm0, v13, v7;
	v11 =	vsel vm0, v16, v15;
	(erf) = vrcp.f32 v5;
	v5, v13, _ =	vpop (xrf1)  }
0x14a: {  	s26 =	simm.s32 $0x8930;
	(xrf1) =	vsort.dscd.msk.f32 $0xffff, v7, v11;
	v7 =	vperm.xlane v13, v4  }
0x14b: {  	[tilespmem:s26+$0xFFFFFFF0] =	vst.msk $0xff, v12;
	v13, v14, _ =	vpop (xrf1)  }
0x14c: {  	v12 =	vld [tilespmem:s23+$0xFFFFFFB0];
	v5 =	vperm.xlane v5, v4;
	v7 =	vsel vm0, v14, v7  }
0x14d: {  	v11 =	vld [tilespmem:s23+$0xFFFFFF90]  }
0x14e: {  	v5 =	vsel vm0, v13, v5;
	v13 =	vpop (erf)  }
0x14f: {  	v15 =	vld [tilespmem:s23+$0xFFFFFFA0];
	(xrf1) =	vsort.dscd.msk.f32 $0xffff, v5, v7;
	v7, _, _ =	vpop (xrf2)  }
0x150: {  	v5 =	vadd.f32 $1.000000000e+00, v13  }
0x151: {  	(xrf1) =	vsort.dscd.msk.f32 $0xffff, v12, v3;
	v12 =	vbroadcast v7, $0xF;
	v13, v7, _ =	vpop (xrf1)  }
0x152: {  	(erf) = vrcp.f32 v5;
	v5 =	vmul.f32 $2.500000000e+00, v10;
	(xrf1) =	vsort.dscd.msk.f32 $0xffff, v11, v1;
	v10, v11, _ =	vpop (xrf1)  }
0x153: {  	v14 =	vld [tilespmem:s23+$0xFFFFFF80];
	v10 =	vperm.xlane v10, v4  }
0x154: {  	(xrf1) =	vsort.dscd.msk.f32 $0xffff, v15, v2;
	v15, v16, _ =	vpop (xrf1)  }
0x155: {  	v10 =	vsel vm0, v15, v10  }
0x156: {  	(erf) = vrcp.f32 v12;
	v13 =	vsub.f32 $0.0e+00, v13;
	v11 =	vperm.xlane v11, v4  }
0x157: {  	v12 =	vpop (erf)  }
0x158: {  	s30 =	simm.s32 $0x1100;
	(xrf1) =	vsort.dscd.msk.f32 $0xffff, v14, v0;
	v5 =	vmul.f32 v12, v5;
	v11 =	vsel vm0, v16, v11  }
0x159: {  	[tilespmem:s17+$0xFFFFFFF8] =	vst.msk $0xff, v8;
	v14 =	vld [tilespmem:s30+$0xFFFFFF10];
	(xrf1) =	vsort.dscd.msk.f32 $0xffff, v10, v11;
	v8, v10, _ =	vpop (xrf1)  }
0x15a: {  	v17 =	vld [tilespmem:s30+$0xFFFFFF30];
	[tilespmem:s18+$0xFFFFFFF8] =	vst.msk $0xff, v5;
	v5 =	vperm.xlane v8, v4;
	v8 =	vperm.xlane v10, v4  }
0x15b: {  	v11 =	vmul.f32 $1.442695020e+00, v13;
	v12, v13, _ =	vpop (xrf1)  }
0x15c: {  	v8 =	vsel vm0, v13, v8;
	_ =	sdelay $0x1  }
0x15d: {  	(xrf1) =	vsort.dscd.msk.f32 $0xffff, v14, v1;
	v10 =	vld [tilespmem:s28+$0x30];
	v5 =	vsel vm0, v12, v5;
	v12 =	vpop (erf)  }
0x15e: {  	(erf) = vpow2.f32 v11;
	v11 =	vld [tilespmem:s28+$0x10];
	v14 =	vmul.f32 $2.500000000e+00, v44;
	(xrf1) =	vsort.dscd.msk.f32 $0xffff, v17, v3;
	v15 =	vpop (erf)  }
0x15f: {  	v13 =	vld [tilespmem:s28+$0x20];
	(xrf1) =	vsort.dscd.msk.f32 $0xffff, v5, v8;
	v16, v8, _ =	vpop (xrf1)  }
0x160: {  	v5 =	vnsel vm0, $0x0, v12;
	v14 =	vmul.f32 v15, v14;
	v17, v18, _ =	vpop (xrf1)  }
0x161: {  	(xrf2) =	vadd.scan.msk.f32 $0xffff, v5;
	v5 =	vld [tilespmem:s28+$0x0];
	v15 =	vperm.xlane v17, v4  }
0x162: {  	(xrf1) =	vsort.dscd.msk.f32 $0xffff, v10, v3  }
0x163: {  	[tilespmem:s14+$0x0] =	vst.msk $0xff, v9;
	v10 =	vsub.f32 $0.0e+00, v16;
	(xrf1) =	vsort.dscd.msk.f32 $0xffff, v11, v1;
	v9 =	vperm.xlane v18, v4;
	v11, v16, _ =	vpop (xrf1)  }
0x164: {  	[tilespmem:s13+$0x0] =	vst.msk $0xff, v14;
	(xrf1) =	vsort.dscd.msk.f32 $0xffff, v13, v2;
	v11 =	vperm.xlane v11, v4;
	v13 =	vperm.xlane v16, v4;
	v14, v16, _ =	vpop (xrf1)  }
0x165: {  	v14 =	vsel vm0, v14, v15;
	v9 =	vsel vm0, v16, v9;
	v15, v16, _ =	vpop (xrf1)  }
0x166: {  	v10 =	vmul.f32 $1.442695020e+00, v10;
	(xrf1) =	vsort.dscd.msk.f32 $0xffff, v5, v0;
	v5 =	vsel vm0, v15, v11  }
0x167: {  	v17 =	vld [tilespmem:s0+$0xB0];
	v11 =	vsel vm0, v16, v13  }
0x168: {  	(erf) = vpow2.f32 v10;
	v10 =	vld [tilespmem:s0+$0x90];
	(xrf1) =	vsort.dscd.msk.f32 $0xffff, v14, v9;
	v9 =	vpop (erf)  }
0x169: {  	v9 =	vadd.f32 $1.000000000e+00, v9  }
0x16a: {  	v13 =	vld [tilespmem:s0+$0xA0];
	(xrf1) =	vsort.dscd.msk.f32 $0xffff, v5, v11;
	v11, v5, _ =	vpop (xrf1)  }
0x16b: {  	(erf) = vrcp.f32 v9;
	v9 =	vsub.f32 $0.0e+00, v11  }
0x16c: {  	(xrf1) =	vsort.dscd.msk.f32 $0xffff, v17, v3  }
0x16d: {  	v14 =	vld [tilespmem:s0+$0x80];
	(xrf1) =	vsort.dscd.msk.f32 $0xffff, v10, v1;
	v11, _, _ =	vpop (xrf2);
	v10 =	vmul.f32 $1.442695020e+00, v9  }
0x16e: {  	v15, v16, _ =	vpop (xrf1)  }
0x16f: {  	(xrf1) =	vsort.dscd.msk.f32 $0xffff, v13, v2;
	v13 =	vld [tilespmem:s30+$0xFFFFFF20];
	v17, v18, _ =	vpop (xrf1)  }
0x170: {  	v45, v9, _ =	vpop (xrf1)  }
0x171: {  	v19 =	vld [tilespmem:s30+$0xFFFFFF00];
	(erf) = vpow2.f32 v10;
	v10 =	vpop (erf)  }
0x172: {  	(xrf1) =	vsort.dscd.msk.f32 $0xffff, v14, v0;
	v14, v46, _ =	vpop (xrf1)  }
0x173: {  	v10 =	vadd.f32 $1.000000000e+00, v10;
	v14 =	vperm.xlane v14, v4;
	v48, v47, _ =	vpop (xrf1)  }
0x174: {  	(xrf1) =	vsort.dscd.msk.f32 $0xffff, v13, v2;
	v21 =	vperm.xlane v46, v4;
	v13, v24, _ =	vpop (xrf1)  }
0x175: {  	(erf) = vrcp.f32 v10;
	v10 =	vbroadcast v11, $0xF;
	v11 =	vsel vm0, v13, v14  }
0x176: {  	(xrf1) =	vsort.dscd.msk.f32 $0xffff, v19, v0;
	v19 =	vpop (erf);
	v14 =	vperm.xlane v48, v4  }
0x177: {  	v13 =	vsel vm0, v24, v21;
	v52, v51, _ =	vpop (xrf1)  }
0x178: {  	v49 =	vperm.xlane v47, v4;
	v50 =	vnsel vm0, $0x0, v19;
	(xrf1) =	vsort.dscd.msk.f32 $0xffff, v11, v13;
	v13 =	vsel vm0, v52, v14  }
0x179: {  	(xrf2) =	vadd.scan.msk.f32 $0xffff, v50;
	(erf) = vrcp.f32 v10;
	v10, v11, _ =	vpop (xrf1)  }
0x17a: {  	v14 =	vsel vm0, v51, v49;
	v54, v53, _ =	vpop (xrf1)  }
0x17b: {  	(xrf1) =	vsort.dscd.msk.f32 $0xffff, v13, v14;
	v14 =	vsub.f32 $0.0e+00, v45;
	v13 =	vpop (erf)  }
0x17c: {  	v10 =	vperm.xlane v10, v4;
	v11 =	vperm.xlane v11, v4;
	v56, v55, _ =	vpop (xrf1)  }
0x17d: {  	v14 =	vmul.f32 $1.442695020e+00, v14;
	v13 =	vadd.f32 $1.000000000e+00, v13;
	v23 =	vperm.xlane v55, v4;
	v57, v25, _ =	vpop (xrf1)  }
0x17e: {  	v20 =	vperm.xlane v56, v4;
	v10 =	vsel vm0, v54, v10;
	v58, v59, _ =	vpop (xrf1)  }
0x17f: {  	v11 =	vsel vm0, v53, v11;
	(erf) = vrcp.f32 v13;
	v13 =	vsel vm0, v59, v23  }
0x180: {  	(xrf1) =	vsort.dscd.msk.f32 $0xffff, v10, v11;
	v11 =	vsel vm0, v58, v20  }
0x181: {  	v17 =	vperm.xlane v17, v4;
	v10 =	vpop (erf);
	(xrf1) =	vsort.dscd.msk.f32 $0xffff, v11, v13;
	v11 =	vperm.xlane v57, v4  }
0x182: {  	v61 =	vperm.xlane v25, v4;
	(erf) = vpow2.f32 v14;
	v13, v14, _ =	vpop (xrf1)  }
0x183: {  	v60 =	vnsel vm0, $0x0, v10;
	v11 =	vsel vm0, v13, v11;
	v13, _, _ =	vpop (xrf2)  }
0x184: {  	v18 =	vperm.xlane v18, v4;
	(xrf2) =	vadd.scan.msk.f32 $0xffff, v60;
	v14 =	vsel vm0, v14, v61;
	v13 =	vbroadcast v13, $0xF  }
0x185: {  	s31 =	simm.s32 $0x80D0;
	v22, v23, _ =	vpop (xrf1);
	(xrf1) =	vsort.dscd.msk.f32 $0xffff, v11, v14;
	v14 =	vperm.xlane v16, v4  }
0x186: {  	[tilespmem:s31+$0xFFFFFFF0] =	vst.msk $0xff, v6;
	v15 =	vperm.xlane v15, v4;
	v11 =	vsel vm0, v22, v17;
	v6 =	vsel vm0, v23, v18;
	v16, v17, _ =	vpop (xrf1)  }
0x187: {  	v12 =	vmul.f32 $2.500000000e+00, v12;
	v14 =	vsel vm0, v17, v14  }
0x188: {  	v62 =	vpop (erf);
	(xrf1) =	vsort.dscd.msk.f32 $0xffff, v11, v6;
	v11 =	vsel vm0, v16, v15  }
0x189: {  	v12 =	vmul.f32 v62, v12;
	(erf) = vrcp.f32 v13;
	v6, v13, _ =	vpop (xrf1)  }
0x18a: {  	s0 =	simm.s32 $0x8950;
	v15 =	vperm.xlane v6, v4  }
0x18b: {  	[tilespmem:s0+$0xFFFFFFF0] =	vst.msk $0xff, v12;
	(xrf1) =	vsort.dscd.msk.f32 $0xffff, v11, v14;
	v11, v14, _ =	vpop (xrf1)  }
0x18c: {  	v12 =	vld [tilespmem:s22+$0xFFFFFFB0];
	v13 =	vperm.xlane v13, v4;
	v6 =	vpop (erf);
	v11 =	vsel vm0, v11, v15  }
0x18d: {  	v17 =	vnsel vm0, $0x0, v6  }
0x18e: {  	v16 =	vld [tilespmem:s22+$0xFFFFFF90];
	v13 =	vsel vm0, v14, v13;
	(xrf2) =	vadd.scan.msk.f32 $0xffff, v17  }
0x18f: {  	v18 =	vld [tilespmem:s22+$0xFFFFFFA0];
	(xrf1) =	vsort.dscd.msk.f32 $0xffff, v11, v13;
	v11, _, _ =	vpop (xrf2)  }
0x190: {  	v63 =	vpop (erf);
	v14 =	vld [tilespmem:s22+$0xFFFFFF80];
	v15 =	vbroadcast v11, $0xF  }
0x191: {  	v13 =	vadd.f32 $1.000000000e+00, v63;
	(xrf1) =	vsort.dscd.msk.f32 $0xffff, v12, v3;
	_ =	sdelay $0x1  }
0x192: {  	(erf) = vrcp.f32 v13;
	v12, v11, _ =	vpop (xrf1);
	(xrf1) =	vsort.dscd.msk.f32 $0xffff, v16, v1  }
0x193: {  	v13 =	vmul.f32 $2.500000000e+00, v19;
	(xrf1) =	vsort.dscd.msk.f32 $0xffff, v18, v2;
	(erf) = vrcp.f32 v15;
	v15, v16, _ =	vpop (xrf1)  }
0x194: {  	s8 =	simm.s32 $0x1300;
	s1 =	simm.s32 $0x20;
	(xrf1) =	vsort.dscd.msk.f32 $0xffff, v14, v0;
	v14 =	vpop (erf);
	v15 =	vperm.xlane v15, v4;
	v16 =	vperm.xlane v16, v4  }
.LBB2_2:
0x195: {  	v17 =	vld [tilespmem:s8+$0xFFFFFF10];
	v12 =	vsub.f32 $0.0e+00, v12;
	v18, v19, _ =	vpop (xrf1)  }
0x196: {  	v21 =	vmul.f32 v14, v13;
	v20 =	vld [tilespmem:s8+$0xFFFFFF30];
	v14 =	vsel vm0, v18, v15;
	v15 =	vsel vm0, v19, v16  }
0x197: {  	v16, v18, _ =	vpop (xrf1);
	[tilespmem:s19+$0xFFFFFFF8] =	vst.msk $0xff, v7;
	(xrf1) =	vsort.dscd.msk.f32 $0xffff, v14, v15;
	v7 =	vmov v11  }
0x198: {  	v12 =	vmul.f32 $1.442695020e+00, v12;
	v19 =	vperm.xlane v16, v4;
	[tilespmem:s20+$0xFFFFFFF8] =	vst.msk $0xff, v21;
	v13, _, _ =	vpop (xrf2)  }
0x199: {  	v21 =	vperm.xlane v18, v4;
	v15 =	vld [tilespmem:s21+$0x30];
	v13 =	vbroadcast v13, $0xF  }
0x19a: {  	(xrf1) =	vsort.dscd.msk.f32 $0xffff, v17, v1;
	v16, v17, _ =	vpop (xrf1);
	(erf) = vpow2.f32 v12;
	v12 =	vld [tilespmem:s21+$0x10]  }
0x19b: {  	(xrf1) =	vsort.dscd.msk.f32 $0xffff, v20, v3;
	v19 =	vsel vm0, v16, v19;
	v21 =	vsel vm0, v17, v21;
	v11 =	vpop (erf);
	v17 =	vld [tilespmem:s21+$0x20];
	(erf) = vrcp.f32 v13  }
0x19c: {  	v10 =	vmul.f32 $2.500000000e+00, v10;
	(xrf1) =	vsort.dscd.msk.f32 $0xffff, v19, v21;
	v13 =	vnsel vm0, $0x0, v11;
	v14 =	vpop (erf)  }
0x19d: {  	(xrf2) =	vadd.scan.msk.f32 $0xffff, v13;
	v13 =	vld [tilespmem:s21+$0x0];
	v16, v18, _ =	vpop (xrf1)  }
0x19e: {  	v10 =	vmul.f32 v14, v10;
	v19, v20, _ =	vpop (xrf1);
	(xrf1) =	vsort.dscd.msk.f32 $0xffff, v15, v3;
	v15 =	vsub.f32 $0.0e+00, v16  }
0x19f: {  	v14 =	vperm.xlane v19, v4;
	(xrf1) =	vsort.dscd.msk.f32 $0xffff, v12, v1;
	[tilespmem:s15+$0x0] =	vst.msk $0xff, v8;
	v8 =	vmov v18  }
0x1a0: {  	v21 =	vperm.xlane v20, v4;
	v16, v18, _ =	vpop (xrf1);
	(xrf1) =	vsort.dscd.msk.f32 $0xffff, v17, v2;
	v15 =	vmul.f32 $1.442695020e+00, v15;
	[tilespmem:s16+$0x0] =	vst.msk $0xff, v10  }
0x1a1: {  	v10 =	vperm.xlane v16, v4;
	v16 =	vperm.xlane v18, v4;
	v17, v18, _ =	vpop (xrf1);
	v19 =	vld [tilespmem:s29+$0xB0]  }
0x1a2: {  	v14 =	vsel vm0, v17, v14;
	v20 =	vsel vm0, v18, v21;
	v17, v18, _ =	vpop (xrf1);
	(xrf1) =	vsort.dscd.msk.f32 $0xffff, v13, v0;
	(erf) = vpow2.f32 v15;
	v13 =	vld [tilespmem:s29+$0x90]  }
0x1a3: {  	v6 =	vmul.f32 $2.500000000e+00, v6;
	v10 =	vsel vm0, v17, v10;
	v15 =	vsel vm0, v18, v16;
	(xrf1) =	vsort.dscd.msk.f32 $0xffff, v14, v20;
	v12 =	vpop (erf);
	v14 =	vld [tilespmem:s29+$0xA0]  }
0x1a4: {  	(xrf1) =	vsort.dscd.msk.f32 $0xffff, v10, v15;
	v10 =	vadd.f32 $1.000000000e+00, v12;
	v12 =	vpop (erf)  }
0x1a5: {  	v15 =	vld [tilespmem:s29+$0x80];
	v16, v17, _ =	vpop (xrf1);
	v20 =	vmul.f32 v12, v6;
	s29 =	smov.u32 s28;
	s28 =	smov.u32 s21;
	s21 =	smov.u32 s23  }
0x1a6: {  	v12 =	vld [tilespmem:s8+$0xFFFFFF20];
	(erf) = vrcp.f32 v10;
	(xrf1) =	vsort.dscd.msk.f32 $0xffff, v19, v3;
	v10 =	vsub.f32 $0.0e+00, v16;
	[tilespmem:s11+$0x8] =	vst.msk $0xff, v5;
	v5 =	vmovc v17;
	s11 =	smov.u32 s14;
	s14 =	smov.u32 s15;
	s15 =	smov.u32 s17  }
0x1a7: {  	s17 =	smov.u32 s19;
	s19 =	smov.u32 s25;
	s25 =	smov.u32 s31;
	v16, _, _ =	vpop (xrf2);
	(xrf1) =	vsort.dscd.msk.f32 $0xffff, v13, v1;
	[tilespmem:s12+$0x8] =	vst.msk $0xff, v20  }
0x1a8: {  	s12 =	smov.u32 s13;
	s13 =	smov.u32 s16;
	s16 =	smov.u32 s18;
	v6, v13, _ =	vpop (xrf1);
	(xrf1) =	vsort.dscd.msk.f32 $0xffff, v14, v2;
	v21 =	vmul.f32 $1.442695020e+00, v10  }
0x1a9: {  	s18 =	smov.u32 s20;
	s20 =	smov.u32 s26;
	s26 =	smov.u32 s0;
	v14 =	vld [tilespmem:s8+$0xFFFFFF00];
	v17, v18, _ =	vpop (xrf1)  }
0x1aa: {  	s23 =	smov.u32 s22;
	s22 =	smov.u32 s24;
	s24 =	smov.u32 s30;
	v19, v20, _ =	vpop (xrf1);
	(xrf1) =	vsort.dscd.msk.f32 $0xffff, v15, v0;
	(erf) = vpow2.f32 v21  }
0x1ab: {  	s30 =	smov.u32 s8;
	(xrf1) =	vsort.dscd.msk.f32 $0xffff, v12, v2;
	v10 =	vpop (erf)  }
0x1ac: {  	v12 =	vbroadcast v16, $0xF;
	v15, v16, _ =	vpop (xrf1);
	v10 =	vadd.f32 $1.000000000e+00, v10  }
0x1ad: {  	v26 =	vperm.xlane v15, v4;
	v16 =	vperm.xlane v16, v4;
	v21, v22, _ =	vpop (xrf1)  }
0x1ae: {  	(xrf1) =	vsort.dscd.msk.f32 $0xffff, v14, v0;
	v14 =	vperm.xlane v21, v4;
	v21, v23, _ =	vpop (xrf1);
	(erf) = vrcp.f32 v10  }
0x1af: {  	v24 =	vpop (erf)  }
0x1b0: {  	v25 =	vsel vm0, v21, v26;
	v21 =	vnsel vm0, $0x0, v24  }
0x1b1: {  	v10 =	vperm.xlane v22, v4;
	v16 =	vsel vm0, v23, v16  }
0x1b2: {  	v22, v23, _ =	vpop (xrf1);
	(xrf1) =	vsort.dscd.msk.f32 $0xffff, v25, v16  }
0x1b3: {  	(erf) = vrcp.f32 v12;
	v12, v15, _ =	vpop (xrf1);
	(xrf2) =	vadd.scan.msk.f32 $0xffff, v21;
	v14 =	vsel vm0, v22, v14;
	v10 =	vsel vm0, v23, v10  }
0x1b4: {  	v16 =	vsub.f32 $0.0e+00, v19;
	v12 =	vperm.xlane v12, v4;
	v19, v21, _ =	vpop (xrf1);
	(xrf1) =	vsort.dscd.msk.f32 $0xffff, v14, v10  }
0x1b5: {  	v14 =	vperm.xlane v17, v4;
	v10 =	vperm.xlane v15, v4;
	v15 =	vpop (erf)  }
0x1b6: {  	v16 =	vmul.f32 $1.442695020e+00, v16;
	v12 =	vsel vm0, v19, v12;
	v17, v19, _ =	vpop (xrf1);
	v15 =	vadd.f32 $1.000000000e+00, v15  }
0x1b7: {  	v25 =	vsel vm0, v21, v10;
	v17 =	vperm.xlane v17, v4;
	v19 =	vperm.xlane v19, v4;
	v21, v22, _ =	vpop (xrf1)  }
0x1b8: {  	(xrf1) =	vsort.dscd.msk.f32 $0xffff, v12, v25;
	v12 =	vperm.xlane v21, v4;
	v21, v23, _ =	vpop (xrf1)  }
0x1b9: {  	v19 =	vsel vm0, v23, v19  }
0x1ba: {  	(erf) = vrcp.f32 v15;
	v17 =	vsel vm0, v21, v17  }
0x1bb: {  	v15 =	vperm.xlane v22, v4;
	v10 =	vpop (erf)  }
0x1bc: {  	v18 =	vperm.xlane v18, v4;
	(erf) = vpow2.f32 v16;
	v23 =	vnsel vm0, $0x0, v10;
	v21, v22, _ =	vpop (xrf1);
	(xrf1) =	vsort.dscd.msk.f32 $0xffff, v17, v19  }
0x1bd: {  	v11 =	vmul.f32 $2.500000000e+00, v11;
	(xrf2) =	vadd.scan.msk.f32 $0xffff, v23;
	v12 =	vsel vm0, v21, v12;
	v21 =	vsel vm0, v22, v15;
	v17, v19, _ =	vpop (xrf1)  }
0x1be: {  	v6 =	vperm.xlane v6, v4;
	v16 =	vpop (erf);
	(xrf1) =	vsort.dscd.msk.f32 $0xffff, v12, v21  }
0x1bf: {  	s31 =	sadd.s32 $0x20, s31;
	v12 =	vsel vm0, v17, v14;
	v18 =	vsel vm0, v19, v18;
	v11 =	vmul.f32 v16, v11;
	v15, _, _ =	vpop (xrf2)  }
0x1c0: {  	s0 =	sadd.s32 $0x20, s0;
	v13 =	vperm.xlane v13, v4;
	v16, v17, _ =	vpop (xrf1);
	(xrf1) =	vsort.dscd.msk.f32 $0xffff, v12, v18;
	[tilespmem:s31+$0xFFFFFFF0] =	vst.msk $0xff, v9;
	v15 =	vbroadcast v15, $0xF  }
0x1c1: {  	v9 =	vmov v20;
	[tilespmem:s0+$0xFFFFFFF0] =	vst.msk $0xff, v11  }
0x1c2: {  	v18 =	vsel vm0, v16, v6;
	v11 =	vsel vm0, v17, v13;
	v13 =	vld [tilespmem:s22+$0xFFFFFFB0];
	(erf) = vrcp.f32 v15;
	v12, v14, _ =	vpop (xrf1)  }
0x1c3: {  	s1 =	sadd.s32 $0x4, s1;
	(xrf1) =	vsort.dscd.msk.f32 $0xffff, v18, v11;
	v11 =	vperm.xlane v12, v4;
	v12 =	vperm.xlane v14, v4;
	v6 =	vpop (erf)  }
0x1c4: {  	v15, v16, _ =	vpop (xrf1)  }
0x1c5: {  	p0 =	slt.u32 s1, $0xFC;
	v14 =	vld [tilespmem:s22+$0xFFFFFF90];
	v17 =	vnsel vm0, $0x0, v6;
	v11 =	vsel vm0, v15, v11  }
0x1c6: {  	v18 =	vpop (erf);
	v19 =	vld [tilespmem:s22+$0xFFFFFFA0];
	v12 =	vsel vm0, v16, v12;
	(xrf2) =	vadd.scan.msk.f32 $0xffff, v17  }
0x1c7: {  	v15 =	vld [tilespmem:s22+$0xFFFFFF80];
	(xrf1) =	vsort.dscd.msk.f32 $0xffff, v11, v12  }
.Ltmp0:
0x1c8: {  	v20 =	vadd.f32 $1.000000000e+00, v18;
	(xrf1) =	vsort.dscd.msk.f32 $0xffff, v13, v3;
	v13, _, _ =	vpop (xrf2);
	(pc) =	sbr.rel @p0 .LBB2_2-.Ltmp0, $4  }
0x1c9: {  	v18 =	vbroadcast v13, $0xF;
	v12, v11, _ =	vpop (xrf1)  }
0x1ca: {  	(erf) = vrcp.f32 v20;
	(xrf1) =	vsort.dscd.msk.f32 $0xffff, v14, v1  }
0x1cb: {  	v13 =	vmul.f32 $2.500000000e+00, v24;
	(xrf1) =	vsort.dscd.msk.f32 $0xffff, v19, v2;
	(erf) = vrcp.f32 v18;
	v16, v17, _ =	vpop (xrf1)  }
0x1cc: {  	s8 =	sadd.s32 $0x200, s8;
	(xrf1) =	vsort.dscd.msk.f32 $0xffff, v15, v0;
	v14 =	vpop (erf);
	v15 =	vperm.xlane v16, v4;
	v16 =	vperm.xlane v17, v4  }
0x1cd: {  	_ = 	snop  }
0x1ce: {  	v12 =	vsub.f32 $0.0e+00, v12;
	v13 =	vmul.f32 v14, v13  }
0x1cf: {  	v17, v18, _ =	vpop (xrf1);
	[tilespmem:s19+$0xFFFFFFF8] =	vst.msk $0xff, v7  }
0x1d0: {  	v43 =	vsel vm0, v17, v15;
	v44 =	vsel vm0, v18, v16;
	v7, v45, _ =	vpop (xrf1);
	v12 =	vmul.f32 $1.442695020e+00, v12;
	[tilespmem:s20+$0xFFFFFFF8] =	vst.msk $0xff, v13  }
0x1d1: {  	(xrf1) =	vsort.dscd.msk.f32 $0xffff, v43, v44;
	v7 =	vperm.xlane v7, v4;
	v46 =	vperm.xlane v45, v4;
	v47 =	vld [tilespmem:s21+$0x30]  }
0x1d2: {  	v50 =	vld [tilespmem:s21+$0x10];
	v48, v49, _ =	vpop (xrf1)  }
0x1d3: {  	v51 =	vld [tilespmem:s21+$0x20];
	(erf) = vpow2.f32 v12;
	v7 =	vsel vm0, v48, v7;
	v13 =	vsel vm0, v49, v46;
	v15 =	vpop (erf)  }
0x1d4: {  	v52, _, _ =	vpop (xrf2);
	(xrf1) =	vsort.dscd.msk.f32 $0xffff, v7, v13;
	v7 =	vnsel vm0, $0x0, v15  }
0x1d5: {  	v54 =	vmul.f32 $2.500000000e+00, v10;
	v53 =	vbroadcast v52, $0xF;
	(xrf2) =	vadd.scan.msk.f32 $0xffff, v7;
	v55, v10, _ =	vpop (xrf1)  }
0x1d6: {  	v19 =	vpop (erf);
	v7 =	vld [tilespmem:s21+$0x0];
	(xrf1) =	vsort.dscd.msk.f32 $0xffff, v47, v3;
	v56 =	vsub.f32 $0.0e+00, v55  }
0x1d7: {  	(erf) = vrcp.f32 v53;
	v58, v57, _ =	vpop (xrf1);
	(xrf1) =	vsort.dscd.msk.f32 $0xffff, v50, v1  }
0x1d8: {  	v17 =	vmul.f32 v19, v54;
	v61, v60, _ =	vpop (xrf1);
	(xrf1) =	vsort.dscd.msk.f32 $0xffff, v51, v2;
	v14 =	vmul.f32 $1.442695020e+00, v56  }
0x1d9: {  	[tilespmem:s15+$0x0] =	vst.msk $0xff, v8;
	v59 =	vperm.xlane v58, v4;
	v62 =	vperm.xlane v57, v4  }
0x1da: {  	[tilespmem:s16+$0x0] =	vst.msk $0xff, v17;
	v8 =	vperm.xlane v61, v4;
	v24, v63, _ =	vpop (xrf1);
	(erf) = vpow2.f32 v14  }
0x1db: {  	v25 =	vld [tilespmem:s29+$0xB0];
	v13 =	vperm.xlane v60, v4;
	v20, v21, _ =	vpop (xrf1);
	(xrf1) =	vsort.dscd.msk.f32 $0xffff, v7, v0;
	v7 =	vsel vm0, v24, v59  }
0x1dc: {  	v27 =	vld [tilespmem:s29+$0x90];
	v26 =	vsel vm0, v63, v62;
	v28 =	vpop (erf)  }
0x1dd: {  	v8 =	vsel vm0, v20, v8;
	v13 =	vsel vm0, v21, v13;
	(xrf1) =	vsort.dscd.msk.f32 $0xffff, v7, v26;
	v16 =	vadd.f32 $1.000000000e+00, v28  }
0x1de: {  	v29 =	vld [tilespmem:s29+$0xA0];
	(xrf1) =	vsort.dscd.msk.f32 $0xffff, v8, v13  }
0x1df: {  	(erf) = vrcp.f32 v16;
	v31, v7, _ =	vpop (xrf1)  }
0x1e0: {  	v30 =	vld [tilespmem:s29+$0x80];
	(xrf1) =	vsort.dscd.msk.f32 $0xffff, v25, v3;
	v32 =	vsub.f32 $0.0e+00, v31  }
0x1e1: {  	v8 =	vpop (erf);
	(xrf1) =	vsort.dscd.msk.f32 $0xffff, v27, v1  }
0x1e2: {  	v16 =	vmul.f32 $1.442695020e+00, v32;
	v34, v12, _ =	vpop (xrf1)  }
0x1e3: {  	(xrf1) =	vsort.dscd.msk.f32 $0xffff, v29, v2;
	v35 =	vpop (erf)  }
0x1e4: {  	(erf) = vpow2.f32 v16;
	v37, v36, _ =	vpop (xrf1)  }
0x1e5: {  	(xrf1) =	vsort.dscd.msk.f32 $0xffff, v30, v0;
	v18 =	vperm.xlane v36, v4;
	v39, v38, _ =	vpop (xrf1)  }
0x1e6: {  	v16 =	vperm.xlane v37, v4;
	v40, v22, _ =	vpop (xrf1)  }
0x1e7: {  	v33, _, _ =	vpop (xrf2);
	v13 =	vadd.f32 $1.000000000e+00, v35;
	v18 =	vsel vm0, v22, v18  }
0x1e8: {  	v19 =	vperm.xlane v39, v4;
	v41 =	vperm.xlane v38, v4;
	v23 =	vpop (erf);
	v16 =	vsel vm0, v40, v16  }
0x1e9: {  	(erf) = vrcp.f32 v13;
	v42 =	vnsel vm0, $0x0, v23;
	v43, v44, _ =	vpop (xrf1);
	(xrf1) =	vsort.dscd.msk.f32 $0xffff, v16, v18  }
0x1ea: {  	v14 =	vbroadcast v33, $0xF;
	(xrf2) =	vadd.scan.msk.f32 $0xffff, v42;
	v45 =	vsel vm0, v43, v19;
	v13 =	vsel vm0, v44, v41  }
0x1eb: {  	(xrf1) =	vsort.dscd.msk.f32 $0xffff, v45, v13;
	v16, v18, _ =	vpop (xrf1)  }
0x1ec: {  	(erf) = vrcp.f32 v14;
	v49, v48, _ =	vpop (xrf1)  }
0x1ed: {  	v50 =	vpop (erf)  }
0x1ee: {  	v47 =	vperm.xlane v16, v4;
	v52, v51, _ =	vpop (xrf1)  }
0x1ef: {  	v46 =	vsub.f32 $0.0e+00, v34;
	v18 =	vperm.xlane v18, v4;
	v16 =	vperm.xlane v52, v4;
	v55, v54, _ =	vpop (xrf1)  }
0x1f0: {  	v19 =	vadd.f32 $1.000000000e+00, v50;
	v53 =	vperm.xlane v51, v4;
	v21 =	vperm.xlane v54, v4  }
0x1f1: {  	v13 =	vmul.f32 $1.442695020e+00, v46;
	v14 =	vsel vm0, v49, v47;
	v17 =	vsel vm0, v48, v18;
	v57, v58, _ =	vpop (xrf1)  }
0x1f2: {  	(xrf1) =	vsort.dscd.msk.f32 $0xffff, v14, v17;
	(erf) = vrcp.f32 v19;
	v59 =	vpop (erf);
	v16 =	vsel vm0, v57, v16;
	v60 =	vsel vm0, v58, v53  }
0x1f3: {  	v56 =	vperm.xlane v55, v4;
	(erf) = vpow2.f32 v13;
	v61 =	vnsel vm0, $0x0, v59;
	v18, v20, _ =	vpop (xrf1);
	(xrf1) =	vsort.dscd.msk.f32 $0xffff, v16, v60  }
0x1f4: {  	v15 =	vmul.f32 $2.500000000e+00, v15;
	(xrf2) =	vadd.scan.msk.f32 $0xffff, v61;
	v63 =	vsel vm0, v20, v21;
	v21, _, _ =	vpop (xrf2)  }
0x1f5: {  	v62 =	vsel vm0, v18, v56;
	v20 =	vpop (erf);
	v13 =	vbroadcast v21, $0xF  }
0x1f6: {  	s29 =	sadd.s32 $0x20, s31;
	(xrf1) =	vsort.dscd.msk.f32 $0xffff, v62, v63;
	v22 =	vmul.f32 v20, v15  }
0x1f7: {  	s1 =	sadd.s32 $0x20, s0;
	[tilespmem:s29+$0xFFFFFFF0] =	vst.msk $0xff, v9;
	(erf) = vrcp.f32 v13;
	v24, v25, _ =	vpop (xrf1)  }
0x1f8: {  	[tilespmem:s1+$0xFFFFFFF0] =	vst.msk $0xff, v22;
	v26 =	vperm.xlane v24, v4;
	v13 =	vperm.xlane v25, v4  }
0x1f9: {  	v14 =	vld [tilespmem:s24+$0xFFFFFFB0];
	v28, v29, _ =	vpop (xrf1)  }
0x1fa: {  	v15 =	vsel vm0, v28, v26;
	v13 =	vsel vm0, v29, v13  }
0x1fb: {  	v27 =	vld [tilespmem:s24+$0xFFFFFF90];
	v9 =	vpop (erf);
	(xrf1) =	vsort.dscd.msk.f32 $0xffff, v15, v13  }
0x1fc: {  	v30 =	vld [tilespmem:s24+$0xFFFFFFA0];
	v31 =	vnsel vm0, $0x0, v9;
	v32 =	vpop (erf)  }
0x1fd: {  	v33 =	vld [tilespmem:s24+$0xFFFFFF80];
	(xrf2) =	vadd.scan.msk.f32 $0xffff, v31;
	v34 =	vadd.f32 $1.000000000e+00, v32  }
0x1fe: {  	(xrf1) =	vsort.dscd.msk.f32 $0xffff, v14, v3;
	v35, _, _ =	vpop (xrf2)  }
0x1ff: {  	v14 =	vbroadcast v35, $0xF;
	(erf) = vrcp.f32 v34  }
0x200: {  	v37 =	vmul.f32 $2.500000000e+00, v23;
	(xrf1) =	vsort.dscd.msk.f32 $0xffff, v27, v1;
	v36, v13, _ =	vpop (xrf1)  }
0x201: {  	(xrf1) =	vsort.dscd.msk.f32 $0xffff, v30, v2;
	(erf) = vrcp.f32 v14;
	v40 =	vpop (erf)  }
0x202: {  	v39, v38, _ =	vpop (xrf1);
	(xrf1) =	vsort.dscd.msk.f32 $0xffff, v33, v0;
	v16 =	vmul.f32 v40, v37  }
0x203: {  	[tilespmem:s25+$0xFFFFFFF8] =	vst.msk $0xff, v11;
	v14 =	vperm.xlane v39, v4  }
0x204: {  	v15 =	vsub.f32 $0.0e+00, v36;
	v17 =	vperm.xlane v38, v4;
	v41, v42, _ =	vpop (xrf1);
	[tilespmem:s26+$0xFFFFFFF8] =	vst.msk $0xff, v16  }
0x205: {  	v14 =	vsel vm0, v41, v14;
	v44 =	vld [tilespmem:s23+$0x30]  }
0x206: {  	v43 =	vmul.f32 $1.442695020e+00, v15;
	v17 =	vsel vm0, v42, v17;
	v45 =	vld [tilespmem:s23+$0x10]  }
0x207: {  	(xrf1) =	vsort.dscd.msk.f32 $0xffff, v14, v17;
	v46 =	vld [tilespmem:s23+$0x20];
	v47, _, _ =	vpop (xrf2)  }
0x208: {  	(erf) = vpow2.f32 v43;
	v16 =	vpop (erf)  }
0x209: {  	v19 =	vmul.f32 $2.500000000e+00, v59;
	v50 =	vld [tilespmem:s23+$0x0];
	v51, v14, _ =	vpop (xrf1)  }
0x20a: {  	v52 =	vpop (erf);
	(xrf1) =	vsort.dscd.msk.f32 $0xffff, v44, v3;
	v53 =	vsub.f32 $0.0e+00, v51  }
0x20b: {  	v49 =	vbroadcast v47, $0xF;
	v19 =	vmul.f32 v52, v19;
	(xrf1) =	vsort.dscd.msk.f32 $0xffff, v45, v1  }
0x20c: {  	[tilespmem:s17+$0x0] =	vst.msk $0xff, v10;
	v55, v54, _ =	vpop (xrf1);
	(xrf1) =	vsort.dscd.msk.f32 $0xffff, v46, v2;
	v15 =	vmul.f32 $1.442695020e+00, v53  }
0x20d: {  	(erf) = vrcp.f32 v49;
	v56 =	vperm.xlane v55, v4;
	[tilespmem:s18+$0x0] =	vst.msk $0xff, v19  }
0x20e: {  	v58, v57, _ =	vpop (xrf1);
	v59 =	vperm.xlane v54, v4;
	v62 =	vld [tilespmem:s28+$0xB0];
	(xrf1) =	vsort.dscd.msk.f32 $0xffff, v50, v0;
	(erf) = vpow2.f32 v15  }
0x20f: {  	v48 =	vnsel vm0, $0x0, v16;
	v10 =	vperm.xlane v58, v4;
	v61, v60, _ =	vpop (xrf1);
	v20 =	vperm.xlane v57, v4;
	v25 =	vld [tilespmem:s28+$0x90]  }
0x210: {  	(xrf2) =	vadd.scan.msk.f32 $0xffff, v48;
	v11 =	vsel vm0, v61, v56;
	v21 =	vsel vm0, v60, v59;
	v63, v24, _ =	vpop (xrf1)  }
0x211: {  	v26 =	vpop (erf);
	v28 =	vld [tilespmem:s28+$0xA0];
	(xrf1) =	vsort.dscd.msk.f32 $0xffff, v11, v21;
	v10 =	vsel vm0, v63, v10;
	v27 =	vsel vm0, v24, v20  }
0x212: {  	v29 =	vadd.f32 $1.000000000e+00, v26;
	(xrf1) =	vsort.dscd.msk.f32 $0xffff, v10, v27  }
0x213: {  	v30 =	vld [tilespmem:s28+$0x80];
	(xrf1) =	vsort.dscd.msk.f32 $0xffff, v62, v3  }
0x214: {  	(erf) = vrcp.f32 v29;
	(xrf1) =	vsort.dscd.msk.f32 $0xffff, v25, v1  }
0x215: {  	v19, v10, _ =	vpop (xrf1)  }
0x216: {  	v11 =	vpop (erf);
	(xrf1) =	vsort.dscd.msk.f32 $0xffff, v28, v2;
	v19 =	vsub.f32 $0.0e+00, v19  }
0x217: {  	v33 =	vpop (erf)  }
0x218: {  	(xrf1) =	vsort.dscd.msk.f32 $0xffff, v30, v0;
	v31 =	vmul.f32 $1.442695020e+00, v19;
	v35, v34, _ =	vpop (xrf1)  }
0x219: {  	v15 =	vadd.f32 $1.000000000e+00, v33;
	v18 =	vperm.xlane v35, v4;
	v19 =	vperm.xlane v34, v4;
	v37, v36, _ =	vpop (xrf1)  }
0x21a: {  	(erf) = vpow2.f32 v31;
	v20 =	vperm.xlane v37, v4;
	v39, v38, _ =	vpop (xrf1)  }
0x21b: {  	v32, _, _ =	vpop (xrf2);
	v21 =	vperm.xlane v36, v4;
	v18 =	vsel vm0, v39, v18;
	v19 =	vsel vm0, v38, v19  }
0x21c: {  	v17 =	vbroadcast v32, $0xF;
	(erf) = vrcp.f32 v15;
	v42, v41, _ =	vpop (xrf1);
	(xrf1) =	vsort.dscd.msk.f32 $0xffff, v18, v19  }
0x21d: {  	v43 =	vsel vm0, v42, v20;
	v44 =	vsel vm0, v41, v21;
	v15 =	vpop (erf)  }
0x21e: {  	(erf) = vrcp.f32 v17;
	(xrf1) =	vsort.dscd.msk.f32 $0xffff, v43, v44;
	v40 =	vnsel vm0, $0x0, v15  }
0x21f: {  	v45, v46, _ =	vpop (xrf1);
	(xrf2) =	vadd.scan.msk.f32 $0xffff, v40  }
0x220: {  	v47 =	vperm.xlane v45, v4;
	v48, v49, _ =	vpop (xrf1)  }
0x221: {  	v20 =	vperm.xlane v46, v4;
	v52, v51, _ =	vpop (xrf1)  }
0x222: {  	v17 =	vsel vm0, v48, v47;
	v55, v54, _ =	vpop (xrf1)  }
0x223: {  	v19 =	vsel vm0, v49, v20;
	v18 =	vperm.xlane v52, v4;
	v53 =	vperm.xlane v51, v4;
	v50 =	vpop (erf)  }
0x224: {  	v16 =	vmul.f32 $2.500000000e+00, v16;
	(xrf1) =	vsort.dscd.msk.f32 $0xffff, v17, v19;
	v57, v58, _ =	vpop (xrf1);
	v21 =	vadd.f32 $1.000000000e+00, v50  }
0x225: {  	v56 =	vperm.xlane v55, v4;
	v18 =	vsel vm0, v57, v18;
	v60 =	vsel vm0, v58, v53;
	v59 =	vpop (erf)  }
0x226: {  	v23 =	vperm.xlane v54, v4;
	v63, v62, _ =	vpop (xrf1);
	(xrf1) =	vsort.dscd.msk.f32 $0xffff, v18, v60;
	(erf) = vrcp.f32 v21;
	v61 =	vnsel vm0, $0x0, v59  }
0x227: {  	(xrf2) =	vadd.scan.msk.f32 $0xffff, v61;
	v26 =	vpop (erf)  }
0x228: {  	s28 =	sadd.s32 $0x20, s29;
	v17 =	vsel vm0, v63, v56;
	v25 =	vsel vm0, v62, v23;
	v16 =	vmul.f32 v26, v16  }
0x229: {  	s8 =	sadd.s32 $0x20, s1;
	[tilespmem:s28+$0xFFFFFFF0] =	vst.msk $0xff, v12;
	(xrf1) =	vsort.dscd.msk.f32 $0xffff, v17, v25;
	v27, _, _ =	vpop (xrf2)  }
0x22a: {  	[tilespmem:s8+$0xFFFFFFF0] =	vst.msk $0xff, v16;
	v17 =	vbroadcast v27, $0xF;
	v28, v29, _ =	vpop (xrf1)  }
0x22b: {  	v30 =	vld [tilespmem:s30+$0xFFFFFFB0];
	v31 =	vperm.xlane v28, v4;
	v16 =	vperm.xlane v29, v4  }
0x22c: {  	v33, v34, _ =	vpop (xrf1);
	(erf) = vrcp.f32 v17  }
0x22d: {  	v32 =	vld [tilespmem:s30+$0xFFFFFF90];
	v18 =	vsel vm0, v33, v31;
	v16 =	vsel vm0, v34, v16  }
0x22e: {  	v36 =	vld [tilespmem:s30+$0xFFFFFFA0];
	(xrf1) =	vsort.dscd.msk.f32 $0xffff, v18, v16  }
0x22f: {  	v12 =	vpop (erf)  }
0x230: {  	v37 =	vld [tilespmem:s30+$0xFFFFFF80];
	v35 =	vnsel vm0, $0x0, v12;
	(xrf1) =	vsort.dscd.msk.f32 $0xffff, v30, v3  }
0x231: {  	(xrf2) =	vadd.scan.msk.f32 $0xffff, v35;
	v38, _, _ =	vpop (xrf2)  }
0x232: {  	(xrf1) =	vsort.dscd.msk.f32 $0xffff, v32, v1;
	v39 =	vbroadcast v38, $0xF  }
0x233: {  	v40, v16, _ =	vpop (xrf1);
	(xrf1) =	vsort.dscd.msk.f32 $0xffff, v36, v2  }
0x234: {  	v15 =	vmul.f32 $2.500000000e+00, v15;
	v42, v41, _ =	vpop (xrf1);
	(erf) = vrcp.f32 v39  }
0x235: {  	(xrf1) =	vsort.dscd.msk.f32 $0xffff, v37, v0;
	v17 =	vperm.xlane v42, v4;
	v43 =	vpop (erf)  }
0x236: {  	v20 =	vperm.xlane v41, v4;
	v15 =	vmul.f32 v43, v15  }
0x237: {  	[tilespmem:s31+$0xFFFFFFF8] =	vst.msk $0xff, v13;
	v45, v44, _ =	vpop (xrf1)  }
0x238: {  	v17 =	vsel vm0, v45, v17;
	v46 =	vsel vm0, v44, v20;
	[tilespmem:s0+$0xFFFFFFF8] =	vst.msk $0xff, v15  }
0x239: {  	v47 =	vsub.f32 $0.0e+00, v40;
	(xrf1) =	vsort.dscd.msk.f32 $0xffff, v17, v46;
	v15 =	vld [tilespmem:s22+$0x30]  }
0x23a: {  	v48 =	vld [tilespmem:s22+$0x10]  }
0x23b: {  	v13 =	vmul.f32 $1.442695020e+00, v47;
	v49 =	vld [tilespmem:s22+$0x20];
	v50, _, _ =	vpop (xrf2)  }
0x23c: {  	v53 =	vld [tilespmem:s22+$0x0];
	v51 =	vbroadcast v50, $0xF;
	v54, v17, _ =	vpop (xrf1)  }
0x23d: {  	v52 =	vmul.f32 $2.500000000e+00, v59;
	(erf) = vpow2.f32 v13;
	v55 =	vpop (erf)  }
0x23e: {  	v56 =	vsub.f32 $0.0e+00, v54;
	(erf) = vrcp.f32 v51;
	v58, v57, _ =	vpop (xrf1);
	(xrf1) =	vsort.dscd.msk.f32 $0xffff, v15, v3  }
0x23f: {  	v20 =	vmul.f32 v55, v52;
	v13 =	vperm.xlane v58, v4;
	(xrf1) =	vsort.dscd.msk.f32 $0xffff, v48, v1  }
0x240: {  	v60, v59, _ =	vpop (xrf1);
	v61 =	vperm.xlane v57, v4;
	v15 =	vmul.f32 $1.442695020e+00, v56;
	(xrf1) =	vsort.dscd.msk.f32 $0xffff, v49, v2  }
0x241: {  	[tilespmem:s19+$0x0] =	vst.msk $0xff, v14;
	v14 =	vperm.xlane v60, v4;
	v18 =	vperm.xlane v59, v4;
	v63, v62, _ =	vpop (xrf1);
	(xrf1) =	vsort.dscd.msk.f32 $0xffff, v53, v0  }
0x242: {  	[tilespmem:s20+$0x0] =	vst.msk $0xff, v20;
	v13 =	vsel vm0, v63, v13;
	v25 =	vsel vm0, v62, v61;
	(erf) = vpow2.f32 v15  }
0x243: {  	v24 =	vld [tilespmem:s21+$0xB0];
	v27, v26, _ =	vpop (xrf1);
	(xrf1) =	vsort.dscd.msk.f32 $0xffff, v13, v25  }
0x244: {  	v28 =	vld [tilespmem:s21+$0x90];
	v14 =	vsel vm0, v27, v14;
	v18 =	vsel vm0, v26, v18  }
0x245: {  	v30 =	vld [tilespmem:s21+$0xA0];
	(xrf1) =	vsort.dscd.msk.f32 $0xffff, v14, v18;
	_ =	sdelay $0x1  }
0x246: {  	v32, v13, _ =	vpop (xrf1)  }
0x247: {  	v29 =	vpop (erf);
	(xrf1) =	vsort.dscd.msk.f32 $0xffff, v24, v3;
	v18 =	vsub.f32 $0.0e+00, v32  }
0x248: {  	v31 =	vadd.f32 $1.000000000e+00, v29;
	(xrf1) =	vsort.dscd.msk.f32 $0xffff, v28, v1  }
0x249: {  	v33 =	vld [tilespmem:s21+$0x80];
	v14 =	vpop (erf);
	v18 =	vmul.f32 $1.442695020e+00, v18;
	(xrf1) =	vsort.dscd.msk.f32 $0xffff, v30, v2  }
0x24a: {  	(erf) = vrcp.f32 v31;
	v34 =	vpop (erf)  }
0x24b: {  	(erf) = vpow2.f32 v18;
	v36, v35, _ =	vpop (xrf1)  }
0x24c: {  	v37 =	vperm.xlane v35, v4;
	v39, v38, _ =	vpop (xrf1)  }
0x24d: {  	v15 =	vadd.f32 $1.000000000e+00, v34;
	v40, v41, _ =	vpop (xrf1);
	v42 =	vperm.xlane v38, v4  }
0x24e: {  	(xrf1) =	vsort.dscd.msk.f32 $0xffff, v33, v0;
	v18 =	vperm.xlane v36, v4;
	v19 =	vsel vm0, v41, v37;
	v43, v44, _ =	vpop (xrf1)  }
0x24f: {  	(erf) = vrcp.f32 v15;
	v20 =	vperm.xlane v39, v4;
	v15 =	vsel vm0, v44, v42  }
0x250: {  	v18 =	vsel vm0, v40, v18;
	v48, v49, _ =	vpop (xrf1)  }
0x251: {  	(xrf1) =	vsort.dscd.msk.f32 $0xffff, v18, v19;
	v46 =	vsel vm0, v43, v20;
	v22 =	vperm.xlane v49, v4  }
0x252: {  	(xrf1) =	vsort.dscd.msk.f32 $0xffff, v46, v15;
	v50 =	vperm.xlane v48, v4;
	v15, v19, _ =	vpop (xrf1)  }
0x253: {  	v45 =	vpop (erf);
	v19 =	vsel vm0, v19, v22  }
0x254: {  	v47 =	vnsel vm0, $0x0, v45;
	v51 =	vpop (erf);
	v15 =	vsel vm0, v15, v50  }
0x255: {  	(xrf2) =	vadd.scan.msk.f32 $0xffff, v47;
	v53, v52, _ =	vpop (xrf1)  }
0x256: {  	v54, v25, _ =	vpop (xrf1);
	v56 =	vperm.xlane v52, v4  }
0x257: {  	v55 =	vperm.xlane v53, v4;
	(xrf1) =	vsort.dscd.msk.f32 $0xffff, v15, v19;
	v15, v19, _ =	vpop (xrf1)  }
0x258: {  	v57 =	vpop (erf);
	v19 =	vsel vm0, v19, v56  }
0x259: {  	v26 =	vnsel vm0, $0x0, v57;
	v15 =	vsel vm0, v15, v55  }
0x25a: {  	(xrf2) =	vadd.scan.msk.f32 $0xffff, v26  }
0x25b: {  	v21 =	vadd.f32 $1.000000000e+00, v51;
	v20 =	vperm.xlane v54, v4;
	v58 =	vperm.xlane v25, v4  }
0x25c: {  	(xrf1) =	vsort.dscd.msk.f32 $0xffff, v15, v19;
	v15, v19, _ =	vpop (xrf1)  }
0x25d: {  	(erf) = vrcp.f32 v21;
	v15 =	vsel vm0, v15, v20;
	v19 =	vsel vm0, v19, v58  }
0x25e: {  	(xrf1) =	vsort.dscd.msk.f32 $0xffff, v15, v19  }
0x25f: {  	v59, _, _ =	vpop (xrf2)  }
0x260: {  	v61, v60, _ =	vpop (xrf1);
	v15 =	vbroadcast v59, $0xF  }
0x261: {  	v19 =	vperm.xlane v61, v4;
	v20 =	vperm.xlane v60, v4  }
0x262: {  	v62, v63, _ =	vpop (xrf1);
	(erf) = vrcp.f32 v15  }
0x263: {  	v25 =	vsel vm0, v62, v19;
	v26 =	vsel vm0, v63, v20  }
0x264: {  	(xrf1) =	vsort.dscd.msk.f32 $0xffff, v25, v26;
	v27, _, _ =	vpop (xrf2)  }
0x265: {  	v28 =	vbroadcast v27, $0xF  }
0x266: {  	v15 =	vpop (erf)  }
0x267: {  	v30, v20, _ =	vpop (xrf1);
	(erf) = vrcp.f32 v28  }
0x268: {  	v29 =	vnsel vm0, $0x0, v15;
	v19 =	vsub.f32 $0.0e+00, v30  }
0x269: {  	(xrf2) =	vadd.scan.msk.f32 $0xffff, v29  }
0x26a: {  	v18 =	vmul.f32 $2.500000000e+00, v45;
	v19 =	vmul.f32 $1.442695020e+00, v19;
	v31, v32, _ =	vpop (xrf1)  }
0x26b: {  	v21 =	vperm.xlane v31, v4;
	v22 =	vperm.xlane v32, v4;
	v33 =	vpop (erf)  }
0x26c: {  	(erf) = vpow2.f32 v19;
	v18 =	vmul.f32 v33, v18;
	v35, v34, _ =	vpop (xrf1)  }
0x26d: {  	[tilespmem:s29+$0xFFFFFFF8] =	vst.msk $0xff, v16;
	v21 =	vsel vm0, v35, v21;
	v22 =	vsel vm0, v34, v22  }
0x26e: {  	[tilespmem:s1+$0xFFFFFFF8] =	vst.msk $0xff, v18;
	(xrf1) =	vsort.dscd.msk.f32 $0xffff, v21, v22  }
0x26f: {  	v36 =	vmul.f32 $2.500000000e+00, v57;
	v18 =	vld [tilespmem:s24+$0x30]  }
0x270: {  	v37 =	vpop (erf);
	v38 =	vld [tilespmem:s24+$0x10]  }
0x271: {  	v16 =	vmul.f32 v37, v36  }
0x272: {  	[tilespmem:s25+$0x0] =	vst.msk $0xff, v17;
	v41 =	vld [tilespmem:s24+$0x20];
	v39, v23, _ =	vpop (xrf1)  }
0x273: {  	v43 =	vld [tilespmem:s24+$0x0];
	v40, _, _ =	vpop (xrf2);
	v22 =	vsub.f32 $0.0e+00, v39;
	[tilespmem:s26+$0x0] =	vst.msk $0xff, v16  }
0x274: {  	v42 =	vbroadcast v40, $0xF;
	v45 =	vld [tilespmem:s23+$0xB0];
	(xrf1) =	vsort.dscd.msk.f32 $0xffff, v18, v3  }
0x275: {  	v46 =	vld [tilespmem:s23+$0x90];
	v44 =	vmul.f32 $1.442695020e+00, v22;
	v47 =	vpop (erf);
	(xrf1) =	vsort.dscd.msk.f32 $0xffff, v38, v1  }
0x276: {  	(erf) = vrcp.f32 v42;
	v48 =	vld [tilespmem:s23+$0xA0];
	v16 =	vadd.f32 $1.000000000e+00, v47  }
0x277: {  	(erf) = vpow2.f32 v44;
	(xrf1) =	vsort.dscd.msk.f32 $0xffff, v41, v2  }
0x278: {  	v49 =	vld [tilespmem:s23+$0x80];
	(xrf1) =	vsort.dscd.msk.f32 $0xffff, v43, v0;
	(erf) = vrcp.f32 v16  }
0x279: {  	(xrf1) =	vsort.dscd.msk.f32 $0xffff, v45, v3  }
0x27a: {  	(xrf1) =	vsort.dscd.msk.f32 $0xffff, v46, v1  }
0x27b: {  	(xrf1) =	vsort.dscd.msk.f32 $0xffff, v48, v2  }
0x27c: {  	v50, v16, _ =	vpop (xrf1)  }
0x27d: {  	(xrf1) =	vsort.dscd.msk.f32 $0xffff, v49, v0;
	v51 =	vsub.f32 $0.0e+00, v50;
	_ =	sdelay $0x1  }
0x27e: {  	v17 =	vpop (erf);
	v18 =	vmul.f32 $1.442695020e+00, v51  }
0x27f: {  	v52 =	vpop (erf)  }
0x280: {  	v19 =	vadd.f32 $1.000000000e+00, v52;
	v53 =	vpop (erf);
	(erf) = vpow2.f32 v18  }
0x281: {  	v55, v54, _ =	vpop (xrf1)  }
0x282: {  	v56 =	vnsel vm0, $0x0, v53;
	v18 =	vperm.xlane v55, v4;
	v58, v57, _ =	vpop (xrf1);
	(erf) = vrcp.f32 v19  }
0x283: {  	(xrf2) =	vadd.scan.msk.f32 $0xffff, v56;
	v21 =	vperm.xlane v54, v4;
	v25 =	vperm.xlane v57, v4  }
0x284: {  	v59 =	vperm.xlane v58, v4;
	v61, v60, _ =	vpop (xrf1)  }
0x285: {  	v18 =	vsel vm0, v61, v18;
	v21 =	vsel vm0, v60, v21;
	v62, v63, _ =	vpop (xrf1)  }
0x286: {  	(xrf1) =	vsort.dscd.msk.f32 $0xffff, v18, v21;
	v28 =	vsel vm0, v62, v59;
	v29, v30, _ =	vpop (xrf1);
	v31 =	vsel vm0, v63, v25  }
0x287: {  	v21 =	vperm.xlane v29, v4;
	v22 =	vperm.xlane v30, v4;
	(xrf1) =	vsort.dscd.msk.f32 $0xffff, v28, v31;
	v25, v26, _ =	vpop (xrf1)  }
0x288: {  	v18, v24, _ =	vpop (xrf1);
	v34 =	vperm.xlane v25, v4  }
0x289: {  	v26 =	vperm.xlane v26, v4;
	v18 =	vsel vm0, v18, v21;
	v32 =	vsel vm0, v24, v22;
	v27 =	vpop (erf)  }
0x28a: {  	(xrf1) =	vsort.dscd.msk.f32 $0xffff, v18, v32;
	v38, v37, _ =	vpop (xrf1)  }
0x28b: {  	v33 =	vadd.f32 $1.000000000e+00, v27;
	v35 =	vpop (erf);
	v39 =	vsel vm0, v38, v34;
	v40 =	vsel vm0, v37, v26  }
0x28c: {  	v36 =	vnsel vm0, $0x0, v35;
	(xrf1) =	vsort.dscd.msk.f32 $0xffff, v39, v40  }
0x28d: {  	v41, _, _ =	vpop (xrf2);
	(erf) = vrcp.f32 v33;
	(xrf2) =	vadd.scan.msk.f32 $0xffff, v36  }
0x28e: {  	v18 =	vbroadcast v41, $0xF;
	_ =	sdelay $0x1  }
0x28f: {  	(erf) = vrcp.f32 v18;
	_ =	sdelay $0x3  }
0x290: {  	v43, v42, _ =	vpop (xrf1)  }
0x291: {  	v44, v45, _ =	vpop (xrf1)  }
0x292: {  	v18 =	vpop (erf)  }
0x293: {  	v19 =	vmul.f32 $2.500000000e+00, v53;
	v46, _, _ =	vpop (xrf2)  }
0x294: {  	v21 =	vperm.xlane v43, v4;
	v22 =	vperm.xlane v42, v4;
	v28, v29, _ =	vpop (xrf1)  }
0x295: {  	v30 =	vpop (erf);
	v27 =	vbroadcast v46, $0xF;
	v28 =	vperm.xlane v28, v4  }
0x296: {  	v29 =	vperm.xlane v29, v4;
	v19 =	vmul.f32 v30, v19  }
0x297: {  	[tilespmem:s28+$0xFFFFFFF8] =	vst.msk $0xff, v20;
	v21 =	vsel vm0, v44, v21;
	v22 =	vsel vm0, v45, v22;
	(erf) = vrcp.f32 v27;
	v47, v48, _ =	vpop (xrf1)  }
0x298: {  	(xrf1) =	vsort.dscd.msk.f32 $0xffff, v21, v22;
	[tilespmem:s8+$0xFFFFFFF8] =	vst.msk $0xff, v19;
	v49 =	vsel vm0, v47, v28;
	v50 =	vsel vm0, v48, v29  }
0x299: {  	v19 =	vld [tilespmem:s30+$0x30];
	(xrf1) =	vsort.dscd.msk.f32 $0xffff, v49, v50  }
0x29a: {  	v51 =	vnsel vm0, $0x0, v18;
	v52 =	vld [tilespmem:s30+$0x10]  }
0x29b: {  	(xrf2) =	vadd.scan.msk.f32 $0xffff, v51;
	v53 =	vld [tilespmem:s30+$0x20];
	_ =	sdelay $0x1  }
0x29c: {  	v54 =	vld [tilespmem:s30+$0x0]  }
0x29d: {  	(xrf1) =	vsort.dscd.msk.f32 $0xffff, v19, v3  }
0x29e: {  	v55 =	vmul.f32 $2.500000000e+00, v35;
	(xrf1) =	vsort.dscd.msk.f32 $0xffff, v52, v1  }
0x29f: {  	(xrf1) =	vsort.dscd.msk.f32 $0xffff, v53, v2;
	v56 =	vpop (erf)  }
0x2a0: {  	v19 =	vmul.f32 v56, v55  }
0x2a1: {  	[tilespmem:s31+$0x0] =	vst.msk $0xff, v23;
	(xrf1) =	vsort.dscd.msk.f32 $0xffff, v54, v0  }
0x2a2: {  	[tilespmem:s0+$0x0] =	vst.msk $0xff, v19  }
0x2a3: {  	v57 =	vld [tilespmem:s22+$0xB0]  }
0x2a4: {  	v58, _, _ =	vpop (xrf2);
	v59 =	vld [tilespmem:s22+$0x90]  }
0x2a5: {  	v60, v24, _ =	vpop (xrf1);
	v23 =	vld [tilespmem:s22+$0xA0]  }
0x2a6: {  	v61 =	vsub.f32 $0.0e+00, v60;
	v62, v19, _ =	vpop (xrf1)  }
0x2a7: {  	v21 =	vbroadcast v58, $0xF;
	v63 =	vld [tilespmem:s22+$0x80];
	v26 =	vsub.f32 $0.0e+00, v62  }
0x2a8: {  	v25 =	vmul.f32 $1.442695020e+00, v61;
	(xrf1) =	vsort.dscd.msk.f32 $0xffff, v57, v3  }
0x2a9: {  	(erf) = vrcp.f32 v21;
	(xrf1) =	vsort.dscd.msk.f32 $0xffff, v59, v1;
	v30 =	vmul.f32 $1.442695020e+00, v26  }
0x2aa: {  	(erf) = vpow2.f32 v25;
	(xrf1) =	vsort.dscd.msk.f32 $0xffff, v23, v2  }
0x2ab: {  	v32, v31, _ =	vpop (xrf1);
	(erf) = vpow2.f32 v30  }
0x2ac: {  	(xrf1) =	vsort.dscd.msk.f32 $0xffff, v63, v0;
	v20 =	vperm.xlane v32, v4;
	v21 =	vperm.xlane v31, v4;
	v33, v34, _ =	vpop (xrf1)  }
0x2ad: {  	v22 =	vperm.xlane v33, v4;
	v36, v35, _ =	vpop (xrf1)  }
0x2ae: {  	v23 =	vperm.xlane v34, v4;
	v20 =	vsel vm0, v36, v20;
	v21 =	vsel vm0, v35, v21  }
0x2af: {  	v37, v38, _ =	vpop (xrf1);
	(xrf1) =	vsort.dscd.msk.f32 $0xffff, v20, v21  }
0x2b0: {  	v39 =	vsel vm0, v37, v22;
	v40 =	vsel vm0, v38, v23  }
0x2b1: {  	(xrf1) =	vsort.dscd.msk.f32 $0xffff, v39, v40;
	_ =	sdelay $0x1  }
0x2b2: {  	v20 =	vpop (erf)  }
0x2b3: {  	v41 =	vpop (erf)  }
0x2b4: {  	v42 =	vpop (erf)  }
0x2b5: {  	v21 =	vadd.f32 $1.000000000e+00, v41;
	v44, v43, _ =	vpop (xrf1)  }
0x2b6: {  	v23 =	vperm.xlane v44, v4;
	v25 =	vperm.xlane v43, v4;
	v46, v45, _ =	vpop (xrf1)  }
0x2b7: {  	(erf) = vrcp.f32 v21;
	v47 =	vadd.f32 $1.000000000e+00, v42;
	v48 =	vperm.xlane v46, v4;
	v50, v49, _ =	vpop (xrf1)  }
0x2b8: {  	v27 =	vperm.xlane v45, v4;
	v23 =	vsel vm0, v50, v23;
	v25 =	vsel vm0, v49, v25  }
0x2b9: {  	v51, v52, _ =	vpop (xrf1);
	(xrf1) =	vsort.dscd.msk.f32 $0xffff, v23, v25  }
0x2ba: {  	(erf) = vrcp.f32 v47;
	v53 =	vsel vm0, v51, v48;
	v54 =	vsel vm0, v52, v27  }
0x2bb: {  	(xrf1) =	vsort.dscd.msk.f32 $0xffff, v53, v54  }
0x2bc: {  	v21, v22, _ =	vpop (xrf1)  }
0x2bd: {  	v21 =	vperm.xlane v21, v4;
	v22 =	vperm.xlane v22, v4  }
0x2be: {  	v23, v25, _ =	vpop (xrf1)  }
0x2bf: {  	v21 =	vsel vm0, v23, v21;
	v22 =	vsel vm0, v25, v22  }
0x2c0: {  	(xrf1) =	vsort.dscd.msk.f32 $0xffff, v21, v22  }
0x2c1: {  	v55 =	vpop (erf)  }
0x2c2: {  	v56 =	vnsel vm0, $0x0, v55  }
0x2c3: {  	(xrf2) =	vadd.scan.msk.f32 $0xffff, v56;
	v21 =	vpop (erf)  }
0x2c4: {  	v57 =	vnsel vm0, $0x0, v21  }
0x2c5: {  	(xrf2) =	vadd.scan.msk.f32 $0xffff, v57;
	_ =	sdelay $0x1  }
0x2c6: {  	v59, v58, _ =	vpop (xrf1)  }
0x2c7: {  	v23 =	vperm.xlane v59, v4;
	v25 =	vperm.xlane v58, v4  }
0x2c8: {  	v60, v61, _ =	vpop (xrf1)  }
0x2c9: {  	v23 =	vsel vm0, v60, v23;
	v25 =	vsel vm0, v61, v25  }
0x2ca: {  	(xrf1) =	vsort.dscd.msk.f32 $0xffff, v23, v25;
	_ =	sdelay $0x1  }
0x2cb: {  	v62, _, _ =	vpop (xrf2)  }
0x2cc: {  	v33, v63, _ =	vpop (xrf1)  }
0x2cd: {  	v23 =	vbroadcast v62, $0xF;
	v34, _, _ =	vpop (xrf2);
	v25 =	vsub.f32 $0.0e+00, v33  }
0x2ce: {  	v27 =	vbroadcast v34, $0xF  }
0x2cf: {  	(erf) = vrcp.f32 v23;
	v35 =	vmul.f32 $1.442695020e+00, v25  }
0x2d0: {  	(erf) = vrcp.f32 v27  }
0x2d1: {  	(erf) = vpow2.f32 v35;
	_ =	sdelay $0x5  }
0x2d2: {  	v36 =	vmul.f32 $2.500000000e+00, v55;
	v37, v22, _ =	vpop (xrf1)  }
0x2d3: {  	v38 =	vpop (erf);
	v25 =	vsub.f32 $0.0e+00, v37  }
0x2d4: {  	v27 =	vmul.f32 v38, v36;
	v23 =	vpop (erf)  }
0x2d5: {  	[tilespmem:s29+$0x0] =	vst.msk $0xff, v24;
	v40 =	vpop (erf);
	v39 =	vmul.f32 $1.442695020e+00, v25  }
0x2d6: {  	[tilespmem:s1+$0x0] =	vst.msk $0xff, v27;
	v25 =	vadd.f32 $1.000000000e+00, v40  }
0x2d7: {  	v27 =	vld [tilespmem:s24+$0xB0];
	(erf) = vpow2.f32 v39  }
0x2d8: {  	v41 =	vld [tilespmem:s24+$0x90];
	(erf) = vrcp.f32 v25  }
0x2d9: {  	v42 =	vld [tilespmem:s24+$0xA0];
	_ =	sdelay $0x2  }
0x2da: {  	v43 =	vld [tilespmem:s24+$0x80];
	(xrf1) =	vsort.dscd.msk.f32 $0xffff, v27, v3  }
0x2db: {  	(xrf1) =	vsort.dscd.msk.f32 $0xffff, v41, v1  }
0x2dc: {  	(xrf1) =	vsort.dscd.msk.f32 $0xffff, v42, v2;
	_ =	sdelay $0x1  }
0x2dd: {  	v44 =	vpop (erf)  }
0x2de: {  	(xrf1) =	vsort.dscd.msk.f32 $0xffff, v43, v0;
	v45 =	vpop (erf)  }
0x2df: {  	v46 =	vnsel vm0, $0x0, v45  }
0x2e0: {  	(xrf2) =	vadd.scan.msk.f32 $0xffff, v46;
	_ =	sdelay $0x6  }
0x2e1: {  	v48, v47, _ =	vpop (xrf1)  }
0x2e2: {  	v50, v49, _ =	vpop (xrf1)  }
0x2e3: {  	v27 =	vperm.xlane v48, v4;
	v28 =	vperm.xlane v47, v4;
	v31, v32, _ =	vpop (xrf1)  }
0x2e4: {  	v24 =	vadd.f32 $1.000000000e+00, v44;
	v29 =	vperm.xlane v50, v4;
	v30 =	vperm.xlane v49, v4;
	v33, _, _ =	vpop (xrf2)  }
0x2e5: {  	v27 =	vsel vm0, v31, v27;
	v28 =	vsel vm0, v32, v28;
	v51 =	vbroadcast v33, $0xF  }
0x2e6: {  	(erf) = vrcp.f32 v24;
	v53, v52, _ =	vpop (xrf1);
	(xrf1) =	vsort.dscd.msk.f32 $0xffff, v27, v28  }
0x2e7: {  	v24 =	vsel vm0, v53, v29;
	v54 =	vsel vm0, v52, v30;
	(erf) = vrcp.f32 v51  }
0x2e8: {  	(xrf1) =	vsort.dscd.msk.f32 $0xffff, v24, v54;
	_ =	sdelay $0x6  }
0x2e9: {  	v25 =	vmul.f32 $2.500000000e+00, v45;
	v24 =	vpop (erf)  }
0x2ea: {  	v55 =	vpop (erf)  }
0x2eb: {  	v25 =	vmul.f32 v55, v25  }
0x2ec: {  	[tilespmem:s28+$0x0] =	vst.msk $0xff, v63  }
0x2ed: {  	[tilespmem:s8+$0x0] =	vst.msk $0xff, v25  }
0x2ee: {  	v57, v56, _ =	vpop (xrf1);
	v58 =	vld [tilespmem:s30+$0xB0]  }
0x2ef: {  	v26 =	vperm.xlane v56, v4;
	v25 =	vperm.xlane v57, v4;
	v59 =	vld [tilespmem:s30+$0x90]  }
0x2f0: {  	v60 =	vnsel vm0, $0x0, v24;
	v61, v62, _ =	vpop (xrf1);
	v63 =	vld [tilespmem:s30+$0xA0]  }
0x2f1: {  	(xrf2) =	vadd.scan.msk.f32 $0xffff, v60;
	v26 =	vsel vm0, v62, v26;
	v25 =	vsel vm0, v61, v25  }
0x2f2: {  	v34 =	vld [tilespmem:s30+$0x80];
	(xrf1) =	vsort.dscd.msk.f32 $0xffff, v25, v26  }
0x2f3: {  	(xrf1) =	vsort.dscd.msk.f32 $0xffff, v58, v3  }
0x2f4: {  	(xrf1) =	vsort.dscd.msk.f32 $0xffff, v59, v1  }
0x2f5: {  	(xrf1) =	vsort.dscd.msk.f32 $0xffff, v63, v2;
	_ =	sdelay $0x1  }
0x2f6: {  	(xrf1) =	vsort.dscd.msk.f32 $0xffff, v34, v0;
	_ =	sdelay $0x6  }
0x2f7: {  	v35, _, _ =	vpop (xrf2)  }
0x2f8: {  	v25 =	vbroadcast v35, $0xF  }
0x2f9: {  	v26, v27, _ =	vpop (xrf1)  }
0x2fa: {  	(erf) = vrcp.f32 v25;
	v26 =	vsub.f32 $0.0e+00, v26;
	v37, v36, _ =	vpop (xrf1)  }
0x2fb: {  	v28 =	vperm.xlane v37, v4;
	v38, v39, _ =	vpop (xrf1);
	v29 =	vperm.xlane v36, v4  }
0x2fc: {  	v26 =	vmul.f32 $1.442695020e+00, v26;
	v32, v40, _ =	vpop (xrf1);
	v42 =	vperm.xlane v38, v4  }
0x2fd: {  	v43 =	vperm.xlane v39, v4;
	v41 =	vsel vm0, v32, v28;
	v29 =	vsel vm0, v40, v29  }
0x2fe: {  	(erf) = vpow2.f32 v26;
	v45, v44, _ =	vpop (xrf1);
	(xrf1) =	vsort.dscd.msk.f32 $0xffff, v41, v29  }
0x2ff: {  	v46 =	vsel vm0, v45, v42;
	v47 =	vsel vm0, v44, v43  }
0x300: {  	(xrf1) =	vsort.dscd.msk.f32 $0xffff, v46, v47;
	_ =	sdelay $0x5  }
0x301: {  	v48 =	vpop (erf)  }
0x302: {  	v49 =	vpop (erf)  }
0x303: {  	v26 =	vadd.f32 $1.000000000e+00, v49;
	_ =	sdelay $0x1  }
0x304: {  	(erf) = vrcp.f32 v26;
	_ =	sdelay $0x1  }
0x305: {  	v51, v50, _ =	vpop (xrf1)  }
0x306: {  	v26 =	vperm.xlane v51, v4;
	v28 =	vperm.xlane v50, v4  }
0x307: {  	v52, v53, _ =	vpop (xrf1)  }
0x308: {  	v26 =	vsel vm0, v52, v26;
	v28 =	vsel vm0, v53, v28  }
0x309: {  	(xrf1) =	vsort.dscd.msk.f32 $0xffff, v26, v28;
	_ =	sdelay $0x2  }
0x30a: {  	v54 =	vpop (erf)  }
0x30b: {  	v55 =	vnsel vm0, $0x0, v54  }
0x30c: {  	(xrf2) =	vadd.scan.msk.f32 $0xffff, v55;
	_ =	sdelay $0x8  }
0x30d: {  	v57, v56, _ =	vpop (xrf1)  }
0x30e: {  	v58, _, _ =	vpop (xrf2);
	v28 =	vsub.f32 $0.0e+00, v57  }
0x30f: {  	v30 =	vbroadcast v58, $0xF  }
0x310: {  	v28 =	vmul.f32 $1.442695020e+00, v28  }
0x311: {  	(erf) = vrcp.f32 v30  }
0x312: {  	(erf) = vpow2.f32 v28;
	_ =	sdelay $0x7  }
0x313: {  	v59 =	vpop (erf)  }
0x314: {  	v60 =	vpop (erf)  }
0x315: {  	v30 =	vadd.f32 $1.000000000e+00, v60;
	_ =	sdelay $0x1  }
0x316: {  	(erf) = vrcp.f32 v30;
	_ =	sdelay $0x8  }
0x317: {  	v30 =	vpop (erf)  }
0x318: {  	v61 =	vnsel vm0, $0x0, v30  }
0x319: {  	(xrf2) =	vadd.scan.msk.f32 $0xffff, v61;
	_ =	sdelay $0x4  }
0x31a: {  	v6 =	vmul.f32 $2.500000000e+00, v6;
	_ =	sdelay $0x1  }
0x31b: {  	v6 =	vmul.f32 v8, v6;
	v62 =	vmul.f32 $2.500000000e+00, v9  }
0x31c: {  	[tilespmem:s11+$0x8] =	vst.msk $0xff, v5  }
0x31d: {  	[tilespmem:s12+$0x8] =	vst.msk $0xff, v6;
	v6 =	vmul.f32 $2.500000000e+00, v12;
	v5 =	vmul.f32 v11, v62  }
0x31e: {  	[tilespmem:s14+$0x8] =	vst.msk $0xff, v7;
	v7 =	vmul.f32 $2.500000000e+00, v15;
	v63, _, _ =	vpop (xrf2)  }
0x31f: {  	[tilespmem:s13+$0x8] =	vst.msk $0xff, v5;
	v5 =	vmul.f32 v14, v6;
	v6 =	vbroadcast v63, $0xF  }
0x320: {  	[tilespmem:s15+$0x8] =	vst.msk $0xff, v10;
	v7 =	vmul.f32 v17, v7  }
0x321: {  	[tilespmem:s16+$0x8] =	vst.msk $0xff, v5;
	v5 =	vmul.f32 $2.500000000e+00, v18;
	(erf) = vrcp.f32 v6  }
0x322: {  	[tilespmem:s17+$0x8] =	vst.msk $0xff, v13  }
0x323: {  	[tilespmem:s18+$0x8] =	vst.msk $0xff, v7;
	v5 =	vmul.f32 v20, v5;
	v6 =	vmul.f32 $2.500000000e+00, v21  }
0x324: {  	[tilespmem:s19+$0x8] =	vst.msk $0xff, v16  }
0x325: {  	[tilespmem:s20+$0x8] =	vst.msk $0xff, v5;
	v5 =	vmul.f32 v23, v6;
	v6 =	vmul.f32 $2.500000000e+00, v24  }
0x326: {  	[tilespmem:s25+$0x8] =	vst.msk $0xff, v19  }
0x327: {  	[tilespmem:s26+$0x8] =	vst.msk $0xff, v5;
	v5 =	vmul.f32 v48, v6;
	v6 =	vmul.f32 $2.500000000e+00, v54  }
0x328: {  	[tilespmem:s31+$0x8] =	vst.msk $0xff, v22  }
0x329: {  	[tilespmem:s0+$0x8] =	vst.msk $0xff, v5;
	v5 =	vmul.f32 v59, v6;
	v6 =	vmul.f32 $2.500000000e+00, v30  }
0x32a: {  	[tilespmem:s29+$0x8] =	vst.msk $0xff, v27;
	v7 =	vpop (erf)  }
0x32b: {  	[tilespmem:s1+$0x8] =	vst.msk $0xff, v5;
	v5 =	vmul.f32 v7, v6  }
0x32c: {  	[tilespmem:s28+$0x8] =	vst.msk $0xff, v56  }
0x32d: {  	s31 =	simm.s32 $0x8000;
	[tilespmem:s8+$0x8] =	vst.msk $0xff, v5  }
0x32e: {  	[hbm4b:s4+s2] =	stream.linear.scatter [tilespmem:s31], [sflag:$0x1], $0x800, $0x38;
	[tilespmem:$0x9100] =	vst v63  }
0x32f: {  	s10 =	sadd.s32 $0x1, s10;
	_ =	swait.ge [sflag:s7], $0x800  }
0x330: {  	p0 =	sne.s32 s10, s6;
	[sflag:s7] =	ssyncset.done $0x0  }
.Ltmp1:
0x331: {  	[sflag:s7] =	ssyncadd.s32 $0xFFFFF800;
	(pc) =	sbr.rel @p0 .LBB2_1-.Ltmp1, $4  }
0x332: {  	[hbm4b:s5+s2] =	stream.linear.scatter [tilespmem:s9], [sflag:$0x1], $0x800, $0x38;
	[tilespmem:$0x9100] =	vst v63  }
0x333: {  	_ =	swait.ge [sflag:s7], $0x800  }
0x334: {  	[sflag:s7] =	ssyncset.done $0x0  }
0x335: {  	[sflag:s7] =	ssyncadd.s32 $0xFFFFF800  }
0x336: {  	_ =	sfence.sel $0x180000  }
0x337: {  	[bflag:$0x0] =	sbarrier.arrive $0xFFFF  }
0x338: {  	_ =	strace $0x90000047  }
0x339: {  	s0 =	stileid.u32;
	[bflag:$0x2] =	sbarrier.arrive $0xFFFF  }
0x33a: {  	p0 =	sne.s32 s0, $0x0;
	s0 =	rddreg [dreg:$0x1]  }
0x33b: {  	s0 =	sadd.s32 @!p0 $0x100000, s0  }
0x33c: {  	[sflag:s0] =	ssyncadd.tile.s32 @!p0 $0x1;
	_ =	shalt  }
.Lfunc_end2:
_tile_overlayer_lowered:
.L_overlay_start_2:
0x33d: {  	(tag) =	ssettag $0x2  }
0x33e: {  	s0 =	rddreg [dreg:$0x0];
	s2 =	stileid.u32  }
0x33f: {  	s1 =	rddreg [dreg:$0x1];
	p0 =	sne.s32 s2, $0x0  }
0x340: {  	s3 =	rddreg [dreg:$0x2];
	[bflag:$0x3] =	sbarrier.arrive $0xFFFF;
	s2 =	simm.s32 @!p0 $0x1C01  }
0x341: {  	[timem:s3], [sflag:s2] =	dma.local @!p0 [hbm:s0], s1  }
0x342: {  	s0 =	simm.s32 @!p0 $0x1  }
0x343: {  	_ =	swait.ge @!p0 [sflag:s0], s1  }
0x344: {  	s1 =	ssub.s32 @!p0 $0x0, s1;
	[sflag:s0] =	ssyncset.done @!p0 $0x0  }
0x345: {  	[sflag:s0] =	ssyncadd.s32 @!p0 s1  }
0x346: {  	[bflag:$0x3] =	sbarrier.arrive $0xFFFF  }
0x347: {  	_ =	shalt  }

</sc_bundles>
